<compile_context>
chip_gen: v7x
topology: tpu7x:2x2x1
jax: 0.10.2.dev20260603
libtpu: 0.0.44.dev20260713+nightly
codegen_flags: <defaults>
</compile_context>

<pallas_src>
import functools

import jax
import jax.numpy as jnp
from jax import lax
from jax.experimental import pallas as pl
from jax.experimental.pallas import tpu as pltpu
from jax.experimental.pallas import tpu_sc as plsc

_D = 64
_NC, _NS = 2, 16
_NW = _NC * _NS
_V = 1000000
_FULL = _V // 128
_BPT = _FULL // _NW
_REM = _FULL - _BPT * _NW
_TAILN = _V - _FULL * 128

_N, _S = 4096, 200
_B = _N * _S
_JBLK = _B // 128
_JPT = _JBLK // _NW


def _mesh():
    return plsc.VectorSubcoreMesh(core_axis_name="c", subcore_axis_name="s")


def _iota16():
    return lax.iota(jnp.int32, 16)


def _splat(x):
    return jnp.full((16,), x, jnp.int32)


@jax.jit
def _detranspose(table_t):

    @functools.partial(
        pl.kernel,
        mesh=_mesh(),
        out_type=jax.ShapeDtypeStruct((_V * _D,), jnp.float32),
        scratch_types=[
            pltpu.VMEM((256, 128), jnp.float32),
            pltpu.VMEM((4 * 8192,), jnp.float32),
            pltpu.SemaphoreType.DMA,
            pltpu.SemaphoreType.DMA,
            pltpu.SemaphoreType.DMA,
            pltpu.SemaphoreType.DMA,
            pltpu.SemaphoreType.DMA,
            pltpu.SemaphoreType.DMA,
            pltpu.SemaphoreType.DMA,
            pltpu.SemaphoreType.DMA,
        ],
        compiler_params=pltpu.CompilerParams(use_tc_tiling_on_sc=True, needs_layout_passes=False, disable_bounds_checks=True),
    )
    def ka(tt_hbm, out_hbm, inb, outb,
           gi0, gi1, gi2, gi3, wo0, wo1, wo2, wo3):
        wid = lax.axis_index("s") * _NC + lax.axis_index("c")
        gsem = (gi0, gi1, gi2, gi3)
        wsem = (wo0, wo1, wo2, wo3)
        iot = _iota16()

        def blk_of(i):
            return i * _NW + wid

        def load(i, b):
            blk = blk_of(i)
            return [
                pltpu.make_async_copy(
                    tt_hbm.at[:, pl.ds(blk * 128, 128)],
                    inb.at[pl.ds(b * 64, 64)], gsem[b])
            ]

        def store(i, b):
            blk = blk_of(i)
            return pltpu.make_async_copy(
                outb.at[pl.ds(b * 8192, 8192)],
                out_hbm.at[pl.ds(blk * 8192, 8192)], wsem[b])

        def transpose(b):
            inb_b = inb.at[pl.ds(b * 64, 64)]
            outb_b = outb.at[pl.ds(b * 8192, 8192)]

            def kbody(k, _):
                nmod = (iot + k) & 15
                srel = (nmod << 6) + iot
                def load_q(quar):
                    d0 = 16 * quar
                    return [plsc.load_gather(
                        inb_b, [iot + d0, nmod + 16 * g]) for g in range(8)]

                def store_q(quar, vs):
                    d0 = 16 * quar
                    for g in range(8):
                        plsc.store_scatter(
                            outb_b, [srel + (16 * g * _D + d0)], vs[g])

                prev = load_q(0)
                for quar in range(1, 4):
                    d0 = 16 * quar
                    pd0 = d0 - 16
                    cur = []
                    for g in range(8):
                        cur.append(plsc.load_gather(
                            inb_b, [iot + d0, nmod + 16 * g]))
                        plsc.store_scatter(
                            outb_b, [srel + (16 * g * _D + pd0)], prev[g])
                    prev = cur
                store_q(3, prev)
                return _
            lax.fori_loop(0, 16, kbody, 0)

        for b in range(4):
            for c in load(b, b):
                c.start()
            store(b, b).start()

        def body(q, carry):
            for b in range(4):
                i = 4 * q + b
                for c in load(i, b):
                    c.wait()
                store(i, b).wait()
                transpose(b)
                for c in load(jnp.minimum(i + 4, _BPT - 1), b):
                    c.start()
                store(i, b).start()
            return carry

        lax.fori_loop(0, _BPT // 4, body, 0)

        for b in range(4):
            store(0, b).wait()
            for c in load(0, b):
                c.wait()

        @pl.when(wid < _REM)
        def _():
            blk = _FULL - _REM + wid
            pltpu.sync_copy(
                tt_hbm.at[:, pl.ds(blk * 128, 128)],
                inb.at[pl.ds(0, 64)])
            transpose(0)
            pltpu.sync_copy(outb.at[pl.ds(0, 8192)],
                            out_hbm.at[pl.ds(blk * 8192, 8192)])


    return ka(table_t)


@jax.jit
def _gather_blocks(table_lin, idx_j, tail64):

    @functools.partial(
        pl.kernel,
        mesh=_mesh(),
        out_type=jax.ShapeDtypeStruct((_S, 8, _N // 128, 8, 128), jnp.float32),
        scratch_types=[
            pltpu.VMEM((_JPT * 128,), jnp.int32),
            pltpu.VMEM((_TAILN, _D), jnp.float32),
            pltpu.VMEM((4, 128, _D), jnp.float32),
            pltpu.VMEM((4, 8, 8, 128), jnp.float32),
            pltpu.SemaphoreType.DMA,
            pltpu.SemaphoreType.DMA,
            pltpu.SemaphoreType.DMA,
            pltpu.SemaphoreType.DMA,
            pltpu.SemaphoreType.DMA,
            pltpu.SemaphoreType.DMA,
            pltpu.SemaphoreType.DMA,
            pltpu.SemaphoreType.DMA,
        ],
        compiler_params=pltpu.CompilerParams(use_tc_tiling_on_sc=False, needs_layout_passes=False, disable_bounds_checks=True),
    )
    def kb(tab_hbm, idx_hbm, tail_hbm, out_hbm, idxv, tailv, rows, trans,
           g0, g1, g2, g3, w0, w1, w2, w3):
        wid = lax.axis_index("s") * _NC + lax.axis_index("c")
        gsem = (g0, g1, g2, g3)
        wsem = (w0, w1, w2, w3)
        iot = _iota16()
        nvec = [iot + 16 * g for g in range(8)]
        jb0 = wid * _JPT
        tail_lo = _FULL * 128

        pltpu.sync_copy(idx_hbm.at[pl.ds(jb0 * 128, _JPT * 128)], idxv)
        pltpu.sync_copy(tail_hbm, tailv)

        def fixup(i, b):
            accs = []
            masks = []
            tidxs = []
            for g in range(8):
                iv = idxv[pl.ds(i * 128 + 16 * g, 16)]
                m = iv >= tail_lo
                masks.append(m)
                tidxs.append(jnp.maximum(iv - tail_lo, 0))
                accs.append(m.astype(jnp.int32))
            acc = accs[0]
            for a in accs[1:]:
                acc = acc + a
            nhit = lax.reduce_max(acc, axes=(0,))

            @pl.when(nhit > 0)
            def _():
                def dbody(d4, _):
                    for u in range(4):
                        d = d4 * 4 + u
                        dsp = _splat(d)
                        for g in range(8):
                            v = plsc.load_gather(
                                tailv, [tidxs[g], dsp], mask=masks[g])
                            plsc.store_scatter(
                                rows.at[b], [nvec[g], dsp], v,
                                mask=masks[g])
                    return _
                lax.fori_loop(0, 16, dbody, 0)

        def gather(i, b):
            return pltpu.make_async_copy(
                tab_hbm.at[idxv.at[pl.ds(i * 128, 128)]], rows.at[b], gsem[b])

        def gather_wait(b):
            pltpu.make_async_copy(
                tab_hbm.at[pl.ds(0, 128)], rows.at[b], gsem[b]).wait()

        def store(i, b):
            jb = jb0 + i
            s = jb // (_N // 128)
            tc = jb % (_N // 128)
            return pltpu.make_async_copy(
                trans.at[b], out_hbm.at[s, :, tc], wsem[b])

        def transpose(b):
            rows_b = rows.at[b]
            trans_b = trans.at[b]

            def kbody(k, _):
                dmod = (iot + k) & 15
                trrel = dmod >> 3
                rrel = dmod & 7
                prev = [plsc.load_gather(rows_b, [nvec[g], dmod])
                        for g in range(8)]
                for quar in range(1, 4):
                    didx = dmod + 16 * quar
                    ptrv = trrel + 2 * (quar - 1)
                    cur = []
                    for g in range(8):
                        cur.append(plsc.load_gather(rows_b, [nvec[g], didx]))
                        plsc.store_scatter(
                            trans_b, [ptrv, rrel, nvec[g]], prev[g])
                    prev = cur
                trv3 = trrel + 6
                for g in range(8):
                    plsc.store_scatter(trans_b, [trv3, rrel, nvec[g]], prev[g])
                return _
            lax.fori_loop(0, 16, kbody, 0)

        for b in range(4):
            gather(b, b).start()
            store(b, b).start()

        def body(q, carry):
            for b in range(4):
                i = 4 * q + b
                gather_wait(b)
                fixup(i, b)
                store(i, b).wait()
                transpose(b)
                gather(jnp.minimum(i + 4, _JPT - 1), b).start()
                store(i, b).start()
            return carry

        lax.fori_loop(0, _JPT // 4, body, 0)

        for b in range(4):
            store(0, b).wait()
            gather_wait(b)

    return kb(table_lin, idx_j, tail64)


def kernel(inputs, table):
    table_t = table.T
    tab_lin = _detranspose(table_t).reshape(_V, _D)
    idx_j = inputs.T.reshape(_B).astype(jnp.int32)
    tail64 = table[_FULL * 128:]
    out5 = _gather_blocks(tab_lin, idx_j, tail64)
    return out5.transpose(2, 4, 0, 1, 3).reshape(_N, _S, _D)

# --- scband reference (transcript-rebuilt; emitter-appended) ---
"""Pipeline reference for scband-shared-embedding-52862457479405 (READ-ONLY COPY).

The authoritative reference and input builder live on the scoring server;
editing this copy changes nothing except your own understanding.
"""

import jax, jax.numpy as jnp
import numpy as np

VOCAB = 1000000
EMBED_DIM = 64
PAD_TOKEN_ID = 0

def setup_inputs(seed: int = 0) -> dict:
    key = jax.random.key(seed)
    k_idx, k_tab = jax.random.split(key)
    inputs = jax.random.randint(k_idx, (4096, 200), 0, VOCAB, dtype=jnp.int64 if jax.config.jax_enable_x64 else jnp.int32)
    table = jax.random.normal(k_tab, (VOCAB, EMBED_DIM), dtype=jnp.float32)
    # torch nn.Embedding zero-initializes the padding row
    table = table.at[PAD_TOKEN_ID].set(0.0)
    return {"inputs": inputs, "table": table}

def reference(inputs, table):
    # SharedEmbedding.forward: plain embedding lookup (gather rows)
    return jnp.take(table, inputs, axis=0)

if __name__ == "__main__":
    import jax
    _d = setup_inputs()
    print(jax.jit(kernel)(*tuple(_d.values())))

</pallas_src>

<mosaic_0001>
#map = affine_map<(d0, d1) -> (0, 0)>
#map1 = affine_map<(d0, d1) -> (0)>
module attributes {stable_mosaic.version = 14 : i64} {
  func.func @ka(%arg0: i32, %arg1: i32, %arg2: memref<64x1000000xf32, #tpu.memory_space<hbm>>, %arg3: memref<64000000xf32, #tpu.memory_space<hbm>>, %arg4: memref<256x128xf32, #tpu.memory_space<vmem>>, %arg5: memref<32768xf32, #tpu.memory_space<vmem>>, %arg6: memref<!tpu.dma_semaphore, #tpu.memory_space<semaphore_mem>>, %arg7: memref<!tpu.dma_semaphore, #tpu.memory_space<semaphore_mem>>, %arg8: memref<!tpu.dma_semaphore, #tpu.memory_space<semaphore_mem>>, %arg9: memref<!tpu.dma_semaphore, #tpu.memory_space<semaphore_mem>>, %arg10: memref<!tpu.dma_semaphore, #tpu.memory_space<semaphore_mem>>, %arg11: memref<!tpu.dma_semaphore, #tpu.memory_space<semaphore_mem>>, %arg12: memref<!tpu.dma_semaphore, #tpu.memory_space<semaphore_mem>>, %arg13: memref<!tpu.dma_semaphore, #tpu.memory_space<semaphore_mem>>) attributes {dimension_semantics = [#tpu.dimension_semantics<core_parallel>, #tpu.dimension_semantics<subcore_parallel>], iteration_bounds = array<i64: 2, 16>, scalar_prefetch = 0 : i64, scratch_operands = 10 : i64, tpu.core_type = #tpu.core_type<sc_vector_subcore>, window_params = [{transform_indices = #map}, {transform_indices = #map1}]} {
    %mul3A = arith.constant 2 : i32
    %mul3A_0 = arith.muli %arg1, %mul3A : i32
    %add3A = arith.addi %mul3A_0, %arg0 : i32
    %iota3A = tpu.iota {dimensions = array<i32: 0>} : vector<16xi32>
    %add3A_1 = arith.constant 0 : i32
    %add3A_2 = arith.addi %add3A_1, %add3A : i32
    %mul3A_3 = arith.constant 128 : i32
    %mul3A_4 = arith.muli %add3A_2, %mul3A_3 : i32
    %dma_start3A = arith.constant 0 : i32
    %dma_start3A_5 = arith.constant 0 : i32
    %dma_start3A_6 = tpu.memref_slice %arg4[%dma_start3A, %dma_start3A_5] : memref<256x128xf32, #tpu.memory_space<vmem>> -> memref<64x128xf32, #tpu.memory_space<vmem>>
    %dma_start3A_7 = arith.constant 0 : i32
    %dma_start3A_8 = tpu.memref_slice %arg2[%dma_start3A_7, %mul3A_4] : memref<64x1000000xf32, #tpu.memory_space<hbm>> -> memref<64x128xf32, #tpu.memory_space<hbm>>
    %dma_start3A_9 = arith.constant 0 : i32
    %dma_start3A_10 = arith.constant 0 : i32
    %dma_start3A_11 = tpu.memref_slice %arg4[%dma_start3A_9, %dma_start3A_10] : memref<256x128xf32, #tpu.memory_space<vmem>> -> memref<64x128xf32, #tpu.memory_space<vmem>>
    %dma_start3A_12 = arith.constant 0 : i32
    %dma_start3A_13 = tpu.memref_slice %arg2[%dma_start3A_12, %mul3A_4] : memref<64x1000000xf32, #tpu.memory_space<hbm>> -> memref<64x128xf32, #tpu.memory_space<hbm>>
    tpu.enqueue_dma source(%dma_start3A_13 : memref<64x128xf32, #tpu.memory_space<hbm>>) target(%dma_start3A_11 : memref<64x128xf32, #tpu.memory_space<vmem>>) target_semaphore(%arg6 : memref<!tpu.dma_semaphore, #tpu.memory_space<semaphore_mem>>)
    %add3A_14 = arith.constant 0 : i32
    %add3A_15 = arith.addi %add3A_14, %add3A : i32
    %mul3A_16 = arith.constant 8192 : i32
    %mul3A_17 = arith.muli %add3A_15, %mul3A_16 : i32
    %dma_start3A_18 = arith.constant 0 : i32
    %dma_start3A_19 = tpu.memref_slice %arg5[%dma_start3A_18] : memref<32768xf32, #tpu.memory_space<vmem>> -> memref<8192xf32, #tpu.memory_space<vmem>>
    %dma_start3A_20 = tpu.memref_slice %arg3[%mul3A_17] : memref<64000000xf32, #tpu.memory_space<hbm>> -> memref<8192xf32, #tpu.memory_space<hbm>>
    %dma_start3A_21 = tpu.memref_slice %arg3[%mul3A_17] : memref<64000000xf32, #tpu.memory_space<hbm>> -> memref<8192xf32, #tpu.memory_space<hbm>>
    %dma_start3A_22 = arith.constant 0 : i32
    %dma_start3A_23 = tpu.memref_slice %arg5[%dma_start3A_22] : memref<32768xf32, #tpu.memory_space<vmem>> -> memref<8192xf32, #tpu.memory_space<vmem>>
    tpu.enqueue_dma source(%dma_start3A_23 : memref<8192xf32, #tpu.memory_space<vmem>>) target(%dma_start3A_21 : memref<8192xf32, #tpu.memory_space<hbm>>) target_semaphore(%arg10 : memref<!tpu.dma_semaphore, #tpu.memory_space<semaphore_mem>>)
    %add3A_24 = arith.constant 32 : i32
    %add3A_25 = arith.addi %add3A_24, %add3A : i32
    %mul3A_26 = arith.constant 128 : i32
    %mul3A_27 = arith.muli %add3A_25, %mul3A_26 : i32
    %dma_start3A_28 = arith.constant 64 : i32
    %dma_start3A_29 = arith.constant 0 : i32
    %dma_start3A_30 = tpu.memref_slice %arg4[%dma_start3A_28, %dma_start3A_29] : memref<256x128xf32, #tpu.memory_space<vmem>> -> memref<64x128xf32, #tpu.memory_space<vmem>>
    %dma_start3A_31 = arith.constant 0 : i32
    %dma_start3A_32 = tpu.memref_slice %arg2[%dma_start3A_31, %mul3A_27] : memref<64x1000000xf32, #tpu.memory_space<hbm>> -> memref<64x128xf32, #tpu.memory_space<hbm>>
    %dma_start3A_33 = arith.constant 64 : i32
    %dma_start3A_34 = arith.constant 0 : i32
    %dma_start3A_35 = tpu.memref_slice %arg4[%dma_start3A_33, %dma_start3A_34] : memref<256x128xf32, #tpu.memory_space<vmem>> -> memref<64x128xf32, #tpu.memory_space<vmem>>
    %dma_start3A_36 = arith.constant 0 : i32
    %dma_start3A_37 = tpu.memref_slice %arg2[%dma_start3A_36, %mul3A_27] : memref<64x1000000xf32, #tpu.memory_space<hbm>> -> memref<64x128xf32, #tpu.memory_space<hbm>>
    tpu.enqueue_dma source(%dma_start3A_37 : memref<64x128xf32, #tpu.memory_space<hbm>>) target(%dma_start3A_35 : memref<64x128xf32, #tpu.memory_space<vmem>>) target_semaphore(%arg7 : memref<!tpu.dma_semaphore, #tpu.memory_space<semaphore_mem>>)
    %add3A_38 = arith.constant 32 : i32
    %add3A_39 = arith.addi %add3A_38, %add3A : i32
    %mul3A_40 = arith.constant 8192 : i32
    %mul3A_41 = arith.muli %add3A_39, %mul3A_40 : i32
    %dma_start3A_42 = arith.constant 8192 : i32
    %dma_start3A_43 = tpu.memref_slice %arg5[%dma_start3A_42] : memref<32768xf32, #tpu.memory_space<vmem>> -> memref<8192xf32, #tpu.memory_space<vmem>>
    %dma_start3A_44 = tpu.memref_slice %arg3[%mul3A_41] : memref<64000000xf32, #tpu.memory_space<hbm>> -> memref<8192xf32, #tpu.memory_space<hbm>>
    %dma_start3A_45 = tpu.memref_slice %arg3[%mul3A_41] : memref<64000000xf32, #tpu.memory_space<hbm>> -> memref<8192xf32, #tpu.memory_space<hbm>>
    %dma_start3A_46 = arith.constant 8192 : i32
    %dma_start3A_47 = tpu.memref_slice %arg5[%dma_start3A_46] : memref<32768xf32, #tpu.memory_space<vmem>> -> memref<8192xf32, #tpu.memory_space<vmem>>
    tpu.enqueue_dma source(%dma_start3A_47 : memref<8192xf32, #tpu.memory_space<vmem>>) target(%dma_start3A_45 : memref<8192xf32, #tpu.memory_space<hbm>>) target_semaphore(%arg11 : memref<!tpu.dma_semaphore, #tpu.memory_space<semaphore_mem>>)
    %add3A_48 = arith.constant 64 : i32
    %add3A_49 = arith.addi %add3A_48, %add3A : i32
    %mul3A_50 = arith.constant 128 : i32
    %mul3A_51 = arith.muli %add3A_49, %mul3A_50 : i32
    %dma_start3A_52 = arith.constant 128 : i32
    %dma_start3A_53 = arith.constant 0 : i32
    %dma_start3A_54 = tpu.memref_slice %arg4[%dma_start3A_52, %dma_start3A_53] : memref<256x128xf32, #tpu.memory_space<vmem>> -> memref<64x128xf32, #tpu.memory_space<vmem>>
    %dma_start3A_55 = arith.constant 0 : i32
    %dma_start3A_56 = tpu.memref_slice %arg2[%dma_start3A_55, %mul3A_51] : memref<64x1000000xf32, #tpu.memory_space<hbm>> -> memref<64x128xf32, #tpu.memory_space<hbm>>
    %dma_start3A_57 = arith.constant 128 : i32
    %dma_start3A_58 = arith.constant 0 : i32
    %dma_start3A_59 = tpu.memref_slice %arg4[%dma_start3A_57, %dma_start3A_58] : memref<256x128xf32, #tpu.memory_space<vmem>> -> memref<64x128xf32, #tpu.memory_space<vmem>>
    %dma_start3A_60 = arith.constant 0 : i32
    %dma_start3A_61 = tpu.memref_slice %arg2[%dma_start3A_60, %mul3A_51] : memref<64x1000000xf32, #tpu.memory_space<hbm>> -> memref<64x128xf32, #tpu.memory_space<hbm>>
    tpu.enqueue_dma source(%dma_start3A_61 : memref<64x128xf32, #tpu.memory_space<hbm>>) target(%dma_start3A_59 : memref<64x128xf32, #tpu.memory_space<vmem>>) target_semaphore(%arg8 : memref<!tpu.dma_semaphore, #tpu.memory_space<semaphore_mem>>)
    %add3A_62 = arith.constant 64 : i32
    %add3A_63 = arith.addi %add3A_62, %add3A : i32
    %mul3A_64 = arith.constant 8192 : i32
    %mul3A_65 = arith.muli %add3A_63, %mul3A_64 : i32
    %dma_start3A_66 = arith.constant 16384 : i32
    %dma_start3A_67 = tpu.memref_slice %arg5[%dma_start3A_66] : memref<32768xf32, #tpu.memory_space<vmem>> -> memref<8192xf32, #tpu.memory_space<vmem>>
    %dma_start3A_68 = tpu.memref_slice %arg3[%mul3A_65] : memref<64000000xf32, #tpu.memory_space<hbm>> -> memref<8192xf32, #tpu.memory_space<hbm>>
    %dma_start3A_69 = tpu.memref_slice %arg3[%mul3A_65] : memref<64000000xf32, #tpu.memory_space<hbm>> -> memref<8192xf32, #tpu.memory_space<hbm>>
    %dma_start3A_70 = arith.constant 16384 : i32
    %dma_start3A_71 = tpu.memref_slice %arg5[%dma_start3A_70] : memref<32768xf32, #tpu.memory_space<vmem>> -> memref<8192xf32, #tpu.memory_space<vmem>>
    tpu.enqueue_dma source(%dma_start3A_71 : memref<8192xf32, #tpu.memory_space<vmem>>) target(%dma_start3A_69 : memref<8192xf32, #tpu.memory_space<hbm>>) target_semaphore(%arg12 : memref<!tpu.dma_semaphore, #tpu.memory_space<semaphore_mem>>)
    %add3A_72 = arith.constant 96 : i32
    %add3A_73 = arith.addi %add3A_72, %add3A : i32
    %mul3A_74 = arith.constant 128 : i32
    %mul3A_75 = arith.muli %add3A_73, %mul3A_74 : i32
    %dma_start3A_76 = arith.constant 192 : i32
    %dma_start3A_77 = arith.constant 0 : i32
    %dma_start3A_78 = tpu.memref_slice %arg4[%dma_start3A_76, %dma_start3A_77] : memref<256x128xf32, #tpu.memory_space<vmem>> -> memref<64x128xf32, #tpu.memory_space<vmem>>
    %dma_start3A_79 = arith.constant 0 : i32
    %dma_start3A_80 = tpu.memref_slice %arg2[%dma_start3A_79, %mul3A_75] : memref<64x1000000xf32, #tpu.memory_space<hbm>> -> memref<64x128xf32, #tpu.memory_space<hbm>>
    %dma_start3A_81 = arith.constant 192 : i32
    %dma_start3A_82 = arith.constant 0 : i32
    %dma_start3A_83 = tpu.memref_slice %arg4[%dma_start3A_81, %dma_start3A_82] : memref<256x128xf32, #tpu.memory_space<vmem>> -> memref<64x128xf32, #tpu.memory_space<vmem>>
    %dma_start3A_84 = arith.constant 0 : i32
    %dma_start3A_85 = tpu.memref_slice %arg2[%dma_start3A_84, %mul3A_75] : memref<64x1000000xf32, #tpu.memory_space<hbm>> -> memref<64x128xf32, #tpu.memory_space<hbm>>
    tpu.enqueue_dma source(%dma_start3A_85 : memref<64x128xf32, #tpu.memory_space<hbm>>) target(%dma_start3A_83 : memref<64x128xf32, #tpu.memory_space<vmem>>) target_semaphore(%arg9 : memref<!tpu.dma_semaphore, #tpu.memory_space<semaphore_mem>>)
    %add3A_86 = arith.constant 96 : i32
    %add3A_87 = arith.addi %add3A_86, %add3A : i32
    %mul3A_88 = arith.constant 8192 : i32
    %mul3A_89 = arith.muli %add3A_87, %mul3A_88 : i32
    %dma_start3A_90 = arith.constant 24576 : i32
    %dma_start3A_91 = tpu.memref_slice %arg5[%dma_start3A_90] : memref<32768xf32, #tpu.memory_space<vmem>> -> memref<8192xf32, #tpu.memory_space<vmem>>
    %dma_start3A_92 = tpu.memref_slice %arg3[%mul3A_89] : memref<64000000xf32, #tpu.memory_space<hbm>> -> memref<8192xf32, #tpu.memory_space<hbm>>
    %dma_start3A_93 = tpu.memref_slice %arg3[%mul3A_89] : memref<64000000xf32, #tpu.memory_space<hbm>> -> memref<8192xf32, #tpu.memory_space<hbm>>
    %dma_start3A_94 = arith.constant 24576 : i32
    %dma_start3A_95 = tpu.memref_slice %arg5[%dma_start3A_94] : memref<32768xf32, #tpu.memory_space<vmem>> -> memref<8192xf32, #tpu.memory_space<vmem>>
    tpu.enqueue_dma source(%dma_start3A_95 : memref<8192xf32, #tpu.memory_space<vmem>>) target(%dma_start3A_93 : memref<8192xf32, #tpu.memory_space<hbm>>) target_semaphore(%arg13 : memref<!tpu.dma_semaphore, #tpu.memory_space<semaphore_mem>>)
    %scan3A = arith.constant 0 : i32
    %scan3A_96 = arith.constant 0 : i32
    %scan3A_97 = arith.constant 61 : i32
    %scan3A_98 = arith.addi %scan3A_96, %scan3A_97 : i32
    %scan3A_99 = arith.constant 1 : i32
    scf.for %scan3A_198 = %scan3A_96 to %scan3A_98 step %scan3A_99  : i32 {
      %mul3A_199 = arith.constant 4 : i32
      %mul3A_200 = arith.muli %mul3A_199, %scan3A_198 : i32
      %add3A_201 = arith.constant 0 : i32
      %add3A_202 = arith.addi %mul3A_200, %add3A_201 : i32
      %mul3A_203 = arith.constant 32 : i32
      %mul3A_204 = arith.muli %add3A_202, %mul3A_203 : i32
      %add3A_205 = arith.addi %mul3A_204, %add3A : i32
      %mul3A_206 = arith.constant 128 : i32
      %mul3A_207 = arith.muli %add3A_205, %mul3A_206 : i32
      %dma_wait3A_208 = arith.constant 0 : i32
      %dma_wait3A_209 = arith.constant 0 : i32
      %dma_wait3A_210 = tpu.memref_slice %arg4[%dma_wait3A_208, %dma_wait3A_209] : memref<256x128xf32, #tpu.memory_space<vmem>> -> memref<64x128xf32, #tpu.memory_space<vmem>>
      %dma_wait3A_211 = arith.constant 0 : i32
      %dma_wait3A_212 = tpu.memref_slice %arg2[%dma_wait3A_211, %mul3A_207] : memref<64x1000000xf32, #tpu.memory_space<hbm>> -> memref<64x128xf32, #tpu.memory_space<hbm>>
      %dma_wait3A_213 = arith.constant 0 : i32
      %dma_wait3A_214 = arith.constant 0 : i32
      %dma_wait3A_215 = tpu.memref_slice %arg4[%dma_wait3A_213, %dma_wait3A_214] : memref<256x128xf32, #tpu.memory_space<vmem>> -> memref<64x128xf32, #tpu.memory_space<vmem>>
      %dma_wait3A_216 = arith.constant 0 : i32
      %dma_wait3A_217 = tpu.memref_slice %arg2[%dma_wait3A_216, %mul3A_207] : memref<64x1000000xf32, #tpu.memory_space<hbm>> -> memref<64x128xf32, #tpu.memory_space<hbm>>
      tpu.wait_dma2 semaphore(%arg6 : memref<!tpu.dma_semaphore, #tpu.memory_space<semaphore_mem>>) src(%dma_wait3A_217 : memref<64x128xf32, #tpu.memory_space<hbm>>) dst(%dma_wait3A_215 : memref<64x128xf32, #tpu.memory_space<vmem>>)
      %mul3A_218 = arith.constant 32 : i32
      %mul3A_219 = arith.muli %add3A_202, %mul3A_218 : i32
      %add3A_220 = arith.addi %mul3A_219, %add3A : i32
      %mul3A_221 = arith.constant 8192 : i32
      %mul3A_222 = arith.muli %add3A_220, %mul3A_221 : i32
      %dma_wait3A_223 = arith.constant 0 : i32
      %dma_wait3A_224 = tpu.memref_slice %arg5[%dma_wait3A_223] : memref<32768xf32, #tpu.memory_space<vmem>> -> memref<8192xf32, #tpu.memory_space<vmem>>
      %dma_wait3A_225 = tpu.memref_slice %arg3[%mul3A_222] : memref<64000000xf32, #tpu.memory_space<hbm>> -> memref<8192xf32, #tpu.memory_space<hbm>>
      %dma_wait3A_226 = tpu.memref_slice %arg3[%mul3A_222] : memref<64000000xf32, #tpu.memory_space<hbm>> -> memref<8192xf32, #tpu.memory_space<hbm>>
      %dma_wait3A_227 = arith.constant 0 : i32
      %dma_wait3A_228 = tpu.memref_slice %arg5[%dma_wait3A_227] : memref<32768xf32, #tpu.memory_space<vmem>> -> memref<8192xf32, #tpu.memory_space<vmem>>
      tpu.wait_dma2 semaphore(%arg10 : memref<!tpu.dma_semaphore, #tpu.memory_space<semaphore_mem>>) src(%dma_wait3A_228 : memref<8192xf32, #tpu.memory_space<vmem>>) dst(%dma_wait3A_226 : memref<8192xf32, #tpu.memory_space<hbm>>)
      %scan3A_229 = arith.constant 0 : i32
      %scan3A_230 = arith.constant 0 : i32
      %scan3A_231 = arith.constant 16 : i32
      %scan3A_232 = arith.addi %scan3A_230, %scan3A_231 : i32
      %scan3A_233 = arith.constant 1 : i32
      scf.for %scan3A_462 = %scan3A_230 to %scan3A_232 step %scan3A_233  : i32 {
        %add3A_463 = vector.broadcast %scan3A_462 : i32 to vector<16xi32>
        %add3A_464 = arith.addi %iota3A, %add3A_463 : vector<16xi32>
        %and3A = arith.constant 15 : i32
        %and3A_465 = vector.broadcast %and3A : i32 to vector<16xi32>
        %and3A_466 = arith.andi %add3A_464, %and3A_465 : vector<16xi32>
        %shift_left3A = arith.constant 6 : i32
        %shift_left3A_467 = vector.broadcast %shift_left3A : i32 to vector<16xi32>
        %shift_left3A_468 = arith.shli %and3A_466, %shift_left3A_467 : vector<16xi32>
        %add3A_469 = arith.addi %shift_left3A_468, %iota3A : vector<16xi32>
        %add3A_470 = arith.constant 0 : i32
        %add3A_471 = vector.broadcast %add3A_470 : i32 to vector<16xi32>
        %add3A_472 = arith.addi %iota3A, %add3A_471 : vector<16xi32>
        %add3A_473 = arith.constant 0 : i32
        %add3A_474 = vector.broadcast %add3A_473 : i32 to vector<16xi32>
        %add3A_475 = arith.addi %and3A_466, %add3A_474 : vector<16xi32>
        %gather3A = arith.constant 0 : i32
        %gather3A_476 = arith.constant 0 : i32
        %gather3A_477 = tpu.memref_slice %arg4[%gather3A, %gather3A_476] : memref<256x128xf32, #tpu.memory_space<vmem>> -> memref<64x128xf32, #tpu.memory_space<vmem>>
        %gather3A_478 = tpu.vector_load_idx %gather3A_477[%add3A_472, %add3A_475] : memref<64x128xf32, #tpu.memory_space<vmem>>[vector<16xi32>, vector<16xi32>], vector<16xf32>,
        %add3A_479 = arith.constant 0 : i32
        %add3A_480 = vector.broadcast %add3A_479 : i32 to vector<16xi32>
        %add3A_481 = arith.addi %iota3A, %add3A_480 : vector<16xi32>
        %add3A_482 = arith.constant 16 : i32
        %add3A_483 = vector.broadcast %add3A_482 : i32 to vector<16xi32>
        %add3A_484 = arith.addi %and3A_466, %add3A_483 : vector<16xi32>
        %gather3A_485 = arith.constant 0 : i32
        %gather3A_486 = arith.constant 0 : i32
        %gather3A_487 = tpu.memref_slice %arg4[%gather3A_485, %gather3A_486] : memref<256x128xf32, #tpu.memory_space<vmem>> -> memref<64x128xf32, #tpu.memory_space<vmem>>
        %gather3A_488 = tpu.vector_load_idx %gather3A_487[%add3A_481, %add3A_484] : memref<64x128xf32, #tpu.memory_space<vmem>>[vector<16xi32>, vector<16xi32>], vector<16xf32>,
        %add3A_489 = arith.constant 0 : i32
        %add3A_490 = vector.broadcast %add3A_489 : i32 to vector<16xi32>
        %add3A_491 = arith.addi %iota3A, %add3A_490 : vector<16xi32>
        %add3A_492 = arith.constant 32 : i32
        %add3A_493 = vector.broadcast %add3A_492 : i32 to vector<16xi32>
        %add3A_494 = arith.addi %and3A_466, %add3A_493 : vector<16xi32>
        %gather3A_495 = arith.constant 0 : i32
        %gather3A_496 = arith.constant 0 : i32
        %gather3A_497 = tpu.memref_slice %arg4[%gather3A_495, %gather3A_496] : memref<256x128xf32, #tpu.memory_space<vmem>> -> memref<64x128xf32, #tpu.memory_space<vmem>>
        %gather3A_498 = tpu.vector_load_idx %gather3A_497[%add3A_491, %add3A_494] : memref<64x128xf32, #tpu.memory_space<vmem>>[vector<16xi32>, vector<16xi32>], vector<16xf32>,
        %add3A_499 = arith.constant 0 : i32
        %add3A_500 = vector.broadcast %add3A_499 : i32 to vector<16xi32>
        %add3A_501 = arith.addi %iota3A, %add3A_500 : vector<16xi32>
        %add3A_502 = arith.constant 48 : i32
        %add3A_503 = vector.broadcast %add3A_502 : i32 to vector<16xi32>
        %add3A_504 = arith.addi %and3A_466, %add3A_503 : vector<16xi32>
        %gather3A_505 = arith.constant 0 : i32
        %gather3A_506 = arith.constant 0 : i32
        %gather3A_507 = tpu.memref_slice %arg4[%gather3A_505, %gather3A_506] : memref<256x128xf32, #tpu.memory_space<vmem>> -> memref<64x128xf32, #tpu.memory_space<vmem>>
        %gather3A_508 = tpu.vector_load_idx %gather3A_507[%add3A_501, %add3A_504] : memref<64x128xf32, #tpu.memory_space<vmem>>[vector<16xi32>, vector<16xi32>], vector<16xf32>,
        %add3A_509 = arith.constant 0 : i32
        %add3A_510 = vector.broadcast %add3A_509 : i32 to vector<16xi32>
        %add3A_511 = arith.addi %iota3A, %add3A_510 : vector<16xi32>
        %add3A_512 = arith.constant 64 : i32
        %add3A_513 = vector.broadcast %add3A_512 : i32 to vector<16xi32>
        %add3A_514 = arith.addi %and3A_466, %add3A_513 : vector<16xi32>
        %gather3A_515 = arith.constant 0 : i32
        %gather3A_516 = arith.constant 0 : i32
        %gather3A_517 = tpu.memref_slice %arg4[%gather3A_515, %gather3A_516] : memref<256x128xf32, #tpu.memory_space<vmem>> -> memref<64x128xf32, #tpu.memory_space<vmem>>
        %gather3A_518 = tpu.vector_load_idx %gather3A_517[%add3A_511, %add3A_514] : memref<64x128xf32, #tpu.memory_space<vmem>>[vector<16xi32>, vector<16xi32>], vector<16xf32>,
        %add3A_519 = arith.constant 0 : i32
        %add3A_520 = vector.broadcast %add3A_519 : i32 to vector<16xi32>
        %add3A_521 = arith.addi %iota3A, %add3A_520 : vector<16xi32>
        %add3A_522 = arith.constant 80 : i32
        %add3A_523 = vector.broadcast %add3A_522 : i32 to vector<16xi32>
        %add3A_524 = arith.addi %and3A_466, %add3A_523 : vector<16xi32>
        %gather3A_525 = arith.constant 0 : i32
        %gather3A_526 = arith.constant 0 : i32
        %gather3A_527 = tpu.memref_slice %arg4[%gather3A_525, %gather3A_526] : memref<256x128xf32, #tpu.memory_space<vmem>> -> memref<64x128xf32, #tpu.memory_space<vmem>>
        %gather3A_528 = tpu.vector_load_idx %gather3A_527[%add3A_521, %add3A_524] : memref<64x128xf32, #tpu.memory_space<vmem>>[vector<16xi32>, vector<16xi32>], vector<16xf32>,
        %add3A_529 = arith.constant 0 : i32
        %add3A_530 = vector.broadcast %add3A_529 : i32 to vector<16xi32>
        %add3A_531 = arith.addi %iota3A, %add3A_530 : vector<16xi32>
        %add3A_532 = arith.constant 96 : i32
        %add3A_533 = vector.broadcast %add3A_532 : i32 to vector<16xi32>
        %add3A_534 = arith.addi %and3A_466, %add3A_533 : vector<16xi32>
        %gather3A_535 = arith.constant 0 : i32
        %gather3A_536 = arith.constant 0 : i32
        %gather3A_537 = tpu.memref_slice %arg4[%gather3A_535, %gather3A_536] : memref<256x128xf32, #tpu.memory_space<vmem>> -> memref<64x128xf32, #tpu.memory_space<vmem>>
        %gather3A_538 = tpu.vector_load_idx %gather3A_537[%add3A_531, %add3A_534] : memref<64x128xf32, #tpu.memory_space<vmem>>[vector<16xi32>, vector<16xi32>], vector<16xf32>,
        %add3A_539 = arith.constant 0 : i32
        %add3A_540 = vector.broadcast %add3A_539 : i32 to vector<16xi32>
        %add3A_541 = arith.addi %iota3A, %add3A_540 : vector<16xi32>
        %add3A_542 = arith.constant 112 : i32
        %add3A_543 = vector.broadcast %add3A_542 : i32 to vector<16xi32>
        %add3A_544 = arith.addi %and3A_466, %add3A_543 : vector<16xi32>
        %gather3A_545 = arith.constant 0 : i32
        %gather3A_546 = arith.constant 0 : i32
        %gather3A_547 = tpu.memref_slice %arg4[%gather3A_545, %gather3A_546] : memref<256x128xf32, #tpu.memory_space<vmem>> -> memref<64x128xf32, #tpu.memory_space<vmem>>
        %gather3A_548 = tpu.vector_load_idx %gather3A_547[%add3A_541, %add3A_544] : memref<64x128xf32, #tpu.memory_space<vmem>>[vector<16xi32>, vector<16xi32>], vector<16xf32>,
        %add3A_549 = arith.constant 16 : i32
        %add3A_550 = vector.broadcast %add3A_549 : i32 to vector<16xi32>
        %add3A_551 = arith.addi %iota3A, %add3A_550 : vector<16xi32>
        %add3A_552 = arith.constant 0 : i32
        %add3A_553 = vector.broadcast %add3A_552 : i32 to vector<16xi32>
        %add3A_554 = arith.addi %and3A_466, %add3A_553 : vector<16xi32>
        %gather3A_555 = arith.constant 0 : i32
        %gather3A_556 = arith.constant 0 : i32
        %gather3A_557 = tpu.memref_slice %arg4[%gather3A_555, %gather3A_556] : memref<256x128xf32, #tpu.memory_space<vmem>> -> memref<64x128xf32, #tpu.memory_space<vmem>>
        %gather3A_558 = tpu.vector_load_idx %gather3A_557[%add3A_551, %add3A_554] : memref<64x128xf32, #tpu.memory_space<vmem>>[vector<16xi32>, vector<16xi32>], vector<16xf32>,
        %add3A_559 = arith.constant 0 : i32
        %add3A_560 = vector.broadcast %add3A_559 : i32 to vector<16xi32>
        %add3A_561 = arith.addi %add3A_469, %add3A_560 : vector<16xi32>
        %scatter3A = arith.constant 0 : i32
        %scatter3A_562 = tpu.memref_slice %arg5[%scatter3A] : memref<32768xf32, #tpu.memory_space<vmem>> -> memref<8192xf32, #tpu.memory_space<vmem>>
        tpu.vector_store_idx %scatter3A_562[%add3A_561], %gather3A_478 : memref<8192xf32, #tpu.memory_space<vmem>>[vector<16xi32>], vector<16xf32>,
        %add3A_563 = arith.constant 16 : i32
        %add3A_564 = vector.broadcast %add3A_563 : i32 to vector<16xi32>
        %add3A_565 = arith.addi %iota3A, %add3A_564 : vector<16xi32>
        %add3A_566 = arith.constant 16 : i32
        %add3A_567 = vector.broadcast %add3A_566 : i32 to vector<16xi32>
        %add3A_568 = arith.addi %and3A_466, %add3A_567 : vector<16xi32>
        %gather3A_569 = arith.constant 0 : i32
        %gather3A_570 = arith.constant 0 : i32
        %gather3A_571 = tpu.memref_slice %arg4[%gather3A_569, %gather3A_570] : memref<256x128xf32, #tpu.memory_space<vmem>> -> memref<64x128xf32, #tpu.memory_space<vmem>>
        %gather3A_572 = tpu.vector_load_idx %gather3A_571[%add3A_565, %add3A_568] : memref<64x128xf32, #tpu.memory_space<vmem>>[vector<16xi32>, vector<16xi32>], vector<16xf32>,
        %add3A_573 = arith.constant 1024 : i32
        %add3A_574 = vector.broadcast %add3A_573 : i32 to vector<16xi32>
        %add3A_575 = arith.addi %add3A_469, %add3A_574 : vector<16xi32>
        %scatter3A_576 = arith.constant 0 : i32
        %scatter3A_577 = tpu.memref_slice %arg5[%scatter3A_576] : memref<32768xf32, #tpu.memory_space<vmem>> -> memref<8192xf32, #tpu.memory_space<vmem>>
        tpu.vector_store_idx %scatter3A_577[%add3A_575], %gather3A_488 : memref<8192xf32, #tpu.memory_space<vmem>>[vector<16xi32>], vector<16xf32>,
        %add3A_578 = arith.constant 16 : i32
        %add3A_579 = vector.broadcast %add3A_578 : i32 to vector<16xi32>
        %add3A_580 = arith.addi %iota3A, %add3A_579 : vector<16xi32>
        %add3A_581 = arith.constant 32 : i32
        %add3A_582 = vector.broadcast %add3A_581 : i32 to vector<16xi32>
        %add3A_583 = arith.addi %and3A_466, %add3A_582 : vector<16xi32>
        %gather3A_584 = arith.constant 0 : i32
        %gather3A_585 = arith.constant 0 : i32
        %gather3A_586 = tpu.memref_slice %arg4[%gather3A_584, %gather3A_585] : memref<256x128xf32, #tpu.memory_space<vmem>> -> memref<64x128xf32, #tpu.memory_space<vmem>>
        %gather3A_587 = tpu.vector_load_idx %gather3A_586[%add3A_580, %add3A_583] : memref<64x128xf32, #tpu.memory_space<vmem>>[vector<16xi32>, vector<16xi32>], vector<16xf32>,
        %add3A_588 = arith.constant 2048 : i32
        %add3A_589 = vector.broadcast %add3A_588 : i32 to vector<16xi32>
        %add3A_590 = arith.addi %add3A_469, %add3A_589 : vector<16xi32>
        %scatter3A_591 = arith.constant 0 : i32
        %scatter3A_592 = tpu.memref_slice %arg5[%scatter3A_591] : memref<32768xf32, #tpu.memory_space<vmem>> -> memref<8192xf32, #tpu.memory_space<vmem>>
        tpu.vector_store_idx %scatter3A_592[%add3A_590], %gather3A_498 : memref<8192xf32, #tpu.memory_space<vmem>>[vector<16xi32>], vector<16xf32>,
        %add3A_593 = arith.constant 16 : i32
        %add3A_594 = vector.broadcast %add3A_593 : i32 to vector<16xi32>
        %add3A_595 = arith.addi %iota3A, %add3A_594 : vector<16xi32>
        %add3A_596 = arith.constant 48 : i32
        %add3A_597 = vector.broadcast %add3A_596 : i32 to vector<16xi32>
        %add3A_598 = arith.addi %and3A_466, %add3A_597 : vector<16xi32>
        %gather3A_599 = arith.constant 0 : i32
        %gather3A_600 = arith.constant 0 : i32
        %gather3A_601 = tpu.memref_slice %arg4[%gather3A_599, %gather3A_600] : memref<256x128xf32, #tpu.memory_space<vmem>> -> memref<64x128xf32, #tpu.memory_space<vmem>>
        %gather3A_602 = tpu.vector_load_idx %gather3A_601[%add3A_595, %add3A_598] : memref<64x128xf32, #tpu.memory_space<vmem>>[vector<16xi32>, vector<16xi32>], vector<16xf32>,
        %add3A_603 = arith.constant 3072 : i32
        %add3A_604 = vector.broadcast %add3A_603 : i32 to vector<16xi32>
        %add3A_605 = arith.addi %add3A_469, %add3A_604 : vector<16xi32>
        %scatter3A_606 = arith.constant 0 : i32
        %scatter3A_607 = tpu.memref_slice %arg5[%scatter3A_606] : memref<32768xf32, #tpu.memory_space<vmem>> -> memref<8192xf32, #tpu.memory_space<vmem>>
        tpu.vector_store_idx %scatter3A_607[%add3A_605], %gather3A_508 : memref<8192xf32, #tpu.memory_space<vmem>>[vector<16xi32>], vector<16xf32>,
        %add3A_608 = arith.constant 16 : i32
        %add3A_609 = vector.broadcast %add3A_608 : i32 to vector<16xi32>
        %add3A_610 = arith.addi %iota3A, %add3A_609 : vector<16xi32>
        %add3A_611 = arith.constant 64 : i32
        %add3A_612 = vector.broadcast %add3A_611 : i32 to vector<16xi32>
        %add3A_613 = arith.addi %and3A_466, %add3A_612 : vector<16xi32>
        %gather3A_614 = arith.constant 0 : i32
        %gather3A_615 = arith.constant 0 : i32
        %gather3A_616 = tpu.memref_slice %arg4[%gather3A_614, %gather3A_615] : memref<256x128xf32, #tpu.memory_space<vmem>> -> memref<64x128xf32, #tpu.memory_space<vmem>>
        %gather3A_617 = tpu.vector_load_idx %gather3A_616[%add3A_610, %add3A_613] : memref<64x128xf32, #tpu.memory_space<vmem>>[vector<16xi32>, vector<16xi32>], vector<16xf32>,
        %add3A_618 = arith.constant 4096 : i32
        %add3A_619 = vector.broadcast %add3A_618 : i32 to vector<16xi32>
        %add3A_620 = arith.addi %add3A_469, %add3A_619 : vector<16xi32>
        %scatter3A_621 = arith.constant 0 : i32
        %scatter3A_622 = tpu.memref_slice %arg5[%scatter3A_621] : memref<32768xf32, #tpu.memory_space<vmem>> -> memref<8192xf32, #tpu.memory_space<vmem>>
        tpu.vector_store_idx %scatter3A_622[%add3A_620], %gather3A_518 : memref<8192xf32, #tpu.memory_space<vmem>>[vector<16xi32>], vector<16xf32>,
        %add3A_623 = arith.constant 16 : i32
        %add3A_624 = vector.broadcast %add3A_623 : i32 to vector<16xi32>
        %add3A_625 = arith.addi %iota3A, %add3A_624 : vector<16xi32>
        %add3A_626 = arith.constant 80 : i32
        %add3A_627 = vector.broadcast %add3A_626 : i32 to vector<16xi32>
        %add3A_628 = arith.addi %and3A_466, %add3A_627 : vector<16xi32>
        %gather3A_629 = arith.constant 0 : i32
        %gather3A_630 = arith.constant 0 : i32
        %gather3A_631 = tpu.memref_slice %arg4[%gather3A_629, %gather3A_630] : memref<256x128xf32, #tpu.memory_space<vmem>> -> memref<64x128xf32, #tpu.memory_space<vmem>>
        %gather3A_632 = tpu.vector_load_idx %gather3A_631[%add3A_625, %add3A_628] : memref<64x128xf32, #tpu.memory_space<vmem>>[vector<16xi32>, vector<16xi32>], vector<16xf32>,
        %add3A_633 = arith.constant 5120 : i32
        %add3A_634 = vector.broadcast %add3A_633 : i32 to vector<16xi32>
        %add3A_635 = arith.addi %add3A_469, %add3A_634 : vector<16xi32>
        %scatter3A_636 = arith.constant 0 : i32
        %scatter3A_637 = tpu.memref_slice %arg5[%scatter3A_636] : memref<32768xf32, #tpu.memory_space<vmem>> -> memref<8192xf32, #tpu.memory_space<vmem>>
        tpu.vector_store_idx %scatter3A_637[%add3A_635], %gather3A_528 : memref<8192xf32, #tpu.memory_space<vmem>>[vector<16xi32>], vector<16xf32>,
        %add3A_638 = arith.constant 16 : i32
        %add3A_639 = vector.broadcast %add3A_638 : i32 to vector<16xi32>
        %add3A_640 = arith.addi %iota3A, %add3A_639 : vector<16xi32>
        %add3A_641 = arith.constant 96 : i32
        %add3A_642 = vector.broadcast %add3A_641 : i32 to vector<16xi32>
        %add3A_643 = arith.addi %and3A_466, %add3A_642 : vector<16xi32>
        %gather3A_644 = arith.constant 0 : i32
        %gather3A_645 = arith.constant 0 : i32
        %gather3A_646 = tpu.memref_slice %arg4[%gather3A_644, %gather3A_645] : memref<256x128xf32, #tpu.memory_space<vmem>> -> memref<64x128xf32, #tpu.memory_space<vmem>>
        %gather3A_647 = tpu.vector_load_idx %gather3A_646[%add3A_640, %add3A_643] : memref<64x128xf32, #tpu.memory_space<vmem>>[vector<16xi32>, vector<16xi32>], vector<16xf32>,
        %add3A_648 = arith.constant 6144 : i32
        %add3A_649 = vector.broadcast %add3A_648 : i32 to vector<16xi32>
        %add3A_650 = arith.addi %add3A_469, %add3A_649 : vector<16xi32>
        %scatter3A_651 = arith.constant 0 : i32
        %scatter3A_652 = tpu.memref_slice %arg5[%scatter3A_651] : memref<32768xf32, #tpu.memory_space<vmem>> -> memref<8192xf32, #tpu.memory_space<vmem>>
        tpu.vector_store_idx %scatter3A_652[%add3A_650], %gather3A_538 : memref<8192xf32, #tpu.memory_space<vmem>>[vector<16xi32>], vector<16xf32>,
        %add3A_653 = arith.constant 16 : i32
        %add3A_654 = vector.broadcast %add3A_653 : i32 to vector<16xi32>
        %add3A_655 = arith.addi %iota3A, %add3A_654 : vector<16xi32>
        %add3A_656 = arith.constant 112 : i32
        %add3A_657 = vector.broadcast %add3A_656 : i32 to vector<16xi32>
        %add3A_658 = arith.addi %and3A_466, %add3A_657 : vector<16xi32>
        %gather3A_659 = arith.constant 0 : i32
        %gather3A_660 = arith.constant 0 : i32
        %gather3A_661 = tpu.memref_slice %arg4[%gather3A_659, %gather3A_660] : memref<256x128xf32, #tpu.memory_space<vmem>> -> memref<64x128xf32, #tpu.memory_space<vmem>>
        %gather3A_662 = tpu.vector_load_idx %gather3A_661[%add3A_655, %add3A_658] : memref<64x128xf32, #tpu.memory_space<vmem>>[vector<16xi32>, vector<16xi32>], vector<16xf32>,
        %add3A_663 = arith.constant 7168 : i32
        %add3A_664 = vector.broadcast %add3A_663 : i32 to vector<16xi32>
        %add3A_665 = arith.addi %add3A_469, %add3A_664 : vector<16xi32>
        %scatter3A_666 = arith.constant 0 : i32
        %scatter3A_667 = tpu.memref_slice %arg5[%scatter3A_666] : memref<32768xf32, #tpu.memory_space<vmem>> -> memref<8192xf32, #tpu.memory_space<vmem>>
        tpu.vector_store_idx %scatter3A_667[%add3A_665], %gather3A_548 : memref<8192xf32, #tpu.memory_space<vmem>>[vector<16xi32>], vector<16xf32>,
        %add3A_668 = arith.constant 32 : i32
        %add3A_669 = vector.broadcast %add3A_668 : i32 to vector<16xi32>
        %add3A_670 = arith.addi %iota3A, %add3A_669 : vector<16xi32>
        %add3A_671 = arith.constant 0 : i32
        %add3A_672 = vector.broadcast %add3A_671 : i32 to vector<16xi32>
        %add3A_673 = arith.addi %and3A_466, %add3A_672 : vector<16xi32>
        %gather3A_674 = arith.constant 0 : i32
        %gather3A_675 = arith.constant 0 : i32
        %gather3A_676 = tpu.memref_slice %arg4[%gather3A_674, %gather3A_675] : memref<256x128xf32, #tpu.memory_space<vmem>> -> memref<64x128xf32, #tpu.memory_space<vmem>>
        %gather3A_677 = tpu.vector_load_idx %gather3A_676[%add3A_670, %add3A_673] : memref<64x128xf32, #tpu.memory_space<vmem>>[vector<16xi32>, vector<16xi32>], vector<16xf32>,
        %add3A_678 = arith.constant 16 : i32
        %add3A_679 = vector.broadcast %add3A_678 : i32 to vector<16xi32>
        %add3A_680 = arith.addi %add3A_469, %add3A_679 : vector<16xi32>
        %scatter3A_681 = arith.constant 0 : i32
        %scatter3A_682 = tpu.memref_slice %arg5[%scatter3A_681] : memref<32768xf32, #tpu.memory_space<vmem>> -> memref<8192xf32, #tpu.memory_space<vmem>>
        tpu.vector_store_idx %scatter3A_682[%add3A_680], %gather3A_558 : memref<8192xf32, #tpu.memory_space<vmem>>[vector<16xi32>], vector<16xf32>,
        %add3A_683 = arith.constant 32 : i32
        %add3A_684 = vector.broadcast %add3A_683 : i32 to vector<16xi32>
        %add3A_685 = arith.addi %iota3A, %add3A_684 : vector<16xi32>
        %add3A_686 = arith.constant 16 : i32
        %add3A_687 = vector.broadcast %add3A_686 : i32 to vector<16xi32>
        %add3A_688 = arith.addi %and3A_466, %add3A_687 : vector<16xi32>
        %gather3A_689 = arith.constant 0 : i32
        %gather3A_690 = arith.constant 0 : i32
        %gather3A_691 = tpu.memref_slice %arg4[%gather3A_689, %gather3A_690] : memref<256x128xf32, #tpu.memory_space<vmem>> -> memref<64x128xf32, #tpu.memory_space<vmem>>
        %gather3A_692 = tpu.vector_load_idx %gather3A_691[%add3A_685, %add3A_688] : memref<64x128xf32, #tpu.memory_space<vmem>>[vector<16xi32>, vector<16xi32>], vector<16xf32>,
        %add3A_693 = arith.constant 1040 : i32
        %add3A_694 = vector.broadcast %add3A_693 : i32 to vector<16xi32>
        %add3A_695 = arith.addi %add3A_469, %add3A_694 : vector<16xi32>
        %scatter3A_696 = arith.constant 0 : i32
        %scatter3A_697 = tpu.memref_slice %arg5[%scatter3A_696] : memref<32768xf32, #tpu.memory_space<vmem>> -> memref<8192xf32, #tpu.memory_space<vmem>>
        tpu.vector_store_idx %scatter3A_697[%add3A_695], %gather3A_572 : memref<8192xf32, #tpu.memory_space<vmem>>[vector<16xi32>], vector<16xf32>,
        %add3A_698 = arith.constant 32 : i32
        %add3A_699 = vector.broadcast %add3A_698 : i32 to vector<16xi32>
        %add3A_700 = arith.addi %iota3A, %add3A_699 : vector<16xi32>
        %add3A_701 = arith.constant 32 : i32
        %add3A_702 = vector.broadcast %add3A_701 : i32 to vector<16xi32>
        %add3A_703 = arith.addi %and3A_466, %add3A_702 : vector<16xi32>
        %gather3A_704 = arith.constant 0 : i32
        %gather3A_705 = arith.constant 0 : i32
        %gather3A_706 = tpu.memref_slice %arg4[%gather3A_704, %gather3A_705] : memref<256x128xf32, #tpu.memory_space<vmem>> -> memref<64x128xf32, #tpu.memory_space<vmem>>
        %gather3A_707 = tpu.vector_load_idx %gather3A_706[%add3A_700, %add3A_703] : memref<64x128xf32, #tpu.memory_space<vmem>>[vector<16xi32>, vector<16xi32>], vector<16xf32>,
        %add3A_708 = arith.constant 2064 : i32
        %add3A_709 = vector.broadcast %add3A_708 : i32 to vector<16xi32>
        %add3A_710 = arith.addi %add3A_469, %add3A_709 : vector<16xi32>
        %scatter3A_711 = arith.constant 0 : i32
        %scatter3A_712 = tpu.memref_slice %arg5[%scatter3A_711] : memref<32768xf32, #tpu.memory_space<vmem>> -> memref<8192xf32, #tpu.memory_space<vmem>>
        tpu.vector_store_idx %scatter3A_712[%add3A_710], %gather3A_587 : memref<8192xf32, #tpu.memory_space<vmem>>[vector<16xi32>], vector<16xf32>,
        %add3A_713 = arith.constant 32 : i32
        %add3A_714 = vector.broadcast %add3A_713 : i32 to vector<16xi32>
        %add3A_715 = arith.addi %iota3A, %add3A_714 : vector<16xi32>
        %add3A_716 = arith.constant 48 : i32
        %add3A_717 = vector.broadcast %add3A_716 : i32 to vector<16xi32>
        %add3A_718 = arith.addi %and3A_466, %add3A_717 : vector<16xi32>
        %gather3A_719 = arith.constant 0 : i32
        %gather3A_720 = arith.constant 0 : i32
        %gather3A_721 = tpu.memref_slice %arg4[%gather3A_719, %gather3A_720] : memref<256x128xf32, #tpu.memory_space<vmem>> -> memref<64x128xf32, #tpu.memory_space<vmem>>
        %gather3A_722 = tpu.vector_load_idx %gather3A_721[%add3A_715, %add3A_718] : memref<64x128xf32, #tpu.memory_space<vmem>>[vector<16xi32>, vector<16xi32>], vector<16xf32>,
        %add3A_723 = arith.constant 3088 : i32
        %add3A_724 = vector.broadcast %add3A_723 : i32 to vector<16xi32>
        %add3A_725 = arith.addi %add3A_469, %add3A_724 : vector<16xi32>
        %scatter3A_726 = arith.constant 0 : i32
        %scatter3A_727 = tpu.memref_slice %arg5[%scatter3A_726] : memref<32768xf32, #tpu.memory_space<vmem>> -> memref<8192xf32, #tpu.memory_space<vmem>>
        tpu.vector_store_idx %scatter3A_727[%add3A_725], %gather3A_602 : memref<8192xf32, #tpu.memory_space<vmem>>[vector<16xi32>], vector<16xf32>,
        %add3A_728 = arith.constant 32 : i32
        %add3A_729 = vector.broadcast %add3A_728 : i32 to vector<16xi32>
        %add3A_730 = arith.addi %iota3A, %add3A_729 : vector<16xi32>
        %add3A_731 = arith.constant 64 : i32
        %add3A_732 = vector.broadcast %add3A_731 : i32 to vector<16xi32>
        %add3A_733 = arith.addi %and3A_466, %add3A_732 : vector<16xi32>
        %gather3A_734 = arith.constant 0 : i32
        %gather3A_735 = arith.constant 0 : i32
        %gather3A_736 = tpu.memref_slice %arg4[%gather3A_734, %gather3A_735] : memref<256x128xf32, #tpu.memory_space<vmem>> -> memref<64x128xf32, #tpu.memory_space<vmem>>
        %gather3A_737 = tpu.vector_load_idx %gather3A_736[%add3A_730, %add3A_733] : memref<64x128xf32, #tpu.memory_space<vmem>>[vector<16xi32>, vector<16xi32>], vector<16xf32>,
        %add3A_738 = arith.constant 4112 : i32
        %add3A_739 = vector.broadcast %add3A_738 : i32 to vector<16xi32>
        %add3A_740 = arith.addi %add3A_469, %add3A_739 : vector<16xi32>
        %scatter3A_741 = arith.constant 0 : i32
        %scatter3A_742 = tpu.memref_slice %arg5[%scatter3A_741] : memref<32768xf32, #tpu.memory_space<vmem>> -> memref<8192xf32, #tpu.memory_space<vmem>>
        tpu.vector_store_idx %scatter3A_742[%add3A_740], %gather3A_617 : memref<8192xf32, #tpu.memory_space<vmem>>[vector<16xi32>], vector<16xf32>,
        %add3A_743 = arith.constant 32 : i32
        %add3A_744 = vector.broadcast %add3A_743 : i32 to vector<16xi32>
        %add3A_745 = arith.addi %iota3A, %add3A_744 : vector<16xi32>
        %add3A_746 = arith.constant 80 : i32
        %add3A_747 = vector.broadcast %add3A_746 : i32 to vector<16xi32>
        %add3A_748 = arith.addi %and3A_466, %add3A_747 : vector<16xi32>
        %gather3A_749 = arith.constant 0 : i32
        %gather3A_750 = arith.constant 0 : i32
        %gather3A_751 = tpu.memref_slice %arg4[%gather3A_749, %gather3A_750] : memref<256x128xf32, #tpu.memory_space<vmem>> -> memref<64x128xf32, #tpu.memory_space<vmem>>
        %gather3A_752 = tpu.vector_load_idx %gather3A_751[%add3A_745, %add3A_748] : memref<64x128xf32, #tpu.memory_space<vmem>>[vector<16xi32>, vector<16xi32>], vector<16xf32>,
        %add3A_753 = arith.constant 5136 : i32
        %add3A_754 = vector.broadcast %add3A_753 : i32 to vector<16xi32>
        %add3A_755 = arith.addi %add3A_469, %add3A_754 : vector<16xi32>
        %scatter3A_756 = arith.constant 0 : i32
        %scatter3A_757 = tpu.memref_slice %arg5[%scatter3A_756] : memref<32768xf32, #tpu.memory_space<vmem>> -> memref<8192xf32, #tpu.memory_space<vmem>>
        tpu.vector_store_idx %scatter3A_757[%add3A_755], %gather3A_632 : memref<8192xf32, #tpu.memory_space<vmem>>[vector<16xi32>], vector<16xf32>,
        %add3A_758 = arith.constant 32 : i32
        %add3A_759 = vector.broadcast %add3A_758 : i32 to vector<16xi32>
        %add3A_760 = arith.addi %iota3A, %add3A_759 : vector<16xi32>
        %add3A_761 = arith.constant 96 : i32
        %add3A_762 = vector.broadcast %add3A_761 : i32 to vector<16xi32>
        %add3A_763 = arith.addi %and3A_466, %add3A_762 : vector<16xi32>
        %gather3A_764 = arith.constant 0 : i32
        %gather3A_765 = arith.constant 0 : i32
        %gather3A_766 = tpu.memref_slice %arg4[%gather3A_764, %gather3A_765] : memref<256x128xf32, #tpu.memory_space<vmem>> -> memref<64x128xf32, #tpu.memory_space<vmem>>
        %gather3A_767 = tpu.vector_load_idx %gather3A_766[%add3A_760, %add3A_763] : memref<64x128xf32, #tpu.memory_space<vmem>>[vector<16xi32>, vector<16xi32>], vector<16xf32>,
        %add3A_768 = arith.constant 6160 : i32
        %add3A_769 = vector.broadcast %add3A_768 : i32 to vector<16xi32>
        %add3A_770 = arith.addi %add3A_469, %add3A_769 : vector<16xi32>
        %scatter3A_771 = arith.constant 0 : i32
        %scatter3A_772 = tpu.memref_slice %arg5[%scatter3A_771] : memref<32768xf32, #tpu.memory_space<vmem>> -> memref<8192xf32, #tpu.memory_space<vmem>>
        tpu.vector_store_idx %scatter3A_772[%add3A_770], %gather3A_647 : memref<8192xf32, #tpu.memory_space<vmem>>[vector<16xi32>], vector<16xf32>,
        %add3A_773 = arith.constant 32 : i32
        %add3A_774 = vector.broadcast %add3A_773 : i32 to vector<16xi32>
        %add3A_775 = arith.addi %iota3A, %add3A_774 : vector<16xi32>
        %add3A_776 = arith.constant 112 : i32
        %add3A_777 = vector.broadcast %add3A_776 : i32 to vector<16xi32>
        %add3A_778 = arith.addi %and3A_466, %add3A_777 : vector<16xi32>
        %gather3A_779 = arith.constant 0 : i32
        %gather3A_780 = arith.constant 0 : i32
        %gather3A_781 = tpu.memref_slice %arg4[%gather3A_779, %gather3A_780] : memref<256x128xf32, #tpu.memory_space<vmem>> -> memref<64x128xf32, #tpu.memory_space<vmem>>
        %gather3A_782 = tpu.vector_load_idx %gather3A_781[%add3A_775, %add3A_778] : memref<64x128xf32, #tpu.memory_space<vmem>>[vector<16xi32>, vector<16xi32>], vector<16xf32>,
        %add3A_783 = arith.constant 7184 : i32
        %add3A_784 = vector.broadcast %add3A_783 : i32 to vector<16xi32>
        %add3A_785 = arith.addi %add3A_469, %add3A_784 : vector<16xi32>
        %scatter3A_786 = arith.constant 0 : i32
        %scatter3A_787 = tpu.memref_slice %arg5[%scatter3A_786] : memref<32768xf32, #tpu.memory_space<vmem>> -> memref<8192xf32, #tpu.memory_space<vmem>>
        tpu.vector_store_idx %scatter3A_787[%add3A_785], %gather3A_662 : memref<8192xf32, #tpu.memory_space<vmem>>[vector<16xi32>], vector<16xf32>,
        %add3A_788 = arith.constant 48 : i32
        %add3A_789 = vector.broadcast %add3A_788 : i32 to vector<16xi32>
        %add3A_790 = arith.addi %iota3A, %add3A_789 : vector<16xi32>
        %add3A_791 = arith.constant 0 : i32
        %add3A_792 = vector.broadcast %add3A_791 : i32 to vector<16xi32>
        %add3A_793 = arith.addi %and3A_466, %add3A_792 : vector<16xi32>
        %gather3A_794 = arith.constant 0 : i32
        %gather3A_795 = arith.constant 0 : i32
        %gather3A_796 = tpu.memref_slice %arg4[%gather3A_794, %gather3A_795] : memref<256x128xf32, #tpu.memory_space<vmem>> -> memref<64x128xf32, #tpu.memory_space<vmem>>
        %gather3A_797 = tpu.vector_load_idx %gather3A_796[%add3A_790, %add3A_793] : memref<64x128xf32, #tpu.memory_space<vmem>>[vector<16xi32>, vector<16xi32>], vector<16xf32>,
        %add3A_798 = arith.constant 32 : i32
        %add3A_799 = vector.broadcast %add3A_798 : i32 to vector<16xi32>
        %add3A_800 = arith.addi %add3A_469, %add3A_799 : vector<16xi32>
        %scatter3A_801 = arith.constant 0 : i32
        %scatter3A_802 = tpu.memref_slice %arg5[%scatter3A_801] : memref<32768xf32, #tpu.memory_space<vmem>> -> memref<8192xf32, #tpu.memory_space<vmem>>
        tpu.vector_store_idx %scatter3A_802[%add3A_800], %gather3A_677 : memref<8192xf32, #tpu.memory_space<vmem>>[vector<16xi32>], vector<16xf32>,
        %add3A_803 = arith.constant 48 : i32
        %add3A_804 = vector.broadcast %add3A_803 : i32 to vector<16xi32>
        %add3A_805 = arith.addi %iota3A, %add3A_804 : vector<16xi32>
        %add3A_806 = arith.constant 16 : i32
        %add3A_807 = vector.broadcast %add3A_806 : i32 to vector<16xi32>
        %add3A_808 = arith.addi %and3A_466, %add3A_807 : vector<16xi32>
        %gather3A_809 = arith.constant 0 : i32
        %gather3A_810 = arith.constant 0 : i32
        %gather3A_811 = tpu.memref_slice %arg4[%gather3A_809, %gather3A_810] : memref<256x128xf32, #tpu.memory_space<vmem>> -> memref<64x128xf32, #tpu.memory_space<vmem>>
        %gather3A_812 = tpu.vector_load_idx %gather3A_811[%add3A_805, %add3A_808] : memref<64x128xf32, #tpu.memory_space<vmem>>[vector<16xi32>, vector<16xi32>], vector<16xf32>,
        %add3A_813 = arith.constant 1056 : i32
        %add3A_814 = vector.broadcast %add3A_813 : i32 to vector<16xi32>
        %add3A_815 = arith.addi %add3A_469, %add3A_814 : vector<16xi32>
        %scatter3A_816 = arith.constant 0 : i32
        %scatter3A_817 = tpu.memref_slice %arg5[%scatter3A_816] : memref<32768xf32, #tpu.memory_space<vmem>> -> memref<8192xf32, #tpu.memory_space<vmem>>
        tpu.vector_store_idx %scatter3A_817[%add3A_815], %gather3A_692 : memref<8192xf32, #tpu.memory_space<vmem>>[vector<16xi32>], vector<16xf32>,
        %add3A_818 = arith.constant 48 : i32
        %add3A_819 = vector.broadcast %add3A_818 : i32 to vector<16xi32>
        %add3A_820 = arith.addi %iota3A, %add3A_819 : vector<16xi32>
        %add3A_821 = arith.constant 32 : i32
        %add3A_822 = vector.broadcast %add3A_821 : i32 to vector<16xi32>
        %add3A_823 = arith.addi %and3A_466, %add3A_822 : vector<16xi32>
        %gather3A_824 = arith.constant 0 : i32
        %gather3A_825 = arith.constant 0 : i32
        %gather3A_826 = tpu.memref_slice %arg4[%gather3A_824, %gather3A_825] : memref<256x128xf32, #tpu.memory_space<vmem>> -> memref<64x128xf32, #tpu.memory_space<vmem>>
        %gather3A_827 = tpu.vector_load_idx %gather3A_826[%add3A_820, %add3A_823] : memref<64x128xf32, #tpu.memory_space<vmem>>[vector<16xi32>, vector<16xi32>], vector<16xf32>,
        %add3A_828 = arith.constant 2080 : i32
        %add3A_829 = vector.broadcast %add3A_828 : i32 to vector<16xi32>
        %add3A_830 = arith.addi %add3A_469, %add3A_829 : vector<16xi32>
        %scatter3A_831 = arith.constant 0 : i32
        %scatter3A_832 = tpu.memref_slice %arg5[%scatter3A_831] : memref<32768xf32, #tpu.memory_space<vmem>> -> memref<8192xf32, #tpu.memory_space<vmem>>
        tpu.vector_store_idx %scatter3A_832[%add3A_830], %gather3A_707 : memref<8192xf32, #tpu.memory_space<vmem>>[vector<16xi32>], vector<16xf32>,
        %add3A_833 = arith.constant 48 : i32
        %add3A_834 = vector.broadcast %add3A_833 : i32 to vector<16xi32>
        %add3A_835 = arith.addi %iota3A, %add3A_834 : vector<16xi32>
        %add3A_836 = arith.constant 48 : i32
        %add3A_837 = vector.broadcast %add3A_836 : i32 to vector<16xi32>
        %add3A_838 = arith.addi %and3A_466, %add3A_837 : vector<16xi32>
        %gather3A_839 = arith.constant 0 : i32
        %gather3A_840 = arith.constant 0 : i32
        %gather3A_841 = tpu.memref_slice %arg4[%gather3A_839, %gather3A_840] : memref<256x128xf32, #tpu.memory_space<vmem>> -> memref<64x128xf32, #tpu.memory_space<vmem>>
        %gather3A_842 = tpu.vector_load_idx %gather3A_841[%add3A_835, %add3A_838] : memref<64x128xf32, #tpu.memory_space<vmem>>[vector<16xi32>, vector<16xi32>], vector<16xf32>,
        %add3A_843 = arith.constant 3104 : i32
        %add3A_844 = vector.broadcast %add3A_843 : i32 to vector<16xi32>
        %add3A_845 = arith.addi %add3A_469, %add3A_844 : vector<16xi32>
        %scatter3A_846 = arith.constant 0 : i32
        %scatter3A_847 = tpu.memref_slice %arg5[%scatter3A_846] : memref<32768xf32, #tpu.memory_space<vmem>> -> memref<8192xf32, #tpu.memory_space<vmem>>
        tpu.vector_store_idx %scatter3A_847[%add3A_845], %gather3A_722 : memref<8192xf32, #tpu.memory_space<vmem>>[vector<16xi32>], vector<16xf32>,
        %add3A_848 = arith.constant 48 : i32
        %add3A_849 = vector.broadcast %add3A_848 : i32 to vector<16xi32>
        %add3A_850 = arith.addi %iota3A, %add3A_849 : vector<16xi32>
        %add3A_851 = arith.constant 64 : i32
        %add3A_852 = vector.broadcast %add3A_851 : i32 to vector<16xi32>
        %add3A_853 = arith.addi %and3A_466, %add3A_852 : vector<16xi32>
        %gather3A_854 = arith.constant 0 : i32
        %gather3A_855 = arith.constant 0 : i32
        %gather3A_856 = tpu.memref_slice %arg4[%gather3A_854, %gather3A_855] : memref<256x128xf32, #tpu.memory_space<vmem>> -> memref<64x128xf32, #tpu.memory_space<vmem>>
        %gather3A_857 = tpu.vector_load_idx %gather3A_856[%add3A_850, %add3A_853] : memref<64x128xf32, #tpu.memory_space<vmem>>[vector<16xi32>, vector<16xi32>], vector<16xf32>,
        %add3A_858 = arith.constant 4128 : i32
        %add3A_859 = vector.broadcast %add3A_858 : i32 to vector<16xi32>
        %add3A_860 = arith.addi %add3A_469, %add3A_859 : vector<16xi32>
        %scatter3A_861 = arith.constant 0 : i32
        %scatter3A_862 = tpu.memref_slice %arg5[%scatter3A_861] : memref<32768xf32, #tpu.memory_space<vmem>> -> memref<8192xf32, #tpu.memory_space<vmem>>
        tpu.vector_store_idx %scatter3A_862[%add3A_860], %gather3A_737 : memref<8192xf32, #tpu.memory_space<vmem>>[vector<16xi32>], vector<16xf32>,
        %add3A_863 = arith.constant 48 : i32
        %add3A_864 = vector.broadcast %add3A_863 : i32 to vector<16xi32>
        %add3A_865 = arith.addi %iota3A, %add3A_864 : vector<16xi32>
        %add3A_866 = arith.constant 80 : i32
        %add3A_867 = vector.broadcast %add3A_866 : i32 to vector<16xi32>
        %add3A_868 = arith.addi %and3A_466, %add3A_867 : vector<16xi32>
        %gather3A_869 = arith.constant 0 : i32
        %gather3A_870 = arith.constant 0 : i32
        %gather3A_871 = tpu.memref_slice %arg4[%gather3A_869, %gather3A_870] : memref<256x128xf32, #tpu.memory_space<vmem>> -> memref<64x128xf32, #tpu.memory_space<vmem>>
        %gather3A_872 = tpu.vector_load_idx %gather3A_871[%add3A_865, %add3A_868] : memref<64x128xf32, #tpu.memory_space<vmem>>[vector<16xi32>, vector<16xi32>], vector<16xf32>,
        %add3A_873 = arith.constant 5152 : i32
        %add3A_874 = vector.broadcast %add3A_873 : i32 to vector<16xi32>
        %add3A_875 = arith.addi %add3A_469, %add3A_874 : vector<16xi32>
        %scatter3A_876 = arith.constant 0 : i32
        %scatter3A_877 = tpu.memref_slice %arg5[%scatter3A_876] : memref<32768xf32, #tpu.memory_space<vmem>> -> memref<8192xf32, #tpu.memory_space<vmem>>
        tpu.vector_store_idx %scatter3A_877[%add3A_875], %gather3A_752 : memref<8192xf32, #tpu.memory_space<vmem>>[vector<16xi32>], vector<16xf32>,
        %add3A_878 = arith.constant 48 : i32
        %add3A_879 = vector.broadcast %add3A_878 : i32 to vector<16xi32>
        %add3A_880 = arith.addi %iota3A, %add3A_879 : vector<16xi32>
        %add3A_881 = arith.constant 96 : i32
        %add3A_882 = vector.broadcast %add3A_881 : i32 to vector<16xi32>
        %add3A_883 = arith.addi %and3A_466, %add3A_882 : vector<16xi32>
        %gather3A_884 = arith.constant 0 : i32
        %gather3A_885 = arith.constant 0 : i32
        %gather3A_886 = tpu.memref_slice %arg4[%gather3A_884, %gather3A_885] : memref<256x128xf32, #tpu.memory_space<vmem>> -> memref<64x128xf32, #tpu.memory_space<vmem>>
        %gather3A_887 = tpu.vector_load_idx %gather3A_886[%add3A_880, %add3A_883] : memref<64x128xf32, #tpu.memory_space<vmem>>[vector<16xi32>, vector<16xi32>], vector<16xf32>,
        %add3A_888 = arith.constant 6176 : i32
        %add3A_889 = vector.broadcast %add3A_888 : i32 to vector<16xi32>
        %add3A_890 = arith.addi %add3A_469, %add3A_889 : vector<16xi32>
        %scatter3A_891 = arith.constant 0 : i32
        %scatter3A_892 = tpu.memref_slice %arg5[%scatter3A_891] : memref<32768xf32, #tpu.memory_space<vmem>> -> memref<8192xf32, #tpu.memory_space<vmem>>
        tpu.vector_store_idx %scatter3A_892[%add3A_890], %gather3A_767 : memref<8192xf32, #tpu.memory_space<vmem>>[vector<16xi32>], vector<16xf32>,
        %add3A_893 = arith.constant 48 : i32
        %add3A_894 = vector.broadcast %add3A_893 : i32 to vector<16xi32>
        %add3A_895 = arith.addi %iota3A, %add3A_894 : vector<16xi32>
        %add3A_896 = arith.constant 112 : i32
        %add3A_897 = vector.broadcast %add3A_896 : i32 to vector<16xi32>
        %add3A_898 = arith.addi %and3A_466, %add3A_897 : vector<16xi32>
        %gather3A_899 = arith.constant 0 : i32
        %gather3A_900 = arith.constant 0 : i32
        %gather3A_901 = tpu.memref_slice %arg4[%gather3A_899, %gather3A_900] : memref<256x128xf32, #tpu.memory_space<vmem>> -> memref<64x128xf32, #tpu.memory_space<vmem>>
        %gather3A_902 = tpu.vector_load_idx %gather3A_901[%add3A_895, %add3A_898] : memref<64x128xf32, #tpu.memory_space<vmem>>[vector<16xi32>, vector<16xi32>], vector<16xf32>,
        %add3A_903 = arith.constant 7200 : i32
        %add3A_904 = vector.broadcast %add3A_903 : i32 to vector<16xi32>
        %add3A_905 = arith.addi %add3A_469, %add3A_904 : vector<16xi32>
        %scatter3A_906 = arith.constant 0 : i32
        %scatter3A_907 = tpu.memref_slice %arg5[%scatter3A_906] : memref<32768xf32, #tpu.memory_space<vmem>> -> memref<8192xf32, #tpu.memory_space<vmem>>
        tpu.vector_store_idx %scatter3A_907[%add3A_905], %gather3A_782 : memref<8192xf32, #tpu.memory_space<vmem>>[vector<16xi32>], vector<16xf32>,
        %add3A_908 = arith.constant 48 : i32
        %add3A_909 = vector.broadcast %add3A_908 : i32 to vector<16xi32>
        %add3A_910 = arith.addi %add3A_469, %add3A_909 : vector<16xi32>
        %scatter3A_911 = arith.constant 0 : i32
        %scatter3A_912 = tpu.memref_slice %arg5[%scatter3A_911] : memref<32768xf32, #tpu.memory_space<vmem>> -> memref<8192xf32, #tpu.memory_space<vmem>>
        tpu.vector_store_idx %scatter3A_912[%add3A_910], %gather3A_797 : memref<8192xf32, #tpu.memory_space<vmem>>[vector<16xi32>], vector<16xf32>,
        %add3A_913 = arith.constant 1072 : i32
        %add3A_914 = vector.broadcast %add3A_913 : i32 to vector<16xi32>
        %add3A_915 = arith.addi %add3A_469, %add3A_914 : vector<16xi32>
        %scatter3A_916 = arith.constant 0 : i32
        %scatter3A_917 = tpu.memref_slice %arg5[%scatter3A_916] : memref<32768xf32, #tpu.memory_space<vmem>> -> memref<8192xf32, #tpu.memory_space<vmem>>
        tpu.vector_store_idx %scatter3A_917[%add3A_915], %gather3A_812 : memref<8192xf32, #tpu.memory_space<vmem>>[vector<16xi32>], vector<16xf32>,
        %add3A_918 = arith.constant 2096 : i32
        %add3A_919 = vector.broadcast %add3A_918 : i32 to vector<16xi32>
        %add3A_920 = arith.addi %add3A_469, %add3A_919 : vector<16xi32>
        %scatter3A_921 = arith.constant 0 : i32
        %scatter3A_922 = tpu.memref_slice %arg5[%scatter3A_921] : memref<32768xf32, #tpu.memory_space<vmem>> -> memref<8192xf32, #tpu.memory_space<vmem>>
        tpu.vector_store_idx %scatter3A_922[%add3A_920], %gather3A_827 : memref<8192xf32, #tpu.memory_space<vmem>>[vector<16xi32>], vector<16xf32>,
        %add3A_923 = arith.constant 3120 : i32
        %add3A_924 = vector.broadcast %add3A_923 : i32 to vector<16xi32>
        %add3A_925 = arith.addi %add3A_469, %add3A_924 : vector<16xi32>
        %scatter3A_926 = arith.constant 0 : i32
        %scatter3A_927 = tpu.memref_slice %arg5[%scatter3A_926] : memref<32768xf32, #tpu.memory_space<vmem>> -> memref<8192xf32, #tpu.memory_space<vmem>>
        tpu.vector_store_idx %scatter3A_927[%add3A_925], %gather3A_842 : memref<8192xf32, #tpu.memory_space<vmem>>[vector<16xi32>], vector<16xf32>,
        %add3A_928 = arith.constant 4144 : i32
        %add3A_929 = vector.broadcast %add3A_928 : i32 to vector<16xi32>
        %add3A_930 = arith.addi %add3A_469, %add3A_929 : vector<16xi32>
        %scatter3A_931 = arith.constant 0 : i32
        %scatter3A_932 = tpu.memref_slice %arg5[%scatter3A_931] : memref<32768xf32, #tpu.memory_space<vmem>> -> memref<8192xf32, #tpu.memory_space<vmem>>
        tpu.vector_store_idx %scatter3A_932[%add3A_930], %gather3A_857 : memref<8192xf32, #tpu.memory_space<vmem>>[vector<16xi32>], vector<16xf32>,
        %add3A_933 = arith.constant 5168 : i32
        %add3A_934 = vector.broadcast %add3A_933 : i32 to vector<16xi32>
        %add3A_935 = arith.addi %add3A_469, %add3A_934 : vector<16xi32>
        %scatter3A_936 = arith.constant 0 : i32
        %scatter3A_937 = tpu.memref_slice %arg5[%scatter3A_936] : memref<32768xf32, #tpu.memory_space<vmem>> -> memref<8192xf32, #tpu.memory_space<vmem>>
        tpu.vector_store_idx %scatter3A_937[%add3A_935], %gather3A_872 : memref<8192xf32, #tpu.memory_space<vmem>>[vector<16xi32>], vector<16xf32>,
        %add3A_938 = arith.constant 6192 : i32
        %add3A_939 = vector.broadcast %add3A_938 : i32 to vector<16xi32>
        %add3A_940 = arith.addi %add3A_469, %add3A_939 : vector<16xi32>
        %scatter3A_941 = arith.constant 0 : i32
        %scatter3A_942 = tpu.memref_slice %arg5[%scatter3A_941] : memref<32768xf32, #tpu.memory_space<vmem>> -> memref<8192xf32, #tpu.memory_space<vmem>>
        tpu.vector_store_idx %scatter3A_942[%add3A_940], %gather3A_887 : memref<8192xf32, #tpu.memory_space<vmem>>[vector<16xi32>], vector<16xf32>,
        %add3A_943 = arith.constant 7216 : i32
        %add3A_944 = vector.broadcast %add3A_943 : i32 to vector<16xi32>
        %add3A_945 = arith.addi %add3A_469, %add3A_944 : vector<16xi32>
        %scatter3A_946 = arith.constant 0 : i32
        %scatter3A_947 = tpu.memref_slice %arg5[%scatter3A_946] : memref<32768xf32, #tpu.memory_space<vmem>> -> memref<8192xf32, #tpu.memory_space<vmem>>
        tpu.vector_store_idx %scatter3A_947[%add3A_945], %gather3A_902 : memref<8192xf32, #tpu.memory_space<vmem>>[vector<16xi32>], vector<16xf32>,
      }
      %scan3A_234 = arith.constant 16 : i32
      %add3A_235 = arith.constant 4 : i32
      %add3A_236 = arith.addi %add3A_202, %add3A_235 : i32
      %min3A = arith.constant 243 : i32
      %min3A_237 = arith.minsi %add3A_236, %min3A : i32
      %mul3A_238 = arith.constant 32 : i32
      %mul3A_239 = arith.muli %min3A_237, %mul3A_238 : i32
      %add3A_240 = arith.addi %mul3A_239, %add3A : i32
      %mul3A_241 = arith.constant 128 : i32
      %mul3A_242 = arith.muli %add3A_240, %mul3A_241 : i32
      %dma_start3A_243 = arith.constant 0 : i32
      %dma_start3A_244 = arith.constant 0 : i32
      %dma_start3A_245 = tpu.memref_slice %arg4[%dma_start3A_243, %dma_start3A_244] : memref<256x128xf32, #tpu.memory_space<vmem>> -> memref<64x128xf32, #tpu.memory_space<vmem>>
      %dma_start3A_246 = arith.constant 0 : i32
      %dma_start3A_247 = tpu.memref_slice %arg2[%dma_start3A_246, %mul3A_242] : memref<64x1000000xf32, #tpu.memory_space<hbm>> -> memref<64x128xf32, #tpu.memory_space<hbm>>
      %dma_start3A_248 = arith.constant 0 : i32
      %dma_start3A_249 = arith.constant 0 : i32
      %dma_start3A_250 = tpu.memref_slice %arg4[%dma_start3A_248, %dma_start3A_249] : memref<256x128xf32, #tpu.memory_space<vmem>> -> memref<64x128xf32, #tpu.memory_space<vmem>>
      %dma_start3A_251 = arith.constant 0 : i32
      %dma_start3A_252 = tpu.memref_slice %arg2[%dma_start3A_251, %mul3A_242] : memref<64x1000000xf32, #tpu.memory_space<hbm>> -> memref<64x128xf32, #tpu.memory_space<hbm>>
      tpu.enqueue_dma source(%dma_start3A_252 : memref<64x128xf32, #tpu.memory_space<hbm>>) target(%dma_start3A_250 : memref<64x128xf32, #tpu.memory_space<vmem>>) target_semaphore(%arg6 : memref<!tpu.dma_semaphore, #tpu.memory_space<semaphore_mem>>)
      %mul3A_253 = arith.constant 32 : i32
      %mul3A_254 = arith.muli %add3A_202, %mul3A_253 : i32
      %add3A_255 = arith.addi %mul3A_254, %add3A : i32
      %mul3A_256 = arith.constant 8192 : i32
      %mul3A_257 = arith.muli %add3A_255, %mul3A_256 : i32
      %dma_start3A_258 = arith.constant 0 : i32
      %dma_start3A_259 = tpu.memref_slice %arg5[%dma_start3A_258] : memref<32768xf32, #tpu.memory_space<vmem>> -> memref<8192xf32, #tpu.memory_space<vmem>>
      %dma_start3A_260 = tpu.memref_slice %arg3[%mul3A_257] : memref<64000000xf32, #tpu.memory_space<hbm>> -> memref<8192xf32, #tpu.memory_space<hbm>>
      %dma_start3A_261 = tpu.memref_slice %arg3[%mul3A_257] : memref<64000000xf32, #tpu.memory_space<hbm>> -> memref<8192xf32, #tpu.memory_space<hbm>>
      %dma_start3A_262 = arith.constant 0 : i32
      %dma_start3A_263 = tpu.memref_slice %arg5[%dma_start3A_262] : memref<32768xf32, #tpu.memory_space<vmem>> -> memref<8192xf32, #tpu.memory_space<vmem>>
      tpu.enqueue_dma source(%dma_start3A_263 : memref<8192xf32, #tpu.memory_space<vmem>>) target(%dma_start3A_261 : memref<8192xf32, #tpu.memory_space<hbm>>) target_semaphore(%arg10 : memref<!tpu.dma_semaphore, #tpu.memory_space<semaphore_mem>>)
      %mul3A_264 = arith.constant 4 : i32
      %mul3A_265 = arith.muli %mul3A_264, %scan3A_198 : i32
      %add3A_266 = arith.constant 1 : i32
      %add3A_267 = arith.addi %mul3A_265, %add3A_266 : i32
      %mul3A_268 = arith.constant 32 : i32
      %mul3A_269 = arith.muli %add3A_267, %mul3A_268 : i32
      %add3A_270 = arith.addi %mul3A_269, %add3A : i32
      %mul3A_271 = arith.constant 128 : i32
      %mul3A_272 = arith.muli %add3A_270, %mul3A_271 : i32
      %dma_wait3A_273 = arith.constant 64 : i32
      %dma_wait3A_274 = arith.constant 0 : i32
      %dma_wait3A_275 = tpu.memref_slice %arg4[%dma_wait3A_273, %dma_wait3A_274] : memref<256x128xf32, #tpu.memory_space<vmem>> -> memref<64x128xf32, #tpu.memory_space<vmem>>
      %dma_wait3A_276 = arith.constant 0 : i32
      %dma_wait3A_277 = tpu.memref_slice %arg2[%dma_wait3A_276, %mul3A_272] : memref<64x1000000xf32, #tpu.memory_space<hbm>> -> memref<64x128xf32, #tpu.memory_space<hbm>>
      %dma_wait3A_278 = arith.constant 64 : i32
      %dma_wait3A_279 = arith.constant 0 : i32
      %dma_wait3A_280 = tpu.memref_slice %arg4[%dma_wait3A_278, %dma_wait3A_279] : memref<256x128xf32, #tpu.memory_space<vmem>> -> memref<64x128xf32, #tpu.memory_space<vmem>>
      %dma_wait3A_281 = arith.constant 0 : i32
      %dma_wait3A_282 = tpu.memref_slice %arg2[%dma_wait3A_281, %mul3A_272] : memref<64x1000000xf32, #tpu.memory_space<hbm>> -> memref<64x128xf32, #tpu.memory_space<hbm>>
      tpu.wait_dma2 semaphore(%arg7 : memref<!tpu.dma_semaphore, #tpu.memory_space<semaphore_mem>>) src(%dma_wait3A_282 : memref<64x128xf32, #tpu.memory_space<hbm>>) dst(%dma_wait3A_280 : memref<64x128xf32, #tpu.memory_space<vmem>>)
      %mul3A_283 = arith.constant 32 : i32
      %mul3A_284 = arith.muli %add3A_267, %mul3A_283 : i32
      %add3A_285 = arith.addi %mul3A_284, %add3A : i32
      %mul3A_286 = arith.constant 8192 : i32
      %mul3A_287 = arith.muli %add3A_285, %mul3A_286 : i32
      %dma_wait3A_288 = arith.constant 8192 : i32
      %dma_wait3A_289 = tpu.memref_slice %arg5[%dma_wait3A_288] : memref<32768xf32, #tpu.memory_space<vmem>> -> memref<8192xf32, #tpu.memory_space<vmem>>
      %dma_wait3A_290 = tpu.memref_slice %arg3[%mul3A_287] : memref<64000000xf32, #tpu.memory_space<hbm>> -> memref<8192xf32, #tpu.memory_space<hbm>>
      %dma_wait3A_291 = tpu.memref_slice %arg3[%mul3A_287] : memref<64000000xf32, #tpu.memory_space<hbm>> -> memref<8192xf32, #tpu.memory_space<hbm>>
      %dma_wait3A_292 = arith.constant 8192 : i32
      %dma_wait3A_293 = tpu.memref_slice %arg5[%dma_wait3A_292] : memref<32768xf32, #tpu.memory_space<vmem>> -> memref<8192xf32, #tpu.memory_space<vmem>>
      tpu.wait_dma2 semaphore(%arg11 : memref<!tpu.dma_semaphore, #tpu.memory_space<semaphore_mem>>) src(%dma_wait3A_293 : memref<8192xf32, #tpu.memory_space<vmem>>) dst(%dma_wait3A_291 : memref<8192xf32, #tpu.memory_space<hbm>>)
      %scan3A_294 = arith.constant 0 : i32
      %scan3A_295 = arith.constant 0 : i32
      %scan3A_296 = arith.constant 16 : i32
      %scan3A_297 = arith.addi %scan3A_295, %scan3A_296 : i32
      %scan3A_298 = arith.constant 1 : i32
      scf.for %scan3A_462 = %scan3A_295 to %scan3A_297 step %scan3A_298  : i32 {
        %add3A_463 = vector.broadcast %scan3A_462 : i32 to vector<16xi32>
        %add3A_464 = arith.addi %iota3A, %add3A_463 : vector<16xi32>
        %and3A = arith.constant 15 : i32
        %and3A_465 = vector.broadcast %and3A : i32 to vector<16xi32>
        %and3A_466 = arith.andi %add3A_464, %and3A_465 : vector<16xi32>
        %shift_left3A = arith.constant 6 : i32
        %shift_left3A_467 = vector.broadcast %shift_left3A : i32 to vector<16xi32>
        %shift_left3A_468 = arith.shli %and3A_466, %shift_left3A_467 : vector<16xi32>
        %add3A_469 = arith.addi %shift_left3A_468, %iota3A : vector<16xi32>
        %add3A_470 = arith.constant 0 : i32
        %add3A_471 = vector.broadcast %add3A_470 : i32 to vector<16xi32>
        %add3A_472 = arith.addi %iota3A, %add3A_471 : vector<16xi32>
        %add3A_473 = arith.constant 0 : i32
        %add3A_474 = vector.broadcast %add3A_473 : i32 to vector<16xi32>
        %add3A_475 = arith.addi %and3A_466, %add3A_474 : vector<16xi32>
        %gather3A = arith.constant 64 : i32
        %gather3A_476 = arith.constant 0 : i32
        %gather3A_477 = tpu.memref_slice %arg4[%gather3A, %gather3A_476] : memref<256x128xf32, #tpu.memory_space<vmem>> -> memref<64x128xf32, #tpu.memory_space<vmem>>
        %gather3A_478 = tpu.vector_load_idx %gather3A_477[%add3A_472, %add3A_475] : memref<64x128xf32, #tpu.memory_space<vmem>>[vector<16xi32>, vector<16xi32>], vector<16xf32>,
        %add3A_479 = arith.constant 0 : i32
        %add3A_480 = vector.broadcast %add3A_479 : i32 to vector<16xi32>
        %add3A_481 = arith.addi %iota3A, %add3A_480 : vector<16xi32>
        %add3A_482 = arith.constant 16 : i32
        %add3A_483 = vector.broadcast %add3A_482 : i32 to vector<16xi32>
        %add3A_484 = arith.addi %and3A_466, %add3A_483 : vector<16xi32>
        %gather3A_485 = arith.constant 64 : i32
        %gather3A_486 = arith.constant 0 : i32
        %gather3A_487 = tpu.memref_slice %arg4[%gather3A_485, %gather3A_486] : memref<256x128xf32, #tpu.memory_space<vmem>> -> memref<64x128xf32, #tpu.memory_space<vmem>>
        %gather3A_488 = tpu.vector_load_idx %gather3A_487[%add3A_481, %add3A_484] : memref<64x128xf32, #tpu.memory_space<vmem>>[vector<16xi32>, vector<16xi32>], vector<16xf32>,
        %add3A_489 = arith.constant 0 : i32
        %add3A_490 = vector.broadcast %add3A_489 : i32 to vector<16xi32>
        %add3A_491 = arith.addi %iota3A, %add3A_490 : vector<16xi32>
        %add3A_492 = arith.constant 32 : i32
        %add3A_493 = vector.broadcast %add3A_492 : i32 to vector<16xi32>
        %add3A_494 = arith.addi %and3A_466, %add3A_493 : vector<16xi32>
        %gather3A_495 = arith.constant 64 : i32
        %gather3A_496 = arith.constant 0 : i32
        %gather3A_497 = tpu.memref_slice %arg4[%gather3A_495, %gather3A_496] : memref<256x128xf32, #tpu.memory_space<vmem>> -> memref<64x128xf32, #tpu.memory_space<vmem>>
        %gather3A_498 = tpu.vector_load_idx %gather3A_497[%add3A_491, %add3A_494] : memref<64x128xf32, #tpu.memory_space<vmem>>[vector<16xi32>, vector<16xi32>], vector<16xf32>,
        %add3A_499 = arith.constant 0 : i32
        %add3A_500 = vector.broadcast %add3A_499 : i32 to vector<16xi32>
        %add3A_501 = arith.addi %iota3A, %add3A_500 : vector<16xi32>
        %add3A_502 = arith.constant 48 : i32
        %add3A_503 = vector.broadcast %add3A_502 : i32 to vector<16xi32>
        %add3A_504 = arith.addi %and3A_466, %add3A_503 : vector<16xi32>
        %gather3A_505 = arith.constant 64 : i32
        %gather3A_506 = arith.constant 0 : i32
        %gather3A_507 = tpu.memref_slice %arg4[%gather3A_505, %gather3A_506] : memref<256x128xf32, #tpu.memory_space<vmem>> -> memref<64x128xf32, #tpu.memory_space<vmem>>
        %gather3A_508 = tpu.vector_load_idx %gather3A_507[%add3A_501, %add3A_504] : memref<64x128xf32, #tpu.memory_space<vmem>>[vector<16xi32>, vector<16xi32>], vector<16xf32>,
        %add3A_509 = arith.constant 0 : i32
        %add3A_510 = vector.broadcast %add3A_509 : i32 to vector<16xi32>
        %add3A_511 = arith.addi %iota3A, %add3A_510 : vector<16xi32>
        %add3A_512 = arith.constant 64 : i32
        %add3A_513 = vector.broadcast %add3A_512 : i32 to vector<16xi32>
        %add3A_514 = arith.addi %and3A_466, %add3A_513 : vector<16xi32>
        %gather3A_515 = arith.constant 64 : i32
        %gather3A_516 = arith.constant 0 : i32
        %gather3A_517 = tpu.memref_slice %arg4[%gather3A_515, %gather3A_516] : memref<256x128xf32, #tpu.memory_space<vmem>> -> memref<64x128xf32, #tpu.memory_space<vmem>>
        %gather3A_518 = tpu.vector_load_idx %gather3A_517[%add3A_511, %add3A_514] : memref<64x128xf32, #tpu.memory_space<vmem>>[vector<16xi32>, vector<16xi32>], vector<16xf32>,
        %add3A_519 = arith.constant 0 : i32
        %add3A_520 = vector.broadcast %add3A_519 : i32 to vector<16xi32>
        %add3A_521 = arith.addi %iota3A, %add3A_520 : vector<16xi32>
        %add3A_522 = arith.constant 80 : i32
        %add3A_523 = vector.broadcast %add3A_522 : i32 to vector<16xi32>
        %add3A_524 = arith.addi %and3A_466, %add3A_523 : vector<16xi32>
        %gather3A_525 = arith.constant 64 : i32
        %gather3A_526 = arith.constant 0 : i32
        %gather3A_527 = tpu.memref_slice %arg4[%gather3A_525, %gather3A_526] : memref<256x128xf32, #tpu.memory_space<vmem>> -> memref<64x128xf32, #tpu.memory_space<vmem>>
        %gather3A_528 = tpu.vector_load_idx %gather3A_527[%add3A_521, %add3A_524] : memref<64x128xf32, #tpu.memory_space<vmem>>[vector<16xi32>, vector<16xi32>], vector<16xf32>,
        %add3A_529 = arith.constant 0 : i32
        %add3A_530 = vector.broadcast %add3A_529 : i32 to vector<16xi32>
        %add3A_531 = arith.addi %iota3A, %add3A_530 : vector<16xi32>
        %add3A_532 = arith.constant 96 : i32
        %add3A_533 = vector.broadcast %add3A_532 : i32 to vector<16xi32>
        %add3A_534 = arith.addi %and3A_466, %add3A_533 : vector<16xi32>
        %gather3A_535 = arith.constant 64 : i32
        %gather3A_536 = arith.constant 0 : i32
        %gather3A_537 = tpu.memref_slice %arg4[%gather3A_535, %gather3A_536] : memref<256x128xf32, #tpu.memory_space<vmem>> -> memref<64x128xf32, #tpu.memory_space<vmem>>
        %gather3A_538 = tpu.vector_load_idx %gather3A_537[%add3A_531, %add3A_534] : memref<64x128xf32, #tpu.memory_space<vmem>>[vector<16xi32>, vector<16xi32>], vector<16xf32>,
        %add3A_539 = arith.constant 0 : i32
        %add3A_540 = vector.broadcast %add3A_539 : i32 to vector<16xi32>
        %add3A_541 = arith.addi %iota3A, %add3A_540 : vector<16xi32>
        %add3A_542 = arith.constant 112 : i32
        %add3A_543 = vector.broadcast %add3A_542 : i32 to vector<16xi32>
        %add3A_544 = arith.addi %and3A_466, %add3A_543 : vector<16xi32>
        %gather3A_545 = arith.constant 64 : i32
        %gather3A_546 = arith.constant 0 : i32
        %gather3A_547 = tpu.memref_slice %arg4[%gather3A_545, %gather3A_546] : memref<256x128xf32, #tpu.memory_space<vmem>> -> memref<64x128xf32, #tpu.memory_space<vmem>>
        %gather3A_548 = tpu.vector_load_idx %gather3A_547[%add3A_541, %add3A_544] : memref<64x128xf32, #tpu.memory_space<vmem>>[vector<16xi32>, vector<16xi32>], vector<16xf32>,
        %add3A_549 = arith.constant 16 : i32
        %add3A_550 = vector.broadcast %add3A_549 : i32 to vector<16xi32>
        %add3A_551 = arith.addi %iota3A, %add3A_550 : vector<16xi32>
        %add3A_552 = arith.constant 0 : i32
        %add3A_553 = vector.broadcast %add3A_552 : i32 to vector<16xi32>
        %add3A_554 = arith.addi %and3A_466, %add3A_553 : vector<16xi32>
        %gather3A_555 = arith.constant 64 : i32
        %gather3A_556 = arith.constant 0 : i32
        %gather3A_557 = tpu.memref_slice %arg4[%gather3A_555, %gather3A_556] : memref<256x128xf32, #tpu.memory_space<vmem>> -> memref<64x128xf32, #tpu.memory_space<vmem>>
        %gather3A_558 = tpu.vector_load_idx %gather3A_557[%add3A_551, %add3A_554] : memref<64x128xf32, #tpu.memory_space<vmem>>[vector<16xi32>, vector<16xi32>], vector<16xf32>,
        %add3A_559 = arith.constant 0 : i32
        %add3A_560 = vector.broadcast %add3A_559 : i32 to vector<16xi32>
        %add3A_561 = arith.addi %add3A_469, %add3A_560 : vector<16xi32>
        %scatter3A = arith.constant 8192 : i32
        %scatter3A_562 = tpu.memref_slice %arg5[%scatter3A] : memref<32768xf32, #tpu.memory_space<vmem>> -> memref<8192xf32, #tpu.memory_space<vmem>>
        tpu.vector_store_idx %scatter3A_562[%add3A_561], %gather3A_478 : memref<8192xf32, #tpu.memory_space<vmem>>[vector<16xi32>], vector<16xf32>,
        %add3A_563 = arith.constant 16 : i32
        %add3A_564 = vector.broadcast %add3A_563 : i32 to vector<16xi32>
        %add3A_565 = arith.addi %iota3A, %add3A_564 : vector<16xi32>
        %add3A_566 = arith.constant 16 : i32
        %add3A_567 = vector.broadcast %add3A_566 : i32 to vector<16xi32>
        %add3A_568 = arith.addi %and3A_466, %add3A_567 : vector<16xi32>
        %gather3A_569 = arith.constant 64 : i32
        %gather3A_570 = arith.constant 0 : i32
        %gather3A_571 = tpu.memref_slice %arg4[%gather3A_569, %gather3A_570] : memref<256x128xf32, #tpu.memory_space<vmem>> -> memref<64x128xf32, #tpu.memory_space<vmem>>
        %gather3A_572 = tpu.vector_load_idx %gather3A_571[%add3A_565, %add3A_568] : memref<64x128xf32, #tpu.memory_space<vmem>>[vector<16xi32>, vector<16xi32>], vector<16xf32>,
        %add3A_573 = arith.constant 1024 : i32
        %add3A_574 = vector.broadcast %add3A_573 : i32 to vector<16xi32>
        %add3A_575 = arith.addi %add3A_469, %add3A_574 : vector<16xi32>
        %scatter3A_576 = arith.constant 8192 : i32
        %scatter3A_577 = tpu.memref_slice %arg5[%scatter3A_576] : memref<32768xf32, #tpu.memory_space<vmem>> -> memref<8192xf32, #tpu.memory_space<vmem>>
        tpu.vector_store_idx %scatter3A_577[%add3A_575], %gather3A_488 : memref<8192xf32, #tpu.memory_space<vmem>>[vector<16xi32>], vector<16xf32>,
        %add3A_578 = arith.constant 16 : i32
        %add3A_579 = vector.broadcast %add3A_578 : i32 to vector<16xi32>
        %add3A_580 = arith.addi %iota3A, %add3A_579 : vector<16xi32>
        %add3A_581 = arith.constant 32 : i32
        %add3A_582 = vector.broadcast %add3A_581 : i32 to vector<16xi32>
        %add3A_583 = arith.addi %and3A_466, %add3A_582 : vector<16xi32>
        %gather3A_584 = arith.constant 64 : i32
        %gather3A_585 = arith.constant 0 : i32
        %gather3A_586 = tpu.memref_slice %arg4[%gather3A_584, %gather3A_585] : memref<256x128xf32, #tpu.memory_space<vmem>> -> memref<64x128xf32, #tpu.memory_space<vmem>>
        %gather3A_587 = tpu.vector_load_idx %gather3A_586[%add3A_580, %add3A_583] : memref<64x128xf32, #tpu.memory_space<vmem>>[vector<16xi32>, vector<16xi32>], vector<16xf32>,
        %add3A_588 = arith.constant 2048 : i32
        %add3A_589 = vector.broadcast %add3A_588 : i32 to vector<16xi32>
        %add3A_590 = arith.addi %add3A_469, %add3A_589 : vector<16xi32>
        %scatter3A_591 = arith.constant 8192 : i32
        %scatter3A_592 = tpu.memref_slice %arg5[%scatter3A_591] : memref<32768xf32, #tpu.memory_space<vmem>> -> memref<8192xf32, #tpu.memory_space<vmem>>
        tpu.vector_store_idx %scatter3A_592[%add3A_590], %gather3A_498 : memref<8192xf32, #tpu.memory_space<vmem>>[vector<16xi32>], vector<16xf32>,
        %add3A_593 = arith.constant 16 : i32
        %add3A_594 = vector.broadcast %add3A_593 : i32 to vector<16xi32>
        %add3A_595 = arith.addi %iota3A, %add3A_594 : vector<16xi32>
        %add3A_596 = arith.constant 48 : i32
        %add3A_597 = vector.broadcast %add3A_596 : i32 to vector<16xi32>
        %add3A_598 = arith.addi %and3A_466, %add3A_597 : vector<16xi32>
        %gather3A_599 = arith.constant 64 : i32
        %gather3A_600 = arith.constant 0 : i32
        %gather3A_601 = tpu.memref_slice %arg4[%gather3A_599, %gather3A_600] : memref<256x128xf32, #tpu.memory_space<vmem>> -> memref<64x128xf32, #tpu.memory_space<vmem>>
        %gather3A_602 = tpu.vector_load_idx %gather3A_601[%add3A_595, %add3A_598] : memref<64x128xf32, #tpu.memory_space<vmem>>[vector<16xi32>, vector<16xi32>], vector<16xf32>,
        %add3A_603 = arith.constant 3072 : i32
        %add3A_604 = vector.broadcast %add3A_603 : i32 to vector<16xi32>
        %add3A_605 = arith.addi %add3A_469, %add3A_604 : vector<16xi32>
        %scatter3A_606 = arith.constant 8192 : i32
        %scatter3A_607 = tpu.memref_slice %arg5[%scatter3A_606] : memref<32768xf32, #tpu.memory_space<vmem>> -> memref<8192xf32, #tpu.memory_space<vmem>>
        tpu.vector_store_idx %scatter3A_607[%add3A_605], %gather3A_508 : memref<8192xf32, #tpu.memory_space<vmem>>[vector<16xi32>], vector<16xf32>,
        %add3A_608 = arith.constant 16 : i32
        %add3A_609 = vector.broadcast %add3A_608 : i32 to vector<16xi32>
        %add3A_610 = arith.addi %iota3A, %add3A_609 : vector<16xi32>
        %add3A_611 = arith.constant 64 : i32
        %add3A_612 = vector.broadcast %add3A_611 : i32 to vector<16xi32>
        %add3A_613 = arith.addi %and3A_466, %add3A_612 : vector<16xi32>
        %gather3A_614 = arith.constant 64 : i32
        %gather3A_615 = arith.constant 0 : i32
        %gather3A_616 = tpu.memref_slice %arg4[%gather3A_614, %gather3A_615] : memref<256x128xf32, #tpu.memory_space<vmem>> -> memref<64x128xf32, #tpu.memory_space<vmem>>
        %gather3A_617 = tpu.vector_load_idx %gather3A_616[%add3A_610, %add3A_613] : memref<64x128xf32, #tpu.memory_space<vmem>>[vector<16xi32>, vector<16xi32>], vector<16xf32>,
        %add3A_618 = arith.constant 4096 : i32
        %add3A_619 = vector.broadcast %add3A_618 : i32 to vector<16xi32>
        %add3A_620 = arith.addi %add3A_469, %add3A_619 : vector<16xi32>
        %scatter3A_621 = arith.constant 8192 : i32
        %scatter3A_622 = tpu.memref_slice %arg5[%scatter3A_621] : memref<32768xf32, #tpu.memory_space<vmem>> -> memref<8192xf32, #tpu.memory_space<vmem>>
        tpu.vector_store_idx %scatter3A_622[%add3A_620], %gather3A_518 : memref<8192xf32, #tpu.memory_space<vmem>>[vector<16xi32>], vector<16xf32>,
        %add3A_623 = arith.constant 16 : i32
        %add3A_624 = vector.broadcast %add3A_623 : i32 to vector<16xi32>
        %add3A_625 = arith.addi %iota3A, %add3A_624 : vector<16xi32>
        %add3A_626 = arith.constant 80 : i32
        %add3A_627 = vector.broadcast %add3A_626 : i32 to vector<16xi32>
        %add3A_628 = arith.addi %and3A_466, %add3A_627 : vector<16xi32>
        %gather3A_629 = arith.constant 64 : i32
        %gather3A_630 = arith.constant 0 : i32
        %gather3A_631 = tpu.memref_slice %arg4[%gather3A_629, %gather3A_630] : memref<256x128xf32, #tpu.memory_space<vmem>> -> memref<64x128xf32, #tpu.memory_space<vmem>>
        %gather3A_632 = tpu.vector_load_idx %gather3A_631[%add3A_625, %add3A_628] : memref<64x128xf32, #tpu.memory_space<vmem>>[vector<16xi32>, vector<16xi32>], vector<16xf32>,
        %add3A_633 = arith.constant 5120 : i32
        %add3A_634 = vector.broadcast %add3A_633 : i32 to vector<16xi32>
        %add3A_635 = arith.addi %add3A_469, %add3A_634 : vector<16xi32>
        %scatter3A_636 = arith.constant 8192 : i32
        %scatter3A_637 = tpu.memref_slice %arg5[%scatter3A_636] : memref<32768xf32, #tpu.memory_space<vmem>> -> memref<8192xf32, #tpu.memory_space<vmem>>
        tpu.vector_store_idx %scatter3A_637[%add3A_635], %gather3A_528 : memref<8192xf32, #tpu.memory_space<vmem>>[vector<16xi32>], vector<16xf32>,
        %add3A_638 = arith.constant 16 : i32
        %add3A_639 = vector.broadcast %add3A_638 : i32 to vector<16xi32>
        %add3A_640 = arith.addi %iota3A, %add3A_639 : vector<16xi32>
        %add3A_641 = arith.constant 96 : i32
        %add3A_642 = vector.broadcast %add3A_641 : i32 to vector<16xi32>
        %add3A_643 = arith.addi %and3A_466, %add3A_642 : vector<16xi32>
        %gather3A_644 = arith.constant 64 : i32
        %gather3A_645 = arith.constant 0 : i32
        %gather3A_646 = tpu.memref_slice %arg4[%gather3A_644, %gather3A_645] : memref<256x128xf32, #tpu.memory_space<vmem>> -> memref<64x128xf32, #tpu.memory_space<vmem>>
        %gather3A_647 = tpu.vector_load_idx %gather3A_646[%add3A_640, %add3A_643] : memref<64x128xf32, #tpu.memory_space<vmem>>[vector<16xi32>, vector<16xi32>], vector<16xf32>,
        %add3A_648 = arith.constant 6144 : i32
        %add3A_649 = vector.broadcast %add3A_648 : i32 to vector<16xi32>
        %add3A_650 = arith.addi %add3A_469, %add3A_649 : vector<16xi32>
        %scatter3A_651 = arith.constant 8192 : i32
        %scatter3A_652 = tpu.memref_slice %arg5[%scatter3A_651] : memref<32768xf32, #tpu.memory_space<vmem>> -> memref<8192xf32, #tpu.memory_space<vmem>>
        tpu.vector_store_idx %scatter3A_652[%add3A_650], %gather3A_538 : memref<8192xf32, #tpu.memory_space<vmem>>[vector<16xi32>], vector<16xf32>,
        %add3A_653 = arith.constant 16 : i32
        %add3A_654 = vector.broadcast %add3A_653 : i32 to vector<16xi32>
        %add3A_655 = arith.addi %iota3A, %add3A_654 : vector<16xi32>
        %add3A_656 = arith.constant 112 : i32
        %add3A_657 = vector.broadcast %add3A_656 : i32 to vector<16xi32>
        %add3A_658 = arith.addi %and3A_466, %add3A_657 : vector<16xi32>
        %gather3A_659 = arith.constant 64 : i32
        %gather3A_660 = arith.constant 0 : i32
        %gather3A_661 = tpu.memref_slice %arg4[%gather3A_659, %gather3A_660] : memref<256x128xf32, #tpu.memory_space<vmem>> -> memref<64x128xf32, #tpu.memory_space<vmem>>
        %gather3A_662 = tpu.vector_load_idx %gather3A_661[%add3A_655, %add3A_658] : memref<64x128xf32, #tpu.memory_space<vmem>>[vector<16xi32>, vector<16xi32>], vector<16xf32>,
        %add3A_663 = arith.constant 7168 : i32
        %add3A_664 = vector.broadcast %add3A_663 : i32 to vector<16xi32>
        %add3A_665 = arith.addi %add3A_469, %add3A_664 : vector<16xi32>
        %scatter3A_666 = arith.constant 8192 : i32
        %scatter3A_667 = tpu.memref_slice %arg5[%scatter3A_666] : memref<32768xf32, #tpu.memory_space<vmem>> -> memref<8192xf32, #tpu.memory_space<vmem>>
        tpu.vector_store_idx %scatter3A_667[%add3A_665], %gather3A_548 : memref<8192xf32, #tpu.memory_space<vmem>>[vector<16xi32>], vector<16xf32>,
        %add3A_668 = arith.constant 32 : i32
        %add3A_669 = vector.broadcast %add3A_668 : i32 to vector<16xi32>
        %add3A_670 = arith.addi %iota3A, %add3A_669 : vector<16xi32>
        %add3A_671 = arith.constant 0 : i32
        %add3A_672 = vector.broadcast %add3A_671 : i32 to vector<16xi32>
        %add3A_673 = arith.addi %and3A_466, %add3A_672 : vector<16xi32>
        %gather3A_674 = arith.constant 64 : i32
        %gather3A_675 = arith.constant 0 : i32
        %gather3A_676 = tpu.memref_slice %arg4[%gather3A_674, %gather3A_675] : memref<256x128xf32, #tpu.memory_space<vmem>> -> memref<64x128xf32, #tpu.memory_space<vmem>>
        %gather3A_677 = tpu.vector_load_idx %gather3A_676[%add3A_670, %add3A_673] : memref<64x128xf32, #tpu.memory_space<vmem>>[vector<16xi32>, vector<16xi32>], vector<16xf32>,
        %add3A_678 = arith.constant 16 : i32
        %add3A_679 = vector.broadcast %add3A_678 : i32 to vector<16xi32>
        %add3A_680 = arith.addi %add3A_469, %add3A_679 : vector<16xi32>
        %scatter3A_681 = arith.constant 8192 : i32
        %scatter3A_682 = tpu.memref_slice %arg5[%scatter3A_681] : memref<32768xf32, #tpu.memory_space<vmem>> -> memref<8192xf32, #tpu.memory_space<vmem>>
        tpu.vector_store_idx %scatter3A_682[%add3A_680], %gather3A_558 : memref<8192xf32, #tpu.memory_space<vmem>>[vector<16xi32>], vector<16xf32>,
        %add3A_683 = arith.constant 32 : i32
        %add3A_684 = vector.broadcast %add3A_683 : i32 to vector<16xi32>
        %add3A_685 = arith.addi %iota3A, %add3A_684 : vector<16xi32>
        %add3A_686 = arith.constant 16 : i32
        %add3A_687 = vector.broadcast %add3A_686 : i32 to vector<16xi32>
        %add3A_688 = arith.addi %and3A_466, %add3A_687 : vector<16xi32>
        %gather3A_689 = arith.constant 64 : i32
        %gather3A_690 = arith.constant 0 : i32
        %gather3A_691 = tpu.memref_slice %arg4[%gather3A_689, %gather3A_690] : memref<256x128xf32, #tpu.memory_space<vmem>> -> memref<64x128xf32, #tpu.memory_space<vmem>>
        %gather3A_692 = tpu.vector_load_idx %gather3A_691[%add3A_685, %add3A_688] : memref<64x128xf32, #tpu.memory_space<vmem>>[vector<16xi32>, vector<16xi32>], vector<16xf32>,
        %add3A_693 = arith.constant 1040 : i32
        %add3A_694 = vector.broadcast %add3A_693 : i32 to vector<16xi32>
        %add3A_695 = arith.addi %add3A_469, %add3A_694 : vector<16xi32>
        %scatter3A_696 = arith.constant 8192 : i32
        %scatter3A_697 = tpu.memref_slice %arg5[%scatter3A_696] : memref<32768xf32, #tpu.memory_space<vmem>> -> memref<8192xf32, #tpu.memory_space<vmem>>
        tpu.vector_store_idx %scatter3A_697[%add3A_695], %gather3A_572 : memref<8192xf32, #tpu.memory_space<vmem>>[vector<16xi32>], vector<16xf32>,
        %add3A_698 = arith.constant 32 : i32
        %add3A_699 = vector.broadcast %add3A_698 : i32 to vector<16xi32>
        %add3A_700 = arith.addi %iota3A, %add3A_699 : vector<16xi32>
        %add3A_701 = arith.constant 32 : i32
        %add3A_702 = vector.broadcast %add3A_701 : i32 to vector<16xi32>
        %add3A_703 = arith.addi %and3A_466, %add3A_702 : vector<16xi32>
        %gather3A_704 = arith.constant 64 : i32
        %gather3A_705 = arith.constant 0 : i32
        %gather3A_706 = tpu.memref_slice %arg4[%gather3A_704, %gather3A_705] : memref<256x128xf32, #tpu.memory_space<vmem>> -> memref<64x128xf32, #tpu.memory_space<vmem>>
        %gather3A_707 = tpu.vector_load_idx %gather3A_706[%add3A_700, %add3A_703] : memref<64x128xf32, #tpu.memory_space<vmem>>[vector<16xi32>, vector<16xi32>], vector<16xf32>,
        %add3A_708 = arith.constant 2064 : i32
        %add3A_709 = vector.broadcast %add3A_708 : i32 to vector<16xi32>
        %add3A_710 = arith.addi %add3A_469, %add3A_709 : vector<16xi32>
        %scatter3A_711 = arith.constant 8192 : i32
        %scatter3A_712 = tpu.memref_slice %arg5[%scatter3A_711] : memref<32768xf32, #tpu.memory_space<vmem>> -> memref<8192xf32, #tpu.memory_space<vmem>>
        tpu.vector_store_idx %scatter3A_712[%add3A_710], %gather3A_587 : memref<8192xf32, #tpu.memory_space<vmem>>[vector<16xi32>], vector<16xf32>,
        %add3A_713 = arith.constant 32 : i32
        %add3A_714 = vector.broadcast %add3A_713 : i32 to vector<16xi32>
        %add3A_715 = arith.addi %iota3A, %add3A_714 : vector<16xi32>
        %add3A_716 = arith.constant 48 : i32
        %add3A_717 = vector.broadcast %add3A_716 : i32 to vector<16xi32>
        %add3A_718 = arith.addi %and3A_466, %add3A_717 : vector<16xi32>
        %gather3A_719 = arith.constant 64 : i32
        %gather3A_720 = arith.constant 0 : i32
        %gather3A_721 = tpu.memref_slice %arg4[%gather3A_719, %gather3A_720] : memref<256x128xf32, #tpu.memory_space<vmem>> -> memref<64x128xf32, #tpu.memory_space<vmem>>
        %gather3A_722 = tpu.vector_load_idx %gather3A_721[%add3A_715, %add3A_718] : memref<64x128xf32, #tpu.memory_space<vmem>>[vector<16xi32>, vector<16xi32>], vector<16xf32>,
        %add3A_723 = arith.constant 3088 : i32
        %add3A_724 = vector.broadcast %add3A_723 : i32 to vector<16xi32>
        %add3A_725 = arith.addi %add3A_469, %add3A_724 : vector<16xi32>
        %scatter3A_726 = arith.constant 8192 : i32
        %scatter3A_727 = tpu.memref_slice %arg5[%scatter3A_726] : memref<32768xf32, #tpu.memory_space<vmem>> -> memref<8192xf32, #tpu.memory_space<vmem>>
        tpu.vector_store_idx %scatter3A_727[%add3A_725], %gather3A_602 : memref<8192xf32, #tpu.memory_space<vmem>>[vector<16xi32>], vector<16xf32>,
        %add3A_728 = arith.constant 32 : i32
        %add3A_729 = vector.broadcast %add3A_728 : i32 to vector<16xi32>
        %add3A_730 = arith.addi %iota3A, %add3A_729 : vector<16xi32>
        %add3A_731 = arith.constant 64 : i32
        %add3A_732 = vector.broadcast %add3A_731 : i32 to vector<16xi32>
        %add3A_733 = arith.addi %and3A_466, %add3A_732 : vector<16xi32>
        %gather3A_734 = arith.constant 64 : i32
        %gather3A_735 = arith.constant 0 : i32
        %gather3A_736 = tpu.memref_slice %arg4[%gather3A_734, %gather3A_735] : memref<256x128xf32, #tpu.memory_space<vmem>> -> memref<64x128xf32, #tpu.memory_space<vmem>>
        %gather3A_737 = tpu.vector_load_idx %gather3A_736[%add3A_730, %add3A_733] : memref<64x128xf32, #tpu.memory_space<vmem>>[vector<16xi32>, vector<16xi32>], vector<16xf32>,
        %add3A_738 = arith.constant 4112 : i32
        %add3A_739 = vector.broadcast %add3A_738 : i32 to vector<16xi32>
        %add3A_740 = arith.addi %add3A_469, %add3A_739 : vector<16xi32>
        %scatter3A_741 = arith.constant 8192 : i32
        %scatter3A_742 = tpu.memref_slice %arg5[%scatter3A_741] : memref<32768xf32, #tpu.memory_space<vmem>> -> memref<8192xf32, #tpu.memory_space<vmem>>
        tpu.vector_store_idx %scatter3A_742[%add3A_740], %gather3A_617 : memref<8192xf32, #tpu.memory_space<vmem>>[vector<16xi32>], vector<16xf32>,
        %add3A_743 = arith.constant 32 : i32
        %add3A_744 = vector.broadcast %add3A_743 : i32 to vector<16xi32>
        %add3A_745 = arith.addi %iota3A, %add3A_744 : vector<16xi32>
        %add3A_746 = arith.constant 80 : i32
        %add3A_747 = vector.broadcast %add3A_746 : i32 to vector<16xi32>
        %add3A_748 = arith.addi %and3A_466, %add3A_747 : vector<16xi32>
        %gather3A_749 = arith.constant 64 : i32
        %gather3A_750 = arith.constant 0 : i32
        %gather3A_751 = tpu.memref_slice %arg4[%gather3A_749, %gather3A_750] : memref<256x128xf32, #tpu.memory_space<vmem>> -> memref<64x128xf32, #tpu.memory_space<vmem>>
        %gather3A_752 = tpu.vector_load_idx %gather3A_751[%add3A_745, %add3A_748] : memref<64x128xf32, #tpu.memory_space<vmem>>[vector<16xi32>, vector<16xi32>], vector<16xf32>,
        %add3A_753 = arith.constant 5136 : i32
        %add3A_754 = vector.broadcast %add3A_753 : i32 to vector<16xi32>
        %add3A_755 = arith.addi %add3A_469, %add3A_754 : vector<16xi32>
        %scatter3A_756 = arith.constant 8192 : i32
        %scatter3A_757 = tpu.memref_slice %arg5[%scatter3A_756] : memref<32768xf32, #tpu.memory_space<vmem>> -> memref<8192xf32, #tpu.memory_space<vmem>>
        tpu.vector_store_idx %scatter3A_757[%add3A_755], %gather3A_632 : memref<8192xf32, #tpu.memory_space<vmem>>[vector<16xi32>], vector<16xf32>,
        %add3A_758 = arith.constant 32 : i32
        %add3A_759 = vector.broadcast %add3A_758 : i32 to vector<16xi32>
        %add3A_760 = arith.addi %iota3A, %add3A_759 : vector<16xi32>
        %add3A_761 = arith.constant 96 : i32
        %add3A_762 = vector.broadcast %add3A_761 : i32 to vector<16xi32>
        %add3A_763 = arith.addi %and3A_466, %add3A_762 : vector<16xi32>
        %gather3A_764 = arith.constant 64 : i32
        %gather3A_765 = arith.constant 0 : i32
        %gather3A_766 = tpu.memref_slice %arg4[%gather3A_764, %gather3A_765] : memref<256x128xf32, #tpu.memory_space<vmem>> -> memref<64x128xf32, #tpu.memory_space<vmem>>
        %gather3A_767 = tpu.vector_load_idx %gather3A_766[%add3A_760, %add3A_763] : memref<64x128xf32, #tpu.memory_space<vmem>>[vector<16xi32>, vector<16xi32>], vector<16xf32>,
        %add3A_768 = arith.constant 6160 : i32
        %add3A_769 = vector.broadcast %add3A_768 : i32 to vector<16xi32>
        %add3A_770 = arith.addi %add3A_469, %add3A_769 : vector<16xi32>
        %scatter3A_771 = arith.constant 8192 : i32
        %scatter3A_772 = tpu.memref_slice %arg5[%scatter3A_771] : memref<32768xf32, #tpu.memory_space<vmem>> -> memref<8192xf32, #tpu.memory_space<vmem>>
        tpu.vector_store_idx %scatter3A_772[%add3A_770], %gather3A_647 : memref<8192xf32, #tpu.memory_space<vmem>>[vector<16xi32>], vector<16xf32>,
        %add3A_773 = arith.constant 32 : i32
        %add3A_774 = vector.broadcast %add3A_773 : i32 to vector<16xi32>
        %add3A_775 = arith.addi %iota3A, %add3A_774 : vector<16xi32>
        %add3A_776 = arith.constant 112 : i32
        %add3A_777 = vector.broadcast %add3A_776 : i32 to vector<16xi32>
        %add3A_778 = arith.addi %and3A_466, %add3A_777 : vector<16xi32>
        %gather3A_779 = arith.constant 64 : i32
        %gather3A_780 = arith.constant 0 : i32
        %gather3A_781 = tpu.memref_slice %arg4[%gather3A_779, %gather3A_780] : memref<256x128xf32, #tpu.memory_space<vmem>> -> memref<64x128xf32, #tpu.memory_space<vmem>>
        %gather3A_782 = tpu.vector_load_idx %gather3A_781[%add3A_775, %add3A_778] : memref<64x128xf32, #tpu.memory_space<vmem>>[vector<16xi32>, vector<16xi32>], vector<16xf32>,
        %add3A_783 = arith.constant 7184 : i32
        %add3A_784 = vector.broadcast %add3A_783 : i32 to vector<16xi32>
        %add3A_785 = arith.addi %add3A_469, %add3A_784 : vector<16xi32>
        %scatter3A_786 = arith.constant 8192 : i32
        %scatter3A_787 = tpu.memref_slice %arg5[%scatter3A_786] : memref<32768xf32, #tpu.memory_space<vmem>> -> memref<8192xf32, #tpu.memory_space<vmem>>
        tpu.vector_store_idx %scatter3A_787[%add3A_785], %gather3A_662 : memref<8192xf32, #tpu.memory_space<vmem>>[vector<16xi32>], vector<16xf32>,
        %add3A_788 = arith.constant 48 : i32
        %add3A_789 = vector.broadcast %add3A_788 : i32 to vector<16xi32>
        %add3A_790 = arith.addi %iota3A, %add3A_789 : vector<16xi32>
        %add3A_791 = arith.constant 0 : i32
        %add3A_792 = vector.broadcast %add3A_791 : i32 to vector<16xi32>
        %add3A_793 = arith.addi %and3A_466, %add3A_792 : vector<16xi32>
        %gather3A_794 = arith.constant 64 : i32
        %gather3A_795 = arith.constant 0 : i32
        %gather3A_796 = tpu.memref_slice %arg4[%gather3A_794, %gather3A_795] : memref<256x128xf32, #tpu.memory_space<vmem>> -> memref<64x128xf32, #tpu.memory_space<vmem>>
        %gather3A_797 = tpu.vector_load_idx %gather3A_796[%add3A_790, %add3A_793] : memref<64x128xf32, #tpu.memory_space<vmem>>[vector<16xi32>, vector<16xi32>], vector<16xf32>,
        %add3A_798 = arith.constant 32 : i32
        %add3A_799 = vector.broadcast %add3A_798 : i32 to vector<16xi32>
        %add3A_800 = arith.addi %add3A_469, %add3A_799 : vector<16xi32>
        %scatter3A_801 = arith.constant 8192 : i32
        %scatter3A_802 = tpu.memref_slice %arg5[%scatter3A_801] : memref<32768xf32, #tpu.memory_space<vmem>> -> memref<8192xf32, #tpu.memory_space<vmem>>
        tpu.vector_store_idx %scatter3A_802[%add3A_800], %gather3A_677 : memref<8192xf32, #tpu.memory_space<vmem>>[vector<16xi32>], vector<16xf32>,
        %add3A_803 = arith.constant 48 : i32
        %add3A_804 = vector.broadcast %add3A_803 : i32 to vector<16xi32>
        %add3A_805 = arith.addi %iota3A, %add3A_804 : vector<16xi32>
        %add3A_806 = arith.constant 16 : i32
        %add3A_807 = vector.broadcast %add3A_806 : i32 to vector<16xi32>
        %add3A_808 = arith.addi %and3A_466, %add3A_807 : vector<16xi32>
        %gather3A_809 = arith.constant 64 : i32
        %gather3A_810 = arith.constant 0 : i32
        %gather3A_811 = tpu.memref_slice %arg4[%gather3A_809, %gather3A_810] : memref<256x128xf32, #tpu.memory_space<vmem>> -> memref<64x128xf32, #tpu.memory_space<vmem>>
        %gather3A_812 = tpu.vector_load_idx %gather3A_811[%add3A_805, %add3A_808] : memref<64x128xf32, #tpu.memory_space<vmem>>[vector<16xi32>, vector<16xi32>], vector<16xf32>,
        %add3A_813 = arith.constant 1056 : i32
        %add3A_814 = vector.broadcast %add3A_813 : i32 to vector<16xi32>
        %add3A_815 = arith.addi %add3A_469, %add3A_814 : vector<16xi32>
        %scatter3A_816 = arith.constant 8192 : i32
        %scatter3A_817 = tpu.memref_slice %arg5[%scatter3A_816] : memref<32768xf32, #tpu.memory_space<vmem>> -> memref<8192xf32, #tpu.memory_space<vmem>>
        tpu.vector_store_idx %scatter3A_817[%add3A_815], %gather3A_692 : memref<8192xf32, #tpu.memory_space<vmem>>[vector<16xi32>], vector<16xf32>,
        %add3A_818 = arith.constant 48 : i32
        %add3A_819 = vector.broadcast %add3A_818 : i32 to vector<16xi32>
        %add3A_820 = arith.addi %iota3A, %add3A_819 : vector<16xi32>
        %add3A_821 = arith.constant 32 : i32
        %add3A_822 = vector.broadcast %add3A_821 : i32 to vector<16xi32>
        %add3A_823 = arith.addi %and3A_466, %add3A_822 : vector<16xi32>
        %gather3A_824 = arith.constant 64 : i32
        %gather3A_825 = arith.constant 0 : i32
        %gather3A_826 = tpu.memref_slice %arg4[%gather3A_824, %gather3A_825] : memref<256x128xf32, #tpu.memory_space<vmem>> -> memref<64x128xf32, #tpu.memory_space<vmem>>
        %gather3A_827 = tpu.vector_load_idx %gather3A_826[%add3A_820, %add3A_823] : memref<64x128xf32, #tpu.memory_space<vmem>>[vector<16xi32>, vector<16xi32>], vector<16xf32>,
        %add3A_828 = arith.constant 2080 : i32
        %add3A_829 = vector.broadcast %add3A_828 : i32 to vector<16xi32>
        %add3A_830 = arith.addi %add3A_469, %add3A_829 : vector<16xi32>
        %scatter3A_831 = arith.constant 8192 : i32
        %scatter3A_832 = tpu.memref_slice %arg5[%scatter3A_831] : memref<32768xf32, #tpu.memory_space<vmem>> -> memref<8192xf32, #tpu.memory_space<vmem>>
        tpu.vector_store_idx %scatter3A_832[%add3A_830], %gather3A_707 : memref<8192xf32, #tpu.memory_space<vmem>>[vector<16xi32>], vector<16xf32>,
        %add3A_833 = arith.constant 48 : i32
        %add3A_834 = vector.broadcast %add3A_833 : i32 to vector<16xi32>
        %add3A_835 = arith.addi %iota3A, %add3A_834 : vector<16xi32>
        %add3A_836 = arith.constant 48 : i32
        %add3A_837 = vector.broadcast %add3A_836 : i32 to vector<16xi32>
        %add3A_838 = arith.addi %and3A_466, %add3A_837 : vector<16xi32>
        %gather3A_839 = arith.constant 64 : i32
        %gather3A_840 = arith.constant 0 : i32
        %gather3A_841 = tpu.memref_slice %arg4[%gather3A_839, %gather3A_840] : memref<256x128xf32, #tpu.memory_space<vmem>> -> memref<64x128xf32, #tpu.memory_space<vmem>>
        %gather3A_842 = tpu.vector_load_idx %gather3A_841[%add3A_835, %add3A_838] : memref<64x128xf32, #tpu.memory_space<vmem>>[vector<16xi32>, vector<16xi32>], vector<16xf32>,
        %add3A_843 = arith.constant 3104 : i32
        %add3A_844 = vector.broadcast %add3A_843 : i32 to vector<16xi32>
        %add3A_845 = arith.addi %add3A_469, %add3A_844 : vector<16xi32>
        %scatter3A_846 = arith.constant 8192 : i32
        %scatter3A_847 = tpu.memref_slice %arg5[%scatter3A_846] : memref<32768xf32, #tpu.memory_space<vmem>> -> memref<8192xf32, #tpu.memory_space<vmem>>
        tpu.vector_store_idx %scatter3A_847[%add3A_845], %gather3A_722 : memref<8192xf32, #tpu.memory_space<vmem>>[vector<16xi32>], vector<16xf32>,
        %add3A_848 = arith.constant 48 : i32
        %add3A_849 = vector.broadcast %add3A_848 : i32 to vector<16xi32>
        %add3A_850 = arith.addi %iota3A, %add3A_849 : vector<16xi32>
        %add3A_851 = arith.constant 64 : i32
        %add3A_852 = vector.broadcast %add3A_851 : i32 to vector<16xi32>
        %add3A_853 = arith.addi %and3A_466, %add3A_852 : vector<16xi32>
        %gather3A_854 = arith.constant 64 : i32
        %gather3A_855 = arith.constant 0 : i32
        %gather3A_856 = tpu.memref_slice %arg4[%gather3A_854, %gather3A_855] : memref<256x128xf32, #tpu.memory_space<vmem>> -> memref<64x128xf32, #tpu.memory_space<vmem>>
        %gather3A_857 = tpu.vector_load_idx %gather3A_856[%add3A_850, %add3A_853] : memref<64x128xf32, #tpu.memory_space<vmem>>[vector<16xi32>, vector<16xi32>], vector<16xf32>,
        %add3A_858 = arith.constant 4128 : i32
        %add3A_859 = vector.broadcast %add3A_858 : i32 to vector<16xi32>
        %add3A_860 = arith.addi %add3A_469, %add3A_859 : vector<16xi32>
        %scatter3A_861 = arith.constant 8192 : i32
        %scatter3A_862 = tpu.memref_slice %arg5[%scatter3A_861] : memref<32768xf32, #tpu.memory_space<vmem>> -> memref<8192xf32, #tpu.memory_space<vmem>>
        tpu.vector_store_idx %scatter3A_862[%add3A_860], %gather3A_737 : memref<8192xf32, #tpu.memory_space<vmem>>[vector<16xi32>], vector<16xf32>,
        %add3A_863 = arith.constant 48 : i32
        %add3A_864 = vector.broadcast %add3A_863 : i32 to vector<16xi32>
        %add3A_865 = arith.addi %iota3A, %add3A_864 : vector<16xi32>
        %add3A_866 = arith.constant 80 : i32
        %add3A_867 = vector.broadcast %add3A_866 : i32 to vector<16xi32>
        %add3A_868 = arith.addi %and3A_466, %add3A_867 : vector<16xi32>
        %gather3A_869 = arith.constant 64 : i32
        %gather3A_870 = arith.constant 0 : i32
        %gather3A_871 = tpu.memref_slice %arg4[%gather3A_869, %gather3A_870] : memref<256x128xf32, #tpu.memory_space<vmem>> -> memref<64x128xf32, #tpu.memory_space<vmem>>
        %gather3A_872 = tpu.vector_load_idx %gather3A_871[%add3A_865, %add3A_868] : memref<64x128xf32, #tpu.memory_space<vmem>>[vector<16xi32>, vector<16xi32>], vector<16xf32>,
        %add3A_873 = arith.constant 5152 : i32
        %add3A_874 = vector.broadcast %add3A_873 : i32 to vector<16xi32>
        %add3A_875 = arith.addi %add3A_469, %add3A_874 : vector<16xi32>
        %scatter3A_876 = arith.constant 8192 : i32
        %scatter3A_877 = tpu.memref_slice %arg5[%scatter3A_876] : memref<32768xf32, #tpu.memory_space<vmem>> -> memref<8192xf32, #tpu.memory_space<vmem>>
        tpu.vector_store_idx %scatter3A_877[%add3A_875], %gather3A_752 : memref<8192xf32, #tpu.memory_space<vmem>>[vector<16xi32>], vector<16xf32>,
        %add3A_878 = arith.constant 48 : i32
        %add3A_879 = vector.broadcast %add3A_878 : i32 to vector<16xi32>
        %add3A_880 = arith.addi %iota3A, %add3A_879 : vector<16xi32>
        %add3A_881 = arith.constant 96 : i32
        %add3A_882 = vector.broadcast %add3A_881 : i32 to vector<16xi32>
        %add3A_883 = arith.addi %and3A_466, %add3A_882 : vector<16xi32>
        %gather3A_884 = arith.constant 64 : i32
        %gather3A_885 = arith.constant 0 : i32
        %gather3A_886 = tpu.memref_slice %arg4[%gather3A_884, %gather3A_885] : memref<256x128xf32, #tpu.memory_space<vmem>> -> memref<64x128xf32, #tpu.memory_space<vmem>>
        %gather3A_887 = tpu.vector_load_idx %gather3A_886[%add3A_880, %add3A_883] : memref<64x128xf32, #tpu.memory_space<vmem>>[vector<16xi32>, vector<16xi32>], vector<16xf32>,
        %add3A_888 = arith.constant 6176 : i32
        %add3A_889 = vector.broadcast %add3A_888 : i32 to vector<16xi32>
        %add3A_890 = arith.addi %add3A_469, %add3A_889 : vector<16xi32>
        %scatter3A_891 = arith.constant 8192 : i32
        %scatter3A_892 = tpu.memref_slice %arg5[%scatter3A_891] : memref<32768xf32, #tpu.memory_space<vmem>> -> memref<8192xf32, #tpu.memory_space<vmem>>
        tpu.vector_store_idx %scatter3A_892[%add3A_890], %gather3A_767 : memref<8192xf32, #tpu.memory_space<vmem>>[vector<16xi32>], vector<16xf32>,
        %add3A_893 = arith.constant 48 : i32
        %add3A_894 = vector.broadcast %add3A_893 : i32 to vector<16xi32>
        %add3A_895 = arith.addi %iota3A, %add3A_894 : vector<16xi32>
        %add3A_896 = arith.constant 112 : i32
        %add3A_897 = vector.broadcast %add3A_896 : i32 to vector<16xi32>
        %add3A_898 = arith.addi %and3A_466, %add3A_897 : vector<16xi32>
        %gather3A_899 = arith.constant 64 : i32
        %gather3A_900 = arith.constant 0 : i32
        %gather3A_901 = tpu.memref_slice %arg4[%gather3A_899, %gather3A_900] : memref<256x128xf32, #tpu.memory_space<vmem>> -> memref<64x128xf32, #tpu.memory_space<vmem>>
        %gather3A_902 = tpu.vector_load_idx %gather3A_901[%add3A_895, %add3A_898] : memref<64x128xf32, #tpu.memory_space<vmem>>[vector<16xi32>, vector<16xi32>], vector<16xf32>,
        %add3A_903 = arith.constant 7200 : i32
        %add3A_904 = vector.broadcast %add3A_903 : i32 to vector<16xi32>
        %add3A_905 = arith.addi %add3A_469, %add3A_904 : vector<16xi32>
        %scatter3A_906 = arith.constant 8192 : i32
        %scatter3A_907 = tpu.memref_slice %arg5[%scatter3A_906] : memref<32768xf32, #tpu.memory_space<vmem>> -> memref<8192xf32, #tpu.memory_space<vmem>>
        tpu.vector_store_idx %scatter3A_907[%add3A_905], %gather3A_782 : memref<8192xf32, #tpu.memory_space<vmem>>[vector<16xi32>], vector<16xf32>,
        %add3A_908 = arith.constant 48 : i32
        %add3A_909 = vector.broadcast %add3A_908 : i32 to vector<16xi32>
        %add3A_910 = arith.addi %add3A_469, %add3A_909 : vector<16xi32>
        %scatter3A_911 = arith.constant 8192 : i32
        %scatter3A_912 = tpu.memref_slice %arg5[%scatter3A_911] : memref<32768xf32, #tpu.memory_space<vmem>> -> memref<8192xf32, #tpu.memory_space<vmem>>
        tpu.vector_store_idx %scatter3A_912[%add3A_910], %gather3A_797 : memref<8192xf32, #tpu.memory_space<vmem>>[vector<16xi32>], vector<16xf32>,
        %add3A_913 = arith.constant 1072 : i32
        %add3A_914 = vector.broadcast %add3A_913 : i32 to vector<16xi32>
        %add3A_915 = arith.addi %add3A_469, %add3A_914 : vector<16xi32>
        %scatter3A_916 = arith.constant 8192 : i32
        %scatter3A_917 = tpu.memref_slice %arg5[%scatter3A_916] : memref<32768xf32, #tpu.memory_space<vmem>> -> memref<8192xf32, #tpu.memory_space<vmem>>
        tpu.vector_store_idx %scatter3A_917[%add3A_915], %gather3A_812 : memref<8192xf32, #tpu.memory_space<vmem>>[vector<16xi32>], vector<16xf32>,
        %add3A_918 = arith.constant 2096 : i32
        %add3A_919 = vector.broadcast %add3A_918 : i32 to vector<16xi32>
        %add3A_920 = arith.addi %add3A_469, %add3A_919 : vector<16xi32>
        %scatter3A_921 = arith.constant 8192 : i32
        %scatter3A_922 = tpu.memref_slice %arg5[%scatter3A_921] : memref<32768xf32, #tpu.memory_space<vmem>> -> memref<8192xf32, #tpu.memory_space<vmem>>
        tpu.vector_store_idx %scatter3A_922[%add3A_920], %gather3A_827 : memref<8192xf32, #tpu.memory_space<vmem>>[vector<16xi32>], vector<16xf32>,
        %add3A_923 = arith.constant 3120 : i32
        %add3A_924 = vector.broadcast %add3A_923 : i32 to vector<16xi32>
        %add3A_925 = arith.addi %add3A_469, %add3A_924 : vector<16xi32>
        %scatter3A_926 = arith.constant 8192 : i32
        %scatter3A_927 = tpu.memref_slice %arg5[%scatter3A_926] : memref<32768xf32, #tpu.memory_space<vmem>> -> memref<8192xf32, #tpu.memory_space<vmem>>
        tpu.vector_store_idx %scatter3A_927[%add3A_925], %gather3A_842 : memref<8192xf32, #tpu.memory_space<vmem>>[vector<16xi32>], vector<16xf32>,
        %add3A_928 = arith.constant 4144 : i32
        %add3A_929 = vector.broadcast %add3A_928 : i32 to vector<16xi32>
        %add3A_930 = arith.addi %add3A_469, %add3A_929 : vector<16xi32>
        %scatter3A_931 = arith.constant 8192 : i32
        %scatter3A_932 = tpu.memref_slice %arg5[%scatter3A_931] : memref<32768xf32, #tpu.memory_space<vmem>> -> memref<8192xf32, #tpu.memory_space<vmem>>
        tpu.vector_store_idx %scatter3A_932[%add3A_930], %gather3A_857 : memref<8192xf32, #tpu.memory_space<vmem>>[vector<16xi32>], vector<16xf32>,
        %add3A_933 = arith.constant 5168 : i32
        %add3A_934 = vector.broadcast %add3A_933 : i32 to vector<16xi32>
        %add3A_935 = arith.addi %add3A_469, %add3A_934 : vector<16xi32>
        %scatter3A_936 = arith.constant 8192 : i32
        %scatter3A_937 = tpu.memref_slice %arg5[%scatter3A_936] : memref<32768xf32, #tpu.memory_space<vmem>> -> memref<8192xf32, #tpu.memory_space<vmem>>
        tpu.vector_store_idx %scatter3A_937[%add3A_935], %gather3A_872 : memref<8192xf32, #tpu.memory_space<vmem>>[vector<16xi32>], vector<16xf32>,
        %add3A_938 = arith.constant 6192 : i32
        %add3A_939 = vector.broadcast %add3A_938 : i32 to vector<16xi32>
        %add3A_940 = arith.addi %add3A_469, %add3A_939 : vector<16xi32>
        %scatter3A_941 = arith.constant 8192 : i32
        %scatter3A_942 = tpu.memref_slice %arg5[%scatter3A_941] : memref<32768xf32, #tpu.memory_space<vmem>> -> memref<8192xf32, #tpu.memory_space<vmem>>
        tpu.vector_store_idx %scatter3A_942[%add3A_940], %gather3A_887 : memref<8192xf32, #tpu.memory_space<vmem>>[vector<16xi32>], vector<16xf32>,
        %add3A_943 = arith.constant 7216 : i32
        %add3A_944 = vector.broadcast %add3A_943 : i32 to vector<16xi32>
        %add3A_945 = arith.addi %add3A_469, %add3A_944 : vector<16xi32>
        %scatter3A_946 = arith.constant 8192 : i32
        %scatter3A_947 = tpu.memref_slice %arg5[%scatter3A_946] : memref<32768xf32, #tpu.memory_space<vmem>> -> memref<8192xf32, #tpu.memory_space<vmem>>
        tpu.vector_store_idx %scatter3A_947[%add3A_945], %gather3A_902 : memref<8192xf32, #tpu.memory_space<vmem>>[vector<16xi32>], vector<16xf32>,
      }
      %scan3A_299 = arith.constant 16 : i32
      %add3A_300 = arith.constant 4 : i32
      %add3A_301 = arith.addi %add3A_267, %add3A_300 : i32
      %min3A_302 = arith.constant 243 : i32
      %min3A_303 = arith.minsi %add3A_301, %min3A_302 : i32
      %mul3A_304 = arith.constant 32 : i32
      %mul3A_305 = arith.muli %min3A_303, %mul3A_304 : i32
      %add3A_306 = arith.addi %mul3A_305, %add3A : i32
      %mul3A_307 = arith.constant 128 : i32
      %mul3A_308 = arith.muli %add3A_306, %mul3A_307 : i32
      %dma_start3A_309 = arith.constant 64 : i32
      %dma_start3A_310 = arith.constant 0 : i32
      %dma_start3A_311 = tpu.memref_slice %arg4[%dma_start3A_309, %dma_start3A_310] : memref<256x128xf32, #tpu.memory_space<vmem>> -> memref<64x128xf32, #tpu.memory_space<vmem>>
      %dma_start3A_312 = arith.constant 0 : i32
      %dma_start3A_313 = tpu.memref_slice %arg2[%dma_start3A_312, %mul3A_308] : memref<64x1000000xf32, #tpu.memory_space<hbm>> -> memref<64x128xf32, #tpu.memory_space<hbm>>
      %dma_start3A_314 = arith.constant 64 : i32
      %dma_start3A_315 = arith.constant 0 : i32
      %dma_start3A_316 = tpu.memref_slice %arg4[%dma_start3A_314, %dma_start3A_315] : memref<256x128xf32, #tpu.memory_space<vmem>> -> memref<64x128xf32, #tpu.memory_space<vmem>>
      %dma_start3A_317 = arith.constant 0 : i32
      %dma_start3A_318 = tpu.memref_slice %arg2[%dma_start3A_317, %mul3A_308] : memref<64x1000000xf32, #tpu.memory_space<hbm>> -> memref<64x128xf32, #tpu.memory_space<hbm>>
      tpu.enqueue_dma source(%dma_start3A_318 : memref<64x128xf32, #tpu.memory_space<hbm>>) target(%dma_start3A_316 : memref<64x128xf32, #tpu.memory_space<vmem>>) target_semaphore(%arg7 : memref<!tpu.dma_semaphore, #tpu.memory_space<semaphore_mem>>)
      %mul3A_319 = arith.constant 32 : i32
      %mul3A_320 = arith.muli %add3A_267, %mul3A_319 : i32
      %add3A_321 = arith.addi %mul3A_320, %add3A : i32
      %mul3A_322 = arith.constant 8192 : i32
      %mul3A_323 = arith.muli %add3A_321, %mul3A_322 : i32
      %dma_start3A_324 = arith.constant 8192 : i32
      %dma_start3A_325 = tpu.memref_slice %arg5[%dma_start3A_324] : memref<32768xf32, #tpu.memory_space<vmem>> -> memref<8192xf32, #tpu.memory_space<vmem>>
      %dma_start3A_326 = tpu.memref_slice %arg3[%mul3A_323] : memref<64000000xf32, #tpu.memory_space<hbm>> -> memref<8192xf32, #tpu.memory_space<hbm>>
      %dma_start3A_327 = tpu.memref_slice %arg3[%mul3A_323] : memref<64000000xf32, #tpu.memory_space<hbm>> -> memref<8192xf32, #tpu.memory_space<hbm>>
      %dma_start3A_328 = arith.constant 8192 : i32
      %dma_start3A_329 = tpu.memref_slice %arg5[%dma_start3A_328] : memref<32768xf32, #tpu.memory_space<vmem>> -> memref<8192xf32, #tpu.memory_space<vmem>>
      tpu.enqueue_dma source(%dma_start3A_329 : memref<8192xf32, #tpu.memory_space<vmem>>) target(%dma_start3A_327 : memref<8192xf32, #tpu.memory_space<hbm>>) target_semaphore(%arg11 : memref<!tpu.dma_semaphore, #tpu.memory_space<semaphore_mem>>)
      %mul3A_330 = arith.constant 4 : i32
      %mul3A_331 = arith.muli %mul3A_330, %scan3A_198 : i32
      %add3A_332 = arith.constant 2 : i32
      %add3A_333 = arith.addi %mul3A_331, %add3A_332 : i32
      %mul3A_334 = arith.constant 32 : i32
      %mul3A_335 = arith.muli %add3A_333, %mul3A_334 : i32
      %add3A_336 = arith.addi %mul3A_335, %add3A : i32
      %mul3A_337 = arith.constant 128 : i32
      %mul3A_338 = arith.muli %add3A_336, %mul3A_337 : i32
      %dma_wait3A_339 = arith.constant 128 : i32
      %dma_wait3A_340 = arith.constant 0 : i32
      %dma_wait3A_341 = tpu.memref_slice %arg4[%dma_wait3A_339, %dma_wait3A_340] : memref<256x128xf32, #tpu.memory_space<vmem>> -> memref<64x128xf32, #tpu.memory_space<vmem>>
      %dma_wait3A_342 = arith.constant 0 : i32
      %dma_wait3A_343 = tpu.memref_slice %arg2[%dma_wait3A_342, %mul3A_338] : memref<64x1000000xf32, #tpu.memory_space<hbm>> -> memref<64x128xf32, #tpu.memory_space<hbm>>
      %dma_wait3A_344 = arith.constant 128 : i32
      %dma_wait3A_345 = arith.constant 0 : i32
      %dma_wait3A_346 = tpu.memref_slice %arg4[%dma_wait3A_344, %dma_wait3A_345] : memref<256x128xf32, #tpu.memory_space<vmem>> -> memref<64x128xf32, #tpu.memory_space<vmem>>
      %dma_wait3A_347 = arith.constant 0 : i32
      %dma_wait3A_348 = tpu.memref_slice %arg2[%dma_wait3A_347, %mul3A_338] : memref<64x1000000xf32, #tpu.memory_space<hbm>> -> memref<64x128xf32, #tpu.memory_space<hbm>>
      tpu.wait_dma2 semaphore(%arg8 : memref<!tpu.dma_semaphore, #tpu.memory_space<semaphore_mem>>) src(%dma_wait3A_348 : memref<64x128xf32, #tpu.memory_space<hbm>>) dst(%dma_wait3A_346 : memref<64x128xf32, #tpu.memory_space<vmem>>)
      %mul3A_349 = arith.constant 32 : i32
      %mul3A_350 = arith.muli %add3A_333, %mul3A_349 : i32
      %add3A_351 = arith.addi %mul3A_350, %add3A : i32
      %mul3A_352 = arith.constant 8192 : i32
      %mul3A_353 = arith.muli %add3A_351, %mul3A_352 : i32
      %dma_wait3A_354 = arith.constant 16384 : i32
      %dma_wait3A_355 = tpu.memref_slice %arg5[%dma_wait3A_354] : memref<32768xf32, #tpu.memory_space<vmem>> -> memref<8192xf32, #tpu.memory_space<vmem>>
      %dma_wait3A_356 = tpu.memref_slice %arg3[%mul3A_353] : memref<64000000xf32, #tpu.memory_space<hbm>> -> memref<8192xf32, #tpu.memory_space<hbm>>
      %dma_wait3A_357 = tpu.memref_slice %arg3[%mul3A_353] : memref<64000000xf32, #tpu.memory_space<hbm>> -> memref<8192xf32, #tpu.memory_space<hbm>>
      %dma_wait3A_358 = arith.constant 16384 : i32
      %dma_wait3A_359 = tpu.memref_slice %arg5[%dma_wait3A_358] : memref<32768xf32, #tpu.memory_space<vmem>> -> memref<8192xf32, #tpu.memory_space<vmem>>
      tpu.wait_dma2 semaphore(%arg12 : memref<!tpu.dma_semaphore, #tpu.memory_space<semaphore_mem>>) src(%dma_wait3A_359 : memref<8192xf32, #tpu.memory_space<vmem>>) dst(%dma_wait3A_357 : memref<8192xf32, #tpu.memory_space<hbm>>)
      %scan3A_360 = arith.constant 0 : i32
      %scan3A_361 = arith.constant 0 : i32
      %scan3A_362 = arith.constant 16 : i32
      %scan3A_363 = arith.addi %scan3A_361, %scan3A_362 : i32
      %scan3A_364 = arith.constant 1 : i32
      scf.for %scan3A_462 = %scan3A_361 to %scan3A_363 step %scan3A_364  : i32 {
        %add3A_463 = vector.broadcast %scan3A_462 : i32 to vector<16xi32>
        %add3A_464 = arith.addi %iota3A, %add3A_463 : vector<16xi32>
        %and3A = arith.constant 15 : i32
        %and3A_465 = vector.broadcast %and3A : i32 to vector<16xi32>
        %and3A_466 = arith.andi %add3A_464, %and3A_465 : vector<16xi32>
        %shift_left3A = arith.constant 6 : i32
        %shift_left3A_467 = vector.broadcast %shift_left3A : i32 to vector<16xi32>
        %shift_left3A_468 = arith.shli %and3A_466, %shift_left3A_467 : vector<16xi32>
        %add3A_469 = arith.addi %shift_left3A_468, %iota3A : vector<16xi32>
        %add3A_470 = arith.constant 0 : i32
        %add3A_471 = vector.broadcast %add3A_470 : i32 to vector<16xi32>
        %add3A_472 = arith.addi %iota3A, %add3A_471 : vector<16xi32>
        %add3A_473 = arith.constant 0 : i32
        %add3A_474 = vector.broadcast %add3A_473 : i32 to vector<16xi32>
        %add3A_475 = arith.addi %and3A_466, %add3A_474 : vector<16xi32>
        %gather3A = arith.constant 128 : i32
        %gather3A_476 = arith.constant 0 : i32
        %gather3A_477 = tpu.memref_slice %arg4[%gather3A, %gather3A_476] : memref<256x128xf32, #tpu.memory_space<vmem>> -> memref<64x128xf32, #tpu.memory_space<vmem>>
        %gather3A_478 = tpu.vector_load_idx %gather3A_477[%add3A_472, %add3A_475] : memref<64x128xf32, #tpu.memory_space<vmem>>[vector<16xi32>, vector<16xi32>], vector<16xf32>,
        %add3A_479 = arith.constant 0 : i32
        %add3A_480 = vector.broadcast %add3A_479 : i32 to vector<16xi32>
        %add3A_481 = arith.addi %iota3A, %add3A_480 : vector<16xi32>
        %add3A_482 = arith.constant 16 : i32
        %add3A_483 = vector.broadcast %add3A_482 : i32 to vector<16xi32>
        %add3A_484 = arith.addi %and3A_466, %add3A_483 : vector<16xi32>
        %gather3A_485 = arith.constant 128 : i32
        %gather3A_486 = arith.constant 0 : i32
        %gather3A_487 = tpu.memref_slice %arg4[%gather3A_485, %gather3A_486] : memref<256x128xf32, #tpu.memory_space<vmem>> -> memref<64x128xf32, #tpu.memory_space<vmem>>
        %gather3A_488 = tpu.vector_load_idx %gather3A_487[%add3A_481, %add3A_484] : memref<64x128xf32, #tpu.memory_space<vmem>>[vector<16xi32>, vector<16xi32>], vector<16xf32>,
        %add3A_489 = arith.constant 0 : i32
        %add3A_490 = vector.broadcast %add3A_489 : i32 to vector<16xi32>
        %add3A_491 = arith.addi %iota3A, %add3A_490 : vector<16xi32>
        %add3A_492 = arith.constant 32 : i32
        %add3A_493 = vector.broadcast %add3A_492 : i32 to vector<16xi32>
        %add3A_494 = arith.addi %and3A_466, %add3A_493 : vector<16xi32>
        %gather3A_495 = arith.constant 128 : i32
        %gather3A_496 = arith.constant 0 : i32
        %gather3A_497 = tpu.memref_slice %arg4[%gather3A_495, %gather3A_496] : memref<256x128xf32, #tpu.memory_space<vmem>> -> memref<64x128xf32, #tpu.memory_space<vmem>>
        %gather3A_498 = tpu.vector_load_idx %gather3A_497[%add3A_491, %add3A_494] : memref<64x128xf32, #tpu.memory_space<vmem>>[vector<16xi32>, vector<16xi32>], vector<16xf32>,
        %add3A_499 = arith.constant 0 : i32
        %add3A_500 = vector.broadcast %add3A_499 : i32 to vector<16xi32>
        %add3A_501 = arith.addi %iota3A, %add3A_500 : vector<16xi32>
        %add3A_502 = arith.constant 48 : i32
        %add3A_503 = vector.broadcast %add3A_502 : i32 to vector<16xi32>
        %add3A_504 = arith.addi %and3A_466, %add3A_503 : vector<16xi32>
        %gather3A_505 = arith.constant 128 : i32
        %gather3A_506 = arith.constant 0 : i32
        %gather3A_507 = tpu.memref_slice %arg4[%gather3A_505, %gather3A_506] : memref<256x128xf32, #tpu.memory_space<vmem>> -> memref<64x128xf32, #tpu.memory_space<vmem>>
        %gather3A_508 = tpu.vector_load_idx %gather3A_507[%add3A_501, %add3A_504] : memref<64x128xf32, #tpu.memory_space<vmem>>[vector<16xi32>, vector<16xi32>], vector<16xf32>,
        %add3A_509 = arith.constant 0 : i32
        %add3A_510 = vector.broadcast %add3A_509 : i32 to vector<16xi32>
        %add3A_511 = arith.addi %iota3A, %add3A_510 : vector<16xi32>
        %add3A_512 = arith.constant 64 : i32
        %add3A_513 = vector.broadcast %add3A_512 : i32 to vector<16xi32>
        %add3A_514 = arith.addi %and3A_466, %add3A_513 : vector<16xi32>
        %gather3A_515 = arith.constant 128 : i32
        %gather3A_516 = arith.constant 0 : i32
        %gather3A_517 = tpu.memref_slice %arg4[%gather3A_515, %gather3A_516] : memref<256x128xf32, #tpu.memory_space<vmem>> -> memref<64x128xf32, #tpu.memory_space<vmem>>
        %gather3A_518 = tpu.vector_load_idx %gather3A_517[%add3A_511, %add3A_514] : memref<64x128xf32, #tpu.memory_space<vmem>>[vector<16xi32>, vector<16xi32>], vector<16xf32>,
        %add3A_519 = arith.constant 0 : i32
        %add3A_520 = vector.broadcast %add3A_519 : i32 to vector<16xi32>
        %add3A_521 = arith.addi %iota3A, %add3A_520 : vector<16xi32>
        %add3A_522 = arith.constant 80 : i32
        %add3A_523 = vector.broadcast %add3A_522 : i32 to vector<16xi32>
        %add3A_524 = arith.addi %and3A_466, %add3A_523 : vector<16xi32>
        %gather3A_525 = arith.constant 128 : i32
        %gather3A_526 = arith.constant 0 : i32
        %gather3A_527 = tpu.memref_slice %arg4[%gather3A_525, %gather3A_526] : memref<256x128xf32, #tpu.memory_space<vmem>> -> memref<64x128xf32, #tpu.memory_space<vmem>>
        %gather3A_528 = tpu.vector_load_idx %gather3A_527[%add3A_521, %add3A_524] : memref<64x128xf32, #tpu.memory_space<vmem>>[vector<16xi32>, vector<16xi32>], vector<16xf32>,
        %add3A_529 = arith.constant 0 : i32
        %add3A_530 = vector.broadcast %add3A_529 : i32 to vector<16xi32>
        %add3A_531 = arith.addi %iota3A, %add3A_530 : vector<16xi32>
        %add3A_532 = arith.constant 96 : i32
        %add3A_533 = vector.broadcast %add3A_532 : i32 to vector<16xi32>
        %add3A_534 = arith.addi %and3A_466, %add3A_533 : vector<16xi32>
        %gather3A_535 = arith.constant 128 : i32
        %gather3A_536 = arith.constant 0 : i32
        %gather3A_537 = tpu.memref_slice %arg4[%gather3A_535, %gather3A_536] : memref<256x128xf32, #tpu.memory_space<vmem>> -> memref<64x128xf32, #tpu.memory_space<vmem>>
        %gather3A_538 = tpu.vector_load_idx %gather3A_537[%add3A_531, %add3A_534] : memref<64x128xf32, #tpu.memory_space<vmem>>[vector<16xi32>, vector<16xi32>], vector<16xf32>,
        %add3A_539 = arith.constant 0 : i32
        %add3A_540 = vector.broadcast %add3A_539 : i32 to vector<16xi32>
        %add3A_541 = arith.addi %iota3A, %add3A_540 : vector<16xi32>
        %add3A_542 = arith.constant 112 : i32
        %add3A_543 = vector.broadcast %add3A_542 : i32 to vector<16xi32>
        %add3A_544 = arith.addi %and3A_466, %add3A_543 : vector<16xi32>
        %gather3A_545 = arith.constant 128 : i32
        %gather3A_546 = arith.constant 0 : i32
        %gather3A_547 = tpu.memref_slice %arg4[%gather3A_545, %gather3A_546] : memref<256x128xf32, #tpu.memory_space<vmem>> -> memref<64x128xf32, #tpu.memory_space<vmem>>
        %gather3A_548 = tpu.vector_load_idx %gather3A_547[%add3A_541, %add3A_544] : memref<64x128xf32, #tpu.memory_space<vmem>>[vector<16xi32>, vector<16xi32>], vector<16xf32>,
        %add3A_549 = arith.constant 16 : i32
        %add3A_550 = vector.broadcast %add3A_549 : i32 to vector<16xi32>
        %add3A_551 = arith.addi %iota3A, %add3A_550 : vector<16xi32>
        %add3A_552 = arith.constant 0 : i32
        %add3A_553 = vector.broadcast %add3A_552 : i32 to vector<16xi32>
        %add3A_554 = arith.addi %and3A_466, %add3A_553 : vector<16xi32>
        %gather3A_555 = arith.constant 128 : i32
        %gather3A_556 = arith.constant 0 : i32
        %gather3A_557 = tpu.memref_slice %arg4[%gather3A_555, %gather3A_556] : memref<256x128xf32, #tpu.memory_space<vmem>> -> memref<64x128xf32, #tpu.memory_space<vmem>>
        %gather3A_558 = tpu.vector_load_idx %gather3A_557[%add3A_551, %add3A_554] : memref<64x128xf32, #tpu.memory_space<vmem>>[vector<16xi32>, vector<16xi32>], vector<16xf32>,
        %add3A_559 = arith.constant 0 : i32
        %add3A_560 = vector.broadcast %add3A_559 : i32 to vector<16xi32>
        %add3A_561 = arith.addi %add3A_469, %add3A_560 : vector<16xi32>
        %scatter3A = arith.constant 16384 : i32
        %scatter3A_562 = tpu.memref_slice %arg5[%scatter3A] : memref<32768xf32, #tpu.memory_space<vmem>> -> memref<8192xf32, #tpu.memory_space<vmem>>
        tpu.vector_store_idx %scatter3A_562[%add3A_561], %gather3A_478 : memref<8192xf32, #tpu.memory_space<vmem>>[vector<16xi32>], vector<16xf32>,
        %add3A_563 = arith.constant 16 : i32
        %add3A_564 = vector.broadcast %add3A_563 : i32 to vector<16xi32>
        %add3A_565 = arith.addi %iota3A, %add3A_564 : vector<16xi32>
        %add3A_566 = arith.constant 16 : i32
        %add3A_567 = vector.broadcast %add3A_566 : i32 to vector<16xi32>
        %add3A_568 = arith.addi %and3A_466, %add3A_567 : vector<16xi32>
        %gather3A_569 = arith.constant 128 : i32
        %gather3A_570 = arith.constant 0 : i32
        %gather3A_571 = tpu.memref_slice %arg4[%gather3A_569, %gather3A_570] : memref<256x128xf32, #tpu.memory_space<vmem>> -> memref<64x128xf32, #tpu.memory_space<vmem>>
        %gather3A_572 = tpu.vector_load_idx %gather3A_571[%add3A_565, %add3A_568] : memref<64x128xf32, #tpu.memory_space<vmem>>[vector<16xi32>, vector<16xi32>], vector<16xf32>,
        %add3A_573 = arith.constant 1024 : i32
        %add3A_574 = vector.broadcast %add3A_573 : i32 to vector<16xi32>
        %add3A_575 = arith.addi %add3A_469, %add3A_574 : vector<16xi32>
        %scatter3A_576 = arith.constant 16384 : i32
        %scatter3A_577 = tpu.memref_slice %arg5[%scatter3A_576] : memref<32768xf32, #tpu.memory_space<vmem>> -> memref<8192xf32, #tpu.memory_space<vmem>>
        tpu.vector_store_idx %scatter3A_577[%add3A_575], %gather3A_488 : memref<8192xf32, #tpu.memory_space<vmem>>[vector<16xi32>], vector<16xf32>,
        %add3A_578 = arith.constant 16 : i32
        %add3A_579 = vector.broadcast %add3A_578 : i32 to vector<16xi32>
        %add3A_580 = arith.addi %iota3A, %add3A_579 : vector<16xi32>
        %add3A_581 = arith.constant 32 : i32
        %add3A_582 = vector.broadcast %add3A_581 : i32 to vector<16xi32>
        %add3A_583 = arith.addi %and3A_466, %add3A_582 : vector<16xi32>
        %gather3A_584 = arith.constant 128 : i32
        %gather3A_585 = arith.constant 0 : i32
        %gather3A_586 = tpu.memref_slice %arg4[%gather3A_584, %gather3A_585] : memref<256x128xf32, #tpu.memory_space<vmem>> -> memref<64x128xf32, #tpu.memory_space<vmem>>
        %gather3A_587 = tpu.vector_load_idx %gather3A_586[%add3A_580, %add3A_583] : memref<64x128xf32, #tpu.memory_space<vmem>>[vector<16xi32>, vector<16xi32>], vector<16xf32>,
        %add3A_588 = arith.constant 2048 : i32
        %add3A_589 = vector.broadcast %add3A_588 : i32 to vector<16xi32>
        %add3A_590 = arith.addi %add3A_469, %add3A_589 : vector<16xi32>
        %scatter3A_591 = arith.constant 16384 : i32
        %scatter3A_592 = tpu.memref_slice %arg5[%scatter3A_591] : memref<32768xf32, #tpu.memory_space<vmem>> -> memref<8192xf32, #tpu.memory_space<vmem>>
        tpu.vector_store_idx %scatter3A_592[%add3A_590], %gather3A_498 : memref<8192xf32, #tpu.memory_space<vmem>>[vector<16xi32>], vector<16xf32>,
        %add3A_593 = arith.constant 16 : i32
        %add3A_594 = vector.broadcast %add3A_593 : i32 to vector<16xi32>
        %add3A_595 = arith.addi %iota3A, %add3A_594 : vector<16xi32>
        %add3A_596 = arith.constant 48 : i32
        %add3A_597 = vector.broadcast %add3A_596 : i32 to vector<16xi32>
        %add3A_598 = arith.addi %and3A_466, %add3A_597 : vector<16xi32>
        %gather3A_599 = arith.constant 128 : i32
        %gather3A_600 = arith.constant 0 : i32
        %gather3A_601 = tpu.memref_slice %arg4[%gather3A_599, %gather3A_600] : memref<256x128xf32, #tpu.memory_space<vmem>> -> memref<64x128xf32, #tpu.memory_space<vmem>>
        %gather3A_602 = tpu.vector_load_idx %gather3A_601[%add3A_595, %add3A_598] : memref<64x128xf32, #tpu.memory_space<vmem>>[vector<16xi32>, vector<16xi32>], vector<16xf32>,
        %add3A_603 = arith.constant 3072 : i32
        %add3A_604 = vector.broadcast %add3A_603 : i32 to vector<16xi32>
        %add3A_605 = arith.addi %add3A_469, %add3A_604 : vector<16xi32>
        %scatter3A_606 = arith.constant 16384 : i32
        %scatter3A_607 = tpu.memref_slice %arg5[%scatter3A_606] : memref<32768xf32, #tpu.memory_space<vmem>> -> memref<8192xf32, #tpu.memory_space<vmem>>
        tpu.vector_store_idx %scatter3A_607[%add3A_605], %gather3A_508 : memref<8192xf32, #tpu.memory_space<vmem>>[vector<16xi32>], vector<16xf32>,
        %add3A_608 = arith.constant 16 : i32
        %add3A_609 = vector.broadcast %add3A_608 : i32 to vector<16xi32>
        %add3A_610 = arith.addi %iota3A, %add3A_609 : vector<16xi32>
        %add3A_611 = arith.constant 64 : i32
        %add3A_612 = vector.broadcast %add3A_611 : i32 to vector<16xi32>
        %add3A_613 = arith.addi %and3A_466, %add3A_612 : vector<16xi32>
        %gather3A_614 = arith.constant 128 : i32
        %gather3A_615 = arith.constant 0 : i32
        %gather3A_616 = tpu.memref_slice %arg4[%gather3A_614, %gather3A_615] : memref<256x128xf32, #tpu.memory_space<vmem>> -> memref<64x128xf32, #tpu.memory_space<vmem>>
        %gather3A_617 = tpu.vector_load_idx %gather3A_616[%add3A_610, %add3A_613] : memref<64x128xf32, #tpu.memory_space<vmem>>[vector<16xi32>, vector<16xi32>], vector<16xf32>,
        %add3A_618 = arith.constant 4096 : i32
        %add3A_619 = vector.broadcast %add3A_618 : i32 to vector<16xi32>
        %add3A_620 = arith.addi %add3A_469, %add3A_619 : vector<16xi32>
        %scatter3A_621 = arith.constant 16384 : i32
        %scatter3A_622 = tpu.memref_slice %arg5[%scatter3A_621] : memref<32768xf32, #tpu.memory_space<vmem>> -> memref<8192xf32, #tpu.memory_space<vmem>>
        tpu.vector_store_idx %scatter3A_622[%add3A_620], %gather3A_518 : memref<8192xf32, #tpu.memory_space<vmem>>[vector<16xi32>], vector<16xf32>,
        %add3A_623 = arith.constant 16 : i32
        %add3A_624 = vector.broadcast %add3A_623 : i32 to vector<16xi32>
        %add3A_625 = arith.addi %iota3A, %add3A_624 : vector<16xi32>
        %add3A_626 = arith.constant 80 : i32
        %add3A_627 = vector.broadcast %add3A_626 : i32 to vector<16xi32>
        %add3A_628 = arith.addi %and3A_466, %add3A_627 : vector<16xi32>
        %gather3A_629 = arith.constant 128 : i32
        %gather3A_630 = arith.constant 0 : i32
        %gather3A_631 = tpu.memref_slice %arg4[%gather3A_629, %gather3A_630] : memref<256x128xf32, #tpu.memory_space<vmem>> -> memref<64x128xf32, #tpu.memory_space<vmem>>
        %gather3A_632 = tpu.vector_load_idx %gather3A_631[%add3A_625, %add3A_628] : memref<64x128xf32, #tpu.memory_space<vmem>>[vector<16xi32>, vector<16xi32>], vector<16xf32>,
        %add3A_633 = arith.constant 5120 : i32
        %add3A_634 = vector.broadcast %add3A_633 : i32 to vector<16xi32>
        %add3A_635 = arith.addi %add3A_469, %add3A_634 : vector<16xi32>
        %scatter3A_636 = arith.constant 16384 : i32
        %scatter3A_637 = tpu.memref_slice %arg5[%scatter3A_636] : memref<32768xf32, #tpu.memory_space<vmem>> -> memref<8192xf32, #tpu.memory_space<vmem>>
        tpu.vector_store_idx %scatter3A_637[%add3A_635], %gather3A_528 : memref<8192xf32, #tpu.memory_space<vmem>>[vector<16xi32>], vector<16xf32>,
        %add3A_638 = arith.constant 16 : i32
        %add3A_639 = vector.broadcast %add3A_638 : i32 to vector<16xi32>
        %add3A_640 = arith.addi %iota3A, %add3A_639 : vector<16xi32>
        %add3A_641 = arith.constant 96 : i32
        %add3A_642 = vector.broadcast %add3A_641 : i32 to vector<16xi32>
        %add3A_643 = arith.addi %and3A_466, %add3A_642 : vector<16xi32>
        %gather3A_644 = arith.constant 128 : i32
        %gather3A_645 = arith.constant 0 : i32
        %gather3A_646 = tpu.memref_slice %arg4[%gather3A_644, %gather3A_645] : memref<256x128xf32, #tpu.memory_space<vmem>> -> memref<64x128xf32, #tpu.memory_space<vmem>>
        %gather3A_647 = tpu.vector_load_idx %gather3A_646[%add3A_640, %add3A_643] : memref<64x128xf32, #tpu.memory_space<vmem>>[vector<16xi32>, vector<16xi32>], vector<16xf32>,
        %add3A_648 = arith.constant 6144 : i32
        %add3A_649 = vector.broadcast %add3A_648 : i32 to vector<16xi32>
        %add3A_650 = arith.addi %add3A_469, %add3A_649 : vector<16xi32>
        %scatter3A_651 = arith.constant 16384 : i32
        %scatter3A_652 = tpu.memref_slice %arg5[%scatter3A_651] : memref<32768xf32, #tpu.memory_space<vmem>> -> memref<8192xf32, #tpu.memory_space<vmem>>
        tpu.vector_store_idx %scatter3A_652[%add3A_650], %gather3A_538 : memref<8192xf32, #tpu.memory_space<vmem>>[vector<16xi32>], vector<16xf32>,
        %add3A_653 = arith.constant 16 : i32
        %add3A_654 = vector.broadcast %add3A_653 : i32 to vector<16xi32>
        %add3A_655 = arith.addi %iota3A, %add3A_654 : vector<16xi32>
        %add3A_656 = arith.constant 112 : i32
        %add3A_657 = vector.broadcast %add3A_656 : i32 to vector<16xi32>
        %add3A_658 = arith.addi %and3A_466, %add3A_657 : vector<16xi32>
        %gather3A_659 = arith.constant 128 : i32
        %gather3A_660 = arith.constant 0 : i32
        %gather3A_661 = tpu.memref_slice %arg4[%gather3A_659, %gather3A_660] : memref<256x128xf32, #tpu.memory_space<vmem>> -> memref<64x128xf32, #tpu.memory_space<vmem>>
        %gather3A_662 = tpu.vector_load_idx %gather3A_661[%add3A_655, %add3A_658] : memref<64x128xf32, #tpu.memory_space<vmem>>[vector<16xi32>, vector<16xi32>], vector<16xf32>,
        %add3A_663 = arith.constant 7168 : i32
        %add3A_664 = vector.broadcast %add3A_663 : i32 to vector<16xi32>
        %add3A_665 = arith.addi %add3A_469, %add3A_664 : vector<16xi32>
        %scatter3A_666 = arith.constant 16384 : i32
        %scatter3A_667 = tpu.memref_slice %arg5[%scatter3A_666] : memref<32768xf32, #tpu.memory_space<vmem>> -> memref<8192xf32, #tpu.memory_space<vmem>>
        tpu.vector_store_idx %scatter3A_667[%add3A_665], %gather3A_548 : memref<8192xf32, #tpu.memory_space<vmem>>[vector<16xi32>], vector<16xf32>,
        %add3A_668 = arith.constant 32 : i32
        %add3A_669 = vector.broadcast %add3A_668 : i32 to vector<16xi32>
        %add3A_670 = arith.addi %iota3A, %add3A_669 : vector<16xi32>
        %add3A_671 = arith.constant 0 : i32
        %add3A_672 = vector.broadcast %add3A_671 : i32 to vector<16xi32>
        %add3A_673 = arith.addi %and3A_466, %add3A_672 : vector<16xi32>
        %gather3A_674 = arith.constant 128 : i32
        %gather3A_675 = arith.constant 0 : i32
        %gather3A_676 = tpu.memref_slice %arg4[%gather3A_674, %gather3A_675] : memref<256x128xf32, #tpu.memory_space<vmem>> -> memref<64x128xf32, #tpu.memory_space<vmem>>
        %gather3A_677 = tpu.vector_load_idx %gather3A_676[%add3A_670, %add3A_673] : memref<64x128xf32, #tpu.memory_space<vmem>>[vector<16xi32>, vector<16xi32>], vector<16xf32>,
        %add3A_678 = arith.constant 16 : i32
        %add3A_679 = vector.broadcast %add3A_678 : i32 to vector<16xi32>
        %add3A_680 = arith.addi %add3A_469, %add3A_679 : vector<16xi32>
        %scatter3A_681 = arith.constant 16384 : i32
        %scatter3A_682 = tpu.memref_slice %arg5[%scatter3A_681] : memref<32768xf32, #tpu.memory_space<vmem>> -> memref<8192xf32, #tpu.memory_space<vmem>>
        tpu.vector_store_idx %scatter3A_682[%add3A_680], %gather3A_558 : memref<8192xf32, #tpu.memory_space<vmem>>[vector<16xi32>], vector<16xf32>,
        %add3A_683 = arith.constant 32 : i32
        %add3A_684 = vector.broadcast %add3A_683 : i32 to vector<16xi32>
        %add3A_685 = arith.addi %iota3A, %add3A_684 : vector<16xi32>
        %add3A_686 = arith.constant 16 : i32
        %add3A_687 = vector.broadcast %add3A_686 : i32 to vector<16xi32>
        %add3A_688 = arith.addi %and3A_466, %add3A_687 : vector<16xi32>
        %gather3A_689 = arith.constant 128 : i32
        %gather3A_690 = arith.constant 0 : i32
        %gather3A_691 = tpu.memref_slice %arg4[%gather3A_689, %gather3A_690] : memref<256x128xf32, #tpu.memory_space<vmem>> -> memref<64x128xf32, #tpu.memory_space<vmem>>
        %gather3A_692 = tpu.vector_load_idx %gather3A_691[%add3A_685, %add3A_688] : memref<64x128xf32, #tpu.memory_space<vmem>>[vector<16xi32>, vector<16xi32>], vector<16xf32>,
        %add3A_693 = arith.constant 1040 : i32
        %add3A_694 = vector.broadcast %add3A_693 : i32 to vector<16xi32>
        %add3A_695 = arith.addi %add3A_469, %add3A_694 : vector<16xi32>
        %scatter3A_696 = arith.constant 16384 : i32
        %scatter3A_697 = tpu.memref_slice %arg5[%scatter3A_696] : memref<32768xf32, #tpu.memory_space<vmem>> -> memref<8192xf32, #tpu.memory_space<vmem>>
        tpu.vector_store_idx %scatter3A_697[%add3A_695], %gather3A_572 : memref<8192xf32, #tpu.memory_space<vmem>>[vector<16xi32>], vector<16xf32>,
        %add3A_698 = arith.constant 32 : i32
        %add3A_699 = vector.broadcast %add3A_698 : i32 to vector<16xi32>
        %add3A_700 = arith.addi %iota3A, %add3A_699 : vector<16xi32>
        %add3A_701 = arith.constant 32 : i32
        %add3A_702 = vector.broadcast %add3A_701 : i32 to vector<16xi32>
        %add3A_703 = arith.addi %and3A_466, %add3A_702 : vector<16xi32>
        %gather3A_704 = arith.constant 128 : i32
        %gather3A_705 = arith.constant 0 : i32
        %gather3A_706 = tpu.memref_slice %arg4[%gather3A_704, %gather3A_705] : memref<256x128xf32, #tpu.memory_space<vmem>> -> memref<64x128xf32, #tpu.memory_space<vmem>>
        %gather3A_707 = tpu.vector_load_idx %gather3A_706[%add3A_700, %add3A_703] : memref<64x128xf32, #tpu.memory_space<vmem>>[vector<16xi32>, vector<16xi32>], vector<16xf32>,
        %add3A_708 = arith.constant 2064 : i32
        %add3A_709 = vector.broadcast %add3A_708 : i32 to vector<16xi32>
        %add3A_710 = arith.addi %add3A_469, %add3A_709 : vector<16xi32>
        %scatter3A_711 = arith.constant 16384 : i32
        %scatter3A_712 = tpu.memref_slice %arg5[%scatter3A_711] : memref<32768xf32, #tpu.memory_space<vmem>> -> memref<8192xf32, #tpu.memory_space<vmem>>
        tpu.vector_store_idx %scatter3A_712[%add3A_710], %gather3A_587 : memref<8192xf32, #tpu.memory_space<vmem>>[vector<16xi32>], vector<16xf32>,
        %add3A_713 = arith.constant 32 : i32
        %add3A_714 = vector.broadcast %add3A_713 : i32 to vector<16xi32>
        %add3A_715 = arith.addi %iota3A, %add3A_714 : vector<16xi32>
        %add3A_716 = arith.constant 48 : i32
        %add3A_717 = vector.broadcast %add3A_716 : i32 to vector<16xi32>
        %add3A_718 = arith.addi %and3A_466, %add3A_717 : vector<16xi32>
        %gather3A_719 = arith.constant 128 : i32
        %gather3A_720 = arith.constant 0 : i32
        %gather3A_721 = tpu.memref_slice %arg4[%gather3A_719, %gather3A_720] : memref<256x128xf32, #tpu.memory_space<vmem>> -> memref<64x128xf32, #tpu.memory_space<vmem>>
        %gather3A_722 = tpu.vector_load_idx %gather3A_721[%add3A_715, %add3A_718] : memref<64x128xf32, #tpu.memory_space<vmem>>[vector<16xi32>, vector<16xi32>], vector<16xf32>,
        %add3A_723 = arith.constant 3088 : i32
        %add3A_724 = vector.broadcast %add3A_723 : i32 to vector<16xi32>
        %add3A_725 = arith.addi %add3A_469, %add3A_724 : vector<16xi32>
        %scatter3A_726 = arith.constant 16384 : i32
        %scatter3A_727 = tpu.memref_slice %arg5[%scatter3A_726] : memref<32768xf32, #tpu.memory_space<vmem>> -> memref<8192xf32, #tpu.memory_space<vmem>>
        tpu.vector_store_idx %scatter3A_727[%add3A_725], %gather3A_602 : memref<8192xf32, #tpu.memory_space<vmem>>[vector<16xi32>], vector<16xf32>,
        %add3A_728 = arith.constant 32 : i32
        %add3A_729 = vector.broadcast %add3A_728 : i32 to vector<16xi32>
        %add3A_730 = arith.addi %iota3A, %add3A_729 : vector<16xi32>
        %add3A_731 = arith.constant 64 : i32
        %add3A_732 = vector.broadcast %add3A_731 : i32 to vector<16xi32>
        %add3A_733 = arith.addi %and3A_466, %add3A_732 : vector<16xi32>
        %gather3A_734 = arith.constant 128 : i32
        %gather3A_735 = arith.constant 0 : i32
        %gather3A_736 = tpu.memref_slice %arg4[%gather3A_734, %gather3A_735] : memref<256x128xf32, #tpu.memory_space<vmem>> -> memref<64x128xf32, #tpu.memory_space<vmem>>
        %gather3A_737 = tpu.vector_load_idx %gather3A_736[%add3A_730, %add3A_733] : memref<64x128xf32, #tpu.memory_space<vmem>>[vector<16xi32>, vector<16xi32>], vector<16xf32>,
        %add3A_738 = arith.constant 4112 : i32
        %add3A_739 = vector.broadcast %add3A_738 : i32 to vector<16xi32>
        %add3A_740 = arith.addi %add3A_469, %add3A_739 : vector<16xi32>
        %scatter3A_741 = arith.constant 16384 : i32
        %scatter3A_742 = tpu.memref_slice %arg5[%scatter3A_741] : memref<32768xf32, #tpu.memory_space<vmem>> -> memref<8192xf32, #tpu.memory_space<vmem>>
        tpu.vector_store_idx %scatter3A_742[%add3A_740], %gather3A_617 : memref<8192xf32, #tpu.memory_space<vmem>>[vector<16xi32>], vector<16xf32>,
        %add3A_743 = arith.constant 32 : i32
        %add3A_744 = vector.broadcast %add3A_743 : i32 to vector<16xi32>
        %add3A_745 = arith.addi %iota3A, %add3A_744 : vector<16xi32>
        %add3A_746 = arith.constant 80 : i32
        %add3A_747 = vector.broadcast %add3A_746 : i32 to vector<16xi32>
        %add3A_748 = arith.addi %and3A_466, %add3A_747 : vector<16xi32>
        %gather3A_749 = arith.constant 128 : i32
        %gather3A_750 = arith.constant 0 : i32
        %gather3A_751 = tpu.memref_slice %arg4[%gather3A_749, %gather3A_750] : memref<256x128xf32, #tpu.memory_space<vmem>> -> memref<64x128xf32, #tpu.memory_space<vmem>>
        %gather3A_752 = tpu.vector_load_idx %gather3A_751[%add3A_745, %add3A_748] : memref<64x128xf32, #tpu.memory_space<vmem>>[vector<16xi32>, vector<16xi32>], vector<16xf32>,
        %add3A_753 = arith.constant 5136 : i32
        %add3A_754 = vector.broadcast %add3A_753 : i32 to vector<16xi32>
        %add3A_755 = arith.addi %add3A_469, %add3A_754 : vector<16xi32>
        %scatter3A_756 = arith.constant 16384 : i32
        %scatter3A_757 = tpu.memref_slice %arg5[%scatter3A_756] : memref<32768xf32, #tpu.memory_space<vmem>> -> memref<8192xf32, #tpu.memory_space<vmem>>
        tpu.vector_store_idx %scatter3A_757[%add3A_755], %gather3A_632 : memref<8192xf32, #tpu.memory_space<vmem>>[vector<16xi32>], vector<16xf32>,
        %add3A_758 = arith.constant 32 : i32
        %add3A_759 = vector.broadcast %add3A_758 : i32 to vector<16xi32>
        %add3A_760 = arith.addi %iota3A, %add3A_759 : vector<16xi32>
        %add3A_761 = arith.constant 96 : i32
        %add3A_762 = vector.broadcast %add3A_761 : i32 to vector<16xi32>
        %add3A_763 = arith.addi %and3A_466, %add3A_762 : vector<16xi32>
        %gather3A_764 = arith.constant 128 : i32
        %gather3A_765 = arith.constant 0 : i32
        %gather3A_766 = tpu.memref_slice %arg4[%gather3A_764, %gather3A_765] : memref<256x128xf32, #tpu.memory_space<vmem>> -> memref<64x128xf32, #tpu.memory_space<vmem>>
        %gather3A_767 = tpu.vector_load_idx %gather3A_766[%add3A_760, %add3A_763] : memref<64x128xf32, #tpu.memory_space<vmem>>[vector<16xi32>, vector<16xi32>], vector<16xf32>,
        %add3A_768 = arith.constant 6160 : i32
        %add3A_769 = vector.broadcast %add3A_768 : i32 to vector<16xi32>
        %add3A_770 = arith.addi %add3A_469, %add3A_769 : vector<16xi32>
        %scatter3A_771 = arith.constant 16384 : i32
        %scatter3A_772 = tpu.memref_slice %arg5[%scatter3A_771] : memref<32768xf32, #tpu.memory_space<vmem>> -> memref<8192xf32, #tpu.memory_space<vmem>>
        tpu.vector_store_idx %scatter3A_772[%add3A_770], %gather3A_647 : memref<8192xf32, #tpu.memory_space<vmem>>[vector<16xi32>], vector<16xf32>,
        %add3A_773 = arith.constant 32 : i32
        %add3A_774 = vector.broadcast %add3A_773 : i32 to vector<16xi32>
        %add3A_775 = arith.addi %iota3A, %add3A_774 : vector<16xi32>
        %add3A_776 = arith.constant 112 : i32
        %add3A_777 = vector.broadcast %add3A_776 : i32 to vector<16xi32>
        %add3A_778 = arith.addi %and3A_466, %add3A_777 : vector<16xi32>
        %gather3A_779 = arith.constant 128 : i32
        %gather3A_780 = arith.constant 0 : i32
        %gather3A_781 = tpu.memref_slice %arg4[%gather3A_779, %gather3A_780] : memref<256x128xf32, #tpu.memory_space<vmem>> -> memref<64x128xf32, #tpu.memory_space<vmem>>
        %gather3A_782 = tpu.vector_load_idx %gather3A_781[%add3A_775, %add3A_778] : memref<64x128xf32, #tpu.memory_space<vmem>>[vector<16xi32>, vector<16xi32>], vector<16xf32>,
        %add3A_783 = arith.constant 7184 : i32
        %add3A_784 = vector.broadcast %add3A_783 : i32 to vector<16xi32>
        %add3A_785 = arith.addi %add3A_469, %add3A_784 : vector<16xi32>
        %scatter3A_786 = arith.constant 16384 : i32
        %scatter3A_787 = tpu.memref_slice %arg5[%scatter3A_786] : memref<32768xf32, #tpu.memory_space<vmem>> -> memref<8192xf32, #tpu.memory_space<vmem>>
        tpu.vector_store_idx %scatter3A_787[%add3A_785], %gather3A_662 : memref<8192xf32, #tpu.memory_space<vmem>>[vector<16xi32>], vector<16xf32>,
        %add3A_788 = arith.constant 48 : i32
        %add3A_789 = vector.broadcast %add3A_788 : i32 to vector<16xi32>
        %add3A_790 = arith.addi %iota3A, %add3A_789 : vector<16xi32>
        %add3A_791 = arith.constant 0 : i32
        %add3A_792 = vector.broadcast %add3A_791 : i32 to vector<16xi32>
        %add3A_793 = arith.addi %and3A_466, %add3A_792 : vector<16xi32>
        %gather3A_794 = arith.constant 128 : i32
        %gather3A_795 = arith.constant 0 : i32
        %gather3A_796 = tpu.memref_slice %arg4[%gather3A_794, %gather3A_795] : memref<256x128xf32, #tpu.memory_space<vmem>> -> memref<64x128xf32, #tpu.memory_space<vmem>>
        %gather3A_797 = tpu.vector_load_idx %gather3A_796[%add3A_790, %add3A_793] : memref<64x128xf32, #tpu.memory_space<vmem>>[vector<16xi32>, vector<16xi32>], vector<16xf32>,
        %add3A_798 = arith.constant 32 : i32
        %add3A_799 = vector.broadcast %add3A_798 : i32 to vector<16xi32>
        %add3A_800 = arith.addi %add3A_469, %add3A_799 : vector<16xi32>
        %scatter3A_801 = arith.constant 16384 : i32
        %scatter3A_802 = tpu.memref_slice %arg5[%scatter3A_801] : memref<32768xf32, #tpu.memory_space<vmem>> -> memref<8192xf32, #tpu.memory_space<vmem>>
        tpu.vector_store_idx %scatter3A_802[%add3A_800], %gather3A_677 : memref<8192xf32, #tpu.memory_space<vmem>>[vector<16xi32>], vector<16xf32>,
        %add3A_803 = arith.constant 48 : i32
        %add3A_804 = vector.broadcast %add3A_803 : i32 to vector<16xi32>
        %add3A_805 = arith.addi %iota3A, %add3A_804 : vector<16xi32>
        %add3A_806 = arith.constant 16 : i32
        %add3A_807 = vector.broadcast %add3A_806 : i32 to vector<16xi32>
        %add3A_808 = arith.addi %and3A_466, %add3A_807 : vector<16xi32>
        %gather3A_809 = arith.constant 128 : i32
        %gather3A_810 = arith.constant 0 : i32
        %gather3A_811 = tpu.memref_slice %arg4[%gather3A_809, %gather3A_810] : memref<256x128xf32, #tpu.memory_space<vmem>> -> memref<64x128xf32, #tpu.memory_space<vmem>>
        %gather3A_812 = tpu.vector_load_idx %gather3A_811[%add3A_805, %add3A_808] : memref<64x128xf32, #tpu.memory_space<vmem>>[vector<16xi32>, vector<16xi32>], vector<16xf32>,
        %add3A_813 = arith.constant 1056 : i32
        %add3A_814 = vector.broadcast %add3A_813 : i32 to vector<16xi32>
        %add3A_815 = arith.addi %add3A_469, %add3A_814 : vector<16xi32>
        %scatter3A_816 = arith.constant 16384 : i32
        %scatter3A_817 = tpu.memref_slice %arg5[%scatter3A_816] : memref<32768xf32, #tpu.memory_space<vmem>> -> memref<8192xf32, #tpu.memory_space<vmem>>
        tpu.vector_store_idx %scatter3A_817[%add3A_815], %gather3A_692 : memref<8192xf32, #tpu.memory_space<vmem>>[vector<16xi32>], vector<16xf32>,
        %add3A_818 = arith.constant 48 : i32
        %add3A_819 = vector.broadcast %add3A_818 : i32 to vector<16xi32>
        %add3A_820 = arith.addi %iota3A, %add3A_819 : vector<16xi32>
        %add3A_821 = arith.constant 32 : i32
        %add3A_822 = vector.broadcast %add3A_821 : i32 to vector<16xi32>
        %add3A_823 = arith.addi %and3A_466, %add3A_822 : vector<16xi32>
        %gather3A_824 = arith.constant 128 : i32
        %gather3A_825 = arith.constant 0 : i32
        %gather3A_826 = tpu.memref_slice %arg4[%gather3A_824, %gather3A_825] : memref<256x128xf32, #tpu.memory_space<vmem>> -> memref<64x128xf32, #tpu.memory_space<vmem>>
        %gather3A_827 = tpu.vector_load_idx %gather3A_826[%add3A_820, %add3A_823] : memref<64x128xf32, #tpu.memory_space<vmem>>[vector<16xi32>, vector<16xi32>], vector<16xf32>,
        %add3A_828 = arith.constant 2080 : i32
        %add3A_829 = vector.broadcast %add3A_828 : i32 to vector<16xi32>
        %add3A_830 = arith.addi %add3A_469, %add3A_829 : vector<16xi32>
        %scatter3A_831 = arith.constant 16384 : i32
        %scatter3A_832 = tpu.memref_slice %arg5[%scatter3A_831] : memref<32768xf32, #tpu.memory_space<vmem>> -> memref<8192xf32, #tpu.memory_space<vmem>>
        tpu.vector_store_idx %scatter3A_832[%add3A_830], %gather3A_707 : memref<8192xf32, #tpu.memory_space<vmem>>[vector<16xi32>], vector<16xf32>,
        %add3A_833 = arith.constant 48 : i32
        %add3A_834 = vector.broadcast %add3A_833 : i32 to vector<16xi32>
        %add3A_835 = arith.addi %iota3A, %add3A_834 : vector<16xi32>
        %add3A_836 = arith.constant 48 : i32
        %add3A_837 = vector.broadcast %add3A_836 : i32 to vector<16xi32>
        %add3A_838 = arith.addi %and3A_466, %add3A_837 : vector<16xi32>
        %gather3A_839 = arith.constant 128 : i32
        %gather3A_840 = arith.constant 0 : i32
        %gather3A_841 = tpu.memref_slice %arg4[%gather3A_839, %gather3A_840] : memref<256x128xf32, #tpu.memory_space<vmem>> -> memref<64x128xf32, #tpu.memory_space<vmem>>
        %gather3A_842 = tpu.vector_load_idx %gather3A_841[%add3A_835, %add3A_838] : memref<64x128xf32, #tpu.memory_space<vmem>>[vector<16xi32>, vector<16xi32>], vector<16xf32>,
        %add3A_843 = arith.constant 3104 : i32
        %add3A_844 = vector.broadcast %add3A_843 : i32 to vector<16xi32>
        %add3A_845 = arith.addi %add3A_469, %add3A_844 : vector<16xi32>
        %scatter3A_846 = arith.constant 16384 : i32
        %scatter3A_847 = tpu.memref_slice %arg5[%scatter3A_846] : memref<32768xf32, #tpu.memory_space<vmem>> -> memref<8192xf32, #tpu.memory_space<vmem>>
        tpu.vector_store_idx %scatter3A_847[%add3A_845], %gather3A_722 : memref<8192xf32, #tpu.memory_space<vmem>>[vector<16xi32>], vector<16xf32>,
        %add3A_848 = arith.constant 48 : i32
        %add3A_849 = vector.broadcast %add3A_848 : i32 to vector<16xi32>
        %add3A_850 = arith.addi %iota3A, %add3A_849 : vector<16xi32>
        %add3A_851 = arith.constant 64 : i32
        %add3A_852 = vector.broadcast %add3A_851 : i32 to vector<16xi32>
        %add3A_853 = arith.addi %and3A_466, %add3A_852 : vector<16xi32>
        %gather3A_854 = arith.constant 128 : i32
        %gather3A_855 = arith.constant 0 : i32
        %gather3A_856 = tpu.memref_slice %arg4[%gather3A_854, %gather3A_855] : memref<256x128xf32, #tpu.memory_space<vmem>> -> memref<64x128xf32, #tpu.memory_space<vmem>>
        %gather3A_857 = tpu.vector_load_idx %gather3A_856[%add3A_850, %add3A_853] : memref<64x128xf32, #tpu.memory_space<vmem>>[vector<16xi32>, vector<16xi32>], vector<16xf32>,
        %add3A_858 = arith.constant 4128 : i32
        %add3A_859 = vector.broadcast %add3A_858 : i32 to vector<16xi32>
        %add3A_860 = arith.addi %add3A_469, %add3A_859 : vector<16xi32>
        %scatter3A_861 = arith.constant 16384 : i32
        %scatter3A_862 = tpu.memref_slice %arg5[%scatter3A_861] : memref<32768xf32, #tpu.memory_space<vmem>> -> memref<8192xf32, #tpu.memory_space<vmem>>
        tpu.vector_store_idx %scatter3A_862[%add3A_860], %gather3A_737 : memref<8192xf32, #tpu.memory_space<vmem>>[vector<16xi32>], vector<16xf32>,
        %add3A_863 = arith.constant 48 : i32
        %add3A_864 = vector.broadcast %add3A_863 : i32 to vector<16xi32>
        %add3A_865 = arith.addi %iota3A, %add3A_864 : vector<16xi32>
        %add3A_866 = arith.constant 80 : i32
        %add3A_867 = vector.broadcast %add3A_866 : i32 to vector<16xi32>
        %add3A_868 = arith.addi %and3A_466, %add3A_867 : vector<16xi32>
        %gather3A_869 = arith.constant 128 : i32
        %gather3A_870 = arith.constant 0 : i32
        %gather3A_871 = tpu.memref_slice %arg4[%gather3A_869, %gather3A_870] : memref<256x128xf32, #tpu.memory_space<vmem>> -> memref<64x128xf32, #tpu.memory_space<vmem>>
        %gather3A_872 = tpu.vector_load_idx %gather3A_871[%add3A_865, %add3A_868] : memref<64x128xf32, #tpu.memory_space<vmem>>[vector<16xi32>, vector<16xi32>], vector<16xf32>,
        %add3A_873 = arith.constant 5152 : i32
        %add3A_874 = vector.broadcast %add3A_873 : i32 to vector<16xi32>
        %add3A_875 = arith.addi %add3A_469, %add3A_874 : vector<16xi32>
        %scatter3A_876 = arith.constant 16384 : i32
        %scatter3A_877 = tpu.memref_slice %arg5[%scatter3A_876] : memref<32768xf32, #tpu.memory_space<vmem>> -> memref<8192xf32, #tpu.memory_space<vmem>>
        tpu.vector_store_idx %scatter3A_877[%add3A_875], %gather3A_752 : memref<8192xf32, #tpu.memory_space<vmem>>[vector<16xi32>], vector<16xf32>,
        %add3A_878 = arith.constant 48 : i32
        %add3A_879 = vector.broadcast %add3A_878 : i32 to vector<16xi32>
        %add3A_880 = arith.addi %iota3A, %add3A_879 : vector<16xi32>
        %add3A_881 = arith.constant 96 : i32
        %add3A_882 = vector.broadcast %add3A_881 : i32 to vector<16xi32>
        %add3A_883 = arith.addi %and3A_466, %add3A_882 : vector<16xi32>
        %gather3A_884 = arith.constant 128 : i32
        %gather3A_885 = arith.constant 0 : i32
        %gather3A_886 = tpu.memref_slice %arg4[%gather3A_884, %gather3A_885] : memref<256x128xf32, #tpu.memory_space<vmem>> -> memref<64x128xf32, #tpu.memory_space<vmem>>
        %gather3A_887 = tpu.vector_load_idx %gather3A_886[%add3A_880, %add3A_883] : memref<64x128xf32, #tpu.memory_space<vmem>>[vector<16xi32>, vector<16xi32>], vector<16xf32>,
        %add3A_888 = arith.constant 6176 : i32
        %add3A_889 = vector.broadcast %add3A_888 : i32 to vector<16xi32>
        %add3A_890 = arith.addi %add3A_469, %add3A_889 : vector<16xi32>
        %scatter3A_891 = arith.constant 16384 : i32
        %scatter3A_892 = tpu.memref_slice %arg5[%scatter3A_891] : memref<32768xf32, #tpu.memory_space<vmem>> -> memref<8192xf32, #tpu.memory_space<vmem>>
        tpu.vector_store_idx %scatter3A_892[%add3A_890], %gather3A_767 : memref<8192xf32, #tpu.memory_space<vmem>>[vector<16xi32>], vector<16xf32>,
        %add3A_893 = arith.constant 48 : i32
        %add3A_894 = vector.broadcast %add3A_893 : i32 to vector<16xi32>
        %add3A_895 = arith.addi %iota3A, %add3A_894 : vector<16xi32>
        %add3A_896 = arith.constant 112 : i32
        %add3A_897 = vector.broadcast %add3A_896 : i32 to vector<16xi32>
        %add3A_898 = arith.addi %and3A_466, %add3A_897 : vector<16xi32>
        %gather3A_899 = arith.constant 128 : i32
        %gather3A_900 = arith.constant 0 : i32
        %gather3A_901 = tpu.memref_slice %arg4[%gather3A_899, %gather3A_900] : memref<256x128xf32, #tpu.memory_space<vmem>> -> memref<64x128xf32, #tpu.memory_space<vmem>>
        %gather3A_902 = tpu.vector_load_idx %gather3A_901[%add3A_895, %add3A_898] : memref<64x128xf32, #tpu.memory_space<vmem>>[vector<16xi32>, vector<16xi32>], vector<16xf32>,
        %add3A_903 = arith.constant 7200 : i32
        %add3A_904 = vector.broadcast %add3A_903 : i32 to vector<16xi32>
        %add3A_905 = arith.addi %add3A_469, %add3A_904 : vector<16xi32>
        %scatter3A_906 = arith.constant 16384 : i32
        %scatter3A_907 = tpu.memref_slice %arg5[%scatter3A_906] : memref<32768xf32, #tpu.memory_space<vmem>> -> memref<8192xf32, #tpu.memory_space<vmem>>
        tpu.vector_store_idx %scatter3A_907[%add3A_905], %gather3A_782 : memref<8192xf32, #tpu.memory_space<vmem>>[vector<16xi32>], vector<16xf32>,
        %add3A_908 = arith.constant 48 : i32
        %add3A_909 = vector.broadcast %add3A_908 : i32 to vector<16xi32>
        %add3A_910 = arith.addi %add3A_469, %add3A_909 : vector<16xi32>
        %scatter3A_911 = arith.constant 16384 : i32
        %scatter3A_912 = tpu.memref_slice %arg5[%scatter3A_911] : memref<32768xf32, #tpu.memory_space<vmem>> -> memref<8192xf32, #tpu.memory_space<vmem>>
        tpu.vector_store_idx %scatter3A_912[%add3A_910], %gather3A_797 : memref<8192xf32, #tpu.memory_space<vmem>>[vector<16xi32>], vector<16xf32>,
        %add3A_913 = arith.constant 1072 : i32
        %add3A_914 = vector.broadcast %add3A_913 : i32 to vector<16xi32>
        %add3A_915 = arith.addi %add3A_469, %add3A_914 : vector<16xi32>
        %scatter3A_916 = arith.constant 16384 : i32
        %scatter3A_917 = tpu.memref_slice %arg5[%scatter3A_916] : memref<32768xf32, #tpu.memory_space<vmem>> -> memref<8192xf32, #tpu.memory_space<vmem>>
        tpu.vector_store_idx %scatter3A_917[%add3A_915], %gather3A_812 : memref<8192xf32, #tpu.memory_space<vmem>>[vector<16xi32>], vector<16xf32>,
        %add3A_918 = arith.constant 2096 : i32
        %add3A_919 = vector.broadcast %add3A_918 : i32 to vector<16xi32>
        %add3A_920 = arith.addi %add3A_469, %add3A_919 : vector<16xi32>
        %scatter3A_921 = arith.constant 16384 : i32
        %scatter3A_922 = tpu.memref_slice %arg5[%scatter3A_921] : memref<32768xf32, #tpu.memory_space<vmem>> -> memref<8192xf32, #tpu.memory_space<vmem>>
        tpu.vector_store_idx %scatter3A_922[%add3A_920], %gather3A_827 : memref<8192xf32, #tpu.memory_space<vmem>>[vector<16xi32>], vector<16xf32>,
        %add3A_923 = arith.constant 3120 : i32
        %add3A_924 = vector.broadcast %add3A_923 : i32 to vector<16xi32>
        %add3A_925 = arith.addi %add3A_469, %add3A_924 : vector<16xi32>
        %scatter3A_926 = arith.constant 16384 : i32
        %scatter3A_927 = tpu.memref_slice %arg5[%scatter3A_926] : memref<32768xf32, #tpu.memory_space<vmem>> -> memref<8192xf32, #tpu.memory_space<vmem>>
        tpu.vector_store_idx %scatter3A_927[%add3A_925], %gather3A_842 : memref<8192xf32, #tpu.memory_space<vmem>>[vector<16xi32>], vector<16xf32>,
        %add3A_928 = arith.constant 4144 : i32
        %add3A_929 = vector.broadcast %add3A_928 : i32 to vector<16xi32>
        %add3A_930 = arith.addi %add3A_469, %add3A_929 : vector<16xi32>
        %scatter3A_931 = arith.constant 16384 : i32
        %scatter3A_932 = tpu.memref_slice %arg5[%scatter3A_931] : memref<32768xf32, #tpu.memory_space<vmem>> -> memref<8192xf32, #tpu.memory_space<vmem>>
        tpu.vector_store_idx %scatter3A_932[%add3A_930], %gather3A_857 : memref<8192xf32, #tpu.memory_space<vmem>>[vector<16xi32>], vector<16xf32>,
        %add3A_933 = arith.constant 5168 : i32
        %add3A_934 = vector.broadcast %add3A_933 : i32 to vector<16xi32>
        %add3A_935 = arith.addi %add3A_469, %add3A_934 : vector<16xi32>
        %scatter3A_936 = arith.constant 16384 : i32
        %scatter3A_937 = tpu.memref_slice %arg5[%scatter3A_936] : memref<32768xf32, #tpu.memory_space<vmem>> -> memref<8192xf32, #tpu.memory_space<vmem>>
        tpu.vector_store_idx %scatter3A_937[%add3A_935], %gather3A_872 : memref<8192xf32, #tpu.memory_space<vmem>>[vector<16xi32>], vector<16xf32>,
        %add3A_938 = arith.constant 6192 : i32
        %add3A_939 = vector.broadcast %add3A_938 : i32 to vector<16xi32>
        %add3A_940 = arith.addi %add3A_469, %add3A_939 : vector<16xi32>
        %scatter3A_941 = arith.constant 16384 : i32
        %scatter3A_942 = tpu.memref_slice %arg5[%scatter3A_941] : memref<32768xf32, #tpu.memory_space<vmem>> -> memref<8192xf32, #tpu.memory_space<vmem>>
        tpu.vector_store_idx %scatter3A_942[%add3A_940], %gather3A_887 : memref<8192xf32, #tpu.memory_space<vmem>>[vector<16xi32>], vector<16xf32>,
        %add3A_943 = arith.constant 7216 : i32
        %add3A_944 = vector.broadcast %add3A_943 : i32 to vector<16xi32>
        %add3A_945 = arith.addi %add3A_469, %add3A_944 : vector<16xi32>
        %scatter3A_946 = arith.constant 16384 : i32
        %scatter3A_947 = tpu.memref_slice %arg5[%scatter3A_946] : memref<32768xf32, #tpu.memory_space<vmem>> -> memref<8192xf32, #tpu.memory_space<vmem>>
        tpu.vector_store_idx %scatter3A_947[%add3A_945], %gather3A_902 : memref<8192xf32, #tpu.memory_space<vmem>>[vector<16xi32>], vector<16xf32>,
      }
      %scan3A_365 = arith.constant 16 : i32
      %add3A_366 = arith.constant 4 : i32
      %add3A_367 = arith.addi %add3A_333, %add3A_366 : i32
      %min3A_368 = arith.constant 243 : i32
      %min3A_369 = arith.minsi %add3A_367, %min3A_368 : i32
      %mul3A_370 = arith.constant 32 : i32
      %mul3A_371 = arith.muli %min3A_369, %mul3A_370 : i32
      %add3A_372 = arith.addi %mul3A_371, %add3A : i32
      %mul3A_373 = arith.constant 128 : i32
      %mul3A_374 = arith.muli %add3A_372, %mul3A_373 : i32
      %dma_start3A_375 = arith.constant 128 : i32
      %dma_start3A_376 = arith.constant 0 : i32
      %dma_start3A_377 = tpu.memref_slice %arg4[%dma_start3A_375, %dma_start3A_376] : memref<256x128xf32, #tpu.memory_space<vmem>> -> memref<64x128xf32, #tpu.memory_space<vmem>>
      %dma_start3A_378 = arith.constant 0 : i32
      %dma_start3A_379 = tpu.memref_slice %arg2[%dma_start3A_378, %mul3A_374] : memref<64x1000000xf32, #tpu.memory_space<hbm>> -> memref<64x128xf32, #tpu.memory_space<hbm>>
      %dma_start3A_380 = arith.constant 128 : i32
      %dma_start3A_381 = arith.constant 0 : i32
      %dma_start3A_382 = tpu.memref_slice %arg4[%dma_start3A_380, %dma_start3A_381] : memref<256x128xf32, #tpu.memory_space<vmem>> -> memref<64x128xf32, #tpu.memory_space<vmem>>
      %dma_start3A_383 = arith.constant 0 : i32
      %dma_start3A_384 = tpu.memref_slice %arg2[%dma_start3A_383, %mul3A_374] : memref<64x1000000xf32, #tpu.memory_space<hbm>> -> memref<64x128xf32, #tpu.memory_space<hbm>>
      tpu.enqueue_dma source(%dma_start3A_384 : memref<64x128xf32, #tpu.memory_space<hbm>>) target(%dma_start3A_382 : memref<64x128xf32, #tpu.memory_space<vmem>>) target_semaphore(%arg8 : memref<!tpu.dma_semaphore, #tpu.memory_space<semaphore_mem>>)
      %mul3A_385 = arith.constant 32 : i32
      %mul3A_386 = arith.muli %add3A_333, %mul3A_385 : i32
      %add3A_387 = arith.addi %mul3A_386, %add3A : i32
      %mul3A_388 = arith.constant 8192 : i32
      %mul3A_389 = arith.muli %add3A_387, %mul3A_388 : i32
      %dma_start3A_390 = arith.constant 16384 : i32
      %dma_start3A_391 = tpu.memref_slice %arg5[%dma_start3A_390] : memref<32768xf32, #tpu.memory_space<vmem>> -> memref<8192xf32, #tpu.memory_space<vmem>>
      %dma_start3A_392 = tpu.memref_slice %arg3[%mul3A_389] : memref<64000000xf32, #tpu.memory_space<hbm>> -> memref<8192xf32, #tpu.memory_space<hbm>>
      %dma_start3A_393 = tpu.memref_slice %arg3[%mul3A_389] : memref<64000000xf32, #tpu.memory_space<hbm>> -> memref<8192xf32, #tpu.memory_space<hbm>>
      %dma_start3A_394 = arith.constant 16384 : i32
      %dma_start3A_395 = tpu.memref_slice %arg5[%dma_start3A_394] : memref<32768xf32, #tpu.memory_space<vmem>> -> memref<8192xf32, #tpu.memory_space<vmem>>
      tpu.enqueue_dma source(%dma_start3A_395 : memref<8192xf32, #tpu.memory_space<vmem>>) target(%dma_start3A_393 : memref<8192xf32, #tpu.memory_space<hbm>>) target_semaphore(%arg12 : memref<!tpu.dma_semaphore, #tpu.memory_space<semaphore_mem>>)
      %mul3A_396 = arith.constant 4 : i32
      %mul3A_397 = arith.muli %mul3A_396, %scan3A_198 : i32
      %add3A_398 = arith.constant 3 : i32
      %add3A_399 = arith.addi %mul3A_397, %add3A_398 : i32
      %mul3A_400 = arith.constant 32 : i32
      %mul3A_401 = arith.muli %add3A_399, %mul3A_400 : i32
      %add3A_402 = arith.addi %mul3A_401, %add3A : i32
      %mul3A_403 = arith.constant 128 : i32
      %mul3A_404 = arith.muli %add3A_402, %mul3A_403 : i32
      %dma_wait3A_405 = arith.constant 192 : i32
      %dma_wait3A_406 = arith.constant 0 : i32
      %dma_wait3A_407 = tpu.memref_slice %arg4[%dma_wait3A_405, %dma_wait3A_406] : memref<256x128xf32, #tpu.memory_space<vmem>> -> memref<64x128xf32, #tpu.memory_space<vmem>>
      %dma_wait3A_408 = arith.constant 0 : i32
      %dma_wait3A_409 = tpu.memref_slice %arg2[%dma_wait3A_408, %mul3A_404] : memref<64x1000000xf32, #tpu.memory_space<hbm>> -> memref<64x128xf32, #tpu.memory_space<hbm>>
      %dma_wait3A_410 = arith.constant 192 : i32
      %dma_wait3A_411 = arith.constant 0 : i32
      %dma_wait3A_412 = tpu.memref_slice %arg4[%dma_wait3A_410, %dma_wait3A_411] : memref<256x128xf32, #tpu.memory_space<vmem>> -> memref<64x128xf32, #tpu.memory_space<vmem>>
      %dma_wait3A_413 = arith.constant 0 : i32
      %dma_wait3A_414 = tpu.memref_slice %arg2[%dma_wait3A_413, %mul3A_404] : memref<64x1000000xf32, #tpu.memory_space<hbm>> -> memref<64x128xf32, #tpu.memory_space<hbm>>
      tpu.wait_dma2 semaphore(%arg9 : memref<!tpu.dma_semaphore, #tpu.memory_space<semaphore_mem>>) src(%dma_wait3A_414 : memref<64x128xf32, #tpu.memory_space<hbm>>) dst(%dma_wait3A_412 : memref<64x128xf32, #tpu.memory_space<vmem>>)
      %mul3A_415 = arith.constant 32 : i32
      %mul3A_416 = arith.muli %add3A_399, %mul3A_415 : i32
      %add3A_417 = arith.addi %mul3A_416, %add3A : i32
      %mul3A_418 = arith.constant 8192 : i32
      %mul3A_419 = arith.muli %add3A_417, %mul3A_418 : i32
      %dma_wait3A_420 = arith.constant 24576 : i32
      %dma_wait3A_421 = tpu.memref_slice %arg5[%dma_wait3A_420] : memref<32768xf32, #tpu.memory_space<vmem>> -> memref<8192xf32, #tpu.memory_space<vmem>>
      %dma_wait3A_422 = tpu.memref_slice %arg3[%mul3A_419] : memref<64000000xf32, #tpu.memory_space<hbm>> -> memref<8192xf32, #tpu.memory_space<hbm>>
      %dma_wait3A_423 = tpu.memref_slice %arg3[%mul3A_419] : memref<64000000xf32, #tpu.memory_space<hbm>> -> memref<8192xf32, #tpu.memory_space<hbm>>
      %dma_wait3A_424 = arith.constant 24576 : i32
      %dma_wait3A_425 = tpu.memref_slice %arg5[%dma_wait3A_424] : memref<32768xf32, #tpu.memory_space<vmem>> -> memref<8192xf32, #tpu.memory_space<vmem>>
      tpu.wait_dma2 semaphore(%arg13 : memref<!tpu.dma_semaphore, #tpu.memory_space<semaphore_mem>>) src(%dma_wait3A_425 : memref<8192xf32, #tpu.memory_space<vmem>>) dst(%dma_wait3A_423 : memref<8192xf32, #tpu.memory_space<hbm>>)
      %scan3A_426 = arith.constant 0 : i32
      %scan3A_427 = arith.constant 0 : i32
      %scan3A_428 = arith.constant 16 : i32
      %scan3A_429 = arith.addi %scan3A_427, %scan3A_428 : i32
      %scan3A_430 = arith.constant 1 : i32
      scf.for %scan3A_462 = %scan3A_427 to %scan3A_429 step %scan3A_430  : i32 {
        %add3A_463 = vector.broadcast %scan3A_462 : i32 to vector<16xi32>
        %add3A_464 = arith.addi %iota3A, %add3A_463 : vector<16xi32>
        %and3A = arith.constant 15 : i32
        %and3A_465 = vector.broadcast %and3A : i32 to vector<16xi32>
        %and3A_466 = arith.andi %add3A_464, %and3A_465 : vector<16xi32>
        %shift_left3A = arith.constant 6 : i32
        %shift_left3A_467 = vector.broadcast %shift_left3A : i32 to vector<16xi32>
        %shift_left3A_468 = arith.shli %and3A_466, %shift_left3A_467 : vector<16xi32>
        %add3A_469 = arith.addi %shift_left3A_468, %iota3A : vector<16xi32>
        %add3A_470 = arith.constant 0 : i32
        %add3A_471 = vector.broadcast %add3A_470 : i32 to vector<16xi32>
        %add3A_472 = arith.addi %iota3A, %add3A_471 : vector<16xi32>
        %add3A_473 = arith.constant 0 : i32
        %add3A_474 = vector.broadcast %add3A_473 : i32 to vector<16xi32>
        %add3A_475 = arith.addi %and3A_466, %add3A_474 : vector<16xi32>
        %gather3A = arith.constant 192 : i32
        %gather3A_476 = arith.constant 0 : i32
        %gather3A_477 = tpu.memref_slice %arg4[%gather3A, %gather3A_476] : memref<256x128xf32, #tpu.memory_space<vmem>> -> memref<64x128xf32, #tpu.memory_space<vmem>>
        %gather3A_478 = tpu.vector_load_idx %gather3A_477[%add3A_472, %add3A_475] : memref<64x128xf32, #tpu.memory_space<vmem>>[vector<16xi32>, vector<16xi32>], vector<16xf32>,
        %add3A_479 = arith.constant 0 : i32
        %add3A_480 = vector.broadcast %add3A_479 : i32 to vector<16xi32>
        %add3A_481 = arith.addi %iota3A, %add3A_480 : vector<16xi32>
        %add3A_482 = arith.constant 16 : i32
        %add3A_483 = vector.broadcast %add3A_482 : i32 to vector<16xi32>
        %add3A_484 = arith.addi %and3A_466, %add3A_483 : vector<16xi32>
        %gather3A_485 = arith.constant 192 : i32
        %gather3A_486 = arith.constant 0 : i32
        %gather3A_487 = tpu.memref_slice %arg4[%gather3A_485, %gather3A_486] : memref<256x128xf32, #tpu.memory_space<vmem>> -> memref<64x128xf32, #tpu.memory_space<vmem>>
        %gather3A_488 = tpu.vector_load_idx %gather3A_487[%add3A_481, %add3A_484] : memref<64x128xf32, #tpu.memory_space<vmem>>[vector<16xi32>, vector<16xi32>], vector<16xf32>,
        %add3A_489 = arith.constant 0 : i32
        %add3A_490 = vector.broadcast %add3A_489 : i32 to vector<16xi32>
        %add3A_491 = arith.addi %iota3A, %add3A_490 : vector<16xi32>
        %add3A_492 = arith.constant 32 : i32
        %add3A_493 = vector.broadcast %add3A_492 : i32 to vector<16xi32>
        %add3A_494 = arith.addi %and3A_466, %add3A_493 : vector<16xi32>
        %gather3A_495 = arith.constant 192 : i32
        %gather3A_496 = arith.constant 0 : i32
        %gather3A_497 = tpu.memref_slice %arg4[%gather3A_495, %gather3A_496] : memref<256x128xf32, #tpu.memory_space<vmem>> -> memref<64x128xf32, #tpu.memory_space<vmem>>
        %gather3A_498 = tpu.vector_load_idx %gather3A_497[%add3A_491, %add3A_494] : memref<64x128xf32, #tpu.memory_space<vmem>>[vector<16xi32>, vector<16xi32>], vector<16xf32>,
        %add3A_499 = arith.constant 0 : i32
        %add3A_500 = vector.broadcast %add3A_499 : i32 to vector<16xi32>
        %add3A_501 = arith.addi %iota3A, %add3A_500 : vector<16xi32>
        %add3A_502 = arith.constant 48 : i32
        %add3A_503 = vector.broadcast %add3A_502 : i32 to vector<16xi32>
        %add3A_504 = arith.addi %and3A_466, %add3A_503 : vector<16xi32>
        %gather3A_505 = arith.constant 192 : i32
        %gather3A_506 = arith.constant 0 : i32
        %gather3A_507 = tpu.memref_slice %arg4[%gather3A_505, %gather3A_506] : memref<256x128xf32, #tpu.memory_space<vmem>> -> memref<64x128xf32, #tpu.memory_space<vmem>>
        %gather3A_508 = tpu.vector_load_idx %gather3A_507[%add3A_501, %add3A_504] : memref<64x128xf32, #tpu.memory_space<vmem>>[vector<16xi32>, vector<16xi32>], vector<16xf32>,
        %add3A_509 = arith.constant 0 : i32
        %add3A_510 = vector.broadcast %add3A_509 : i32 to vector<16xi32>
        %add3A_511 = arith.addi %iota3A, %add3A_510 : vector<16xi32>
        %add3A_512 = arith.constant 64 : i32
        %add3A_513 = vector.broadcast %add3A_512 : i32 to vector<16xi32>
        %add3A_514 = arith.addi %and3A_466, %add3A_513 : vector<16xi32>
        %gather3A_515 = arith.constant 192 : i32
        %gather3A_516 = arith.constant 0 : i32
        %gather3A_517 = tpu.memref_slice %arg4[%gather3A_515, %gather3A_516] : memref<256x128xf32, #tpu.memory_space<vmem>> -> memref<64x128xf32, #tpu.memory_space<vmem>>
        %gather3A_518 = tpu.vector_load_idx %gather3A_517[%add3A_511, %add3A_514] : memref<64x128xf32, #tpu.memory_space<vmem>>[vector<16xi32>, vector<16xi32>], vector<16xf32>,
        %add3A_519 = arith.constant 0 : i32
        %add3A_520 = vector.broadcast %add3A_519 : i32 to vector<16xi32>
        %add3A_521 = arith.addi %iota3A, %add3A_520 : vector<16xi32>
        %add3A_522 = arith.constant 80 : i32
        %add3A_523 = vector.broadcast %add3A_522 : i32 to vector<16xi32>
        %add3A_524 = arith.addi %and3A_466, %add3A_523 : vector<16xi32>
        %gather3A_525 = arith.constant 192 : i32
        %gather3A_526 = arith.constant 0 : i32
        %gather3A_527 = tpu.memref_slice %arg4[%gather3A_525, %gather3A_526] : memref<256x128xf32, #tpu.memory_space<vmem>> -> memref<64x128xf32, #tpu.memory_space<vmem>>
        %gather3A_528 = tpu.vector_load_idx %gather3A_527[%add3A_521, %add3A_524] : memref<64x128xf32, #tpu.memory_space<vmem>>[vector<16xi32>, vector<16xi32>], vector<16xf32>,
        %add3A_529 = arith.constant 0 : i32
        %add3A_530 = vector.broadcast %add3A_529 : i32 to vector<16xi32>
        %add3A_531 = arith.addi %iota3A, %add3A_530 : vector<16xi32>
        %add3A_532 = arith.constant 96 : i32
        %add3A_533 = vector.broadcast %add3A_532 : i32 to vector<16xi32>
        %add3A_534 = arith.addi %and3A_466, %add3A_533 : vector<16xi32>
        %gather3A_535 = arith.constant 192 : i32
        %gather3A_536 = arith.constant 0 : i32
        %gather3A_537 = tpu.memref_slice %arg4[%gather3A_535, %gather3A_536] : memref<256x128xf32, #tpu.memory_space<vmem>> -> memref<64x128xf32, #tpu.memory_space<vmem>>
        %gather3A_538 = tpu.vector_load_idx %gather3A_537[%add3A_531, %add3A_534] : memref<64x128xf32, #tpu.memory_space<vmem>>[vector<16xi32>, vector<16xi32>], vector<16xf32>,
        %add3A_539 = arith.constant 0 : i32
        %add3A_540 = vector.broadcast %add3A_539 : i32 to vector<16xi32>
        %add3A_541 = arith.addi %iota3A, %add3A_540 : vector<16xi32>
        %add3A_542 = arith.constant 112 : i32
        %add3A_543 = vector.broadcast %add3A_542 : i32 to vector<16xi32>
        %add3A_544 = arith.addi %and3A_466, %add3A_543 : vector<16xi32>
        %gather3A_545 = arith.constant 192 : i32
        %gather3A_546 = arith.constant 0 : i32
        %gather3A_547 = tpu.memref_slice %arg4[%gather3A_545, %gather3A_546] : memref<256x128xf32, #tpu.memory_space<vmem>> -> memref<64x128xf32, #tpu.memory_space<vmem>>
        %gather3A_548 = tpu.vector_load_idx %gather3A_547[%add3A_541, %add3A_544] : memref<64x128xf32, #tpu.memory_space<vmem>>[vector<16xi32>, vector<16xi32>], vector<16xf32>,
        %add3A_549 = arith.constant 16 : i32
        %add3A_550 = vector.broadcast %add3A_549 : i32 to vector<16xi32>
        %add3A_551 = arith.addi %iota3A, %add3A_550 : vector<16xi32>
        %add3A_552 = arith.constant 0 : i32
        %add3A_553 = vector.broadcast %add3A_552 : i32 to vector<16xi32>
        %add3A_554 = arith.addi %and3A_466, %add3A_553 : vector<16xi32>
        %gather3A_555 = arith.constant 192 : i32
        %gather3A_556 = arith.constant 0 : i32
        %gather3A_557 = tpu.memref_slice %arg4[%gather3A_555, %gather3A_556] : memref<256x128xf32, #tpu.memory_space<vmem>> -> memref<64x128xf32, #tpu.memory_space<vmem>>
        %gather3A_558 = tpu.vector_load_idx %gather3A_557[%add3A_551, %add3A_554] : memref<64x128xf32, #tpu.memory_space<vmem>>[vector<16xi32>, vector<16xi32>], vector<16xf32>,
        %add3A_559 = arith.constant 0 : i32
        %add3A_560 = vector.broadcast %add3A_559 : i32 to vector<16xi32>
        %add3A_561 = arith.addi %add3A_469, %add3A_560 : vector<16xi32>
        %scatter3A = arith.constant 24576 : i32
        %scatter3A_562 = tpu.memref_slice %arg5[%scatter3A] : memref<32768xf32, #tpu.memory_space<vmem>> -> memref<8192xf32, #tpu.memory_space<vmem>>
        tpu.vector_store_idx %scatter3A_562[%add3A_561], %gather3A_478 : memref<8192xf32, #tpu.memory_space<vmem>>[vector<16xi32>], vector<16xf32>,
        %add3A_563 = arith.constant 16 : i32
        %add3A_564 = vector.broadcast %add3A_563 : i32 to vector<16xi32>
        %add3A_565 = arith.addi %iota3A, %add3A_564 : vector<16xi32>
        %add3A_566 = arith.constant 16 : i32
        %add3A_567 = vector.broadcast %add3A_566 : i32 to vector<16xi32>
        %add3A_568 = arith.addi %and3A_466, %add3A_567 : vector<16xi32>
        %gather3A_569 = arith.constant 192 : i32
        %gather3A_570 = arith.constant 0 : i32
        %gather3A_571 = tpu.memref_slice %arg4[%gather3A_569, %gather3A_570] : memref<256x128xf32, #tpu.memory_space<vmem>> -> memref<64x128xf32, #tpu.memory_space<vmem>>
        %gather3A_572 = tpu.vector_load_idx %gather3A_571[%add3A_565, %add3A_568] : memref<64x128xf32, #tpu.memory_space<vmem>>[vector<16xi32>, vector<16xi32>], vector<16xf32>,
        %add3A_573 = arith.constant 1024 : i32
        %add3A_574 = vector.broadcast %add3A_573 : i32 to vector<16xi32>
        %add3A_575 = arith.addi %add3A_469, %add3A_574 : vector<16xi32>
        %scatter3A_576 = arith.constant 24576 : i32
        %scatter3A_577 = tpu.memref_slice %arg5[%scatter3A_576] : memref<32768xf32, #tpu.memory_space<vmem>> -> memref<8192xf32, #tpu.memory_space<vmem>>
        tpu.vector_store_idx %scatter3A_577[%add3A_575], %gather3A_488 : memref<8192xf32, #tpu.memory_space<vmem>>[vector<16xi32>], vector<16xf32>,
        %add3A_578 = arith.constant 16 : i32
        %add3A_579 = vector.broadcast %add3A_578 : i32 to vector<16xi32>
        %add3A_580 = arith.addi %iota3A, %add3A_579 : vector<16xi32>
        %add3A_581 = arith.constant 32 : i32
        %add3A_582 = vector.broadcast %add3A_581 : i32 to vector<16xi32>
        %add3A_583 = arith.addi %and3A_466, %add3A_582 : vector<16xi32>
        %gather3A_584 = arith.constant 192 : i32
        %gather3A_585 = arith.constant 0 : i32
        %gather3A_586 = tpu.memref_slice %arg4[%gather3A_584, %gather3A_585] : memref<256x128xf32, #tpu.memory_space<vmem>> -> memref<64x128xf32, #tpu.memory_space<vmem>>
        %gather3A_587 = tpu.vector_load_idx %gather3A_586[%add3A_580, %add3A_583] : memref<64x128xf32, #tpu.memory_space<vmem>>[vector<16xi32>, vector<16xi32>], vector<16xf32>,
        %add3A_588 = arith.constant 2048 : i32
        %add3A_589 = vector.broadcast %add3A_588 : i32 to vector<16xi32>
        %add3A_590 = arith.addi %add3A_469, %add3A_589 : vector<16xi32>
        %scatter3A_591 = arith.constant 24576 : i32
        %scatter3A_592 = tpu.memref_slice %arg5[%scatter3A_591] : memref<32768xf32, #tpu.memory_space<vmem>> -> memref<8192xf32, #tpu.memory_space<vmem>>
        tpu.vector_store_idx %scatter3A_592[%add3A_590], %gather3A_498 : memref<8192xf32, #tpu.memory_space<vmem>>[vector<16xi32>], vector<16xf32>,
        %add3A_593 = arith.constant 16 : i32
        %add3A_594 = vector.broadcast %add3A_593 : i32 to vector<16xi32>
        %add3A_595 = arith.addi %iota3A, %add3A_594 : vector<16xi32>
        %add3A_596 = arith.constant 48 : i32
        %add3A_597 = vector.broadcast %add3A_596 : i32 to vector<16xi32>
        %add3A_598 = arith.addi %and3A_466, %add3A_597 : vector<16xi32>
        %gather3A_599 = arith.constant 192 : i32
        %gather3A_600 = arith.constant 0 : i32
        %gather3A_601 = tpu.memref_slice %arg4[%gather3A_599, %gather3A_600] : memref<256x128xf32, #tpu.memory_space<vmem>> -> memref<64x128xf32, #tpu.memory_space<vmem>>
        %gather3A_602 = tpu.vector_load_idx %gather3A_601[%add3A_595, %add3A_598] : memref<64x128xf32, #tpu.memory_space<vmem>>[vector<16xi32>, vector<16xi32>], vector<16xf32>,
        %add3A_603 = arith.constant 3072 : i32
        %add3A_604 = vector.broadcast %add3A_603 : i32 to vector<16xi32>
        %add3A_605 = arith.addi %add3A_469, %add3A_604 : vector<16xi32>
        %scatter3A_606 = arith.constant 24576 : i32
        %scatter3A_607 = tpu.memref_slice %arg5[%scatter3A_606] : memref<32768xf32, #tpu.memory_space<vmem>> -> memref<8192xf32, #tpu.memory_space<vmem>>
        tpu.vector_store_idx %scatter3A_607[%add3A_605], %gather3A_508 : memref<8192xf32, #tpu.memory_space<vmem>>[vector<16xi32>], vector<16xf32>,
        %add3A_608 = arith.constant 16 : i32
        %add3A_609 = vector.broadcast %add3A_608 : i32 to vector<16xi32>
        %add3A_610 = arith.addi %iota3A, %add3A_609 : vector<16xi32>
        %add3A_611 = arith.constant 64 : i32
        %add3A_612 = vector.broadcast %add3A_611 : i32 to vector<16xi32>
        %add3A_613 = arith.addi %and3A_466, %add3A_612 : vector<16xi32>
        %gather3A_614 = arith.constant 192 : i32
        %gather3A_615 = arith.constant 0 : i32
        %gather3A_616 = tpu.memref_slice %arg4[%gather3A_614, %gather3A_615] : memref<256x128xf32, #tpu.memory_space<vmem>> -> memref<64x128xf32, #tpu.memory_space<vmem>>
        %gather3A_617 = tpu.vector_load_idx %gather3A_616[%add3A_610, %add3A_613] : memref<64x128xf32, #tpu.memory_space<vmem>>[vector<16xi32>, vector<16xi32>], vector<16xf32>,
        %add3A_618 = arith.constant 4096 : i32
        %add3A_619 = vector.broadcast %add3A_618 : i32 to vector<16xi32>
        %add3A_620 = arith.addi %add3A_469, %add3A_619 : vector<16xi32>
        %scatter3A_621 = arith.constant 24576 : i32
        %scatter3A_622 = tpu.memref_slice %arg5[%scatter3A_621] : memref<32768xf32, #tpu.memory_space<vmem>> -> memref<8192xf32, #tpu.memory_space<vmem>>
        tpu.vector_store_idx %scatter3A_622[%add3A_620], %gather3A_518 : memref<8192xf32, #tpu.memory_space<vmem>>[vector<16xi32>], vector<16xf32>,
        %add3A_623 = arith.constant 16 : i32
        %add3A_624 = vector.broadcast %add3A_623 : i32 to vector<16xi32>
        %add3A_625 = arith.addi %iota3A, %add3A_624 : vector<16xi32>
        %add3A_626 = arith.constant 80 : i32
        %add3A_627 = vector.broadcast %add3A_626 : i32 to vector<16xi32>
        %add3A_628 = arith.addi %and3A_466, %add3A_627 : vector<16xi32>
        %gather3A_629 = arith.constant 192 : i32
        %gather3A_630 = arith.constant 0 : i32
        %gather3A_631 = tpu.memref_slice %arg4[%gather3A_629, %gather3A_630] : memref<256x128xf32, #tpu.memory_space<vmem>> -> memref<64x128xf32, #tpu.memory_space<vmem>>
        %gather3A_632 = tpu.vector_load_idx %gather3A_631[%add3A_625, %add3A_628] : memref<64x128xf32, #tpu.memory_space<vmem>>[vector<16xi32>, vector<16xi32>], vector<16xf32>,
        %add3A_633 = arith.constant 5120 : i32
        %add3A_634 = vector.broadcast %add3A_633 : i32 to vector<16xi32>
        %add3A_635 = arith.addi %add3A_469, %add3A_634 : vector<16xi32>
        %scatter3A_636 = arith.constant 24576 : i32
        %scatter3A_637 = tpu.memref_slice %arg5[%scatter3A_636] : memref<32768xf32, #tpu.memory_space<vmem>> -> memref<8192xf32, #tpu.memory_space<vmem>>
        tpu.vector_store_idx %scatter3A_637[%add3A_635], %gather3A_528 : memref<8192xf32, #tpu.memory_space<vmem>>[vector<16xi32>], vector<16xf32>,
        %add3A_638 = arith.constant 16 : i32
        %add3A_639 = vector.broadcast %add3A_638 : i32 to vector<16xi32>
        %add3A_640 = arith.addi %iota3A, %add3A_639 : vector<16xi32>
        %add3A_641 = arith.constant 96 : i32
        %add3A_642 = vector.broadcast %add3A_641 : i32 to vector<16xi32>
        %add3A_643 = arith.addi %and3A_466, %add3A_642 : vector<16xi32>
        %gather3A_644 = arith.constant 192 : i32
        %gather3A_645 = arith.constant 0 : i32
        %gather3A_646 = tpu.memref_slice %arg4[%gather3A_644, %gather3A_645] : memref<256x128xf32, #tpu.memory_space<vmem>> -> memref<64x128xf32, #tpu.memory_space<vmem>>
        %gather3A_647 = tpu.vector_load_idx %gather3A_646[%add3A_640, %add3A_643] : memref<64x128xf32, #tpu.memory_space<vmem>>[vector<16xi32>, vector<16xi32>], vector<16xf32>,
        %add3A_648 = arith.constant 6144 : i32
        %add3A_649 = vector.broadcast %add3A_648 : i32 to vector<16xi32>
        %add3A_650 = arith.addi %add3A_469, %add3A_649 : vector<16xi32>
        %scatter3A_651 = arith.constant 24576 : i32
        %scatter3A_652 = tpu.memref_slice %arg5[%scatter3A_651] : memref<32768xf32, #tpu.memory_space<vmem>> -> memref<8192xf32, #tpu.memory_space<vmem>>
        tpu.vector_store_idx %scatter3A_652[%add3A_650], %gather3A_538 : memref<8192xf32, #tpu.memory_space<vmem>>[vector<16xi32>], vector<16xf32>,
        %add3A_653 = arith.constant 16 : i32
        %add3A_654 = vector.broadcast %add3A_653 : i32 to vector<16xi32>
        %add3A_655 = arith.addi %iota3A, %add3A_654 : vector<16xi32>
        %add3A_656 = arith.constant 112 : i32
        %add3A_657 = vector.broadcast %add3A_656 : i32 to vector<16xi32>
        %add3A_658 = arith.addi %and3A_466, %add3A_657 : vector<16xi32>
        %gather3A_659 = arith.constant 192 : i32
        %gather3A_660 = arith.constant 0 : i32
        %gather3A_661 = tpu.memref_slice %arg4[%gather3A_659, %gather3A_660] : memref<256x128xf32, #tpu.memory_space<vmem>> -> memref<64x128xf32, #tpu.memory_space<vmem>>
        %gather3A_662 = tpu.vector_load_idx %gather3A_661[%add3A_655, %add3A_658] : memref<64x128xf32, #tpu.memory_space<vmem>>[vector<16xi32>, vector<16xi32>], vector<16xf32>,
        %add3A_663 = arith.constant 7168 : i32
        %add3A_664 = vector.broadcast %add3A_663 : i32 to vector<16xi32>
        %add3A_665 = arith.addi %add3A_469, %add3A_664 : vector<16xi32>
        %scatter3A_666 = arith.constant 24576 : i32
        %scatter3A_667 = tpu.memref_slice %arg5[%scatter3A_666] : memref<32768xf32, #tpu.memory_space<vmem>> -> memref<8192xf32, #tpu.memory_space<vmem>>
        tpu.vector_store_idx %scatter3A_667[%add3A_665], %gather3A_548 : memref<8192xf32, #tpu.memory_space<vmem>>[vector<16xi32>], vector<16xf32>,
        %add3A_668 = arith.constant 32 : i32
        %add3A_669 = vector.broadcast %add3A_668 : i32 to vector<16xi32>
        %add3A_670 = arith.addi %iota3A, %add3A_669 : vector<16xi32>
        %add3A_671 = arith.constant 0 : i32
        %add3A_672 = vector.broadcast %add3A_671 : i32 to vector<16xi32>
        %add3A_673 = arith.addi %and3A_466, %add3A_672 : vector<16xi32>
        %gather3A_674 = arith.constant 192 : i32
        %gather3A_675 = arith.constant 0 : i32
        %gather3A_676 = tpu.memref_slice %arg4[%gather3A_674, %gather3A_675] : memref<256x128xf32, #tpu.memory_space<vmem>> -> memref<64x128xf32, #tpu.memory_space<vmem>>
        %gather3A_677 = tpu.vector_load_idx %gather3A_676[%add3A_670, %add3A_673] : memref<64x128xf32, #tpu.memory_space<vmem>>[vector<16xi32>, vector<16xi32>], vector<16xf32>,
        %add3A_678 = arith.constant 16 : i32
        %add3A_679 = vector.broadcast %add3A_678 : i32 to vector<16xi32>
        %add3A_680 = arith.addi %add3A_469, %add3A_679 : vector<16xi32>
        %scatter3A_681 = arith.constant 24576 : i32
        %scatter3A_682 = tpu.memref_slice %arg5[%scatter3A_681] : memref<32768xf32, #tpu.memory_space<vmem>> -> memref<8192xf32, #tpu.memory_space<vmem>>
        tpu.vector_store_idx %scatter3A_682[%add3A_680], %gather3A_558 : memref<8192xf32, #tpu.memory_space<vmem>>[vector<16xi32>], vector<16xf32>,
        %add3A_683 = arith.constant 32 : i32
        %add3A_684 = vector.broadcast %add3A_683 : i32 to vector<16xi32>
        %add3A_685 = arith.addi %iota3A, %add3A_684 : vector<16xi32>
        %add3A_686 = arith.constant 16 : i32
        %add3A_687 = vector.broadcast %add3A_686 : i32 to vector<16xi32>
        %add3A_688 = arith.addi %and3A_466, %add3A_687 : vector<16xi32>
        %gather3A_689 = arith.constant 192 : i32
        %gather3A_690 = arith.constant 0 : i32
        %gather3A_691 = tpu.memref_slice %arg4[%gather3A_689, %gather3A_690] : memref<256x128xf32, #tpu.memory_space<vmem>> -> memref<64x128xf32, #tpu.memory_space<vmem>>
        %gather3A_692 = tpu.vector_load_idx %gather3A_691[%add3A_685, %add3A_688] : memref<64x128xf32, #tpu.memory_space<vmem>>[vector<16xi32>, vector<16xi32>], vector<16xf32>,
        %add3A_693 = arith.constant 1040 : i32
        %add3A_694 = vector.broadcast %add3A_693 : i32 to vector<16xi32>
        %add3A_695 = arith.addi %add3A_469, %add3A_694 : vector<16xi32>
        %scatter3A_696 = arith.constant 24576 : i32
        %scatter3A_697 = tpu.memref_slice %arg5[%scatter3A_696] : memref<32768xf32, #tpu.memory_space<vmem>> -> memref<8192xf32, #tpu.memory_space<vmem>>
        tpu.vector_store_idx %scatter3A_697[%add3A_695], %gather3A_572 : memref<8192xf32, #tpu.memory_space<vmem>>[vector<16xi32>], vector<16xf32>,
        %add3A_698 = arith.constant 32 : i32
        %add3A_699 = vector.broadcast %add3A_698 : i32 to vector<16xi32>
        %add3A_700 = arith.addi %iota3A, %add3A_699 : vector<16xi32>
        %add3A_701 = arith.constant 32 : i32
        %add3A_702 = vector.broadcast %add3A_701 : i32 to vector<16xi32>
        %add3A_703 = arith.addi %and3A_466, %add3A_702 : vector<16xi32>
        %gather3A_704 = arith.constant 192 : i32
        %gather3A_705 = arith.constant 0 : i32
        %gather3A_706 = tpu.memref_slice %arg4[%gather3A_704, %gather3A_705] : memref<256x128xf32, #tpu.memory_space<vmem>> -> memref<64x128xf32, #tpu.memory_space<vmem>>
        %gather3A_707 = tpu.vector_load_idx %gather3A_706[%add3A_700, %add3A_703] : memref<64x128xf32, #tpu.memory_space<vmem>>[vector<16xi32>, vector<16xi32>], vector<16xf32>,
        %add3A_708 = arith.constant 2064 : i32
        %add3A_709 = vector.broadcast %add3A_708 : i32 to vector<16xi32>
        %add3A_710 = arith.addi %add3A_469, %add3A_709 : vector<16xi32>
        %scatter3A_711 = arith.constant 24576 : i32
        %scatter3A_712 = tpu.memref_slice %arg5[%scatter3A_711] : memref<32768xf32, #tpu.memory_space<vmem>> -> memref<8192xf32, #tpu.memory_space<vmem>>
        tpu.vector_store_idx %scatter3A_712[%add3A_710], %gather3A_587 : memref<8192xf32, #tpu.memory_space<vmem>>[vector<16xi32>], vector<16xf32>,
        %add3A_713 = arith.constant 32 : i32
        %add3A_714 = vector.broadcast %add3A_713 : i32 to vector<16xi32>
        %add3A_715 = arith.addi %iota3A, %add3A_714 : vector<16xi32>
        %add3A_716 = arith.constant 48 : i32
        %add3A_717 = vector.broadcast %add3A_716 : i32 to vector<16xi32>
        %add3A_718 = arith.addi %and3A_466, %add3A_717 : vector<16xi32>
        %gather3A_719 = arith.constant 192 : i32
        %gather3A_720 = arith.constant 0 : i32
        %gather3A_721 = tpu.memref_slice %arg4[%gather3A_719, %gather3A_720] : memref<256x128xf32, #tpu.memory_space<vmem>> -> memref<64x128xf32, #tpu.memory_space<vmem>>
        %gather3A_722 = tpu.vector_load_idx %gather3A_721[%add3A_715, %add3A_718] : memref<64x128xf32, #tpu.memory_space<vmem>>[vector<16xi32>, vector<16xi32>], vector<16xf32>,
        %add3A_723 = arith.constant 3088 : i32
        %add3A_724 = vector.broadcast %add3A_723 : i32 to vector<16xi32>
        %add3A_725 = arith.addi %add3A_469, %add3A_724 : vector<16xi32>
        %scatter3A_726 = arith.constant 24576 : i32
        %scatter3A_727 = tpu.memref_slice %arg5[%scatter3A_726] : memref<32768xf32, #tpu.memory_space<vmem>> -> memref<8192xf32, #tpu.memory_space<vmem>>
        tpu.vector_store_idx %scatter3A_727[%add3A_725], %gather3A_602 : memref<8192xf32, #tpu.memory_space<vmem>>[vector<16xi32>], vector<16xf32>,
        %add3A_728 = arith.constant 32 : i32
        %add3A_729 = vector.broadcast %add3A_728 : i32 to vector<16xi32>
        %add3A_730 = arith.addi %iota3A, %add3A_729 : vector<16xi32>
        %add3A_731 = arith.constant 64 : i32
        %add3A_732 = vector.broadcast %add3A_731 : i32 to vector<16xi32>
        %add3A_733 = arith.addi %and3A_466, %add3A_732 : vector<16xi32>
        %gather3A_734 = arith.constant 192 : i32
        %gather3A_735 = arith.constant 0 : i32
        %gather3A_736 = tpu.memref_slice %arg4[%gather3A_734, %gather3A_735] : memref<256x128xf32, #tpu.memory_space<vmem>> -> memref<64x128xf32, #tpu.memory_space<vmem>>
        %gather3A_737 = tpu.vector_load_idx %gather3A_736[%add3A_730, %add3A_733] : memref<64x128xf32, #tpu.memory_space<vmem>>[vector<16xi32>, vector<16xi32>], vector<16xf32>,
        %add3A_738 = arith.constant 4112 : i32
        %add3A_739 = vector.broadcast %add3A_738 : i32 to vector<16xi32>
        %add3A_740 = arith.addi %add3A_469, %add3A_739 : vector<16xi32>
        %scatter3A_741 = arith.constant 24576 : i32
        %scatter3A_742 = tpu.memref_slice %arg5[%scatter3A_741] : memref<32768xf32, #tpu.memory_space<vmem>> -> memref<8192xf32, #tpu.memory_space<vmem>>
        tpu.vector_store_idx %scatter3A_742[%add3A_740], %gather3A_617 : memref<8192xf32, #tpu.memory_space<vmem>>[vector<16xi32>], vector<16xf32>,
        %add3A_743 = arith.constant 32 : i32
        %add3A_744 = vector.broadcast %add3A_743 : i32 to vector<16xi32>
        %add3A_745 = arith.addi %iota3A, %add3A_744 : vector<16xi32>
        %add3A_746 = arith.constant 80 : i32
        %add3A_747 = vector.broadcast %add3A_746 : i32 to vector<16xi32>
        %add3A_748 = arith.addi %and3A_466, %add3A_747 : vector<16xi32>
        %gather3A_749 = arith.constant 192 : i32
        %gather3A_750 = arith.constant 0 : i32
        %gather3A_751 = tpu.memref_slice %arg4[%gather3A_749, %gather3A_750] : memref<256x128xf32, #tpu.memory_space<vmem>> -> memref<64x128xf32, #tpu.memory_space<vmem>>
        %gather3A_752 = tpu.vector_load_idx %gather3A_751[%add3A_745, %add3A_748] : memref<64x128xf32, #tpu.memory_space<vmem>>[vector<16xi32>, vector<16xi32>], vector<16xf32>,
        %add3A_753 = arith.constant 5136 : i32
        %add3A_754 = vector.broadcast %add3A_753 : i32 to vector<16xi32>
        %add3A_755 = arith.addi %add3A_469, %add3A_754 : vector<16xi32>
        %scatter3A_756 = arith.constant 24576 : i32
        %scatter3A_757 = tpu.memref_slice %arg5[%scatter3A_756] : memref<32768xf32, #tpu.memory_space<vmem>> -> memref<8192xf32, #tpu.memory_space<vmem>>
        tpu.vector_store_idx %scatter3A_757[%add3A_755], %gather3A_632 : memref<8192xf32, #tpu.memory_space<vmem>>[vector<16xi32>], vector<16xf32>,
        %add3A_758 = arith.constant 32 : i32
        %add3A_759 = vector.broadcast %add3A_758 : i32 to vector<16xi32>
        %add3A_760 = arith.addi %iota3A, %add3A_759 : vector<16xi32>
        %add3A_761 = arith.constant 96 : i32
        %add3A_762 = vector.broadcast %add3A_761 : i32 to vector<16xi32>
        %add3A_763 = arith.addi %and3A_466, %add3A_762 : vector<16xi32>
        %gather3A_764 = arith.constant 192 : i32
        %gather3A_765 = arith.constant 0 : i32
        %gather3A_766 = tpu.memref_slice %arg4[%gather3A_764, %gather3A_765] : memref<256x128xf32, #tpu.memory_space<vmem>> -> memref<64x128xf32, #tpu.memory_space<vmem>>
        %gather3A_767 = tpu.vector_load_idx %gather3A_766[%add3A_760, %add3A_763] : memref<64x128xf32, #tpu.memory_space<vmem>>[vector<16xi32>, vector<16xi32>], vector<16xf32>,
        %add3A_768 = arith.constant 6160 : i32
        %add3A_769 = vector.broadcast %add3A_768 : i32 to vector<16xi32>
        %add3A_770 = arith.addi %add3A_469, %add3A_769 : vector<16xi32>
        %scatter3A_771 = arith.constant 24576 : i32
        %scatter3A_772 = tpu.memref_slice %arg5[%scatter3A_771] : memref<32768xf32, #tpu.memory_space<vmem>> -> memref<8192xf32, #tpu.memory_space<vmem>>
        tpu.vector_store_idx %scatter3A_772[%add3A_770], %gather3A_647 : memref<8192xf32, #tpu.memory_space<vmem>>[vector<16xi32>], vector<16xf32>,
        %add3A_773 = arith.constant 32 : i32
        %add3A_774 = vector.broadcast %add3A_773 : i32 to vector<16xi32>
        %add3A_775 = arith.addi %iota3A, %add3A_774 : vector<16xi32>
        %add3A_776 = arith.constant 112 : i32
        %add3A_777 = vector.broadcast %add3A_776 : i32 to vector<16xi32>
        %add3A_778 = arith.addi %and3A_466, %add3A_777 : vector<16xi32>
        %gather3A_779 = arith.constant 192 : i32
        %gather3A_780 = arith.constant 0 : i32
        %gather3A_781 = tpu.memref_slice %arg4[%gather3A_779, %gather3A_780] : memref<256x128xf32, #tpu.memory_space<vmem>> -> memref<64x128xf32, #tpu.memory_space<vmem>>
        %gather3A_782 = tpu.vector_load_idx %gather3A_781[%add3A_775, %add3A_778] : memref<64x128xf32, #tpu.memory_space<vmem>>[vector<16xi32>, vector<16xi32>], vector<16xf32>,
        %add3A_783 = arith.constant 7184 : i32
        %add3A_784 = vector.broadcast %add3A_783 : i32 to vector<16xi32>
        %add3A_785 = arith.addi %add3A_469, %add3A_784 : vector<16xi32>
        %scatter3A_786 = arith.constant 24576 : i32
        %scatter3A_787 = tpu.memref_slice %arg5[%scatter3A_786] : memref<32768xf32, #tpu.memory_space<vmem>> -> memref<8192xf32, #tpu.memory_space<vmem>>
        tpu.vector_store_idx %scatter3A_787[%add3A_785], %gather3A_662 : memref<8192xf32, #tpu.memory_space<vmem>>[vector<16xi32>], vector<16xf32>,
        %add3A_788 = arith.constant 48 : i32
        %add3A_789 = vector.broadcast %add3A_788 : i32 to vector<16xi32>
        %add3A_790 = arith.addi %iota3A, %add3A_789 : vector<16xi32>
        %add3A_791 = arith.constant 0 : i32
        %add3A_792 = vector.broadcast %add3A_791 : i32 to vector<16xi32>
        %add3A_793 = arith.addi %and3A_466, %add3A_792 : vector<16xi32>
        %gather3A_794 = arith.constant 192 : i32
        %gather3A_795 = arith.constant 0 : i32
        %gather3A_796 = tpu.memref_slice %arg4[%gather3A_794, %gather3A_795] : memref<256x128xf32, #tpu.memory_space<vmem>> -> memref<64x128xf32, #tpu.memory_space<vmem>>
        %gather3A_797 = tpu.vector_load_idx %gather3A_796[%add3A_790, %add3A_793] : memref<64x128xf32, #tpu.memory_space<vmem>>[vector<16xi32>, vector<16xi32>], vector<16xf32>,
        %add3A_798 = arith.constant 32 : i32
        %add3A_799 = vector.broadcast %add3A_798 : i32 to vector<16xi32>
        %add3A_800 = arith.addi %add3A_469, %add3A_799 : vector<16xi32>
        %scatter3A_801 = arith.constant 24576 : i32
        %scatter3A_802 = tpu.memref_slice %arg5[%scatter3A_801] : memref<32768xf32, #tpu.memory_space<vmem>> -> memref<8192xf32, #tpu.memory_space<vmem>>
        tpu.vector_store_idx %scatter3A_802[%add3A_800], %gather3A_677 : memref<8192xf32, #tpu.memory_space<vmem>>[vector<16xi32>], vector<16xf32>,
        %add3A_803 = arith.constant 48 : i32
        %add3A_804 = vector.broadcast %add3A_803 : i32 to vector<16xi32>
        %add3A_805 = arith.addi %iota3A, %add3A_804 : vector<16xi32>
        %add3A_806 = arith.constant 16 : i32
        %add3A_807 = vector.broadcast %add3A_806 : i32 to vector<16xi32>
        %add3A_808 = arith.addi %and3A_466, %add3A_807 : vector<16xi32>
        %gather3A_809 = arith.constant 192 : i32
        %gather3A_810 = arith.constant 0 : i32
        %gather3A_811 = tpu.memref_slice %arg4[%gather3A_809, %gather3A_810] : memref<256x128xf32, #tpu.memory_space<vmem>> -> memref<64x128xf32, #tpu.memory_space<vmem>>
        %gather3A_812 = tpu.vector_load_idx %gather3A_811[%add3A_805, %add3A_808] : memref<64x128xf32, #tpu.memory_space<vmem>>[vector<16xi32>, vector<16xi32>], vector<16xf32>,
        %add3A_813 = arith.constant 1056 : i32
        %add3A_814 = vector.broadcast %add3A_813 : i32 to vector<16xi32>
        %add3A_815 = arith.addi %add3A_469, %add3A_814 : vector<16xi32>
        %scatter3A_816 = arith.constant 24576 : i32
        %scatter3A_817 = tpu.memref_slice %arg5[%scatter3A_816] : memref<32768xf32, #tpu.memory_space<vmem>> -> memref<8192xf32, #tpu.memory_space<vmem>>
        tpu.vector_store_idx %scatter3A_817[%add3A_815], %gather3A_692 : memref<8192xf32, #tpu.memory_space<vmem>>[vector<16xi32>], vector<16xf32>,
        %add3A_818 = arith.constant 48 : i32
        %add3A_819 = vector.broadcast %add3A_818 : i32 to vector<16xi32>
        %add3A_820 = arith.addi %iota3A, %add3A_819 : vector<16xi32>
        %add3A_821 = arith.constant 32 : i32
        %add3A_822 = vector.broadcast %add3A_821 : i32 to vector<16xi32>
        %add3A_823 = arith.addi %and3A_466, %add3A_822 : vector<16xi32>
        %gather3A_824 = arith.constant 192 : i32
        %gather3A_825 = arith.constant 0 : i32
        %gather3A_826 = tpu.memref_slice %arg4[%gather3A_824, %gather3A_825] : memref<256x128xf32, #tpu.memory_space<vmem>> -> memref<64x128xf32, #tpu.memory_space<vmem>>
        %gather3A_827 = tpu.vector_load_idx %gather3A_826[%add3A_820, %add3A_823] : memref<64x128xf32, #tpu.memory_space<vmem>>[vector<16xi32>, vector<16xi32>], vector<16xf32>,
        %add3A_828 = arith.constant 2080 : i32
        %add3A_829 = vector.broadcast %add3A_828 : i32 to vector<16xi32>
        %add3A_830 = arith.addi %add3A_469, %add3A_829 : vector<16xi32>
        %scatter3A_831 = arith.constant 24576 : i32
        %scatter3A_832 = tpu.memref_slice %arg5[%scatter3A_831] : memref<32768xf32, #tpu.memory_space<vmem>> -> memref<8192xf32, #tpu.memory_space<vmem>>
        tpu.vector_store_idx %scatter3A_832[%add3A_830], %gather3A_707 : memref<8192xf32, #tpu.memory_space<vmem>>[vector<16xi32>], vector<16xf32>,
        %add3A_833 = arith.constant 48 : i32
        %add3A_834 = vector.broadcast %add3A_833 : i32 to vector<16xi32>
        %add3A_835 = arith.addi %iota3A, %add3A_834 : vector<16xi32>
        %add3A_836 = arith.constant 48 : i32
        %add3A_837 = vector.broadcast %add3A_836 : i32 to vector<16xi32>
        %add3A_838 = arith.addi %and3A_466, %add3A_837 : vector<16xi32>
        %gather3A_839 = arith.constant 192 : i32
        %gather3A_840 = arith.constant 0 : i32
        %gather3A_841 = tpu.memref_slice %arg4[%gather3A_839, %gather3A_840] : memref<256x128xf32, #tpu.memory_space<vmem>> -> memref<64x128xf32, #tpu.memory_space<vmem>>
        %gather3A_842 = tpu.vector_load_idx %gather3A_841[%add3A_835, %add3A_838] : memref<64x128xf32, #tpu.memory_space<vmem>>[vector<16xi32>, vector<16xi32>], vector<16xf32>,
        %add3A_843 = arith.constant 3104 : i32
        %add3A_844 = vector.broadcast %add3A_843 : i32 to vector<16xi32>
        %add3A_845 = arith.addi %add3A_469, %add3A_844 : vector<16xi32>
        %scatter3A_846 = arith.constant 24576 : i32
        %scatter3A_847 = tpu.memref_slice %arg5[%scatter3A_846] : memref<32768xf32, #tpu.memory_space<vmem>> -> memref<8192xf32, #tpu.memory_space<vmem>>
        tpu.vector_store_idx %scatter3A_847[%add3A_845], %gather3A_722 : memref<8192xf32, #tpu.memory_space<vmem>>[vector<16xi32>], vector<16xf32>,
        %add3A_848 = arith.constant 48 : i32
        %add3A_849 = vector.broadcast %add3A_848 : i32 to vector<16xi32>
        %add3A_850 = arith.addi %iota3A, %add3A_849 : vector<16xi32>
        %add3A_851 = arith.constant 64 : i32
        %add3A_852 = vector.broadcast %add3A_851 : i32 to vector<16xi32>
        %add3A_853 = arith.addi %and3A_466, %add3A_852 : vector<16xi32>
        %gather3A_854 = arith.constant 192 : i32
        %gather3A_855 = arith.constant 0 : i32
        %gather3A_856 = tpu.memref_slice %arg4[%gather3A_854, %gather3A_855] : memref<256x128xf32, #tpu.memory_space<vmem>> -> memref<64x128xf32, #tpu.memory_space<vmem>>
        %gather3A_857 = tpu.vector_load_idx %gather3A_856[%add3A_850, %add3A_853] : memref<64x128xf32, #tpu.memory_space<vmem>>[vector<16xi32>, vector<16xi32>], vector<16xf32>,
        %add3A_858 = arith.constant 4128 : i32
        %add3A_859 = vector.broadcast %add3A_858 : i32 to vector<16xi32>
        %add3A_860 = arith.addi %add3A_469, %add3A_859 : vector<16xi32>
        %scatter3A_861 = arith.constant 24576 : i32
        %scatter3A_862 = tpu.memref_slice %arg5[%scatter3A_861] : memref<32768xf32, #tpu.memory_space<vmem>> -> memref<8192xf32, #tpu.memory_space<vmem>>
        tpu.vector_store_idx %scatter3A_862[%add3A_860], %gather3A_737 : memref<8192xf32, #tpu.memory_space<vmem>>[vector<16xi32>], vector<16xf32>,
        %add3A_863 = arith.constant 48 : i32
        %add3A_864 = vector.broadcast %add3A_863 : i32 to vector<16xi32>
        %add3A_865 = arith.addi %iota3A, %add3A_864 : vector<16xi32>
        %add3A_866 = arith.constant 80 : i32
        %add3A_867 = vector.broadcast %add3A_866 : i32 to vector<16xi32>
        %add3A_868 = arith.addi %and3A_466, %add3A_867 : vector<16xi32>
        %gather3A_869 = arith.constant 192 : i32
        %gather3A_870 = arith.constant 0 : i32
        %gather3A_871 = tpu.memref_slice %arg4[%gather3A_869, %gather3A_870] : memref<256x128xf32, #tpu.memory_space<vmem>> -> memref<64x128xf32, #tpu.memory_space<vmem>>
        %gather3A_872 = tpu.vector_load_idx %gather3A_871[%add3A_865, %add3A_868] : memref<64x128xf32, #tpu.memory_space<vmem>>[vector<16xi32>, vector<16xi32>], vector<16xf32>,
        %add3A_873 = arith.constant 5152 : i32
        %add3A_874 = vector.broadcast %add3A_873 : i32 to vector<16xi32>
        %add3A_875 = arith.addi %add3A_469, %add3A_874 : vector<16xi32>
        %scatter3A_876 = arith.constant 24576 : i32
        %scatter3A_877 = tpu.memref_slice %arg5[%scatter3A_876] : memref<32768xf32, #tpu.memory_space<vmem>> -> memref<8192xf32, #tpu.memory_space<vmem>>
        tpu.vector_store_idx %scatter3A_877[%add3A_875], %gather3A_752 : memref<8192xf32, #tpu.memory_space<vmem>>[vector<16xi32>], vector<16xf32>,
        %add3A_878 = arith.constant 48 : i32
        %add3A_879 = vector.broadcast %add3A_878 : i32 to vector<16xi32>
        %add3A_880 = arith.addi %iota3A, %add3A_879 : vector<16xi32>
        %add3A_881 = arith.constant 96 : i32
        %add3A_882 = vector.broadcast %add3A_881 : i32 to vector<16xi32>
        %add3A_883 = arith.addi %and3A_466, %add3A_882 : vector<16xi32>
        %gather3A_884 = arith.constant 192 : i32
        %gather3A_885 = arith.constant 0 : i32
        %gather3A_886 = tpu.memref_slice %arg4[%gather3A_884, %gather3A_885] : memref<256x128xf32, #tpu.memory_space<vmem>> -> memref<64x128xf32, #tpu.memory_space<vmem>>
        %gather3A_887 = tpu.vector_load_idx %gather3A_886[%add3A_880, %add3A_883] : memref<64x128xf32, #tpu.memory_space<vmem>>[vector<16xi32>, vector<16xi32>], vector<16xf32>,
        %add3A_888 = arith.constant 6176 : i32
        %add3A_889 = vector.broadcast %add3A_888 : i32 to vector<16xi32>
        %add3A_890 = arith.addi %add3A_469, %add3A_889 : vector<16xi32>
        %scatter3A_891 = arith.constant 24576 : i32
        %scatter3A_892 = tpu.memref_slice %arg5[%scatter3A_891] : memref<32768xf32, #tpu.memory_space<vmem>> -> memref<8192xf32, #tpu.memory_space<vmem>>
        tpu.vector_store_idx %scatter3A_892[%add3A_890], %gather3A_767 : memref<8192xf32, #tpu.memory_space<vmem>>[vector<16xi32>], vector<16xf32>,
        %add3A_893 = arith.constant 48 : i32
        %add3A_894 = vector.broadcast %add3A_893 : i32 to vector<16xi32>
        %add3A_895 = arith.addi %iota3A, %add3A_894 : vector<16xi32>
        %add3A_896 = arith.constant 112 : i32
        %add3A_897 = vector.broadcast %add3A_896 : i32 to vector<16xi32>
        %add3A_898 = arith.addi %and3A_466, %add3A_897 : vector<16xi32>
        %gather3A_899 = arith.constant 192 : i32
        %gather3A_900 = arith.constant 0 : i32
        %gather3A_901 = tpu.memref_slice %arg4[%gather3A_899, %gather3A_900] : memref<256x128xf32, #tpu.memory_space<vmem>> -> memref<64x128xf32, #tpu.memory_space<vmem>>
        %gather3A_902 = tpu.vector_load_idx %gather3A_901[%add3A_895, %add3A_898] : memref<64x128xf32, #tpu.memory_space<vmem>>[vector<16xi32>, vector<16xi32>], vector<16xf32>,
        %add3A_903 = arith.constant 7200 : i32
        %add3A_904 = vector.broadcast %add3A_903 : i32 to vector<16xi32>
        %add3A_905 = arith.addi %add3A_469, %add3A_904 : vector<16xi32>
        %scatter3A_906 = arith.constant 24576 : i32
        %scatter3A_907 = tpu.memref_slice %arg5[%scatter3A_906] : memref<32768xf32, #tpu.memory_space<vmem>> -> memref<8192xf32, #tpu.memory_space<vmem>>
        tpu.vector_store_idx %scatter3A_907[%add3A_905], %gather3A_782 : memref<8192xf32, #tpu.memory_space<vmem>>[vector<16xi32>], vector<16xf32>,
        %add3A_908 = arith.constant 48 : i32
        %add3A_909 = vector.broadcast %add3A_908 : i32 to vector<16xi32>
        %add3A_910 = arith.addi %add3A_469, %add3A_909 : vector<16xi32>
        %scatter3A_911 = arith.constant 24576 : i32
        %scatter3A_912 = tpu.memref_slice %arg5[%scatter3A_911] : memref<32768xf32, #tpu.memory_space<vmem>> -> memref<8192xf32, #tpu.memory_space<vmem>>
        tpu.vector_store_idx %scatter3A_912[%add3A_910], %gather3A_797 : memref<8192xf32, #tpu.memory_space<vmem>>[vector<16xi32>], vector<16xf32>,
        %add3A_913 = arith.constant 1072 : i32
        %add3A_914 = vector.broadcast %add3A_913 : i32 to vector<16xi32>
        %add3A_915 = arith.addi %add3A_469, %add3A_914 : vector<16xi32>
        %scatter3A_916 = arith.constant 24576 : i32
        %scatter3A_917 = tpu.memref_slice %arg5[%scatter3A_916] : memref<32768xf32, #tpu.memory_space<vmem>> -> memref<8192xf32, #tpu.memory_space<vmem>>
        tpu.vector_store_idx %scatter3A_917[%add3A_915], %gather3A_812 : memref<8192xf32, #tpu.memory_space<vmem>>[vector<16xi32>], vector<16xf32>,
        %add3A_918 = arith.constant 2096 : i32
        %add3A_919 = vector.broadcast %add3A_918 : i32 to vector<16xi32>
        %add3A_920 = arith.addi %add3A_469, %add3A_919 : vector<16xi32>
        %scatter3A_921 = arith.constant 24576 : i32
        %scatter3A_922 = tpu.memref_slice %arg5[%scatter3A_921] : memref<32768xf32, #tpu.memory_space<vmem>> -> memref<8192xf32, #tpu.memory_space<vmem>>
        tpu.vector_store_idx %scatter3A_922[%add3A_920], %gather3A_827 : memref<8192xf32, #tpu.memory_space<vmem>>[vector<16xi32>], vector<16xf32>,
        %add3A_923 = arith.constant 3120 : i32
        %add3A_924 = vector.broadcast %add3A_923 : i32 to vector<16xi32>
        %add3A_925 = arith.addi %add3A_469, %add3A_924 : vector<16xi32>
        %scatter3A_926 = arith.constant 24576 : i32
        %scatter3A_927 = tpu.memref_slice %arg5[%scatter3A_926] : memref<32768xf32, #tpu.memory_space<vmem>> -> memref<8192xf32, #tpu.memory_space<vmem>>
        tpu.vector_store_idx %scatter3A_927[%add3A_925], %gather3A_842 : memref<8192xf32, #tpu.memory_space<vmem>>[vector<16xi32>], vector<16xf32>,
        %add3A_928 = arith.constant 4144 : i32
        %add3A_929 = vector.broadcast %add3A_928 : i32 to vector<16xi32>
        %add3A_930 = arith.addi %add3A_469, %add3A_929 : vector<16xi32>
        %scatter3A_931 = arith.constant 24576 : i32
        %scatter3A_932 = tpu.memref_slice %arg5[%scatter3A_931] : memref<32768xf32, #tpu.memory_space<vmem>> -> memref<8192xf32, #tpu.memory_space<vmem>>
        tpu.vector_store_idx %scatter3A_932[%add3A_930], %gather3A_857 : memref<8192xf32, #tpu.memory_space<vmem>>[vector<16xi32>], vector<16xf32>,
        %add3A_933 = arith.constant 5168 : i32
        %add3A_934 = vector.broadcast %add3A_933 : i32 to vector<16xi32>
        %add3A_935 = arith.addi %add3A_469, %add3A_934 : vector<16xi32>
        %scatter3A_936 = arith.constant 24576 : i32
        %scatter3A_937 = tpu.memref_slice %arg5[%scatter3A_936] : memref<32768xf32, #tpu.memory_space<vmem>> -> memref<8192xf32, #tpu.memory_space<vmem>>
        tpu.vector_store_idx %scatter3A_937[%add3A_935], %gather3A_872 : memref<8192xf32, #tpu.memory_space<vmem>>[vector<16xi32>], vector<16xf32>,
        %add3A_938 = arith.constant 6192 : i32
        %add3A_939 = vector.broadcast %add3A_938 : i32 to vector<16xi32>
        %add3A_940 = arith.addi %add3A_469, %add3A_939 : vector<16xi32>
        %scatter3A_941 = arith.constant 24576 : i32
        %scatter3A_942 = tpu.memref_slice %arg5[%scatter3A_941] : memref<32768xf32, #tpu.memory_space<vmem>> -> memref<8192xf32, #tpu.memory_space<vmem>>
        tpu.vector_store_idx %scatter3A_942[%add3A_940], %gather3A_887 : memref<8192xf32, #tpu.memory_space<vmem>>[vector<16xi32>], vector<16xf32>,
        %add3A_943 = arith.constant 7216 : i32
        %add3A_944 = vector.broadcast %add3A_943 : i32 to vector<16xi32>
        %add3A_945 = arith.addi %add3A_469, %add3A_944 : vector<16xi32>
        %scatter3A_946 = arith.constant 24576 : i32
        %scatter3A_947 = tpu.memref_slice %arg5[%scatter3A_946] : memref<32768xf32, #tpu.memory_space<vmem>> -> memref<8192xf32, #tpu.memory_space<vmem>>
        tpu.vector_store_idx %scatter3A_947[%add3A_945], %gather3A_902 : memref<8192xf32, #tpu.memory_space<vmem>>[vector<16xi32>], vector<16xf32>,
      }
      %scan3A_431 = arith.constant 16 : i32
      %add3A_432 = arith.constant 4 : i32
      %add3A_433 = arith.addi %add3A_399, %add3A_432 : i32
      %min3A_434 = arith.constant 243 : i32
      %min3A_435 = arith.minsi %add3A_433, %min3A_434 : i32
      %mul3A_436 = arith.constant 32 : i32
      %mul3A_437 = arith.muli %min3A_435, %mul3A_436 : i32
      %add3A_438 = arith.addi %mul3A_437, %add3A : i32
      %mul3A_439 = arith.constant 128 : i32
      %mul3A_440 = arith.muli %add3A_438, %mul3A_439 : i32
      %dma_start3A_441 = arith.constant 192 : i32
      %dma_start3A_442 = arith.constant 0 : i32
      %dma_start3A_443 = tpu.memref_slice %arg4[%dma_start3A_441, %dma_start3A_442] : memref<256x128xf32, #tpu.memory_space<vmem>> -> memref<64x128xf32, #tpu.memory_space<vmem>>
      %dma_start3A_444 = arith.constant 0 : i32
      %dma_start3A_445 = tpu.memref_slice %arg2[%dma_start3A_444, %mul3A_440] : memref<64x1000000xf32, #tpu.memory_space<hbm>> -> memref<64x128xf32, #tpu.memory_space<hbm>>
      %dma_start3A_446 = arith.constant 192 : i32
      %dma_start3A_447 = arith.constant 0 : i32
      %dma_start3A_448 = tpu.memref_slice %arg4[%dma_start3A_446, %dma_start3A_447] : memref<256x128xf32, #tpu.memory_space<vmem>> -> memref<64x128xf32, #tpu.memory_space<vmem>>
      %dma_start3A_449 = arith.constant 0 : i32
      %dma_start3A_450 = tpu.memref_slice %arg2[%dma_start3A_449, %mul3A_440] : memref<64x1000000xf32, #tpu.memory_space<hbm>> -> memref<64x128xf32, #tpu.memory_space<hbm>>
      tpu.enqueue_dma source(%dma_start3A_450 : memref<64x128xf32, #tpu.memory_space<hbm>>) target(%dma_start3A_448 : memref<64x128xf32, #tpu.memory_space<vmem>>) target_semaphore(%arg9 : memref<!tpu.dma_semaphore, #tpu.memory_space<semaphore_mem>>)
      %mul3A_451 = arith.constant 32 : i32
      %mul3A_452 = arith.muli %add3A_399, %mul3A_451 : i32
      %add3A_453 = arith.addi %mul3A_452, %add3A : i32
      %mul3A_454 = arith.constant 8192 : i32
      %mul3A_455 = arith.muli %add3A_453, %mul3A_454 : i32
      %dma_start3A_456 = arith.constant 24576 : i32
      %dma_start3A_457 = tpu.memref_slice %arg5[%dma_start3A_456] : memref<32768xf32, #tpu.memory_space<vmem>> -> memref<8192xf32, #tpu.memory_space<vmem>>
      %dma_start3A_458 = tpu.memref_slice %arg3[%mul3A_455] : memref<64000000xf32, #tpu.memory_space<hbm>> -> memref<8192xf32, #tpu.memory_space<hbm>>
      %dma_start3A_459 = tpu.memref_slice %arg3[%mul3A_455] : memref<64000000xf32, #tpu.memory_space<hbm>> -> memref<8192xf32, #tpu.memory_space<hbm>>
      %dma_start3A_460 = arith.constant 24576 : i32
      %dma_start3A_461 = tpu.memref_slice %arg5[%dma_start3A_460] : memref<32768xf32, #tpu.memory_space<vmem>> -> memref<8192xf32, #tpu.memory_space<vmem>>
      tpu.enqueue_dma source(%dma_start3A_461 : memref<8192xf32, #tpu.memory_space<vmem>>) target(%dma_start3A_459 : memref<8192xf32, #tpu.memory_space<hbm>>) target_semaphore(%arg13 : memref<!tpu.dma_semaphore, #tpu.memory_space<semaphore_mem>>)
    }
    %scan3A_100 = arith.constant 61 : i32
    %add3A_101 = arith.constant 0 : i32
    %add3A_102 = arith.addi %add3A_101, %add3A : i32
    %mul3A_103 = arith.constant 8192 : i32
    %mul3A_104 = arith.muli %add3A_102, %mul3A_103 : i32
    %dma_wait3A = arith.constant 0 : i32
    %dma_wait3A_105 = tpu.memref_slice %arg5[%dma_wait3A] : memref<32768xf32, #tpu.memory_space<vmem>> -> memref<8192xf32, #tpu.memory_space<vmem>>
    %dma_wait3A_106 = tpu.memref_slice %arg3[%mul3A_104] : memref<64000000xf32, #tpu.memory_space<hbm>> -> memref<8192xf32, #tpu.memory_space<hbm>>
    %dma_wait3A_107 = tpu.memref_slice %arg3[%mul3A_104] : memref<64000000xf32, #tpu.memory_space<hbm>> -> memref<8192xf32, #tpu.memory_space<hbm>>
    %dma_wait3A_108 = arith.constant 0 : i32
    %dma_wait3A_109 = tpu.memref_slice %arg5[%dma_wait3A_108] : memref<32768xf32, #tpu.memory_space<vmem>> -> memref<8192xf32, #tpu.memory_space<vmem>>
    tpu.wait_dma2 semaphore(%arg10 : memref<!tpu.dma_semaphore, #tpu.memory_space<semaphore_mem>>) src(%dma_wait3A_109 : memref<8192xf32, #tpu.memory_space<vmem>>) dst(%dma_wait3A_107 : memref<8192xf32, #tpu.memory_space<hbm>>)
    %add3A_110 = arith.constant 0 : i32
    %add3A_111 = arith.addi %add3A_110, %add3A : i32
    %mul3A_112 = arith.constant 128 : i32
    %mul3A_113 = arith.muli %add3A_111, %mul3A_112 : i32
    %dma_wait3A_114 = arith.constant 0 : i32
    %dma_wait3A_115 = arith.constant 0 : i32
    %dma_wait3A_116 = tpu.memref_slice %arg4[%dma_wait3A_114, %dma_wait3A_115] : memref<256x128xf32, #tpu.memory_space<vmem>> -> memref<64x128xf32, #tpu.memory_space<vmem>>
    %dma_wait3A_117 = arith.constant 0 : i32
    %dma_wait3A_118 = tpu.memref_slice %arg2[%dma_wait3A_117, %mul3A_113] : memref<64x1000000xf32, #tpu.memory_space<hbm>> -> memref<64x128xf32, #tpu.memory_space<hbm>>
    %dma_wait3A_119 = arith.constant 0 : i32
    %dma_wait3A_120 = arith.constant 0 : i32
    %dma_wait3A_121 = tpu.memref_slice %arg4[%dma_wait3A_119, %dma_wait3A_120] : memref<256x128xf32, #tpu.memory_space<vmem>> -> memref<64x128xf32, #tpu.memory_space<vmem>>
    %dma_wait3A_122 = arith.constant 0 : i32
    %dma_wait3A_123 = tpu.memref_slice %arg2[%dma_wait3A_122, %mul3A_113] : memref<64x1000000xf32, #tpu.memory_space<hbm>> -> memref<64x128xf32, #tpu.memory_space<hbm>>
    tpu.wait_dma2 semaphore(%arg6 : memref<!tpu.dma_semaphore, #tpu.memory_space<semaphore_mem>>) src(%dma_wait3A_123 : memref<64x128xf32, #tpu.memory_space<hbm>>) dst(%dma_wait3A_121 : memref<64x128xf32, #tpu.memory_space<vmem>>)
    %add3A_124 = arith.constant 0 : i32
    %add3A_125 = arith.addi %add3A_124, %add3A : i32
    %mul3A_126 = arith.constant 8192 : i32
    %mul3A_127 = arith.muli %add3A_125, %mul3A_126 : i32
    %dma_wait3A_128 = arith.constant 8192 : i32
    %dma_wait3A_129 = tpu.memref_slice %arg5[%dma_wait3A_128] : memref<32768xf32, #tpu.memory_space<vmem>> -> memref<8192xf32, #tpu.memory_space<vmem>>
    %dma_wait3A_130 = tpu.memref_slice %arg3[%mul3A_127] : memref<64000000xf32, #tpu.memory_space<hbm>> -> memref<8192xf32, #tpu.memory_space<hbm>>
    %dma_wait3A_131 = tpu.memref_slice %arg3[%mul3A_127] : memref<64000000xf32, #tpu.memory_space<hbm>> -> memref<8192xf32, #tpu.memory_space<hbm>>
    %dma_wait3A_132 = arith.constant 8192 : i32
    %dma_wait3A_133 = tpu.memref_slice %arg5[%dma_wait3A_132] : memref<32768xf32, #tpu.memory_space<vmem>> -> memref<8192xf32, #tpu.memory_space<vmem>>
    tpu.wait_dma2 semaphore(%arg11 : memref<!tpu.dma_semaphore, #tpu.memory_space<semaphore_mem>>) src(%dma_wait3A_133 : memref<8192xf32, #tpu.memory_space<vmem>>) dst(%dma_wait3A_131 : memref<8192xf32, #tpu.memory_space<hbm>>)
    %add3A_134 = arith.constant 0 : i32
    %add3A_135 = arith.addi %add3A_134, %add3A : i32
    %mul3A_136 = arith.constant 128 : i32
    %mul3A_137 = arith.muli %add3A_135, %mul3A_136 : i32
    %dma_wait3A_138 = arith.constant 64 : i32
    %dma_wait3A_139 = arith.constant 0 : i32
    %dma_wait3A_140 = tpu.memref_slice %arg4[%dma_wait3A_138, %dma_wait3A_139] : memref<256x128xf32, #tpu.memory_space<vmem>> -> memref<64x128xf32, #tpu.memory_space<vmem>>
    %dma_wait3A_141 = arith.constant 0 : i32
    %dma_wait3A_142 = tpu.memref_slice %arg2[%dma_wait3A_141, %mul3A_137] : memref<64x1000000xf32, #tpu.memory_space<hbm>> -> memref<64x128xf32, #tpu.memory_space<hbm>>
    %dma_wait3A_143 = arith.constant 64 : i32
    %dma_wait3A_144 = arith.constant 0 : i32
    %dma_wait3A_145 = tpu.memref_slice %arg4[%dma_wait3A_143, %dma_wait3A_144] : memref<256x128xf32, #tpu.memory_space<vmem>> -> memref<64x128xf32, #tpu.memory_space<vmem>>
    %dma_wait3A_146 = arith.constant 0 : i32
    %dma_wait3A_147 = tpu.memref_slice %arg2[%dma_wait3A_146, %mul3A_137] : memref<64x1000000xf32, #tpu.memory_space<hbm>> -> memref<64x128xf32, #tpu.memory_space<hbm>>
    tpu.wait_dma2 semaphore(%arg7 : memref<!tpu.dma_semaphore, #tpu.memory_space<semaphore_mem>>) src(%dma_wait3A_147 : memref<64x128xf32, #tpu.memory_space<hbm>>) dst(%dma_wait3A_145 : memref<64x128xf32, #tpu.memory_space<vmem>>)
    %add3A_148 = arith.constant 0 : i32
    %add3A_149 = arith.addi %add3A_148, %add3A : i32
    %mul3A_150 = arith.constant 8192 : i32
    %mul3A_151 = arith.muli %add3A_149, %mul3A_150 : i32
    %dma_wait3A_152 = arith.constant 16384 : i32
    %dma_wait3A_153 = tpu.memref_slice %arg5[%dma_wait3A_152] : memref<32768xf32, #tpu.memory_space<vmem>> -> memref<8192xf32, #tpu.memory_space<vmem>>
    %dma_wait3A_154 = tpu.memref_slice %arg3[%mul3A_151] : memref<64000000xf32, #tpu.memory_space<hbm>> -> memref<8192xf32, #tpu.memory_space<hbm>>
    %dma_wait3A_155 = tpu.memref_slice %arg3[%mul3A_151] : memref<64000000xf32, #tpu.memory_space<hbm>> -> memref<8192xf32, #tpu.memory_space<hbm>>
    %dma_wait3A_156 = arith.constant 16384 : i32
    %dma_wait3A_157 = tpu.memref_slice %arg5[%dma_wait3A_156] : memref<32768xf32, #tpu.memory_space<vmem>> -> memref<8192xf32, #tpu.memory_space<vmem>>
    tpu.wait_dma2 semaphore(%arg12 : memref<!tpu.dma_semaphore, #tpu.memory_space<semaphore_mem>>) src(%dma_wait3A_157 : memref<8192xf32, #tpu.memory_space<vmem>>) dst(%dma_wait3A_155 : memref<8192xf32, #tpu.memory_space<hbm>>)
    %add3A_158 = arith.constant 0 : i32
    %add3A_159 = arith.addi %add3A_158, %add3A : i32
    %mul3A_160 = arith.constant 128 : i32
    %mul3A_161 = arith.muli %add3A_159, %mul3A_160 : i32
    %dma_wait3A_162 = arith.constant 128 : i32
    %dma_wait3A_163 = arith.constant 0 : i32
    %dma_wait3A_164 = tpu.memref_slice %arg4[%dma_wait3A_162, %dma_wait3A_163] : memref<256x128xf32, #tpu.memory_space<vmem>> -> memref<64x128xf32, #tpu.memory_space<vmem>>
    %dma_wait3A_165 = arith.constant 0 : i32
    %dma_wait3A_166 = tpu.memref_slice %arg2[%dma_wait3A_165, %mul3A_161] : memref<64x1000000xf32, #tpu.memory_space<hbm>> -> memref<64x128xf32, #tpu.memory_space<hbm>>
    %dma_wait3A_167 = arith.constant 128 : i32
    %dma_wait3A_168 = arith.constant 0 : i32
    %dma_wait3A_169 = tpu.memref_slice %arg4[%dma_wait3A_167, %dma_wait3A_168] : memref<256x128xf32, #tpu.memory_space<vmem>> -> memref<64x128xf32, #tpu.memory_space<vmem>>
    %dma_wait3A_170 = arith.constant 0 : i32
    %dma_wait3A_171 = tpu.memref_slice %arg2[%dma_wait3A_170, %mul3A_161] : memref<64x1000000xf32, #tpu.memory_space<hbm>> -> memref<64x128xf32, #tpu.memory_space<hbm>>
    tpu.wait_dma2 semaphore(%arg8 : memref<!tpu.dma_semaphore, #tpu.memory_space<semaphore_mem>>) src(%dma_wait3A_171 : memref<64x128xf32, #tpu.memory_space<hbm>>) dst(%dma_wait3A_169 : memref<64x128xf32, #tpu.memory_space<vmem>>)
    %add3A_172 = arith.constant 0 : i32
    %add3A_173 = arith.addi %add3A_172, %add3A : i32
    %mul3A_174 = arith.constant 8192 : i32
    %mul3A_175 = arith.muli %add3A_173, %mul3A_174 : i32
    %dma_wait3A_176 = arith.constant 24576 : i32
    %dma_wait3A_177 = tpu.memref_slice %arg5[%dma_wait3A_176] : memref<32768xf32, #tpu.memory_space<vmem>> -> memref<8192xf32, #tpu.memory_space<vmem>>
    %dma_wait3A_178 = tpu.memref_slice %arg3[%mul3A_175] : memref<64000000xf32, #tpu.memory_space<hbm>> -> memref<8192xf32, #tpu.memory_space<hbm>>
    %dma_wait3A_179 = tpu.memref_slice %arg3[%mul3A_175] : memref<64000000xf32, #tpu.memory_space<hbm>> -> memref<8192xf32, #tpu.memory_space<hbm>>
    %dma_wait3A_180 = arith.constant 24576 : i32
    %dma_wait3A_181 = tpu.memref_slice %arg5[%dma_wait3A_180] : memref<32768xf32, #tpu.memory_space<vmem>> -> memref<8192xf32, #tpu.memory_space<vmem>>
    tpu.wait_dma2 semaphore(%arg13 : memref<!tpu.dma_semaphore, #tpu.memory_space<semaphore_mem>>) src(%dma_wait3A_181 : memref<8192xf32, #tpu.memory_space<vmem>>) dst(%dma_wait3A_179 : memref<8192xf32, #tpu.memory_space<hbm>>)
    %add3A_182 = arith.constant 0 : i32
    %add3A_183 = arith.addi %add3A_182, %add3A : i32
    %mul3A_184 = arith.constant 128 : i32
    %mul3A_185 = arith.muli %add3A_183, %mul3A_184 : i32
    %dma_wait3A_186 = arith.constant 192 : i32
    %dma_wait3A_187 = arith.constant 0 : i32
    %dma_wait3A_188 = tpu.memref_slice %arg4[%dma_wait3A_186, %dma_wait3A_187] : memref<256x128xf32, #tpu.memory_space<vmem>> -> memref<64x128xf32, #tpu.memory_space<vmem>>
    %dma_wait3A_189 = arith.constant 0 : i32
    %dma_wait3A_190 = tpu.memref_slice %arg2[%dma_wait3A_189, %mul3A_185] : memref<64x1000000xf32, #tpu.memory_space<hbm>> -> memref<64x128xf32, #tpu.memory_space<hbm>>
    %dma_wait3A_191 = arith.constant 192 : i32
    %dma_wait3A_192 = arith.constant 0 : i32
    %dma_wait3A_193 = tpu.memref_slice %arg4[%dma_wait3A_191, %dma_wait3A_192] : memref<256x128xf32, #tpu.memory_space<vmem>> -> memref<64x128xf32, #tpu.memory_space<vmem>>
    %dma_wait3A_194 = arith.constant 0 : i32
    %dma_wait3A_195 = tpu.memref_slice %arg2[%dma_wait3A_194, %mul3A_185] : memref<64x1000000xf32, #tpu.memory_space<hbm>> -> memref<64x128xf32, #tpu.memory_space<hbm>>
    tpu.wait_dma2 semaphore(%arg9 : memref<!tpu.dma_semaphore, #tpu.memory_space<semaphore_mem>>) src(%dma_wait3A_195 : memref<64x128xf32, #tpu.memory_space<hbm>>) dst(%dma_wait3A_193 : memref<64x128xf32, #tpu.memory_space<vmem>>)
    %lt3A = arith.constant 4 : i32
    %lt3A_196 = arith.cmpi slt, %add3A, %lt3A : i32
    %convert_element_type3A = arith.extui %lt3A_196 : i1 to i32
    %cond3A = arith.constant 0 : i32
    %cond3A_197 = arith.cmpi ne, %convert_element_type3A, %cond3A : i32
    scf.if %cond3A_197 {
      %add3A_198 = arith.constant 7808 : i32
      %add3A_199 = arith.addi %add3A_198, %add3A : i32
      %mul3A_200 = arith.constant 128 : i32
      %mul3A_201 = arith.muli %add3A_199, %mul3A_200 : i32
      "tpu.region"() ({
        %run_scoped3A = tpu.sem_alloc : memref<!tpu.dma_semaphore, #tpu.memory_space<semaphore_mem>>
        %dma_start3A_210 = arith.constant 0 : i32
        %dma_start3A_211 = arith.constant 0 : i32
        %dma_start3A_212 = tpu.memref_slice %arg4[%dma_start3A_210, %dma_start3A_211] : memref<256x128xf32, #tpu.memory_space<vmem>> -> memref<64x128xf32, #tpu.memory_space<vmem>>
        %dma_start3A_213 = arith.constant 0 : i32
        %dma_start3A_214 = tpu.memref_slice %arg2[%dma_start3A_213, %mul3A_201] : memref<64x1000000xf32, #tpu.memory_space<hbm>> -> memref<64x128xf32, #tpu.memory_space<hbm>>
        %dma_start3A_215 = arith.constant 0 : i32
        %dma_start3A_216 = arith.constant 0 : i32
        %dma_start3A_217 = tpu.memref_slice %arg4[%dma_start3A_215, %dma_start3A_216] : memref<256x128xf32, #tpu.memory_space<vmem>> -> memref<64x128xf32, #tpu.memory_space<vmem>>
        %dma_start3A_218 = arith.constant 0 : i32
        %dma_start3A_219 = tpu.memref_slice %arg2[%dma_start3A_218, %mul3A_201] : memref<64x1000000xf32, #tpu.memory_space<hbm>> -> memref<64x128xf32, #tpu.memory_space<hbm>>
        tpu.enqueue_dma source(%dma_start3A_219 : memref<64x128xf32, #tpu.memory_space<hbm>>) target(%dma_start3A_217 : memref<64x128xf32, #tpu.memory_space<vmem>>) target_semaphore(%run_scoped3A : memref<!tpu.dma_semaphore, #tpu.memory_space<semaphore_mem>>)
        %dma_wait3A_220 = arith.constant 0 : i32
        %dma_wait3A_221 = arith.constant 0 : i32
        %dma_wait3A_222 = tpu.memref_slice %arg4[%dma_wait3A_220, %dma_wait3A_221] : memref<256x128xf32, #tpu.memory_space<vmem>> -> memref<64x128xf32, #tpu.memory_space<vmem>>
        %dma_wait3A_223 = arith.constant 0 : i32
        %dma_wait3A_224 = tpu.memref_slice %arg2[%dma_wait3A_223, %mul3A_201] : memref<64x1000000xf32, #tpu.memory_space<hbm>> -> memref<64x128xf32, #tpu.memory_space<hbm>>
        %dma_wait3A_225 = arith.constant 0 : i32
        %dma_wait3A_226 = arith.constant 0 : i32
        %dma_wait3A_227 = tpu.memref_slice %arg4[%dma_wait3A_225, %dma_wait3A_226] : memref<256x128xf32, #tpu.memory_space<vmem>> -> memref<64x128xf32, #tpu.memory_space<vmem>>
        %dma_wait3A_228 = arith.constant 0 : i32
        %dma_wait3A_229 = tpu.memref_slice %arg2[%dma_wait3A_228, %mul3A_201] : memref<64x1000000xf32, #tpu.memory_space<hbm>> -> memref<64x128xf32, #tpu.memory_space<hbm>>
        tpu.wait_dma2 semaphore(%run_scoped3A : memref<!tpu.dma_semaphore, #tpu.memory_space<semaphore_mem>>) src(%dma_wait3A_229 : memref<64x128xf32, #tpu.memory_space<hbm>>) dst(%dma_wait3A_227 : memref<64x128xf32, #tpu.memory_space<vmem>>)
        tpu.yield
      }) : () -> ()
      %scan3A_202 = arith.constant 0 : i32
      %scan3A_203 = arith.constant 0 : i32
      %scan3A_204 = arith.constant 16 : i32
      %scan3A_205 = arith.addi %scan3A_203, %scan3A_204 : i32
      %scan3A_206 = arith.constant 1 : i32
      scf.for %scan3A_210 = %scan3A_203 to %scan3A_205 step %scan3A_206  : i32 {
        %add3A_211 = vector.broadcast %scan3A_210 : i32 to vector<16xi32>
        %add3A_212 = arith.addi %iota3A, %add3A_211 : vector<16xi32>
        %and3A = arith.constant 15 : i32
        %and3A_213 = vector.broadcast %and3A : i32 to vector<16xi32>
        %and3A_214 = arith.andi %add3A_212, %and3A_213 : vector<16xi32>
        %shift_left3A = arith.constant 6 : i32
        %shift_left3A_215 = vector.broadcast %shift_left3A : i32 to vector<16xi32>
        %shift_left3A_216 = arith.shli %and3A_214, %shift_left3A_215 : vector<16xi32>
        %add3A_217 = arith.addi %shift_left3A_216, %iota3A : vector<16xi32>
        %add3A_218 = arith.constant 0 : i32
        %add3A_219 = vector.broadcast %add3A_218 : i32 to vector<16xi32>
        %add3A_220 = arith.addi %iota3A, %add3A_219 : vector<16xi32>
        %add3A_221 = arith.constant 0 : i32
        %add3A_222 = vector.broadcast %add3A_221 : i32 to vector<16xi32>
        %add3A_223 = arith.addi %and3A_214, %add3A_222 : vector<16xi32>
        %gather3A = arith.constant 0 : i32
        %gather3A_224 = arith.constant 0 : i32
        %gather3A_225 = tpu.memref_slice %arg4[%gather3A, %gather3A_224] : memref<256x128xf32, #tpu.memory_space<vmem>> -> memref<64x128xf32, #tpu.memory_space<vmem>>
        %gather3A_226 = tpu.vector_load_idx %gather3A_225[%add3A_220, %add3A_223] : memref<64x128xf32, #tpu.memory_space<vmem>>[vector<16xi32>, vector<16xi32>], vector<16xf32>,
        %add3A_227 = arith.constant 0 : i32
        %add3A_228 = vector.broadcast %add3A_227 : i32 to vector<16xi32>
        %add3A_229 = arith.addi %iota3A, %add3A_228 : vector<16xi32>
        %add3A_230 = arith.constant 16 : i32
        %add3A_231 = vector.broadcast %add3A_230 : i32 to vector<16xi32>
        %add3A_232 = arith.addi %and3A_214, %add3A_231 : vector<16xi32>
        %gather3A_233 = arith.constant 0 : i32
        %gather3A_234 = arith.constant 0 : i32
        %gather3A_235 = tpu.memref_slice %arg4[%gather3A_233, %gather3A_234] : memref<256x128xf32, #tpu.memory_space<vmem>> -> memref<64x128xf32, #tpu.memory_space<vmem>>
        %gather3A_236 = tpu.vector_load_idx %gather3A_235[%add3A_229, %add3A_232] : memref<64x128xf32, #tpu.memory_space<vmem>>[vector<16xi32>, vector<16xi32>], vector<16xf32>,
        %add3A_237 = arith.constant 0 : i32
        %add3A_238 = vector.broadcast %add3A_237 : i32 to vector<16xi32>
        %add3A_239 = arith.addi %iota3A, %add3A_238 : vector<16xi32>
        %add3A_240 = arith.constant 32 : i32
        %add3A_241 = vector.broadcast %add3A_240 : i32 to vector<16xi32>
        %add3A_242 = arith.addi %and3A_214, %add3A_241 : vector<16xi32>
        %gather3A_243 = arith.constant 0 : i32
        %gather3A_244 = arith.constant 0 : i32
        %gather3A_245 = tpu.memref_slice %arg4[%gather3A_243, %gather3A_244] : memref<256x128xf32, #tpu.memory_space<vmem>> -> memref<64x128xf32, #tpu.memory_space<vmem>>
        %gather3A_246 = tpu.vector_load_idx %gather3A_245[%add3A_239, %add3A_242] : memref<64x128xf32, #tpu.memory_space<vmem>>[vector<16xi32>, vector<16xi32>], vector<16xf32>,
        %add3A_247 = arith.constant 0 : i32
        %add3A_248 = vector.broadcast %add3A_247 : i32 to vector<16xi32>
        %add3A_249 = arith.addi %iota3A, %add3A_248 : vector<16xi32>
        %add3A_250 = arith.constant 48 : i32
        %add3A_251 = vector.broadcast %add3A_250 : i32 to vector<16xi32>
        %add3A_252 = arith.addi %and3A_214, %add3A_251 : vector<16xi32>
        %gather3A_253 = arith.constant 0 : i32
        %gather3A_254 = arith.constant 0 : i32
        %gather3A_255 = tpu.memref_slice %arg4[%gather3A_253, %gather3A_254] : memref<256x128xf32, #tpu.memory_space<vmem>> -> memref<64x128xf32, #tpu.memory_space<vmem>>
        %gather3A_256 = tpu.vector_load_idx %gather3A_255[%add3A_249, %add3A_252] : memref<64x128xf32, #tpu.memory_space<vmem>>[vector<16xi32>, vector<16xi32>], vector<16xf32>,
        %add3A_257 = arith.constant 0 : i32
        %add3A_258 = vector.broadcast %add3A_257 : i32 to vector<16xi32>
        %add3A_259 = arith.addi %iota3A, %add3A_258 : vector<16xi32>
        %add3A_260 = arith.constant 64 : i32
        %add3A_261 = vector.broadcast %add3A_260 : i32 to vector<16xi32>
        %add3A_262 = arith.addi %and3A_214, %add3A_261 : vector<16xi32>
        %gather3A_263 = arith.constant 0 : i32
        %gather3A_264 = arith.constant 0 : i32
        %gather3A_265 = tpu.memref_slice %arg4[%gather3A_263, %gather3A_264] : memref<256x128xf32, #tpu.memory_space<vmem>> -> memref<64x128xf32, #tpu.memory_space<vmem>>
        %gather3A_266 = tpu.vector_load_idx %gather3A_265[%add3A_259, %add3A_262] : memref<64x128xf32, #tpu.memory_space<vmem>>[vector<16xi32>, vector<16xi32>], vector<16xf32>,
        %add3A_267 = arith.constant 0 : i32
        %add3A_268 = vector.broadcast %add3A_267 : i32 to vector<16xi32>
        %add3A_269 = arith.addi %iota3A, %add3A_268 : vector<16xi32>
        %add3A_270 = arith.constant 80 : i32
        %add3A_271 = vector.broadcast %add3A_270 : i32 to vector<16xi32>
        %add3A_272 = arith.addi %and3A_214, %add3A_271 : vector<16xi32>
        %gather3A_273 = arith.constant 0 : i32
        %gather3A_274 = arith.constant 0 : i32
        %gather3A_275 = tpu.memref_slice %arg4[%gather3A_273, %gather3A_274] : memref<256x128xf32, #tpu.memory_space<vmem>> -> memref<64x128xf32, #tpu.memory_space<vmem>>
        %gather3A_276 = tpu.vector_load_idx %gather3A_275[%add3A_269, %add3A_272] : memref<64x128xf32, #tpu.memory_space<vmem>>[vector<16xi32>, vector<16xi32>], vector<16xf32>,
        %add3A_277 = arith.constant 0 : i32
        %add3A_278 = vector.broadcast %add3A_277 : i32 to vector<16xi32>
        %add3A_279 = arith.addi %iota3A, %add3A_278 : vector<16xi32>
        %add3A_280 = arith.constant 96 : i32
        %add3A_281 = vector.broadcast %add3A_280 : i32 to vector<16xi32>
        %add3A_282 = arith.addi %and3A_214, %add3A_281 : vector<16xi32>
        %gather3A_283 = arith.constant 0 : i32
        %gather3A_284 = arith.constant 0 : i32
        %gather3A_285 = tpu.memref_slice %arg4[%gather3A_283, %gather3A_284] : memref<256x128xf32, #tpu.memory_space<vmem>> -> memref<64x128xf32, #tpu.memory_space<vmem>>
        %gather3A_286 = tpu.vector_load_idx %gather3A_285[%add3A_279, %add3A_282] : memref<64x128xf32, #tpu.memory_space<vmem>>[vector<16xi32>, vector<16xi32>], vector<16xf32>,
        %add3A_287 = arith.constant 0 : i32
        %add3A_288 = vector.broadcast %add3A_287 : i32 to vector<16xi32>
        %add3A_289 = arith.addi %iota3A, %add3A_288 : vector<16xi32>
        %add3A_290 = arith.constant 112 : i32
        %add3A_291 = vector.broadcast %add3A_290 : i32 to vector<16xi32>
        %add3A_292 = arith.addi %and3A_214, %add3A_291 : vector<16xi32>
        %gather3A_293 = arith.constant 0 : i32
        %gather3A_294 = arith.constant 0 : i32
        %gather3A_295 = tpu.memref_slice %arg4[%gather3A_293, %gather3A_294] : memref<256x128xf32, #tpu.memory_space<vmem>> -> memref<64x128xf32, #tpu.memory_space<vmem>>
        %gather3A_296 = tpu.vector_load_idx %gather3A_295[%add3A_289, %add3A_292] : memref<64x128xf32, #tpu.memory_space<vmem>>[vector<16xi32>, vector<16xi32>], vector<16xf32>,
        %add3A_297 = arith.constant 16 : i32
        %add3A_298 = vector.broadcast %add3A_297 : i32 to vector<16xi32>
        %add3A_299 = arith.addi %iota3A, %add3A_298 : vector<16xi32>
        %add3A_300 = arith.constant 0 : i32
        %add3A_301 = vector.broadcast %add3A_300 : i32 to vector<16xi32>
        %add3A_302 = arith.addi %and3A_214, %add3A_301 : vector<16xi32>
        %gather3A_303 = arith.constant 0 : i32
        %gather3A_304 = arith.constant 0 : i32
        %gather3A_305 = tpu.memref_slice %arg4[%gather3A_303, %gather3A_304] : memref<256x128xf32, #tpu.memory_space<vmem>> -> memref<64x128xf32, #tpu.memory_space<vmem>>
        %gather3A_306 = tpu.vector_load_idx %gather3A_305[%add3A_299, %add3A_302] : memref<64x128xf32, #tpu.memory_space<vmem>>[vector<16xi32>, vector<16xi32>], vector<16xf32>,
        %add3A_307 = arith.constant 0 : i32
        %add3A_308 = vector.broadcast %add3A_307 : i32 to vector<16xi32>
        %add3A_309 = arith.addi %add3A_217, %add3A_308 : vector<16xi32>
        %scatter3A = arith.constant 0 : i32
        %scatter3A_310 = tpu.memref_slice %arg5[%scatter3A] : memref<32768xf32, #tpu.memory_space<vmem>> -> memref<8192xf32, #tpu.memory_space<vmem>>
        tpu.vector_store_idx %scatter3A_310[%add3A_309], %gather3A_226 : memref<8192xf32, #tpu.memory_space<vmem>>[vector<16xi32>], vector<16xf32>,
        %add3A_311 = arith.constant 16 : i32
        %add3A_312 = vector.broadcast %add3A_311 : i32 to vector<16xi32>
        %add3A_313 = arith.addi %iota3A, %add3A_312 : vector<16xi32>
        %add3A_314 = arith.constant 16 : i32
        %add3A_315 = vector.broadcast %add3A_314 : i32 to vector<16xi32>
        %add3A_316 = arith.addi %and3A_214, %add3A_315 : vector<16xi32>
        %gather3A_317 = arith.constant 0 : i32
        %gather3A_318 = arith.constant 0 : i32
        %gather3A_319 = tpu.memref_slice %arg4[%gather3A_317, %gather3A_318] : memref<256x128xf32, #tpu.memory_space<vmem>> -> memref<64x128xf32, #tpu.memory_space<vmem>>
        %gather3A_320 = tpu.vector_load_idx %gather3A_319[%add3A_313, %add3A_316] : memref<64x128xf32, #tpu.memory_space<vmem>>[vector<16xi32>, vector<16xi32>], vector<16xf32>,
        %add3A_321 = arith.constant 1024 : i32
        %add3A_322 = vector.broadcast %add3A_321 : i32 to vector<16xi32>
        %add3A_323 = arith.addi %add3A_217, %add3A_322 : vector<16xi32>
        %scatter3A_324 = arith.constant 0 : i32
        %scatter3A_325 = tpu.memref_slice %arg5[%scatter3A_324] : memref<32768xf32, #tpu.memory_space<vmem>> -> memref<8192xf32, #tpu.memory_space<vmem>>
        tpu.vector_store_idx %scatter3A_325[%add3A_323], %gather3A_236 : memref<8192xf32, #tpu.memory_space<vmem>>[vector<16xi32>], vector<16xf32>,
        %add3A_326 = arith.constant 16 : i32
        %add3A_327 = vector.broadcast %add3A_326 : i32 to vector<16xi32>
        %add3A_328 = arith.addi %iota3A, %add3A_327 : vector<16xi32>
        %add3A_329 = arith.constant 32 : i32
        %add3A_330 = vector.broadcast %add3A_329 : i32 to vector<16xi32>
        %add3A_331 = arith.addi %and3A_214, %add3A_330 : vector<16xi32>
        %gather3A_332 = arith.constant 0 : i32
        %gather3A_333 = arith.constant 0 : i32
        %gather3A_334 = tpu.memref_slice %arg4[%gather3A_332, %gather3A_333] : memref<256x128xf32, #tpu.memory_space<vmem>> -> memref<64x128xf32, #tpu.memory_space<vmem>>
        %gather3A_335 = tpu.vector_load_idx %gather3A_334[%add3A_328, %add3A_331] : memref<64x128xf32, #tpu.memory_space<vmem>>[vector<16xi32>, vector<16xi32>], vector<16xf32>,
        %add3A_336 = arith.constant 2048 : i32
        %add3A_337 = vector.broadcast %add3A_336 : i32 to vector<16xi32>
        %add3A_338 = arith.addi %add3A_217, %add3A_337 : vector<16xi32>
        %scatter3A_339 = arith.constant 0 : i32
        %scatter3A_340 = tpu.memref_slice %arg5[%scatter3A_339] : memref<32768xf32, #tpu.memory_space<vmem>> -> memref<8192xf32, #tpu.memory_space<vmem>>
        tpu.vector_store_idx %scatter3A_340[%add3A_338], %gather3A_246 : memref<8192xf32, #tpu.memory_space<vmem>>[vector<16xi32>], vector<16xf32>,
        %add3A_341 = arith.constant 16 : i32
        %add3A_342 = vector.broadcast %add3A_341 : i32 to vector<16xi32>
        %add3A_343 = arith.addi %iota3A, %add3A_342 : vector<16xi32>
        %add3A_344 = arith.constant 48 : i32
        %add3A_345 = vector.broadcast %add3A_344 : i32 to vector<16xi32>
        %add3A_346 = arith.addi %and3A_214, %add3A_345 : vector<16xi32>
        %gather3A_347 = arith.constant 0 : i32
        %gather3A_348 = arith.constant 0 : i32
        %gather3A_349 = tpu.memref_slice %arg4[%gather3A_347, %gather3A_348] : memref<256x128xf32, #tpu.memory_space<vmem>> -> memref<64x128xf32, #tpu.memory_space<vmem>>
        %gather3A_350 = tpu.vector_load_idx %gather3A_349[%add3A_343, %add3A_346] : memref<64x128xf32, #tpu.memory_space<vmem>>[vector<16xi32>, vector<16xi32>], vector<16xf32>,
        %add3A_351 = arith.constant 3072 : i32
        %add3A_352 = vector.broadcast %add3A_351 : i32 to vector<16xi32>
        %add3A_353 = arith.addi %add3A_217, %add3A_352 : vector<16xi32>
        %scatter3A_354 = arith.constant 0 : i32
        %scatter3A_355 = tpu.memref_slice %arg5[%scatter3A_354] : memref<32768xf32, #tpu.memory_space<vmem>> -> memref<8192xf32, #tpu.memory_space<vmem>>
        tpu.vector_store_idx %scatter3A_355[%add3A_353], %gather3A_256 : memref<8192xf32, #tpu.memory_space<vmem>>[vector<16xi32>], vector<16xf32>,
        %add3A_356 = arith.constant 16 : i32
        %add3A_357 = vector.broadcast %add3A_356 : i32 to vector<16xi32>
        %add3A_358 = arith.addi %iota3A, %add3A_357 : vector<16xi32>
        %add3A_359 = arith.constant 64 : i32
        %add3A_360 = vector.broadcast %add3A_359 : i32 to vector<16xi32>
        %add3A_361 = arith.addi %and3A_214, %add3A_360 : vector<16xi32>
        %gather3A_362 = arith.constant 0 : i32
        %gather3A_363 = arith.constant 0 : i32
        %gather3A_364 = tpu.memref_slice %arg4[%gather3A_362, %gather3A_363] : memref<256x128xf32, #tpu.memory_space<vmem>> -> memref<64x128xf32, #tpu.memory_space<vmem>>
        %gather3A_365 = tpu.vector_load_idx %gather3A_364[%add3A_358, %add3A_361] : memref<64x128xf32, #tpu.memory_space<vmem>>[vector<16xi32>, vector<16xi32>], vector<16xf32>,
        %add3A_366 = arith.constant 4096 : i32
        %add3A_367 = vector.broadcast %add3A_366 : i32 to vector<16xi32>
        %add3A_368 = arith.addi %add3A_217, %add3A_367 : vector<16xi32>
        %scatter3A_369 = arith.constant 0 : i32
        %scatter3A_370 = tpu.memref_slice %arg5[%scatter3A_369] : memref<32768xf32, #tpu.memory_space<vmem>> -> memref<8192xf32, #tpu.memory_space<vmem>>
        tpu.vector_store_idx %scatter3A_370[%add3A_368], %gather3A_266 : memref<8192xf32, #tpu.memory_space<vmem>>[vector<16xi32>], vector<16xf32>,
        %add3A_371 = arith.constant 16 : i32
        %add3A_372 = vector.broadcast %add3A_371 : i32 to vector<16xi32>
        %add3A_373 = arith.addi %iota3A, %add3A_372 : vector<16xi32>
        %add3A_374 = arith.constant 80 : i32
        %add3A_375 = vector.broadcast %add3A_374 : i32 to vector<16xi32>
        %add3A_376 = arith.addi %and3A_214, %add3A_375 : vector<16xi32>
        %gather3A_377 = arith.constant 0 : i32
        %gather3A_378 = arith.constant 0 : i32
        %gather3A_379 = tpu.memref_slice %arg4[%gather3A_377, %gather3A_378] : memref<256x128xf32, #tpu.memory_space<vmem>> -> memref<64x128xf32, #tpu.memory_space<vmem>>
        %gather3A_380 = tpu.vector_load_idx %gather3A_379[%add3A_373, %add3A_376] : memref<64x128xf32, #tpu.memory_space<vmem>>[vector<16xi32>, vector<16xi32>], vector<16xf32>,
        %add3A_381 = arith.constant 5120 : i32
        %add3A_382 = vector.broadcast %add3A_381 : i32 to vector<16xi32>
        %add3A_383 = arith.addi %add3A_217, %add3A_382 : vector<16xi32>
        %scatter3A_384 = arith.constant 0 : i32
        %scatter3A_385 = tpu.memref_slice %arg5[%scatter3A_384] : memref<32768xf32, #tpu.memory_space<vmem>> -> memref<8192xf32, #tpu.memory_space<vmem>>
        tpu.vector_store_idx %scatter3A_385[%add3A_383], %gather3A_276 : memref<8192xf32, #tpu.memory_space<vmem>>[vector<16xi32>], vector<16xf32>,
        %add3A_386 = arith.constant 16 : i32
        %add3A_387 = vector.broadcast %add3A_386 : i32 to vector<16xi32>
        %add3A_388 = arith.addi %iota3A, %add3A_387 : vector<16xi32>
        %add3A_389 = arith.constant 96 : i32
        %add3A_390 = vector.broadcast %add3A_389 : i32 to vector<16xi32>
        %add3A_391 = arith.addi %and3A_214, %add3A_390 : vector<16xi32>
        %gather3A_392 = arith.constant 0 : i32
        %gather3A_393 = arith.constant 0 : i32
        %gather3A_394 = tpu.memref_slice %arg4[%gather3A_392, %gather3A_393] : memref<256x128xf32, #tpu.memory_space<vmem>> -> memref<64x128xf32, #tpu.memory_space<vmem>>
        %gather3A_395 = tpu.vector_load_idx %gather3A_394[%add3A_388, %add3A_391] : memref<64x128xf32, #tpu.memory_space<vmem>>[vector<16xi32>, vector<16xi32>], vector<16xf32>,
        %add3A_396 = arith.constant 6144 : i32
        %add3A_397 = vector.broadcast %add3A_396 : i32 to vector<16xi32>
        %add3A_398 = arith.addi %add3A_217, %add3A_397 : vector<16xi32>
        %scatter3A_399 = arith.constant 0 : i32
        %scatter3A_400 = tpu.memref_slice %arg5[%scatter3A_399] : memref<32768xf32, #tpu.memory_space<vmem>> -> memref<8192xf32, #tpu.memory_space<vmem>>
        tpu.vector_store_idx %scatter3A_400[%add3A_398], %gather3A_286 : memref<8192xf32, #tpu.memory_space<vmem>>[vector<16xi32>], vector<16xf32>,
        %add3A_401 = arith.constant 16 : i32
        %add3A_402 = vector.broadcast %add3A_401 : i32 to vector<16xi32>
        %add3A_403 = arith.addi %iota3A, %add3A_402 : vector<16xi32>
        %add3A_404 = arith.constant 112 : i32
        %add3A_405 = vector.broadcast %add3A_404 : i32 to vector<16xi32>
        %add3A_406 = arith.addi %and3A_214, %add3A_405 : vector<16xi32>
        %gather3A_407 = arith.constant 0 : i32
        %gather3A_408 = arith.constant 0 : i32
        %gather3A_409 = tpu.memref_slice %arg4[%gather3A_407, %gather3A_408] : memref<256x128xf32, #tpu.memory_space<vmem>> -> memref<64x128xf32, #tpu.memory_space<vmem>>
        %gather3A_410 = tpu.vector_load_idx %gather3A_409[%add3A_403, %add3A_406] : memref<64x128xf32, #tpu.memory_space<vmem>>[vector<16xi32>, vector<16xi32>], vector<16xf32>,
        %add3A_411 = arith.constant 7168 : i32
        %add3A_412 = vector.broadcast %add3A_411 : i32 to vector<16xi32>
        %add3A_413 = arith.addi %add3A_217, %add3A_412 : vector<16xi32>
        %scatter3A_414 = arith.constant 0 : i32
        %scatter3A_415 = tpu.memref_slice %arg5[%scatter3A_414] : memref<32768xf32, #tpu.memory_space<vmem>> -> memref<8192xf32, #tpu.memory_space<vmem>>
        tpu.vector_store_idx %scatter3A_415[%add3A_413], %gather3A_296 : memref<8192xf32, #tpu.memory_space<vmem>>[vector<16xi32>], vector<16xf32>,
        %add3A_416 = arith.constant 32 : i32
        %add3A_417 = vector.broadcast %add3A_416 : i32 to vector<16xi32>
        %add3A_418 = arith.addi %iota3A, %add3A_417 : vector<16xi32>
        %add3A_419 = arith.constant 0 : i32
        %add3A_420 = vector.broadcast %add3A_419 : i32 to vector<16xi32>
        %add3A_421 = arith.addi %and3A_214, %add3A_420 : vector<16xi32>
        %gather3A_422 = arith.constant 0 : i32
        %gather3A_423 = arith.constant 0 : i32
        %gather3A_424 = tpu.memref_slice %arg4[%gather3A_422, %gather3A_423] : memref<256x128xf32, #tpu.memory_space<vmem>> -> memref<64x128xf32, #tpu.memory_space<vmem>>
        %gather3A_425 = tpu.vector_load_idx %gather3A_424[%add3A_418, %add3A_421] : memref<64x128xf32, #tpu.memory_space<vmem>>[vector<16xi32>, vector<16xi32>], vector<16xf32>,
        %add3A_426 = arith.constant 16 : i32
        %add3A_427 = vector.broadcast %add3A_426 : i32 to vector<16xi32>
        %add3A_428 = arith.addi %add3A_217, %add3A_427 : vector<16xi32>
        %scatter3A_429 = arith.constant 0 : i32
        %scatter3A_430 = tpu.memref_slice %arg5[%scatter3A_429] : memref<32768xf32, #tpu.memory_space<vmem>> -> memref<8192xf32, #tpu.memory_space<vmem>>
        tpu.vector_store_idx %scatter3A_430[%add3A_428], %gather3A_306 : memref<8192xf32, #tpu.memory_space<vmem>>[vector<16xi32>], vector<16xf32>,
        %add3A_431 = arith.constant 32 : i32
        %add3A_432 = vector.broadcast %add3A_431 : i32 to vector<16xi32>
        %add3A_433 = arith.addi %iota3A, %add3A_432 : vector<16xi32>
        %add3A_434 = arith.constant 16 : i32
        %add3A_435 = vector.broadcast %add3A_434 : i32 to vector<16xi32>
        %add3A_436 = arith.addi %and3A_214, %add3A_435 : vector<16xi32>
        %gather3A_437 = arith.constant 0 : i32
        %gather3A_438 = arith.constant 0 : i32
        %gather3A_439 = tpu.memref_slice %arg4[%gather3A_437, %gather3A_438] : memref<256x128xf32, #tpu.memory_space<vmem>> -> memref<64x128xf32, #tpu.memory_space<vmem>>
        %gather3A_440 = tpu.vector_load_idx %gather3A_439[%add3A_433, %add3A_436] : memref<64x128xf32, #tpu.memory_space<vmem>>[vector<16xi32>, vector<16xi32>], vector<16xf32>,
        %add3A_441 = arith.constant 1040 : i32
        %add3A_442 = vector.broadcast %add3A_441 : i32 to vector<16xi32>
        %add3A_443 = arith.addi %add3A_217, %add3A_442 : vector<16xi32>
        %scatter3A_444 = arith.constant 0 : i32
        %scatter3A_445 = tpu.memref_slice %arg5[%scatter3A_444] : memref<32768xf32, #tpu.memory_space<vmem>> -> memref<8192xf32, #tpu.memory_space<vmem>>
        tpu.vector_store_idx %scatter3A_445[%add3A_443], %gather3A_320 : memref<8192xf32, #tpu.memory_space<vmem>>[vector<16xi32>], vector<16xf32>,
        %add3A_446 = arith.constant 32 : i32
        %add3A_447 = vector.broadcast %add3A_446 : i32 to vector<16xi32>
        %add3A_448 = arith.addi %iota3A, %add3A_447 : vector<16xi32>
        %add3A_449 = arith.constant 32 : i32
        %add3A_450 = vector.broadcast %add3A_449 : i32 to vector<16xi32>
        %add3A_451 = arith.addi %and3A_214, %add3A_450 : vector<16xi32>
        %gather3A_452 = arith.constant 0 : i32
        %gather3A_453 = arith.constant 0 : i32
        %gather3A_454 = tpu.memref_slice %arg4[%gather3A_452, %gather3A_453] : memref<256x128xf32, #tpu.memory_space<vmem>> -> memref<64x128xf32, #tpu.memory_space<vmem>>
        %gather3A_455 = tpu.vector_load_idx %gather3A_454[%add3A_448, %add3A_451] : memref<64x128xf32, #tpu.memory_space<vmem>>[vector<16xi32>, vector<16xi32>], vector<16xf32>,
        %add3A_456 = arith.constant 2064 : i32
        %add3A_457 = vector.broadcast %add3A_456 : i32 to vector<16xi32>
        %add3A_458 = arith.addi %add3A_217, %add3A_457 : vector<16xi32>
        %scatter3A_459 = arith.constant 0 : i32
        %scatter3A_460 = tpu.memref_slice %arg5[%scatter3A_459] : memref<32768xf32, #tpu.memory_space<vmem>> -> memref<8192xf32, #tpu.memory_space<vmem>>
        tpu.vector_store_idx %scatter3A_460[%add3A_458], %gather3A_335 : memref<8192xf32, #tpu.memory_space<vmem>>[vector<16xi32>], vector<16xf32>,
        %add3A_461 = arith.constant 32 : i32
        %add3A_462 = vector.broadcast %add3A_461 : i32 to vector<16xi32>
        %add3A_463 = arith.addi %iota3A, %add3A_462 : vector<16xi32>
        %add3A_464 = arith.constant 48 : i32
        %add3A_465 = vector.broadcast %add3A_464 : i32 to vector<16xi32>
        %add3A_466 = arith.addi %and3A_214, %add3A_465 : vector<16xi32>
        %gather3A_467 = arith.constant 0 : i32
        %gather3A_468 = arith.constant 0 : i32
        %gather3A_469 = tpu.memref_slice %arg4[%gather3A_467, %gather3A_468] : memref<256x128xf32, #tpu.memory_space<vmem>> -> memref<64x128xf32, #tpu.memory_space<vmem>>
        %gather3A_470 = tpu.vector_load_idx %gather3A_469[%add3A_463, %add3A_466] : memref<64x128xf32, #tpu.memory_space<vmem>>[vector<16xi32>, vector<16xi32>], vector<16xf32>,
        %add3A_471 = arith.constant 3088 : i32
        %add3A_472 = vector.broadcast %add3A_471 : i32 to vector<16xi32>
        %add3A_473 = arith.addi %add3A_217, %add3A_472 : vector<16xi32>
        %scatter3A_474 = arith.constant 0 : i32
        %scatter3A_475 = tpu.memref_slice %arg5[%scatter3A_474] : memref<32768xf32, #tpu.memory_space<vmem>> -> memref<8192xf32, #tpu.memory_space<vmem>>
        tpu.vector_store_idx %scatter3A_475[%add3A_473], %gather3A_350 : memref<8192xf32, #tpu.memory_space<vmem>>[vector<16xi32>], vector<16xf32>,
        %add3A_476 = arith.constant 32 : i32
        %add3A_477 = vector.broadcast %add3A_476 : i32 to vector<16xi32>
        %add3A_478 = arith.addi %iota3A, %add3A_477 : vector<16xi32>
        %add3A_479 = arith.constant 64 : i32
        %add3A_480 = vector.broadcast %add3A_479 : i32 to vector<16xi32>
        %add3A_481 = arith.addi %and3A_214, %add3A_480 : vector<16xi32>
        %gather3A_482 = arith.constant 0 : i32
        %gather3A_483 = arith.constant 0 : i32
        %gather3A_484 = tpu.memref_slice %arg4[%gather3A_482, %gather3A_483] : memref<256x128xf32, #tpu.memory_space<vmem>> -> memref<64x128xf32, #tpu.memory_space<vmem>>
        %gather3A_485 = tpu.vector_load_idx %gather3A_484[%add3A_478, %add3A_481] : memref<64x128xf32, #tpu.memory_space<vmem>>[vector<16xi32>, vector<16xi32>], vector<16xf32>,
        %add3A_486 = arith.constant 4112 : i32
        %add3A_487 = vector.broadcast %add3A_486 : i32 to vector<16xi32>
        %add3A_488 = arith.addi %add3A_217, %add3A_487 : vector<16xi32>
        %scatter3A_489 = arith.constant 0 : i32
        %scatter3A_490 = tpu.memref_slice %arg5[%scatter3A_489] : memref<32768xf32, #tpu.memory_space<vmem>> -> memref<8192xf32, #tpu.memory_space<vmem>>
        tpu.vector_store_idx %scatter3A_490[%add3A_488], %gather3A_365 : memref<8192xf32, #tpu.memory_space<vmem>>[vector<16xi32>], vector<16xf32>,
        %add3A_491 = arith.constant 32 : i32
        %add3A_492 = vector.broadcast %add3A_491 : i32 to vector<16xi32>
        %add3A_493 = arith.addi %iota3A, %add3A_492 : vector<16xi32>
        %add3A_494 = arith.constant 80 : i32
        %add3A_495 = vector.broadcast %add3A_494 : i32 to vector<16xi32>
        %add3A_496 = arith.addi %and3A_214, %add3A_495 : vector<16xi32>
        %gather3A_497 = arith.constant 0 : i32
        %gather3A_498 = arith.constant 0 : i32
        %gather3A_499 = tpu.memref_slice %arg4[%gather3A_497, %gather3A_498] : memref<256x128xf32, #tpu.memory_space<vmem>> -> memref<64x128xf32, #tpu.memory_space<vmem>>
        %gather3A_500 = tpu.vector_load_idx %gather3A_499[%add3A_493, %add3A_496] : memref<64x128xf32, #tpu.memory_space<vmem>>[vector<16xi32>, vector<16xi32>], vector<16xf32>,
        %add3A_501 = arith.constant 5136 : i32
        %add3A_502 = vector.broadcast %add3A_501 : i32 to vector<16xi32>
        %add3A_503 = arith.addi %add3A_217, %add3A_502 : vector<16xi32>
        %scatter3A_504 = arith.constant 0 : i32
        %scatter3A_505 = tpu.memref_slice %arg5[%scatter3A_504] : memref<32768xf32, #tpu.memory_space<vmem>> -> memref<8192xf32, #tpu.memory_space<vmem>>
        tpu.vector_store_idx %scatter3A_505[%add3A_503], %gather3A_380 : memref<8192xf32, #tpu.memory_space<vmem>>[vector<16xi32>], vector<16xf32>,
        %add3A_506 = arith.constant 32 : i32
        %add3A_507 = vector.broadcast %add3A_506 : i32 to vector<16xi32>
        %add3A_508 = arith.addi %iota3A, %add3A_507 : vector<16xi32>
        %add3A_509 = arith.constant 96 : i32
        %add3A_510 = vector.broadcast %add3A_509 : i32 to vector<16xi32>
        %add3A_511 = arith.addi %and3A_214, %add3A_510 : vector<16xi32>
        %gather3A_512 = arith.constant 0 : i32
        %gather3A_513 = arith.constant 0 : i32
        %gather3A_514 = tpu.memref_slice %arg4[%gather3A_512, %gather3A_513] : memref<256x128xf32, #tpu.memory_space<vmem>> -> memref<64x128xf32, #tpu.memory_space<vmem>>
        %gather3A_515 = tpu.vector_load_idx %gather3A_514[%add3A_508, %add3A_511] : memref<64x128xf32, #tpu.memory_space<vmem>>[vector<16xi32>, vector<16xi32>], vector<16xf32>,
        %add3A_516 = arith.constant 6160 : i32
        %add3A_517 = vector.broadcast %add3A_516 : i32 to vector<16xi32>
        %add3A_518 = arith.addi %add3A_217, %add3A_517 : vector<16xi32>
        %scatter3A_519 = arith.constant 0 : i32
        %scatter3A_520 = tpu.memref_slice %arg5[%scatter3A_519] : memref<32768xf32, #tpu.memory_space<vmem>> -> memref<8192xf32, #tpu.memory_space<vmem>>
        tpu.vector_store_idx %scatter3A_520[%add3A_518], %gather3A_395 : memref<8192xf32, #tpu.memory_space<vmem>>[vector<16xi32>], vector<16xf32>,
        %add3A_521 = arith.constant 32 : i32
        %add3A_522 = vector.broadcast %add3A_521 : i32 to vector<16xi32>
        %add3A_523 = arith.addi %iota3A, %add3A_522 : vector<16xi32>
        %add3A_524 = arith.constant 112 : i32
        %add3A_525 = vector.broadcast %add3A_524 : i32 to vector<16xi32>
        %add3A_526 = arith.addi %and3A_214, %add3A_525 : vector<16xi32>
        %gather3A_527 = arith.constant 0 : i32
        %gather3A_528 = arith.constant 0 : i32
        %gather3A_529 = tpu.memref_slice %arg4[%gather3A_527, %gather3A_528] : memref<256x128xf32, #tpu.memory_space<vmem>> -> memref<64x128xf32, #tpu.memory_space<vmem>>
        %gather3A_530 = tpu.vector_load_idx %gather3A_529[%add3A_523, %add3A_526] : memref<64x128xf32, #tpu.memory_space<vmem>>[vector<16xi32>, vector<16xi32>], vector<16xf32>,
        %add3A_531 = arith.constant 7184 : i32
        %add3A_532 = vector.broadcast %add3A_531 : i32 to vector<16xi32>
        %add3A_533 = arith.addi %add3A_217, %add3A_532 : vector<16xi32>
        %scatter3A_534 = arith.constant 0 : i32
        %scatter3A_535 = tpu.memref_slice %arg5[%scatter3A_534] : memref<32768xf32, #tpu.memory_space<vmem>> -> memref<8192xf32, #tpu.memory_space<vmem>>
        tpu.vector_store_idx %scatter3A_535[%add3A_533], %gather3A_410 : memref<8192xf32, #tpu.memory_space<vmem>>[vector<16xi32>], vector<16xf32>,
        %add3A_536 = arith.constant 48 : i32
        %add3A_537 = vector.broadcast %add3A_536 : i32 to vector<16xi32>
        %add3A_538 = arith.addi %iota3A, %add3A_537 : vector<16xi32>
        %add3A_539 = arith.constant 0 : i32
        %add3A_540 = vector.broadcast %add3A_539 : i32 to vector<16xi32>
        %add3A_541 = arith.addi %and3A_214, %add3A_540 : vector<16xi32>
        %gather3A_542 = arith.constant 0 : i32
        %gather3A_543 = arith.constant 0 : i32
        %gather3A_544 = tpu.memref_slice %arg4[%gather3A_542, %gather3A_543] : memref<256x128xf32, #tpu.memory_space<vmem>> -> memref<64x128xf32, #tpu.memory_space<vmem>>
        %gather3A_545 = tpu.vector_load_idx %gather3A_544[%add3A_538, %add3A_541] : memref<64x128xf32, #tpu.memory_space<vmem>>[vector<16xi32>, vector<16xi32>], vector<16xf32>,
        %add3A_546 = arith.constant 32 : i32
        %add3A_547 = vector.broadcast %add3A_546 : i32 to vector<16xi32>
        %add3A_548 = arith.addi %add3A_217, %add3A_547 : vector<16xi32>
        %scatter3A_549 = arith.constant 0 : i32
        %scatter3A_550 = tpu.memref_slice %arg5[%scatter3A_549] : memref<32768xf32, #tpu.memory_space<vmem>> -> memref<8192xf32, #tpu.memory_space<vmem>>
        tpu.vector_store_idx %scatter3A_550[%add3A_548], %gather3A_425 : memref<8192xf32, #tpu.memory_space<vmem>>[vector<16xi32>], vector<16xf32>,
        %add3A_551 = arith.constant 48 : i32
        %add3A_552 = vector.broadcast %add3A_551 : i32 to vector<16xi32>
        %add3A_553 = arith.addi %iota3A, %add3A_552 : vector<16xi32>
        %add3A_554 = arith.constant 16 : i32
        %add3A_555 = vector.broadcast %add3A_554 : i32 to vector<16xi32>
        %add3A_556 = arith.addi %and3A_214, %add3A_555 : vector<16xi32>
        %gather3A_557 = arith.constant 0 : i32
        %gather3A_558 = arith.constant 0 : i32
        %gather3A_559 = tpu.memref_slice %arg4[%gather3A_557, %gather3A_558] : memref<256x128xf32, #tpu.memory_space<vmem>> -> memref<64x128xf32, #tpu.memory_space<vmem>>
        %gather3A_560 = tpu.vector_load_idx %gather3A_559[%add3A_553, %add3A_556] : memref<64x128xf32, #tpu.memory_space<vmem>>[vector<16xi32>, vector<16xi32>], vector<16xf32>,
        %add3A_561 = arith.constant 1056 : i32
        %add3A_562 = vector.broadcast %add3A_561 : i32 to vector<16xi32>
        %add3A_563 = arith.addi %add3A_217, %add3A_562 : vector<16xi32>
        %scatter3A_564 = arith.constant 0 : i32
        %scatter3A_565 = tpu.memref_slice %arg5[%scatter3A_564] : memref<32768xf32, #tpu.memory_space<vmem>> -> memref<8192xf32, #tpu.memory_space<vmem>>
        tpu.vector_store_idx %scatter3A_565[%add3A_563], %gather3A_440 : memref<8192xf32, #tpu.memory_space<vmem>>[vector<16xi32>], vector<16xf32>,
        %add3A_566 = arith.constant 48 : i32
        %add3A_567 = vector.broadcast %add3A_566 : i32 to vector<16xi32>
        %add3A_568 = arith.addi %iota3A, %add3A_567 : vector<16xi32>
        %add3A_569 = arith.constant 32 : i32
        %add3A_570 = vector.broadcast %add3A_569 : i32 to vector<16xi32>
        %add3A_571 = arith.addi %and3A_214, %add3A_570 : vector<16xi32>
        %gather3A_572 = arith.constant 0 : i32
        %gather3A_573 = arith.constant 0 : i32
        %gather3A_574 = tpu.memref_slice %arg4[%gather3A_572, %gather3A_573] : memref<256x128xf32, #tpu.memory_space<vmem>> -> memref<64x128xf32, #tpu.memory_space<vmem>>
        %gather3A_575 = tpu.vector_load_idx %gather3A_574[%add3A_568, %add3A_571] : memref<64x128xf32, #tpu.memory_space<vmem>>[vector<16xi32>, vector<16xi32>], vector<16xf32>,
        %add3A_576 = arith.constant 2080 : i32
        %add3A_577 = vector.broadcast %add3A_576 : i32 to vector<16xi32>
        %add3A_578 = arith.addi %add3A_217, %add3A_577 : vector<16xi32>
        %scatter3A_579 = arith.constant 0 : i32
        %scatter3A_580 = tpu.memref_slice %arg5[%scatter3A_579] : memref<32768xf32, #tpu.memory_space<vmem>> -> memref<8192xf32, #tpu.memory_space<vmem>>
        tpu.vector_store_idx %scatter3A_580[%add3A_578], %gather3A_455 : memref<8192xf32, #tpu.memory_space<vmem>>[vector<16xi32>], vector<16xf32>,
        %add3A_581 = arith.constant 48 : i32
        %add3A_582 = vector.broadcast %add3A_581 : i32 to vector<16xi32>
        %add3A_583 = arith.addi %iota3A, %add3A_582 : vector<16xi32>
        %add3A_584 = arith.constant 48 : i32
        %add3A_585 = vector.broadcast %add3A_584 : i32 to vector<16xi32>
        %add3A_586 = arith.addi %and3A_214, %add3A_585 : vector<16xi32>
        %gather3A_587 = arith.constant 0 : i32
        %gather3A_588 = arith.constant 0 : i32
        %gather3A_589 = tpu.memref_slice %arg4[%gather3A_587, %gather3A_588] : memref<256x128xf32, #tpu.memory_space<vmem>> -> memref<64x128xf32, #tpu.memory_space<vmem>>
        %gather3A_590 = tpu.vector_load_idx %gather3A_589[%add3A_583, %add3A_586] : memref<64x128xf32, #tpu.memory_space<vmem>>[vector<16xi32>, vector<16xi32>], vector<16xf32>,
        %add3A_591 = arith.constant 3104 : i32
        %add3A_592 = vector.broadcast %add3A_591 : i32 to vector<16xi32>
        %add3A_593 = arith.addi %add3A_217, %add3A_592 : vector<16xi32>
        %scatter3A_594 = arith.constant 0 : i32
        %scatter3A_595 = tpu.memref_slice %arg5[%scatter3A_594] : memref<32768xf32, #tpu.memory_space<vmem>> -> memref<8192xf32, #tpu.memory_space<vmem>>
        tpu.vector_store_idx %scatter3A_595[%add3A_593], %gather3A_470 : memref<8192xf32, #tpu.memory_space<vmem>>[vector<16xi32>], vector<16xf32>,
        %add3A_596 = arith.constant 48 : i32
        %add3A_597 = vector.broadcast %add3A_596 : i32 to vector<16xi32>
        %add3A_598 = arith.addi %iota3A, %add3A_597 : vector<16xi32>
        %add3A_599 = arith.constant 64 : i32
        %add3A_600 = vector.broadcast %add3A_599 : i32 to vector<16xi32>
        %add3A_601 = arith.addi %and3A_214, %add3A_600 : vector<16xi32>
        %gather3A_602 = arith.constant 0 : i32
        %gather3A_603 = arith.constant 0 : i32
        %gather3A_604 = tpu.memref_slice %arg4[%gather3A_602, %gather3A_603] : memref<256x128xf32, #tpu.memory_space<vmem>> -> memref<64x128xf32, #tpu.memory_space<vmem>>
        %gather3A_605 = tpu.vector_load_idx %gather3A_604[%add3A_598, %add3A_601] : memref<64x128xf32, #tpu.memory_space<vmem>>[vector<16xi32>, vector<16xi32>], vector<16xf32>,
        %add3A_606 = arith.constant 4128 : i32
        %add3A_607 = vector.broadcast %add3A_606 : i32 to vector<16xi32>
        %add3A_608 = arith.addi %add3A_217, %add3A_607 : vector<16xi32>
        %scatter3A_609 = arith.constant 0 : i32
        %scatter3A_610 = tpu.memref_slice %arg5[%scatter3A_609] : memref<32768xf32, #tpu.memory_space<vmem>> -> memref<8192xf32, #tpu.memory_space<vmem>>
        tpu.vector_store_idx %scatter3A_610[%add3A_608], %gather3A_485 : memref<8192xf32, #tpu.memory_space<vmem>>[vector<16xi32>], vector<16xf32>,
        %add3A_611 = arith.constant 48 : i32
        %add3A_612 = vector.broadcast %add3A_611 : i32 to vector<16xi32>
        %add3A_613 = arith.addi %iota3A, %add3A_612 : vector<16xi32>
        %add3A_614 = arith.constant 80 : i32
        %add3A_615 = vector.broadcast %add3A_614 : i32 to vector<16xi32>
        %add3A_616 = arith.addi %and3A_214, %add3A_615 : vector<16xi32>
        %gather3A_617 = arith.constant 0 : i32
        %gather3A_618 = arith.constant 0 : i32
        %gather3A_619 = tpu.memref_slice %arg4[%gather3A_617, %gather3A_618] : memref<256x128xf32, #tpu.memory_space<vmem>> -> memref<64x128xf32, #tpu.memory_space<vmem>>
        %gather3A_620 = tpu.vector_load_idx %gather3A_619[%add3A_613, %add3A_616] : memref<64x128xf32, #tpu.memory_space<vmem>>[vector<16xi32>, vector<16xi32>], vector<16xf32>,
        %add3A_621 = arith.constant 5152 : i32
        %add3A_622 = vector.broadcast %add3A_621 : i32 to vector<16xi32>
        %add3A_623 = arith.addi %add3A_217, %add3A_622 : vector<16xi32>
        %scatter3A_624 = arith.constant 0 : i32
        %scatter3A_625 = tpu.memref_slice %arg5[%scatter3A_624] : memref<32768xf32, #tpu.memory_space<vmem>> -> memref<8192xf32, #tpu.memory_space<vmem>>
        tpu.vector_store_idx %scatter3A_625[%add3A_623], %gather3A_500 : memref<8192xf32, #tpu.memory_space<vmem>>[vector<16xi32>], vector<16xf32>,
        %add3A_626 = arith.constant 48 : i32
        %add3A_627 = vector.broadcast %add3A_626 : i32 to vector<16xi32>
        %add3A_628 = arith.addi %iota3A, %add3A_627 : vector<16xi32>
        %add3A_629 = arith.constant 96 : i32
        %add3A_630 = vector.broadcast %add3A_629 : i32 to vector<16xi32>
        %add3A_631 = arith.addi %and3A_214, %add3A_630 : vector<16xi32>
        %gather3A_632 = arith.constant 0 : i32
        %gather3A_633 = arith.constant 0 : i32
        %gather3A_634 = tpu.memref_slice %arg4[%gather3A_632, %gather3A_633] : memref<256x128xf32, #tpu.memory_space<vmem>> -> memref<64x128xf32, #tpu.memory_space<vmem>>
        %gather3A_635 = tpu.vector_load_idx %gather3A_634[%add3A_628, %add3A_631] : memref<64x128xf32, #tpu.memory_space<vmem>>[vector<16xi32>, vector<16xi32>], vector<16xf32>,
        %add3A_636 = arith.constant 6176 : i32
        %add3A_637 = vector.broadcast %add3A_636 : i32 to vector<16xi32>
        %add3A_638 = arith.addi %add3A_217, %add3A_637 : vector<16xi32>
        %scatter3A_639 = arith.constant 0 : i32
        %scatter3A_640 = tpu.memref_slice %arg5[%scatter3A_639] : memref<32768xf32, #tpu.memory_space<vmem>> -> memref<8192xf32, #tpu.memory_space<vmem>>
        tpu.vector_store_idx %scatter3A_640[%add3A_638], %gather3A_515 : memref<8192xf32, #tpu.memory_space<vmem>>[vector<16xi32>], vector<16xf32>,
        %add3A_641 = arith.constant 48 : i32
        %add3A_642 = vector.broadcast %add3A_641 : i32 to vector<16xi32>
        %add3A_643 = arith.addi %iota3A, %add3A_642 : vector<16xi32>
        %add3A_644 = arith.constant 112 : i32
        %add3A_645 = vector.broadcast %add3A_644 : i32 to vector<16xi32>
        %add3A_646 = arith.addi %and3A_214, %add3A_645 : vector<16xi32>
        %gather3A_647 = arith.constant 0 : i32
        %gather3A_648 = arith.constant 0 : i32
        %gather3A_649 = tpu.memref_slice %arg4[%gather3A_647, %gather3A_648] : memref<256x128xf32, #tpu.memory_space<vmem>> -> memref<64x128xf32, #tpu.memory_space<vmem>>
        %gather3A_650 = tpu.vector_load_idx %gather3A_649[%add3A_643, %add3A_646] : memref<64x128xf32, #tpu.memory_space<vmem>>[vector<16xi32>, vector<16xi32>], vector<16xf32>,
        %add3A_651 = arith.constant 7200 : i32
        %add3A_652 = vector.broadcast %add3A_651 : i32 to vector<16xi32>
        %add3A_653 = arith.addi %add3A_217, %add3A_652 : vector<16xi32>
        %scatter3A_654 = arith.constant 0 : i32
        %scatter3A_655 = tpu.memref_slice %arg5[%scatter3A_654] : memref<32768xf32, #tpu.memory_space<vmem>> -> memref<8192xf32, #tpu.memory_space<vmem>>
        tpu.vector_store_idx %scatter3A_655[%add3A_653], %gather3A_530 : memref<8192xf32, #tpu.memory_space<vmem>>[vector<16xi32>], vector<16xf32>,
        %add3A_656 = arith.constant 48 : i32
        %add3A_657 = vector.broadcast %add3A_656 : i32 to vector<16xi32>
        %add3A_658 = arith.addi %add3A_217, %add3A_657 : vector<16xi32>
        %scatter3A_659 = arith.constant 0 : i32
        %scatter3A_660 = tpu.memref_slice %arg5[%scatter3A_659] : memref<32768xf32, #tpu.memory_space<vmem>> -> memref<8192xf32, #tpu.memory_space<vmem>>
        tpu.vector_store_idx %scatter3A_660[%add3A_658], %gather3A_545 : memref<8192xf32, #tpu.memory_space<vmem>>[vector<16xi32>], vector<16xf32>,
        %add3A_661 = arith.constant 1072 : i32
        %add3A_662 = vector.broadcast %add3A_661 : i32 to vector<16xi32>
        %add3A_663 = arith.addi %add3A_217, %add3A_662 : vector<16xi32>
        %scatter3A_664 = arith.constant 0 : i32
        %scatter3A_665 = tpu.memref_slice %arg5[%scatter3A_664] : memref<32768xf32, #tpu.memory_space<vmem>> -> memref<8192xf32, #tpu.memory_space<vmem>>
        tpu.vector_store_idx %scatter3A_665[%add3A_663], %gather3A_560 : memref<8192xf32, #tpu.memory_space<vmem>>[vector<16xi32>], vector<16xf32>,
        %add3A_666 = arith.constant 2096 : i32
        %add3A_667 = vector.broadcast %add3A_666 : i32 to vector<16xi32>
        %add3A_668 = arith.addi %add3A_217, %add3A_667 : vector<16xi32>
        %scatter3A_669 = arith.constant 0 : i32
        %scatter3A_670 = tpu.memref_slice %arg5[%scatter3A_669] : memref<32768xf32, #tpu.memory_space<vmem>> -> memref<8192xf32, #tpu.memory_space<vmem>>
        tpu.vector_store_idx %scatter3A_670[%add3A_668], %gather3A_575 : memref<8192xf32, #tpu.memory_space<vmem>>[vector<16xi32>], vector<16xf32>,
        %add3A_671 = arith.constant 3120 : i32
        %add3A_672 = vector.broadcast %add3A_671 : i32 to vector<16xi32>
        %add3A_673 = arith.addi %add3A_217, %add3A_672 : vector<16xi32>
        %scatter3A_674 = arith.constant 0 : i32
        %scatter3A_675 = tpu.memref_slice %arg5[%scatter3A_674] : memref<32768xf32, #tpu.memory_space<vmem>> -> memref<8192xf32, #tpu.memory_space<vmem>>
        tpu.vector_store_idx %scatter3A_675[%add3A_673], %gather3A_590 : memref<8192xf32, #tpu.memory_space<vmem>>[vector<16xi32>], vector<16xf32>,
        %add3A_676 = arith.constant 4144 : i32
        %add3A_677 = vector.broadcast %add3A_676 : i32 to vector<16xi32>
        %add3A_678 = arith.addi %add3A_217, %add3A_677 : vector<16xi32>
        %scatter3A_679 = arith.constant 0 : i32
        %scatter3A_680 = tpu.memref_slice %arg5[%scatter3A_679] : memref<32768xf32, #tpu.memory_space<vmem>> -> memref<8192xf32, #tpu.memory_space<vmem>>
        tpu.vector_store_idx %scatter3A_680[%add3A_678], %gather3A_605 : memref<8192xf32, #tpu.memory_space<vmem>>[vector<16xi32>], vector<16xf32>,
        %add3A_681 = arith.constant 5168 : i32
        %add3A_682 = vector.broadcast %add3A_681 : i32 to vector<16xi32>
        %add3A_683 = arith.addi %add3A_217, %add3A_682 : vector<16xi32>
        %scatter3A_684 = arith.constant 0 : i32
        %scatter3A_685 = tpu.memref_slice %arg5[%scatter3A_684] : memref<32768xf32, #tpu.memory_space<vmem>> -> memref<8192xf32, #tpu.memory_space<vmem>>
        tpu.vector_store_idx %scatter3A_685[%add3A_683], %gather3A_620 : memref<8192xf32, #tpu.memory_space<vmem>>[vector<16xi32>], vector<16xf32>,
        %add3A_686 = arith.constant 6192 : i32
        %add3A_687 = vector.broadcast %add3A_686 : i32 to vector<16xi32>
        %add3A_688 = arith.addi %add3A_217, %add3A_687 : vector<16xi32>
        %scatter3A_689 = arith.constant 0 : i32
        %scatter3A_690 = tpu.memref_slice %arg5[%scatter3A_689] : memref<32768xf32, #tpu.memory_space<vmem>> -> memref<8192xf32, #tpu.memory_space<vmem>>
        tpu.vector_store_idx %scatter3A_690[%add3A_688], %gather3A_635 : memref<8192xf32, #tpu.memory_space<vmem>>[vector<16xi32>], vector<16xf32>,
        %add3A_691 = arith.constant 7216 : i32
        %add3A_692 = vector.broadcast %add3A_691 : i32 to vector<16xi32>
        %add3A_693 = arith.addi %add3A_217, %add3A_692 : vector<16xi32>
        %scatter3A_694 = arith.constant 0 : i32
        %scatter3A_695 = tpu.memref_slice %arg5[%scatter3A_694] : memref<32768xf32, #tpu.memory_space<vmem>> -> memref<8192xf32, #tpu.memory_space<vmem>>
        tpu.vector_store_idx %scatter3A_695[%add3A_693], %gather3A_650 : memref<8192xf32, #tpu.memory_space<vmem>>[vector<16xi32>], vector<16xf32>,
      }
      %scan3A_207 = arith.constant 16 : i32
      %mul3A_208 = arith.constant 8192 : i32
      %mul3A_209 = arith.muli %add3A_199, %mul3A_208 : i32
      "tpu.region"() ({
        %run_scoped3A = tpu.sem_alloc : memref<!tpu.dma_semaphore, #tpu.memory_space<semaphore_mem>>
        %dma_start3A_210 = arith.constant 0 : i32
        %dma_start3A_211 = tpu.memref_slice %arg5[%dma_start3A_210] : memref<32768xf32, #tpu.memory_space<vmem>> -> memref<8192xf32, #tpu.memory_space<vmem>>
        %dma_start3A_212 = tpu.memref_slice %arg3[%mul3A_209] : memref<64000000xf32, #tpu.memory_space<hbm>> -> memref<8192xf32, #tpu.memory_space<hbm>>
        %dma_start3A_213 = tpu.memref_slice %arg3[%mul3A_209] : memref<64000000xf32, #tpu.memory_space<hbm>> -> memref<8192xf32, #tpu.memory_space<hbm>>
        %dma_start3A_214 = arith.constant 0 : i32
        %dma_start3A_215 = tpu.memref_slice %arg5[%dma_start3A_214] : memref<32768xf32, #tpu.memory_space<vmem>> -> memref<8192xf32, #tpu.memory_space<vmem>>
        tpu.enqueue_dma source(%dma_start3A_215 : memref<8192xf32, #tpu.memory_space<vmem>>) target(%dma_start3A_213 : memref<8192xf32, #tpu.memory_space<hbm>>) target_semaphore(%run_scoped3A : memref<!tpu.dma_semaphore, #tpu.memory_space<semaphore_mem>>)
        %dma_wait3A_216 = arith.constant 0 : i32
        %dma_wait3A_217 = tpu.memref_slice %arg5[%dma_wait3A_216] : memref<32768xf32, #tpu.memory_space<vmem>> -> memref<8192xf32, #tpu.memory_space<vmem>>
        %dma_wait3A_218 = tpu.memref_slice %arg3[%mul3A_209] : memref<64000000xf32, #tpu.memory_space<hbm>> -> memref<8192xf32, #tpu.memory_space<hbm>>
        %dma_wait3A_219 = tpu.memref_slice %arg3[%mul3A_209] : memref<64000000xf32, #tpu.memory_space<hbm>> -> memref<8192xf32, #tpu.memory_space<hbm>>
        %dma_wait3A_220 = arith.constant 0 : i32
        %dma_wait3A_221 = tpu.memref_slice %arg5[%dma_wait3A_220] : memref<32768xf32, #tpu.memory_space<vmem>> -> memref<8192xf32, #tpu.memory_space<vmem>>
        tpu.wait_dma2 semaphore(%run_scoped3A : memref<!tpu.dma_semaphore, #tpu.memory_space<semaphore_mem>>) src(%dma_wait3A_221 : memref<8192xf32, #tpu.memory_space<vmem>>) dst(%dma_wait3A_219 : memref<8192xf32, #tpu.memory_space<hbm>>)
        tpu.yield
      }) : () -> ()
    } else {
    }
    return
  }
}

</mosaic_0001>

<sc_bundles>
// kernel: _detranspose.3.cloned.1.call-start
scs
__scs_entry_jumppad:
0x0: {  	(pc) =	sbr.rel $0x88, $3  }
0x1: {  	(tag) =	ssettag $0x0;
	lr =	simm.s32 $0x1  }
0x2: {  	[smem:$0x3FA0] =	sst lr;
	_ =	strace $0xD0000000  }
0x3: {  	_ = 	snop  }
0x4: {  	_ = 	snop  }
0x5: {  	_ = 	snop  }
0x6: {  	_ = 	snop  }
0x7: {  	_ = 	snop  }
__scs_overlays_trampoline_lowered:
0x8: {  	[smem:$0x3FAF] =	sst s0  }
0x9: {  	[smem:$0x3FB0] =	sst s1  }
0xa: {  	[smem:$0x3FB1] =	sst s2  }
0xb: {  	[smem:$0x3FB2] =	sst s3  }
0xc: {  	[smem:$0x3FB3] =	sst s4  }
0xd: {  	[smem:$0x3FB4] =	sst s5  }
0xe: {  	[smem:$0x3FB5] =	sst s6  }
0xf: {  	[smem:$0x3FB6] =	sst s7  }
0x10: {  	[smem:$0x3FB7] =	sst s8  }
0x11: {  	[smem:$0x3FB8] =	sst s9;
	s0 =	simm.s32 @!p0 $0x0  }
0x12: {  	s1 =	sld [smem:$0x3F9E];
	s0 =	simm.s32 @p0 $0x1  }
0x13: {  	[smem:$0x3FB9] =	sst s0;
	s0 =	simm.s32 @!p1 $0x0  }
0x14: {  	s2 =	sld [smem:$0x3F9D];
	s0 =	simm.s32 @p1 $0x1  }
0x15: {  	[smem:$0x3FBA] =	sst s0;
	s0 =	simm.s32 @!p2 $0x0  }
0x16: {  	s3 =	sld [smem:$0x3FDB];
	s0 =	simm.s32 @p2 $0x1  }
0x17: {  	s4 =	simm.s32 $0x1BF5;
	[smem:$0x3FBC] =	sst s0  }
0x18: {  	s0 =	sld [smem:$0x3F9F];
	_ =	swait.ge [sflag:s4], $0x0  }
0x19: {  	s7 =	sld [smem:$0x3FA0]  }
0x1a: {  	s8 =	sadd.s32 $0xFFFFE003, lr  }
0x1b: {  	s9 =	sadd.s32 $0xFFFFFEF7, lr;
	s5 =	simm.s32 $0xFFFFFFFF;
	p2 =	slt.u32 s8, $0xFFFFF086  }
0x1c: {  	p1 =	slt.u32 s9, $0xF7A;
	s5 =	simm.s32 @!p2 $0x0  }
0x1d: {  	s5 =	simm.s32 @p1 $0x1;
	p0 =	seq.s32 s7, s2  }
0x1e: {  	s7 =	smul.u32 @!p0 $0xF7A, s2;
	p2 =	seq.s32 @!p0 s5, $0x0  }
0x1f: {  	s9 =	smul.u32 $0xF7A, s1;
	s8 =	simm.s32 @!p0 $0x1BF5;
	p2 =	por !p2, p0  }
0x20: {  	[sflag:s8] =	ssyncset.s32 @!p0 $0xFFFFF086;
	s6 =	sadd.s32 @!p0 s3, s7;
	s7 =	simm.s32 @!p0 $0x108  }
0x21: {  	s3 =	sadd.s32 s3, s9;
	s6 =	sadd.s32 @!p0 $0x88, s6;
	s7 =	simm.s32 @p2 $0x1082  }
0x22: {  	[simem:s7], [sflag:s8] =	dma.local @!p0 [hbm:s6], $0xF7A  }
0x23: {  	s9 =	sor.u32 $0xD0000000, s2;
	s6 =	simm.s32 $0x108;
	_ =	swait.ge @!p0 [sflag:s8], $0x0  }
0x24: {  	s3 =	sadd.s32 $0x88, s3;
	s6 =	simm.s32 @!p1 $0x1082;
	[sflag:s4] =	ssyncset.s32 $0xFFFFF086  }
0x25: {  	[simem:s6], [sflag:s4] =	dma.local [hbm:s3], $0xF7A  }
0x26: {  	[smem:$0x3FA0] =	sst s1;
	(tag) =	ssettag s2;
	_ =	strace s9  }
0x27: {  	s1 =	sld [smem:$0x3FB0]  }
0x28: {  	s2 =	sld [smem:$0x3FB1]  }
0x29: {  	s4 =	sld [smem:$0x3FB3]  }
0x2a: {  	p0 =	seq.s32 s5, $0x0;
	s5 =	sld [smem:$0x3FB4]  }
0x2b: {  	s6 =	sld [smem:$0x3FB5]  }
0x2c: {  	s7 =	sld [smem:$0x3FB6]  }
0x2d: {  	s3 =	simm.s32 $0x108;
	s8 =	sld [smem:$0x3FB7]  }
0x2e: {  	s3 =	simm.s32 @!p0 $0x1082;
	s9 =	sld [smem:$0x3FB8]  }
0x2f: {  	lr =	sadd.s32 s0, s3;
	s0 =	sld [smem:$0x3FAF]  }
0x30: {  	s3 =	sld [smem:$0x3FB2]  }
0x31: {  	[smem:$0x3FBB] =	sst s10  }
0x32: {  	s10 =	sld [smem:$0x3FB9];
	_ =	sdelay $0x3  }
0x33: {  	p0 =	seq.s32 s10, $0x1;
	s10 =	sld [smem:$0x3FBB];
	_ =	sdelay $0x3  }
0x34: {  	[smem:$0x3FBB] =	sst s10  }
0x35: {  	s10 =	sld [smem:$0x3FBA];
	_ =	sdelay $0x3  }
0x36: {  	p1 =	seq.s32 s10, $0x1;
	s10 =	sld [smem:$0x3FBB];
	_ =	sdelay $0x3  }
0x37: {  	[smem:$0x3FBB] =	sst s10  }
0x38: {  	s10 =	sld [smem:$0x3FBC]  }
0x39: {  	_ = 	snop;
	(pc) =	sbr.ind lr, $3  }
0x3a: {  	_ = 	snop  }
0x3b: {  	_ = 	snop  }
0x3c: {  	p2 =	seq.s32 s10, $0x1;
	s10 =	sld [smem:$0x3FBB]  }
0x3d: {  	_ =	shalt  }
0x3e: {  	_ =	shalt  }
0x3f: {  	_ =	shalt  }
0x40: {  	_ =	shalt  }
0x41: {  	_ =	shalt  }
0x42: {  	_ =	shalt  }
0x43: {  	_ =	shalt  }
0x44: {  	_ =	shalt  }
0x45: {  	_ =	shalt  }
0x46: {  	_ =	shalt  }
0x47: {  	_ =	shalt  }
0x48: {  	_ =	shalt  }
0x49: {  	_ =	shalt  }
0x4a: {  	_ =	shalt  }
0x4b: {  	_ =	shalt  }
0x4c: {  	_ =	shalt  }
0x4d: {  	_ =	shalt  }
0x4e: {  	_ =	shalt  }
0x4f: {  	_ =	shalt  }
0x50: {  	_ =	shalt  }
0x51: {  	_ =	shalt  }
0x52: {  	_ =	shalt  }
0x53: {  	_ =	shalt  }
0x54: {  	_ =	shalt  }
0x55: {  	_ =	shalt  }
0x56: {  	_ =	shalt  }
0x57: {  	_ =	shalt  }
0x58: {  	_ =	shalt  }
0x59: {  	_ =	shalt  }
0x5a: {  	_ =	shalt  }
0x5b: {  	_ =	shalt  }
0x5c: {  	_ =	shalt  }
0x5d: {  	_ =	shalt  }
0x5e: {  	_ =	shalt  }
0x5f: {  	_ =	shalt  }
0x60: {  	_ =	shalt  }
0x61: {  	_ =	shalt  }
0x62: {  	_ =	shalt  }
0x63: {  	_ =	shalt  }
0x64: {  	_ =	shalt  }
0x65: {  	_ =	shalt  }
0x66: {  	_ =	shalt  }
0x67: {  	_ =	shalt  }
0x68: {  	_ =	shalt  }
0x69: {  	_ =	shalt  }
0x6a: {  	_ =	shalt  }
0x6b: {  	_ =	shalt  }
0x6c: {  	_ =	shalt  }
0x6d: {  	_ =	shalt  }
0x6e: {  	_ =	shalt  }
0x6f: {  	_ =	shalt  }
0x70: {  	_ =	shalt  }
0x71: {  	_ =	shalt  }
0x72: {  	_ =	shalt  }
0x73: {  	_ =	shalt  }
0x74: {  	_ =	shalt  }
0x75: {  	_ =	shalt  }
0x76: {  	_ =	shalt  }
0x77: {  	_ =	shalt  }
0x78: {  	_ =	shalt  }
0x79: {  	_ =	shalt  }
0x7a: {  	_ =	shalt  }
0x7b: {  	_ =	shalt  }
0x7c: {  	_ =	shalt  }
0x7d: {  	_ =	shalt  }
0x7e: {  	_ =	shalt  }
0x7f: {  	_ =	shalt  }
0x80: {  	_ =	shalt  }
0x81: {  	_ =	shalt  }
0x82: {  	_ =	shalt  }
0x83: {  	_ =	shalt  }
0x84: {  	_ =	shalt  }
0x85: {  	_ =	shalt  }
0x86: {  	_ =	shalt  }
0x87: {  	_ =	shalt  }
.Lfunc_end0:
.L_simem_size_0:
called_computation_lowered:
.L_overlay_start_0:
0x88: {  	s2 =	sld [smem:$0x3FD9]  }
0x89: {  	s3 =	sld [smem:$0x3FFE];
	_ =	sdelay $0x1  }
0x8a: {  	s1 =	srdreg.scid  }
0x8b: {  	s0 =	sand.u32 $0x1, s1  }
0x8c: {  	s18 =	sshll.u32 s0, $0xA;
	s2 =	sadd.s32 s3, s2  }
0x8d: {  	s2 =	sadd.s32 s2, s18  }
0x8e: {  	[smem:$0x3FC7] =	sst s2  }
0x8f: {  	_ = 	snop  }
0x90: {  	s2 =	sld [smem:$0x3FC9]  }
0x91: {  	s19 =	sld [smem:$0x3FD0];
	(tm) =	ssettm $0x1  }
0x92: {  	s4 =	sld [smem:$0x3FFB];
	_ =	sdelay $0x3  }
0x93: {  	_ =	strace s4  }
0x94: {  	s4 =	sld [smem:$0x3FFC];
	_ =	sdelay $0x3  }
0x95: {  	_ =	strace s4  }
0x96: {  	s4 =	sld [smem:$0x3FFD];
	_ =	sdelay $0x3  }
0x97: {  	_ =	strace s4  }
0x98: {  	_ =	strace $0x8FFFFFFF  }
0x99: {  	s20 =	sld [smem:$0x3FDB];
	_ =	sdelay $0x1  }
0x9a: {  	s5 =	simm.s32 $_scs_section_size  }
0x9b: {  	s6 =	simm.s32 $_size__tile_overlayer_lowered;
	s7 =	simm.s32 $_tile_overlayer_lowered  }
0x9c: {  	s23 =	simm.s32 $0x1BFF;
	s22 =	sshll.u32 s7, $0x1;
	s4 =	sadd.s32 s5, s20  }
0x9d: {  	s8 =	simm.s32 $0x0;
	s21 =	sshll.u32 s6, $0x1;
	s6 =	sadd.s32 s22, s4  }
0x9e: {  	[timem:s8], [sflag:s23] =	dma.local [hbm:s6], s21  }
0x9f: {  	_ =	swait.ge [sflag:s23], s21  }
0xa0: {  	s5 =	ssub.s32 $0x0, s21;
	[sflag:s23] =	ssyncset.done $0x0  }
0xa1: {  	[sflag:s23] =	ssyncadd.s32 s5;
	_ =	sdelay $0x1  }
0xa2: {  	s24 =	simm.s32 $0x1B8B  }
0xa3: {  	_ =	swait.ge [sflag:s24], $0x1  }
0xa4: {  	[sflag:s24] =	ssyncset.done $0x0  }
0xa5: {  	s25 =	simm.s32 $0x1B8E;
	[sflag:s24] =	ssyncadd.s32 $0xFFFFFFFF  }
0xa6: {  	s26 =	simm.s32 $execute0_lowered;
	[smem:$0x3FD2] =	sst s25  }
0xa7: {  	s5 =	sshll.u32 s26, $0x1;
	_ =	strace $0x80000046;
	[dreg:$0x1] =	wrdreg $0xFFFFFFFF  }
0xa8: {  	s28 =	simm.s32 $_size_execute0_lowered;
	s4 =	sadd.s32 s4, s5;
	[dreg:$0x0] =	wrdreg $0x0  }
0xa9: {  	s5 =	sshll.u32 s28, $0x1;
	[dreg:$0x2] =	wrdreg s4  }
0xaa: {  	[dreg:$0x3] =	wrdreg s5  }
0xab: {  	[dreg:$0x4] =	wrdreg $0xC0  }
0xac: {  	_ =	task [dreg:s8], $0x5FFFF  }
0xad: {  	[dreg:$0x1] =	wrdreg $0xFFFFFFFF  }
0xae: {  	[dreg:$0x0] =	wrdreg $0x60  }
0xaf: {  	[dreg:$0x2] =	wrdreg s2  }
0xb0: {  	[dreg:$0x3] =	wrdreg s19  }
0xb1: {  	[dreg:$0x4] =	wrdreg $0x9  }
0xb2: {  	_ =	task.clear_ibuf [dreg:s8], $0x5FFFF;
	_ =	strace $0x90000046  }
0xb3: {  	s29 =	simm.s32 $0x9;
	_ =	strace $0x80000048  }
0xb4: {  	_ =	swait.ge [sflag:s29], $0x1  }
0xb5: {  	[sflag:s29] =	ssyncadd.s32 $0xFFFFFFFF  }
0xb6: {  	_ =	strace $0x90000048  }
0xb7: {  	_ =	sfence  }
0xb8: {  	s30 =	sld [smem:$0x0];
	_ =	sdelay $0x2  }
0xb9: {  	s31 =	sshll.u32 s1, $0xD;
	s1 =	sshrl.u32 s1, $0x2  }
0xba: {  	s3 =	sand.u32 $0x4000, s31;
	s1 =	sadd.s32 s1, s30  }
0xbb: {  	s0 =	sor.u32 s3, s0;
	s1 =	sshll.u32 s1, $0x11  }
0xbc: {  	s0 =	sor.u32 s1, s0  }
0xbd: {  	s0 =	sadd.s32 $0x8F2B, s0  }
0xbe: {  	[sflag:s0] =	ssyncadd.remote.s32 $0x1  }
0xbf: {  	_ =	sfence.sel $0xFFFF  }
0xc0: {  	[dreg:$0x0] =	wrdreg $0xFFFFFFFF;
	(pc) =	sbr.abs _section_cstart, $3  }
0xc1: {  	[dreg:$0x1] =	wrdreg $0xFFFFFFFF  }
0xc2: {  	_ =	task.clear_ibuf [dreg:s8], $0x2FFFF;
	_ =	strace $0x9FFFFFFF  }
0xc3: {  	(tm) =	ssettm $0x7FFFFFFF  }
tec
execute0_lowered:
.L_overlay_start_1:
0x0: {  	(tag) =	ssettag $0x1  }
0x1: {  	v10 =	vlaneseq.u32  }
0x2: {  	s0 =	rddreg [dreg:$0x0];
	s3 =	simm.s32 $0x0;
	v2 =	vmul.u32 $0x80, v10  }
0x3: {  	[smem:$0x7FF] =	sst s3;
	v0 =	vor.u32 $0xC00, v10  }
0x4: {  	s9 =	rddreg [dreg:$0x1];
	_ =	strace $0x80000047;
	[tilespmem:$0x1FD10] =	vst v0;
	v0 =	vor.u32 $0x840, v2  }
0x5: {  	[tilespmem:$0x1FD20] =	vst v0;
	v0 =	vor.u32 $0x1000, v10  }
0x6: {  	[tilespmem:$0x1FD30] =	vst v0;
	v0 =	vor.u32 $0x850, v2  }
0x7: {  	[tilespmem:$0x1FD40] =	vst v0;
	v0 =	vor.u32 $0x1400, v10  }
0x8: {  	[tilespmem:$0x1FD50] =	vst v0;
	v0 =	vor.u32 $0x860, v2  }
0x9: {  	[tilespmem:$0x1FD60] =	vst v0;
	v0 =	vor.u32 $0x1800, v10  }
0xa: {  	[tilespmem:$0x1FD70] =	vst v0;
	v0 =	vor.u32 $0x870, v2  }
0xb: {  	[tilespmem:$0x1FD80] =	vst v0;
	v0 =	vor.u32 $0x1C00, v10  }
0xc: {  	[tilespmem:$0x1FD90] =	vst v0;
	v0 =	vor.u32 $0x1000, v2  }
0xd: {  	[tilespmem:$0x1FDA0] =	vst v0;
	v0 =	vor.u32 $0x10, v10  }
0xe: {  	[tilespmem:$0x1FDB0] =	vst v0;
	v0 =	vor.u32 $0x1010, v2  }
0xf: {  	[tilespmem:$0x1FDC0] =	vst v0;
	v0 =	vor.u32 $0x410, v10  }
0x10: {  	[tilespmem:$0x1FDD0] =	vst v0;
	v0 =	vor.u32 $0x1020, v2  }
0x11: {  	[tilespmem:$0x1FDE0] =	vst v0;
	v0 =	vor.u32 $0x810, v10  }
0x12: {  	[tilespmem:$0x1FDF0] =	vst v0;
	v0 =	vor.u32 $0x1030, v2  }
0x13: {  	[tilespmem:$0x1FE00] =	vst v0;
	v0 =	vor.u32 $0xC10, v10  }
0x14: {  	[tilespmem:$0x1FE10] =	vst v0;
	v0 =	vor.u32 $0x1040, v2  }
0x15: {  	[tilespmem:$0x1FE20] =	vst v0;
	v0 =	vor.u32 $0x1010, v10  }
0x16: {  	[tilespmem:$0x1FE30] =	vst v0;
	v0 =	vor.u32 $0x1050, v2  }
0x17: {  	[tilespmem:$0x1FE40] =	vst v0;
	v0 =	vor.u32 $0x1410, v10  }
0x18: {  	[tilespmem:$0x1FE50] =	vst v0;
	v0 =	vor.u32 $0x1060, v2  }
0x19: {  	[tilespmem:$0x1FE60] =	vst v0;
	v0 =	vor.u32 $0x1810, v10  }
0x1a: {  	[tilespmem:$0x1FE70] =	vst v0;
	v0 =	vor.u32 $0x1070, v2  }
0x1b: {  	s1 =	srdreg.scid;
	s8 =	stileid.u32;
	s28 =	simm.s32 $0xA000;
	[tilespmem:$0x1FE80] =	vst v0;
	v0 =	vor.u32 $0x1C10, v10  }
0x1c: {  	s29 =	simm.s32 $0x4000;
	s30 =	simm.s32 $0xC000;
	s31 =	simm.s32 $0x6000;
	[tilespmem:$0x1FE90] =	vst v0;
	v0 =	vor.u32 $0x1800, v2  }
0x1d: {  	s1 =	sand.u32 $0x1, s1;
	s4 =	sshll.u32 s8, $0x1;
	s14 =	sadd.s32 $0x8000, s9;
	[tilespmem:$0x1FEA0] =	vst v0;
	v0 =	vor.u32 $0x20, v10  }
0x1e: {  	p0 =	sgt.u32 s8, $0x1;
	s8 =	simm.s32 $0x7;
	s2 =	ssub.s32 $0x2, s1;
	[tilespmem:$0x1FEB0] =	vst v0;
	v0 =	vor.u32 $0x1810, v2  }
0x1f: {  	s4 =	sor.u32 s1, s4;
	s1 =	simm.s32 $0x1;
	s5 =	sshrl.u32 s2, $0x1;
	[tilespmem:$0x1FEC0] =	vst v0;
	v0 =	vor.u32 $0x420, v10  }
0x20: {  	s11 =	sshll.u32 s4, $0x7;
	s6 =	sshll.u32 s4, $0xA;
	s16 =	sor.u32 $0x20, s4;
	[tilespmem:$0x1FED0] =	vst v0;
	v0 =	vor.u32 $0x1820, v2  }
0x21: {  	s7 =	sor.u32 $0x40, s4;
	s20 =	sor.u32 $0x60, s4;
	s24 =	sor.u32 $0x1E80, s4;
	[tilespmem:$0x1FEE0] =	vst v0;
	v0 =	vor.u32 $0x820, v10  }
0x22: {  	s10 =	ssub.s32 s2, s5;
	s12 =	sadd.s32 s0, s11;
	[dreg:$0x4] =	wrdreg s6;
	[tilespmem:$0x1FEF0] =	vst v0;
	v0 =	vor.u32 $0x1830, v2  }
0x23: {  	s6 =	sadd.s32 s9, s6;
	s17 =	sshll.u32 s16, $0x7;
	s2 =	sshll.u32 s16, $0xA;
	[tilespmem:$0x1FF00] =	vst v0;
	v0 =	vor.u32 $0xC20, v10  }
0x24: {  	s18 =	sshll.u32 s7, $0x7;
	s21 =	sshll.u32 s7, $0xA;
	s22 =	sshll.u32 s20, $0x7;
	[tilespmem:$0x1FF10] =	vst v0;
	v0 =	vor.u32 $0x1840, v2  }
0x25: {  	s16 =	sadd.s32 $0x10000, s9;
	s4 =	sshll.u32 s24, $0x7;
	s7 =	simm.s32 $0x3;
	[tilespmem:$0x1FF20] =	vst v0;
	v0 =	vor.u32 $0x1020, v10  }
0x26: {  	[dreg:$0x5] =	wrdreg s6;
	s6 =	sadd.s32 s0, s17;
	s2 =	sadd.s32 s9, s2;
	[tilespmem:$0x1FF30] =	vst v0;
	v0 =	vor.u32 $0x1850, v2  }
0x27: {  	s19 =	sadd.s32 s0, s18;
	s23 =	sadd.s32 s0, s22;
	[dreg:$0x3] =	wrdreg s12;
	[tilespmem:$0x1FF40] =	vst v0;
	v0 =	vor.u32 $0x1420, v10  }
0x28: {  	s13 =	sadd.s32 $0x4000, s12;
	s15 =	sadd.s32 $0x5000, s12;
	[dreg:$0x6] =	wrdreg s6;
	[tilespmem:$0x1FF50] =	vst v0;
	v0 =	vor.u32 $0x1860, v2  }
0x29: {  	s17 =	sadd.s32 $0x6000, s12;
	s18 =	sadd.s32 $0x18000, s9;
	[dreg:$0x7] =	wrdreg s2;
	[tilespmem:$0x1FF60] =	vst v0;
	v0 =	vor.u32 $0x1820, v10  }
0x2a: {  	s0 =	sadd.s32 s0, s4;
	s26 =	smax.u32 s10, $0x1;
	[dreg:$0x8] =	wrdreg s19;
	[tilespmem:$0x1FF70] =	vst v0;
	v0 =	vor.u32 $0x1870, v2  }
0x2b: {  	v15 =	vor.u32 $0x400, v10;
	s10 =	simm.s32 $0x8;
	s4 =	simm.s32 $0x0;
	[dreg:$0xa] =	wrdreg s23;
	[tilespmem:$0x1FF80] =	vst v0;
	v0 =	vor.u32 $0x1C20, v10  }
0x2c: {  	v17 =	vor.u32 $0x800, v10;
	v12 =	vor.u32 $0x1830, v10;
	s2 =	sshll.u32 s20, $0xA;
	s6 =	sadd.s32 s9, s21;
	[dreg:$0xc] =	wrdreg s0;
	[tilespmem:$0x1FF90] =	vst v0;
	v0 =	vor.u32 $0x30, v10  }
0x2d: {  	v8 =	vor.u32 $0x1C30, v10;
	v3 =	vor.u32 $0x10, v2;
	s19 =	sadd.s32 $0x7000, s12;
	[dreg:$0xe] =	wrdreg s26;
	s23 =	simm.s32 $0x400;
	[tilespmem:$0x1FFA0] =	vst v0;
	v0 =	vor.u32 $0x430, v10  }
.Ltmp0:
0x2e: {  	v4 =	vor.u32 $0x20, v2;
	s26 =	simm.s32 $0x2000;
	s0 =	simm.s32 $0xE000;
	[tilespmem:$0x1FFB0] =	vst v0;
	v0 =	vor.u32 $0x830, v10;
	(pc) =	sbr.rel .LBB2_1-.Ltmp0, $4  }
0x2f: {  	v5 =	vor.u32 $0x30, v2;
	v6 =	vor.u32 $0x40, v2;
	s20 =	simm.s32 $0x5;
	[dreg:$0x9] =	wrdreg s6;
	s2 =	sadd.s32 s9, s2;
	[tilespmem:$0x1FFC0] =	vst v0;
	v0 =	vor.u32 $0xC30, v10  }
0x30: {  	v7 =	vor.u32 $0x50, v2;
	v9 =	vor.u32 $0x60, v2;
	s21 =	simm.s32 $0x2;
	[dreg:$0xb] =	wrdreg s2;
	s2 =	sshll.u32 s24, $0xA;
	[tilespmem:$0x1FFD0] =	vst v0;
	v0 =	vor.u32 $0x1030, v10  }
0x31: {  	v11 =	vor.u32 $0x70, v2;
	v13 =	vor.u32 $0x800, v2;
	s6 =	simm.s32 $0x6;
	s24 =	simm.s32 $0x7A1400;
	s25 =	sadd.s32 s9, s2;
	[tilespmem:$0x1FFE0] =	vst v0;
	v0 =	vor.u32 $0x1430, v10  }
0x32: {  	v14 =	vor.u32 $0x810, v2;
	v16 =	vor.u32 $0x820, v2;
	v18 =	vor.u32 $0x830, v2;
	s9 =	simm.s32 $0x4;
	[dreg:$0xd] =	wrdreg s25;
	s25 =	simm.s32 $0x8000;
	[tilespmem:$0x1FFF0] =	vst v0  }
.LBB2_15:
0x33: {  	s4 =	sadd.s32 $0x1, s4;
	s2 =	rddreg [dreg:$0xe]  }
0x34: {  	p1 =	sne.s32 s4, s2  }
.Ltmp1:
0x35: {  	_ = 	snop;
	(pc) =	sbr.rel @!p1 .LBB2_16-.Ltmp1, $1  }
0x36: {  	_ =	sdelay $0x3  }
.LBB2_1:
0x37: {  	[dreg:$0xf] =	wrdreg s4  }
0x38: {  	s2 =	rddreg [dreg:$0x3]  }
0x39: {  	[tilespmem:s3], [sflag:$0x1] =	stream.strided.gather [hbm4b:s2+s23], $0x2000, s24, s23, $0x38;
	[tilespmem:$0x10000] =	vst v63  }
0x3a: {  	s12 =	rddreg [dreg:$0x5]  }
0x3b: {  	[hbm4b:s12+s3] =	stream.linear.scatter [tilespmem:s25], [sflag:$0x5], $0x2000, $0x38;
	[tilespmem:$0x10000] =	vst v63  }
0x3c: {  	s22 =	rddreg [dreg:$0x6]  }
0x3d: {  	[tilespmem:s26], [sflag:$0x2] =	stream.strided.gather [hbm4b:s22+s23], $0x2000, s24, s23, $0x38;
	[tilespmem:$0x10000] =	vst v63  }
0x3e: {  	s4 =	rddreg [dreg:$0x7]  }
0x3f: {  	[hbm4b:s4+s3] =	stream.linear.scatter [tilespmem:s28], [sflag:$0x6], $0x2000, $0x38;
	[tilespmem:$0x10000] =	vst v63  }
0x40: {  	s5 =	rddreg [dreg:$0x8]  }
0x41: {  	[tilespmem:s29], [sflag:$0x3] =	stream.strided.gather [hbm4b:s5+s23], $0x2000, s24, s23, $0x38;
	[tilespmem:$0x10000] =	vst v63  }
0x42: {  	s11 =	rddreg [dreg:$0x9]  }
0x43: {  	[hbm4b:s11+s3] =	stream.linear.scatter [tilespmem:s30], [sflag:$0x7], $0x2000, $0x38;
	[tilespmem:$0x10000] =	vst v63  }
0x44: {  	s12 =	rddreg [dreg:$0xa]  }
0x45: {  	[tilespmem:s31], [sflag:$0x4] =	stream.strided.gather [hbm4b:s12+s23], $0x2000, s24, s23, $0x38;
	[tilespmem:$0x10000] =	vst v63  }
0x46: {  	s22 =	rddreg [dreg:$0xb]  }
0x47: {  	[hbm4b:s22+s3] =	stream.linear.scatter [tilespmem:s0], [sflag:$0x8], $0x2000, $0x38;
	[tilespmem:$0x10000] =	vst v63  }
0x48: {  	s22 =	simm.s32 $0x0  }
.LBB2_2:
0x49: {  	_ =	swait.ge [sflag:s1], $0x2000  }
0x4a: {  	[sflag:s1] =	ssyncset.done $0x0  }
0x4b: {  	[sflag:s1] =	ssyncadd.s32 $0xFFFFE000  }
0x4c: {  	_ =	swait.ge [sflag:s20], $0x2000  }
0x4d: {  	v51 =	vld [tilespmem:$0x1FE30]  }
0x4e: {  	v52 =	vld [tilespmem:$0x1FE40]  }
0x4f: {  	v53 =	vld [tilespmem:$0x1FE50]  }
0x50: {  	v54 =	vld [tilespmem:$0x1FE60]  }
0x51: {  	v55 =	vld [tilespmem:$0x1FE70]  }
0x52: {  	v56 =	vld [tilespmem:$0x1FE80]  }
0x53: {  	v57 =	vld [tilespmem:$0x1FE90]  }
0x54: {  	v58 =	vld [tilespmem:$0x1FEA0]  }
0x55: {  	v59 =	vld [tilespmem:$0x1FEB0]  }
0x56: {  	v60 =	vld [tilespmem:$0x1FEC0]  }
0x57: {  	v61 =	vld [tilespmem:$0x1FED0]  }
0x58: {  	v62 =	vld [tilespmem:$0x1FEE0]  }
0x59: {  	v63 =	vld [tilespmem:$0x1FEF0]  }
0x5a: {  	v33 =	vld [tilespmem:$0x1FF00]  }
0x5b: {  	v34 =	vld [tilespmem:$0x1FF10]  }
0x5c: {  	v35 =	vld [tilespmem:$0x1FF20]  }
0x5d: {  	v36 =	vld [tilespmem:$0x1FF30]  }
0x5e: {  	v37 =	vld [tilespmem:$0x1FF40]  }
0x5f: {  	v38 =	vld [tilespmem:$0x1FF50]  }
0x60: {  	v39 =	vld [tilespmem:$0x1FF60]  }
0x61: {  	v40 =	vld [tilespmem:$0x1FF70]  }
0x62: {  	v41 =	vld [tilespmem:$0x1FF80]  }
0x63: {  	v42 =	vld [tilespmem:$0x1FF90]  }
0x64: {  	v43 =	vld [tilespmem:$0x1FFA0]  }
0x65: {  	v44 =	vld [tilespmem:$0x1FFB0]  }
0x66: {  	v45 =	vld [tilespmem:$0x1FFC0]  }
0x67: {  	s2 =	sshll.u32 s22, $0x11;
	s4 =	rddreg [dreg:$0x4];
	[sflag:s20] =	ssyncset.done $0x0;
	v46 =	vld [tilespmem:$0x1FFD0]  }
0x68: {  	v47 =	vld [tilespmem:$0x1FFE0];
	s4 =	sor.u32 s4, s2;
	s12 =	rddreg [dreg:$0x1]  }
0x69: {  	v49 =	vld [tilespmem:$0x1FFF0];
	[sflag:s20] =	ssyncadd.s32 $0xFFFFE000;
	s2 =	simm.s32 $0x0;
	s12 =	sadd.s32 s12, s4  }
.LBB2_3:
0x6a: {  	v0 =	vadd.s32 s2, v10  }
0x6b: {  	v20 =	vmov v3;
	v3 =	vor.u32 v3, v0  }
0x6c: {  	v22 =	vmov v5;
	v5 =	vor.u32 v5, v0  }
0x6d: {  	v24 =	vmov v7;
	v1 =	vand.u32 $0xF, v0;
	v7 =	vor.u32 v7, v0  }
0x6e: {  	v19 =	vmov v2;
	v2 =	vor.u32 v2, v1  }
0x6f: {  	v21 =	vmov v4;
	v26 =	vmov v11;
	v11 =	vor.u32 v11, v0  }
0x70: {  	v23 =	vmovc v6;
	v50 =	vmovc v8;
	v10 =	vlaneseq.u32;
	v4 =	vor.u32 v4, v1;
	v8 =	vshll.u32 v1, $0x6;
	v3 =	vld.idx.msk [tilespmem:v3+s3+$0x0], $0xffff  }
0x71: {  	v48 =	vmovc v12;
	v12 =	vshll.u32 v0, $0x6;
	v6 =	vor.u32 v6, v1;
	v10 =	vor.u32 v10, v8;
	v5 =	vld.idx.msk [tilespmem:v5+s3+$0x0], $0xffff  }
0x72: {  	v25 =	vmovc v9;
	v9 =	vor.u32 v9, v1;
	v12 =	vand.u32 $0x380, v12;
	v10 =	vand.u32 $0x4F, v10;
	v7 =	vld.idx.msk [tilespmem:v7+s3+$0x0], $0xffff  }
0x73: {  	v27 =	vmov v13;
	v13 =	vor.u32 v13, v1;
	v10 =	vor.u32 v12, v10;
	v2 =	vld.idx.msk [tilespmem:v2+s3+$0x0], $0xffff  }
0x74: {  	v28 =	vmov v14;
	v14 =	vor.u32 v14, v0;
	v11 =	vld.idx.msk [tilespmem:v11+s3+$0x0], $0xffff  }
0x75: {  	v4 =	vld.idx.msk [tilespmem:v4+s3+$0x0], $0xffff  }
0x76: {  	v6 =	vld.idx.msk [tilespmem:v6+s3+$0x0], $0xffff  }
0x77: {  	v9 =	vld.idx.msk [tilespmem:v9+s3+$0x0], $0xffff  }
0x78: {  	v29 =	vmov v15;
	v15 =	vor.u32 v15, v8;
	v13 =	vld.idx.msk [tilespmem:v13+s3+$0x0], $0xffff;
	[tilespmem:v10+s25+$0x0] =	vst.idx.msk $0xffff, v2  }
0x79: {  	v30 =	vmov v16;
	v16 =	vor.u32 v16, v1;
	v10 =	vld.idx.msk [tilespmem:v14+s3+$0x0], $0xffff  }
0x7a: {  	v14 =	vld [tilespmem:$0x1FD10];
	_ =	sdelay $0x1  }
0x7b: {  	v31 =	vmov v17;
	v17 =	vor.u32 v17, v8  }
0x7c: {  	[tilespmem:v15+s25+$0x0] =	vst.idx.msk $0xffff, v3;
	v3 =	vld [tilespmem:$0x1FD20]  }
0x7d: {  	v2 =	vor.u32 v18, v0;
	v15 =	vld.idx.msk [tilespmem:v16+s3+$0x0], $0xffff  }
0x7e: {  	v16 =	vld [tilespmem:$0x1FD30];
	v14 =	vor.u32 v14, v8;
	_ =	sdelay $0x1  }
0x7f: {  	[tilespmem:v17+s25+$0x0] =	vst.idx.msk $0xffff, v4;
	v4 =	vld [tilespmem:$0x1FD40]  }
0x80: {  	v17 =	vld [tilespmem:$0x1FD50]  }
0x81: {  	v2 =	vld.idx.msk [tilespmem:v2+s3+$0x0], $0xffff;
	v3 =	vor.u32 v3, v1  }
0x82: {  	v16 =	vor.u32 v16, v8;
	[tilespmem:v14+s25+$0x0] =	vst.idx.msk $0xffff, v5;
	v5 =	vld [tilespmem:$0x1FD60]  }
0x83: {  	v14 =	vld [tilespmem:$0x1FD70]  }
0x84: {  	v4 =	vor.u32 v4, v0  }
0x85: {  	v32 =	vmov v18;
	v18 =	vld [tilespmem:$0x1FDB0];
	v17 =	vor.u32 v17, v8  }
0x86: {  	v3 =	vld.idx.msk [tilespmem:v3+s3+$0x0], $0xffff  }
0x87: {  	[tilespmem:v16+s25+$0x0] =	vst.idx.msk $0xffff, v6;
	v6 =	vld [tilespmem:$0x1FD80];
	v5 =	vor.u32 v5, v1  }
0x88: {  	v16 =	vld [tilespmem:$0x1FD90];
	v14 =	vor.u32 v14, v8  }
0x89: {  	v4 =	vld.idx.msk [tilespmem:v4+s3+$0x0], $0xffff  }
0x8a: {  	[tilespmem:v17+s25+$0x0] =	vst.idx.msk $0xffff, v7;
	v7 =	vld [tilespmem:$0x1FDA0];
	_ =	sdelay $0x1  }
0x8b: {  	v6 =	vor.u32 v6, v0;
	v5 =	vld.idx.msk [tilespmem:v5+s3+$0x0], $0xffff  }
0x8c: {  	v16 =	vor.u32 v16, v8;
	[tilespmem:v14+s25+$0x0] =	vst.idx.msk $0xffff, v9;
	v9 =	vld [tilespmem:$0x1FDC0]  }
0x8d: {  	v18 =	vor.u32 v18, v8;
	v14 =	vld [tilespmem:$0x1FDD0]  }
0x8e: {  	v17 =	vand.u32 $0x5F, v18;
	v7 =	vor.u32 v7, v1  }
0x8f: {  	v17 =	vor.u32 v12, v17  }
0x90: {  	v6 =	vld.idx.msk [tilespmem:v6+s3+$0x0], $0xffff  }
0x91: {  	[tilespmem:v16+s25+$0x0] =	vst.idx.msk $0xffff, v11;
	v11 =	vld [tilespmem:$0x1FDE0];
	v9 =	vor.u32 v9, v0  }
0x92: {  	v16 =	vld [tilespmem:$0x1FDF0];
	v14 =	vor.u32 v14, v8  }
0x93: {  	v7 =	vld.idx.msk [tilespmem:v7+s3+$0x0], $0xffff  }
0x94: {  	[tilespmem:v17+s25+$0x0] =	vst.idx.msk $0xffff, v13;
	v13 =	vld [tilespmem:$0x1FE00]  }
0x95: {  	v17 =	vld [tilespmem:$0x1FE10]  }
0x96: {  	v9 =	vld.idx.msk [tilespmem:v9+s3+$0x0], $0xffff  }
0x97: {  	[tilespmem:v14+s25+$0x0] =	vst.idx.msk $0xffff, v10;
	v10 =	vld [tilespmem:$0x1FE20]  }
0x98: {  	v11 =	vor.u32 v11, v1;
	v16 =	vor.u32 v16, v8;
	_ =	sdelay $0x1  }
0x99: {  	v13 =	vor.u32 v13, v0;
	v17 =	vor.u32 v17, v8;
	_ =	sdelay $0x1  }
0x9a: {  	v14 =	vor.u32 v51, v8;
	v10 =	vor.u32 v10, v1  }
0x9b: {  	v11 =	vld.idx.msk [tilespmem:v11+s3+$0x0], $0xffff;
	[tilespmem:v16+s25+$0x0] =	vst.idx.msk $0xffff, v15;
	v15 =	vor.u32 v52, v0;
	v16 =	vor.u32 v53, v8;
	_ =	sdelay $0x1  }
0x9c: {  	v13 =	vld.idx.msk [tilespmem:v13+s3+$0x0], $0xffff;
	[tilespmem:v17+s25+$0x0] =	vst.idx.msk $0xffff, v2;
	v2 =	vor.u32 v54, v1;
	v17 =	vor.u32 v55, v8;
	_ =	sdelay $0x1  }
0x9d: {  	v18 =	vor.u32 v59, v8;
	v10 =	vld.idx.msk [tilespmem:v10+s3+$0x0], $0xffff;
	[tilespmem:v14+s25+$0x0] =	vst.idx.msk $0xffff, v3;
	v3 =	vor.u32 v56, v0  }
0x9e: {  	v14 =	vld.idx.msk [tilespmem:v15+s3+$0x0], $0xffff;
	v15 =	vor.u32 v57, v8;
	[tilespmem:v16+s25+$0x0] =	vst.idx.msk $0xffff, v4;
	v16 =	vand.u32 $0x6F, v18  }
0x9f: {  	v4 =	vor.u32 v58, v1;
	v16 =	vor.u32 v12, v16  }
0xa0: {  	v2 =	vld.idx.msk [tilespmem:v2+s3+$0x0], $0xffff;
	[tilespmem:v17+s25+$0x0] =	vst.idx.msk $0xffff, v5;
	v5 =	vor.u32 v60, v0;
	v17 =	vor.u32 v61, v8;
	_ =	sdelay $0x2  }
0xa1: {  	v3 =	vld.idx.msk [tilespmem:v3+s3+$0x0], $0xffff;
	[tilespmem:v15+s25+$0x0] =	vst.idx.msk $0xffff, v6;
	v6 =	vor.u32 v62, v1;
	v15 =	vor.u32 v63, v8  }
0xa2: {  	v4 =	vld.idx.msk [tilespmem:v4+s3+$0x0], $0xffff;
	[tilespmem:v16+s25+$0x0] =	vst.idx.msk $0xffff, v7;
	v7 =	vor.u32 v33, v0;
	v16 =	vor.u32 v34, v8  }
0xa3: {  	v5 =	vld.idx.msk [tilespmem:v5+s3+$0x0], $0xffff;
	[tilespmem:v17+s25+$0x0] =	vst.idx.msk $0xffff, v9;
	v9 =	vor.u32 v35, v1;
	v17 =	vor.u32 v36, v8;
	_ =	sdelay $0x2  }
0xa4: {  	v6 =	vld.idx.msk [tilespmem:v6+s3+$0x0], $0xffff;
	[tilespmem:v15+s25+$0x0] =	vst.idx.msk $0xffff, v11;
	v11 =	vor.u32 v37, v0;
	v15 =	vor.u32 v38, v8  }
0xa5: {  	v1 =	vor.u32 v39, v1;
	v7 =	vld.idx.msk [tilespmem:v7+s3+$0x0], $0xffff;
	[tilespmem:v16+s25+$0x0] =	vst.idx.msk $0xffff, v13;
	v13 =	vor.u32 v40, v8  }
0xa6: {  	v9 =	vld.idx.msk [tilespmem:v9+s3+$0x0], $0xffff;
	[tilespmem:v17+s25+$0x0] =	vst.idx.msk $0xffff, v10;
	v10 =	vor.u32 v43, v8  }
0xa7: {  	v0 =	vor.u32 v41, v0;
	v16 =	vor.u32 v42, v8;
	v10 =	vand.u32 $0x7F, v10  }
0xa8: {  	v10 =	vor.u32 v12, v10  }
0xa9: {  	v12 =	vor.u32 v44, v8;
	v11 =	vld.idx.msk [tilespmem:v11+s3+$0x0], $0xffff;
	[tilespmem:v15+s25+$0x0] =	vst.idx.msk $0xffff, v14  }
0xaa: {  	v1 =	vld.idx.msk [tilespmem:v1+s3+$0x0], $0xffff;
	[tilespmem:v13+s25+$0x0] =	vst.idx.msk $0xffff, v2;
	v2 =	vor.u32 v45, v8  }
0xab: {  	v13 =	vor.u32 v46, v8  }
0xac: {  	v0 =	vld.idx.msk [tilespmem:v0+s3+$0x0], $0xffff;
	[tilespmem:v16+s25+$0x0] =	vst.idx.msk $0xffff, v3;
	v3 =	vor.u32 v47, v8  }
0xad: {  	[tilespmem:v10+s25+$0x0] =	vst.idx.msk $0xffff, v4;
	v4 =	vor.u32 v49, v8  }
0xae: {  	[tilespmem:v12+s25+$0x0] =	vst.idx.msk $0xffff, v5;
	v5 =	vor.u32 v48, v8  }
0xaf: {  	p1 =	sne.s32 s2, $0xF;
	[tilespmem:v2+s25+$0x0] =	vst.idx.msk $0xffff, v6;
	v2 =	vor.u32 v50, v8  }
.Ltmp2:
0xb0: {  	[tilespmem:v13+s25+$0x0] =	vst.idx.msk $0xffff, v7;
	(pc) =	sbr.rel @p1 .LBB2_3-.Ltmp2, $4  }
0xb1: {  	v18 =	vmov v32;
	v17 =	vmov v31;
	[tilespmem:v3+s25+$0x0] =	vst.idx.msk $0xffff, v9  }
0xb2: {  	v15 =	vmovc v29;
	v14 =	vmovc v28;
	v16 =	vmov v30;
	v10 =	vlaneseq.u32;
	v12 =	vmov v48;
	[tilespmem:v4+s25+$0x0] =	vst.idx.msk $0xffff, v11  }
0xb3: {  	v6 =	vmovc v23;
	v8 =	vmovc v50;
	v13 =	vmov v27;
	v7 =	vmov v24;
	v9 =	vmov v25;
	[tilespmem:v5+s25+$0x0] =	vst.idx.msk $0xffff, v1  }
0xb4: {  	s2 =	sadd.s32 $0x1, s2;
	v3 =	vmovc v20;
	v11 =	vmovc v26;
	v4 =	vmov v21;
	v5 =	vmov v22;
	[tilespmem:v2+s25+$0x0] =	vst.idx.msk $0xffff, v0;
	v2 =	vmov v19  }
0xb5: {  	s11 =	sshll.u32 s22, $0x2  }
0xb6: {  	s2 =	smin.u32 s11, $0xEF  }
0xb7: {  	s2 =	sshll.u32 s2, $0xC  }
0xb8: {  	s5 =	sadd.s32 s2, s13;
	s2 =	simm.s32 $0x0  }
0xb9: {  	[tilespmem:s2], [sflag:$0x1] =	stream.strided.gather [hbm4b:s5+s23], $0x2000, s24, s23, $0x38;
	[tilespmem:$0x10000] =	vst v63  }
0xba: {  	_ = 	snop  }
0xbb: {  	[hbm4b:s12+s2] =	stream.linear.scatter [tilespmem:s25], [sflag:$0x5], $0x2000, $0x38;
	[tilespmem:$0x10000] =	vst v63  }
0xbc: {  	_ =	swait.ge [sflag:s21], $0x2000  }
0xbd: {  	[sflag:s21] =	ssyncset.done $0x0  }
0xbe: {  	[sflag:s21] =	ssyncadd.s32 $0xFFFFE000  }
0xbf: {  	_ =	swait.ge [sflag:s6], $0x2000  }
0xc0: {  	[sflag:s6] =	ssyncset.done $0x0  }
0xc1: {  	s12 =	sadd.s32 s4, s14;
	[sflag:s6] =	ssyncadd.s32 $0xFFFFE000  }
.LBB2_5:
0xc2: {  	v0 =	vadd.s32 s2, v10  }
0xc3: {  	v3 =	vor.u32 v20, v0  }
0xc4: {  	v5 =	vor.u32 v22, v0  }
0xc5: {  	v1 =	vand.u32 $0xF, v0;
	v7 =	vor.u32 v24, v0  }
0xc6: {  	v2 =	vor.u32 v19, v1  }
0xc7: {  	v11 =	vor.u32 v26, v0  }
0xc8: {  	v10 =	vlaneseq.u32;
	v4 =	vor.u32 v21, v1;
	v8 =	vshll.u32 v1, $0x6;
	v3 =	vld.idx.msk [tilespmem:v3+s26+$0x0], $0xffff  }
0xc9: {  	v12 =	vshll.u32 v0, $0x6;
	v6 =	vor.u32 v23, v1;
	v10 =	vor.u32 v10, v8;
	v5 =	vld.idx.msk [tilespmem:v5+s26+$0x0], $0xffff  }
0xca: {  	v9 =	vor.u32 v25, v1;
	v12 =	vand.u32 $0x380, v12;
	v10 =	vand.u32 $0x4F, v10;
	v7 =	vld.idx.msk [tilespmem:v7+s26+$0x0], $0xffff  }
0xcb: {  	v13 =	vor.u32 v27, v1;
	v10 =	vor.u32 v12, v10;
	v2 =	vld.idx.msk [tilespmem:v2+s26+$0x0], $0xffff  }
0xcc: {  	v14 =	vor.u32 v28, v0;
	v11 =	vld.idx.msk [tilespmem:v11+s26+$0x0], $0xffff  }
0xcd: {  	v4 =	vld.idx.msk [tilespmem:v4+s26+$0x0], $0xffff  }
0xce: {  	v6 =	vld.idx.msk [tilespmem:v6+s26+$0x0], $0xffff  }
0xcf: {  	v15 =	vor.u32 v29, v8;
	v9 =	vld.idx.msk [tilespmem:v9+s26+$0x0], $0xffff  }
0xd0: {  	v13 =	vld.idx.msk [tilespmem:v13+s26+$0x0], $0xffff;
	[tilespmem:v10+s28+$0x0] =	vst.idx.msk $0xffff, v2  }
0xd1: {  	v10 =	vld.idx.msk [tilespmem:v14+s26+$0x0], $0xffff  }
0xd2: {  	v14 =	vld [tilespmem:$0x1FD10];
	_ =	sdelay $0x1  }
0xd3: {  	v16 =	vor.u32 v30, v1;
	[tilespmem:v15+s28+$0x0] =	vst.idx.msk $0xffff, v3;
	v15 =	vld [tilespmem:$0x1FD20]  }
0xd4: {  	v17 =	vor.u32 v31, v8  }
0xd5: {  	v2 =	vor.u32 v18, v0  }
0xd6: {  	v14 =	vor.u32 v14, v8;
	_ =	sdelay $0x1  }
0xd7: {  	v3 =	vor.u32 v15, v1;
	v15 =	vld.idx.msk [tilespmem:v16+s26+$0x0], $0xffff  }
0xd8: {  	v16 =	vld [tilespmem:$0x1FD30];
	[tilespmem:v17+s28+$0x0] =	vst.idx.msk $0xffff, v4  }
0xd9: {  	v2 =	vld.idx.msk [tilespmem:v2+s26+$0x0], $0xffff  }
0xda: {  	[tilespmem:v14+s28+$0x0] =	vst.idx.msk $0xffff, v5;
	v14 =	vld [tilespmem:$0x1FD60]  }
0xdb: {  	v4 =	vld [tilespmem:$0x1FD40]  }
0xdc: {  	v17 =	vld [tilespmem:$0x1FD50];
	_ =	sdelay $0x1  }
0xdd: {  	v16 =	vor.u32 v16, v8  }
0xde: {  	v5 =	vor.u32 v14, v1;
	v14 =	vld [tilespmem:$0x1FD70]  }
0xdf: {  	v4 =	vor.u32 v4, v0  }
0xe0: {  	v18 =	vld [tilespmem:$0x1FDB0];
	v17 =	vor.u32 v17, v8  }
0xe1: {  	v3 =	vld.idx.msk [tilespmem:v3+s26+$0x0], $0xffff  }
0xe2: {  	[tilespmem:v16+s28+$0x0] =	vst.idx.msk $0xffff, v6;
	v6 =	vld [tilespmem:$0x1FD80]  }
0xe3: {  	v16 =	vld [tilespmem:$0x1FD90];
	v14 =	vor.u32 v14, v8  }
0xe4: {  	v4 =	vld.idx.msk [tilespmem:v4+s26+$0x0], $0xffff  }
0xe5: {  	[tilespmem:v17+s28+$0x0] =	vst.idx.msk $0xffff, v7;
	v7 =	vld [tilespmem:$0x1FDA0];
	_ =	sdelay $0x1  }
0xe6: {  	v6 =	vor.u32 v6, v0;
	v5 =	vld.idx.msk [tilespmem:v5+s26+$0x0], $0xffff  }
0xe7: {  	v16 =	vor.u32 v16, v8;
	[tilespmem:v14+s28+$0x0] =	vst.idx.msk $0xffff, v9;
	v9 =	vld [tilespmem:$0x1FDC0]  }
0xe8: {  	v18 =	vor.u32 v18, v8;
	v14 =	vld [tilespmem:$0x1FDD0]  }
0xe9: {  	v17 =	vand.u32 $0x5F, v18;
	v7 =	vor.u32 v7, v1  }
0xea: {  	v17 =	vor.u32 v12, v17  }
0xeb: {  	v6 =	vld.idx.msk [tilespmem:v6+s26+$0x0], $0xffff  }
0xec: {  	[tilespmem:v16+s28+$0x0] =	vst.idx.msk $0xffff, v11;
	v11 =	vld [tilespmem:$0x1FDE0];
	v9 =	vor.u32 v9, v0  }
0xed: {  	v16 =	vld [tilespmem:$0x1FDF0];
	v14 =	vor.u32 v14, v8  }
0xee: {  	v7 =	vld.idx.msk [tilespmem:v7+s26+$0x0], $0xffff  }
0xef: {  	[tilespmem:v17+s28+$0x0] =	vst.idx.msk $0xffff, v13;
	v13 =	vld [tilespmem:$0x1FE00]  }
0xf0: {  	v17 =	vld [tilespmem:$0x1FE10]  }
0xf1: {  	v9 =	vld.idx.msk [tilespmem:v9+s26+$0x0], $0xffff  }
0xf2: {  	[tilespmem:v14+s28+$0x0] =	vst.idx.msk $0xffff, v10;
	v10 =	vld [tilespmem:$0x1FE20]  }
0xf3: {  	v11 =	vor.u32 v11, v1;
	v16 =	vor.u32 v16, v8;
	_ =	sdelay $0x1  }
0xf4: {  	v13 =	vor.u32 v13, v0;
	v17 =	vor.u32 v17, v8;
	_ =	sdelay $0x1  }
0xf5: {  	v14 =	vor.u32 v51, v8;
	v10 =	vor.u32 v10, v1  }
0xf6: {  	v11 =	vld.idx.msk [tilespmem:v11+s26+$0x0], $0xffff;
	[tilespmem:v16+s28+$0x0] =	vst.idx.msk $0xffff, v15;
	v15 =	vor.u32 v52, v0;
	v16 =	vor.u32 v53, v8;
	_ =	sdelay $0x1  }
0xf7: {  	v13 =	vld.idx.msk [tilespmem:v13+s26+$0x0], $0xffff;
	[tilespmem:v17+s28+$0x0] =	vst.idx.msk $0xffff, v2;
	v2 =	vor.u32 v54, v1;
	v17 =	vor.u32 v55, v8;
	_ =	sdelay $0x1  }
0xf8: {  	v18 =	vor.u32 v59, v8;
	v10 =	vld.idx.msk [tilespmem:v10+s26+$0x0], $0xffff;
	[tilespmem:v14+s28+$0x0] =	vst.idx.msk $0xffff, v3;
	v3 =	vor.u32 v56, v0  }
0xf9: {  	v14 =	vld.idx.msk [tilespmem:v15+s26+$0x0], $0xffff;
	v15 =	vor.u32 v57, v8;
	[tilespmem:v16+s28+$0x0] =	vst.idx.msk $0xffff, v4;
	v16 =	vand.u32 $0x6F, v18  }
0xfa: {  	v4 =	vor.u32 v58, v1;
	v16 =	vor.u32 v12, v16  }
0xfb: {  	v2 =	vld.idx.msk [tilespmem:v2+s26+$0x0], $0xffff;
	[tilespmem:v17+s28+$0x0] =	vst.idx.msk $0xffff, v5;
	v5 =	vor.u32 v60, v0;
	v17 =	vor.u32 v61, v8;
	_ =	sdelay $0x2  }
0xfc: {  	v3 =	vld.idx.msk [tilespmem:v3+s26+$0x0], $0xffff;
	[tilespmem:v15+s28+$0x0] =	vst.idx.msk $0xffff, v6;
	v6 =	vor.u32 v62, v1;
	v15 =	vor.u32 v63, v8  }
0xfd: {  	v4 =	vld.idx.msk [tilespmem:v4+s26+$0x0], $0xffff;
	[tilespmem:v16+s28+$0x0] =	vst.idx.msk $0xffff, v7;
	v7 =	vor.u32 v33, v0;
	v16 =	vor.u32 v34, v8  }
0xfe: {  	v5 =	vld.idx.msk [tilespmem:v5+s26+$0x0], $0xffff;
	[tilespmem:v17+s28+$0x0] =	vst.idx.msk $0xffff, v9;
	v9 =	vor.u32 v35, v1;
	v17 =	vor.u32 v36, v8;
	_ =	sdelay $0x2  }
0xff: {  	v6 =	vld.idx.msk [tilespmem:v6+s26+$0x0], $0xffff;
	[tilespmem:v15+s28+$0x0] =	vst.idx.msk $0xffff, v11;
	v11 =	vor.u32 v37, v0;
	v15 =	vor.u32 v38, v8  }
0x100: {  	v1 =	vor.u32 v39, v1;
	v7 =	vld.idx.msk [tilespmem:v7+s26+$0x0], $0xffff;
	[tilespmem:v16+s28+$0x0] =	vst.idx.msk $0xffff, v13;
	v13 =	vor.u32 v40, v8  }
0x101: {  	v9 =	vld.idx.msk [tilespmem:v9+s26+$0x0], $0xffff;
	[tilespmem:v17+s28+$0x0] =	vst.idx.msk $0xffff, v10;
	v10 =	vor.u32 v43, v8  }
0x102: {  	v0 =	vor.u32 v41, v0;
	v16 =	vor.u32 v42, v8;
	v10 =	vand.u32 $0x7F, v10  }
0x103: {  	v10 =	vor.u32 v12, v10  }
0x104: {  	v12 =	vor.u32 v44, v8;
	v11 =	vld.idx.msk [tilespmem:v11+s26+$0x0], $0xffff;
	[tilespmem:v15+s28+$0x0] =	vst.idx.msk $0xffff, v14  }
0x105: {  	v1 =	vld.idx.msk [tilespmem:v1+s26+$0x0], $0xffff;
	[tilespmem:v13+s28+$0x0] =	vst.idx.msk $0xffff, v2;
	v2 =	vor.u32 v45, v8  }
0x106: {  	v13 =	vor.u32 v46, v8  }
0x107: {  	v0 =	vld.idx.msk [tilespmem:v0+s26+$0x0], $0xffff;
	[tilespmem:v16+s28+$0x0] =	vst.idx.msk $0xffff, v3;
	v3 =	vor.u32 v47, v8  }
0x108: {  	[tilespmem:v10+s28+$0x0] =	vst.idx.msk $0xffff, v4;
	v4 =	vor.u32 v49, v8  }
0x109: {  	v14 =	vor.u32 v48, v8;
	[tilespmem:v12+s28+$0x0] =	vst.idx.msk $0xffff, v5  }
0x10a: {  	p1 =	sne.s32 s2, $0xF;
	v15 =	vor.u32 v50, v8;
	[tilespmem:v2+s28+$0x0] =	vst.idx.msk $0xffff, v6  }
.Ltmp3:
0x10b: {  	[tilespmem:v13+s28+$0x0] =	vst.idx.msk $0xffff, v7;
	(pc) =	sbr.rel @p1 .LBB2_5-.Ltmp3, $4  }
0x10c: {  	[tilespmem:v3+s28+$0x0] =	vst.idx.msk $0xffff, v9  }
0x10d: {  	[tilespmem:v4+s28+$0x0] =	vst.idx.msk $0xffff, v11  }
0x10e: {  	[tilespmem:v14+s28+$0x0] =	vst.idx.msk $0xffff, v1  }
0x10f: {  	s2 =	sadd.s32 $0x1, s2;
	v18 =	vmov v32;
	v10 =	vlaneseq.u32;
	[tilespmem:v15+s28+$0x0] =	vst.idx.msk $0xffff, v0  }
0x110: {  	s2 =	smin.u32 s11, $0xEE  }
0x111: {  	s2 =	sshll.u32 s2, $0xC  }
0x112: {  	s2 =	sadd.s32 s2, s15  }
0x113: {  	[tilespmem:s26], [sflag:$0x2] =	stream.strided.gather [hbm4b:s2+s23], $0x2000, s24, s23, $0x38;
	[tilespmem:$0x10000] =	vst v63  }
0x114: {  	s2 =	simm.s32 $0x0  }
0x115: {  	[hbm4b:s12+s2] =	stream.linear.scatter [tilespmem:s28], [sflag:$0x6], $0x2000, $0x38;
	[tilespmem:$0x10000] =	vst v63  }
0x116: {  	_ =	swait.ge [sflag:s7], $0x2000  }
0x117: {  	[sflag:s7] =	ssyncset.done $0x0  }
0x118: {  	[sflag:s7] =	ssyncadd.s32 $0xFFFFE000  }
0x119: {  	_ =	swait.ge [sflag:s8], $0x2000  }
0x11a: {  	[sflag:s8] =	ssyncset.done $0x0  }
0x11b: {  	s12 =	sadd.s32 s4, s16;
	[sflag:s8] =	ssyncadd.s32 $0xFFFFE000  }
.LBB2_7:
0x11c: {  	v0 =	vadd.s32 s2, v10  }
0x11d: {  	v3 =	vor.u32 v20, v0  }
0x11e: {  	v5 =	vor.u32 v22, v0  }
0x11f: {  	v1 =	vand.u32 $0xF, v0;
	v7 =	vor.u32 v24, v0  }
0x120: {  	v2 =	vor.u32 v19, v1  }
0x121: {  	v11 =	vor.u32 v26, v0  }
0x122: {  	v10 =	vlaneseq.u32;
	v4 =	vor.u32 v21, v1;
	v8 =	vshll.u32 v1, $0x6;
	v3 =	vld.idx.msk [tilespmem:v3+s29+$0x0], $0xffff  }
0x123: {  	v12 =	vshll.u32 v0, $0x6;
	v6 =	vor.u32 v23, v1;
	v10 =	vor.u32 v10, v8;
	v5 =	vld.idx.msk [tilespmem:v5+s29+$0x0], $0xffff  }
0x124: {  	v9 =	vor.u32 v25, v1;
	v12 =	vand.u32 $0x380, v12;
	v10 =	vand.u32 $0x4F, v10;
	v7 =	vld.idx.msk [tilespmem:v7+s29+$0x0], $0xffff  }
0x125: {  	v13 =	vor.u32 v27, v1;
	v10 =	vor.u32 v12, v10;
	v2 =	vld.idx.msk [tilespmem:v2+s29+$0x0], $0xffff  }
0x126: {  	v14 =	vor.u32 v28, v0;
	v11 =	vld.idx.msk [tilespmem:v11+s29+$0x0], $0xffff  }
0x127: {  	v4 =	vld.idx.msk [tilespmem:v4+s29+$0x0], $0xffff  }
0x128: {  	v6 =	vld.idx.msk [tilespmem:v6+s29+$0x0], $0xffff  }
0x129: {  	v15 =	vor.u32 v29, v8;
	v9 =	vld.idx.msk [tilespmem:v9+s29+$0x0], $0xffff  }
0x12a: {  	v13 =	vld.idx.msk [tilespmem:v13+s29+$0x0], $0xffff;
	[tilespmem:v10+s30+$0x0] =	vst.idx.msk $0xffff, v2  }
0x12b: {  	v10 =	vld.idx.msk [tilespmem:v14+s29+$0x0], $0xffff  }
0x12c: {  	v14 =	vld [tilespmem:$0x1FD10];
	_ =	sdelay $0x1  }
0x12d: {  	v16 =	vor.u32 v30, v1;
	[tilespmem:v15+s30+$0x0] =	vst.idx.msk $0xffff, v3;
	v15 =	vld [tilespmem:$0x1FD20]  }
0x12e: {  	v17 =	vor.u32 v31, v8  }
0x12f: {  	v2 =	vor.u32 v18, v0  }
0x130: {  	v14 =	vor.u32 v14, v8;
	_ =	sdelay $0x1  }
0x131: {  	v3 =	vor.u32 v15, v1;
	v15 =	vld.idx.msk [tilespmem:v16+s29+$0x0], $0xffff  }
0x132: {  	v16 =	vld [tilespmem:$0x1FD30];
	[tilespmem:v17+s30+$0x0] =	vst.idx.msk $0xffff, v4  }
0x133: {  	v2 =	vld.idx.msk [tilespmem:v2+s29+$0x0], $0xffff  }
0x134: {  	[tilespmem:v14+s30+$0x0] =	vst.idx.msk $0xffff, v5;
	v14 =	vld [tilespmem:$0x1FD60]  }
0x135: {  	v4 =	vld [tilespmem:$0x1FD40]  }
0x136: {  	v17 =	vld [tilespmem:$0x1FD50];
	_ =	sdelay $0x1  }
0x137: {  	v16 =	vor.u32 v16, v8  }
0x138: {  	v5 =	vor.u32 v14, v1;
	v14 =	vld [tilespmem:$0x1FD70]  }
0x139: {  	v4 =	vor.u32 v4, v0  }
0x13a: {  	v18 =	vld [tilespmem:$0x1FDB0];
	v17 =	vor.u32 v17, v8  }
0x13b: {  	v3 =	vld.idx.msk [tilespmem:v3+s29+$0x0], $0xffff  }
0x13c: {  	[tilespmem:v16+s30+$0x0] =	vst.idx.msk $0xffff, v6;
	v6 =	vld [tilespmem:$0x1FD80]  }
0x13d: {  	v16 =	vld [tilespmem:$0x1FD90];
	v14 =	vor.u32 v14, v8  }
0x13e: {  	v4 =	vld.idx.msk [tilespmem:v4+s29+$0x0], $0xffff  }
0x13f: {  	[tilespmem:v17+s30+$0x0] =	vst.idx.msk $0xffff, v7;
	v7 =	vld [tilespmem:$0x1FDA0];
	_ =	sdelay $0x1  }
0x140: {  	v6 =	vor.u32 v6, v0;
	v5 =	vld.idx.msk [tilespmem:v5+s29+$0x0], $0xffff  }
0x141: {  	v16 =	vor.u32 v16, v8;
	[tilespmem:v14+s30+$0x0] =	vst.idx.msk $0xffff, v9;
	v9 =	vld [tilespmem:$0x1FDC0]  }
0x142: {  	v18 =	vor.u32 v18, v8;
	v14 =	vld [tilespmem:$0x1FDD0]  }
0x143: {  	v17 =	vand.u32 $0x5F, v18;
	v7 =	vor.u32 v7, v1  }
0x144: {  	v17 =	vor.u32 v12, v17  }
0x145: {  	v6 =	vld.idx.msk [tilespmem:v6+s29+$0x0], $0xffff  }
0x146: {  	[tilespmem:v16+s30+$0x0] =	vst.idx.msk $0xffff, v11;
	v11 =	vld [tilespmem:$0x1FDE0];
	v9 =	vor.u32 v9, v0  }
0x147: {  	v16 =	vld [tilespmem:$0x1FDF0];
	v14 =	vor.u32 v14, v8  }
0x148: {  	v7 =	vld.idx.msk [tilespmem:v7+s29+$0x0], $0xffff  }
0x149: {  	[tilespmem:v17+s30+$0x0] =	vst.idx.msk $0xffff, v13;
	v13 =	vld [tilespmem:$0x1FE00]  }
0x14a: {  	v17 =	vld [tilespmem:$0x1FE10]  }
0x14b: {  	v9 =	vld.idx.msk [tilespmem:v9+s29+$0x0], $0xffff  }
0x14c: {  	[tilespmem:v14+s30+$0x0] =	vst.idx.msk $0xffff, v10;
	v10 =	vld [tilespmem:$0x1FE20]  }
0x14d: {  	v11 =	vor.u32 v11, v1;
	v16 =	vor.u32 v16, v8;
	_ =	sdelay $0x1  }
0x14e: {  	v13 =	vor.u32 v13, v0;
	v17 =	vor.u32 v17, v8;
	_ =	sdelay $0x1  }
0x14f: {  	v14 =	vor.u32 v51, v8;
	v10 =	vor.u32 v10, v1  }
0x150: {  	v11 =	vld.idx.msk [tilespmem:v11+s29+$0x0], $0xffff;
	[tilespmem:v16+s30+$0x0] =	vst.idx.msk $0xffff, v15;
	v15 =	vor.u32 v52, v0;
	v16 =	vor.u32 v53, v8;
	_ =	sdelay $0x1  }
0x151: {  	v13 =	vld.idx.msk [tilespmem:v13+s29+$0x0], $0xffff;
	[tilespmem:v17+s30+$0x0] =	vst.idx.msk $0xffff, v2;
	v2 =	vor.u32 v54, v1;
	v17 =	vor.u32 v55, v8;
	_ =	sdelay $0x1  }
0x152: {  	v18 =	vor.u32 v59, v8;
	v10 =	vld.idx.msk [tilespmem:v10+s29+$0x0], $0xffff;
	[tilespmem:v14+s30+$0x0] =	vst.idx.msk $0xffff, v3;
	v3 =	vor.u32 v56, v0  }
0x153: {  	v14 =	vld.idx.msk [tilespmem:v15+s29+$0x0], $0xffff;
	v15 =	vor.u32 v57, v8;
	[tilespmem:v16+s30+$0x0] =	vst.idx.msk $0xffff, v4;
	v16 =	vand.u32 $0x6F, v18  }
0x154: {  	v4 =	vor.u32 v58, v1;
	v16 =	vor.u32 v12, v16  }
0x155: {  	v2 =	vld.idx.msk [tilespmem:v2+s29+$0x0], $0xffff;
	[tilespmem:v17+s30+$0x0] =	vst.idx.msk $0xffff, v5;
	v5 =	vor.u32 v60, v0;
	v17 =	vor.u32 v61, v8;
	_ =	sdelay $0x2  }
0x156: {  	v3 =	vld.idx.msk [tilespmem:v3+s29+$0x0], $0xffff;
	[tilespmem:v15+s30+$0x0] =	vst.idx.msk $0xffff, v6;
	v6 =	vor.u32 v62, v1;
	v15 =	vor.u32 v63, v8  }
0x157: {  	v4 =	vld.idx.msk [tilespmem:v4+s29+$0x0], $0xffff;
	[tilespmem:v16+s30+$0x0] =	vst.idx.msk $0xffff, v7;
	v7 =	vor.u32 v33, v0;
	v16 =	vor.u32 v34, v8  }
0x158: {  	v5 =	vld.idx.msk [tilespmem:v5+s29+$0x0], $0xffff;
	[tilespmem:v17+s30+$0x0] =	vst.idx.msk $0xffff, v9;
	v9 =	vor.u32 v35, v1;
	v17 =	vor.u32 v36, v8;
	_ =	sdelay $0x2  }
0x159: {  	v6 =	vld.idx.msk [tilespmem:v6+s29+$0x0], $0xffff;
	[tilespmem:v15+s30+$0x0] =	vst.idx.msk $0xffff, v11;
	v11 =	vor.u32 v37, v0;
	v15 =	vor.u32 v38, v8  }
0x15a: {  	v1 =	vor.u32 v39, v1;
	v7 =	vld.idx.msk [tilespmem:v7+s29+$0x0], $0xffff;
	[tilespmem:v16+s30+$0x0] =	vst.idx.msk $0xffff, v13;
	v13 =	vor.u32 v40, v8  }
0x15b: {  	v9 =	vld.idx.msk [tilespmem:v9+s29+$0x0], $0xffff;
	[tilespmem:v17+s30+$0x0] =	vst.idx.msk $0xffff, v10;
	v10 =	vor.u32 v43, v8  }
0x15c: {  	v0 =	vor.u32 v41, v0;
	v16 =	vor.u32 v42, v8;
	v10 =	vand.u32 $0x7F, v10  }
0x15d: {  	v10 =	vor.u32 v12, v10  }
0x15e: {  	v12 =	vor.u32 v44, v8;
	v11 =	vld.idx.msk [tilespmem:v11+s29+$0x0], $0xffff;
	[tilespmem:v15+s30+$0x0] =	vst.idx.msk $0xffff, v14  }
0x15f: {  	v1 =	vld.idx.msk [tilespmem:v1+s29+$0x0], $0xffff;
	[tilespmem:v13+s30+$0x0] =	vst.idx.msk $0xffff, v2;
	v2 =	vor.u32 v45, v8  }
0x160: {  	v13 =	vor.u32 v46, v8  }
0x161: {  	v0 =	vld.idx.msk [tilespmem:v0+s29+$0x0], $0xffff;
	[tilespmem:v16+s30+$0x0] =	vst.idx.msk $0xffff, v3;
	v3 =	vor.u32 v47, v8  }
0x162: {  	[tilespmem:v10+s30+$0x0] =	vst.idx.msk $0xffff, v4;
	v4 =	vor.u32 v49, v8  }
0x163: {  	v14 =	vor.u32 v48, v8;
	[tilespmem:v12+s30+$0x0] =	vst.idx.msk $0xffff, v5  }
0x164: {  	p1 =	sne.s32 s2, $0xF;
	v15 =	vor.u32 v50, v8;
	[tilespmem:v2+s30+$0x0] =	vst.idx.msk $0xffff, v6  }
.Ltmp4:
0x165: {  	[tilespmem:v13+s30+$0x0] =	vst.idx.msk $0xffff, v7;
	(pc) =	sbr.rel @p1 .LBB2_7-.Ltmp4, $4  }
0x166: {  	[tilespmem:v3+s30+$0x0] =	vst.idx.msk $0xffff, v9  }
0x167: {  	[tilespmem:v4+s30+$0x0] =	vst.idx.msk $0xffff, v11  }
0x168: {  	[tilespmem:v14+s30+$0x0] =	vst.idx.msk $0xffff, v1  }
0x169: {  	s2 =	sadd.s32 $0x1, s2;
	v18 =	vmov v32;
	v10 =	vlaneseq.u32;
	[tilespmem:v15+s30+$0x0] =	vst.idx.msk $0xffff, v0  }
0x16a: {  	s2 =	smin.u32 s11, $0xED  }
0x16b: {  	s2 =	sshll.u32 s2, $0xC  }
0x16c: {  	s2 =	sadd.s32 s2, s17  }
0x16d: {  	[tilespmem:s29], [sflag:$0x3] =	stream.strided.gather [hbm4b:s2+s23], $0x2000, s24, s23, $0x38;
	[tilespmem:$0x10000] =	vst v63  }
0x16e: {  	s2 =	simm.s32 $0x0  }
0x16f: {  	[hbm4b:s12+s2] =	stream.linear.scatter [tilespmem:s30], [sflag:$0x7], $0x2000, $0x38;
	[tilespmem:$0x10000] =	vst v63  }
0x170: {  	_ =	swait.ge [sflag:s9], $0x2000  }
0x171: {  	[sflag:s9] =	ssyncset.done $0x0  }
0x172: {  	[sflag:s9] =	ssyncadd.s32 $0xFFFFE000  }
0x173: {  	_ =	swait.ge [sflag:s10], $0x2000  }
0x174: {  	[sflag:s10] =	ssyncset.done $0x0  }
0x175: {  	s4 =	sadd.s32 s4, s18;
	[sflag:s10] =	ssyncadd.s32 $0xFFFFE000  }
.LBB2_9:
0x176: {  	v0 =	vadd.s32 s2, v10  }
0x177: {  	v3 =	vor.u32 v20, v0  }
0x178: {  	v5 =	vor.u32 v22, v0  }
0x179: {  	v1 =	vand.u32 $0xF, v0;
	v7 =	vor.u32 v24, v0  }
0x17a: {  	v2 =	vor.u32 v19, v1  }
0x17b: {  	v11 =	vor.u32 v26, v0  }
0x17c: {  	v10 =	vlaneseq.u32;
	v4 =	vor.u32 v21, v1;
	v8 =	vshll.u32 v1, $0x6;
	v3 =	vld.idx.msk [tilespmem:v3+s31+$0x0], $0xffff  }
0x17d: {  	v12 =	vshll.u32 v0, $0x6;
	v6 =	vor.u32 v23, v1;
	v10 =	vor.u32 v10, v8;
	v5 =	vld.idx.msk [tilespmem:v5+s31+$0x0], $0xffff  }
0x17e: {  	v9 =	vor.u32 v25, v1;
	v12 =	vand.u32 $0x380, v12;
	v10 =	vand.u32 $0x4F, v10;
	v7 =	vld.idx.msk [tilespmem:v7+s31+$0x0], $0xffff  }
0x17f: {  	v13 =	vor.u32 v27, v1;
	v10 =	vor.u32 v12, v10;
	v2 =	vld.idx.msk [tilespmem:v2+s31+$0x0], $0xffff  }
0x180: {  	v14 =	vor.u32 v28, v0;
	v11 =	vld.idx.msk [tilespmem:v11+s31+$0x0], $0xffff  }
0x181: {  	v4 =	vld.idx.msk [tilespmem:v4+s31+$0x0], $0xffff  }
0x182: {  	v6 =	vld.idx.msk [tilespmem:v6+s31+$0x0], $0xffff  }
0x183: {  	v15 =	vor.u32 v29, v8;
	v9 =	vld.idx.msk [tilespmem:v9+s31+$0x0], $0xffff  }
0x184: {  	v13 =	vld.idx.msk [tilespmem:v13+s31+$0x0], $0xffff;
	[tilespmem:v10+s0+$0x0] =	vst.idx.msk $0xffff, v2  }
0x185: {  	v10 =	vld.idx.msk [tilespmem:v14+s31+$0x0], $0xffff  }
0x186: {  	v14 =	vld [tilespmem:$0x1FD10];
	_ =	sdelay $0x1  }
0x187: {  	v16 =	vor.u32 v30, v1;
	[tilespmem:v15+s0+$0x0] =	vst.idx.msk $0xffff, v3;
	v15 =	vld [tilespmem:$0x1FD20]  }
0x188: {  	v17 =	vor.u32 v31, v8  }
0x189: {  	v2 =	vor.u32 v18, v0  }
0x18a: {  	v14 =	vor.u32 v14, v8;
	_ =	sdelay $0x1  }
0x18b: {  	v3 =	vor.u32 v15, v1;
	v15 =	vld.idx.msk [tilespmem:v16+s31+$0x0], $0xffff  }
0x18c: {  	v16 =	vld [tilespmem:$0x1FD30];
	[tilespmem:v17+s0+$0x0] =	vst.idx.msk $0xffff, v4  }
0x18d: {  	v2 =	vld.idx.msk [tilespmem:v2+s31+$0x0], $0xffff  }
0x18e: {  	[tilespmem:v14+s0+$0x0] =	vst.idx.msk $0xffff, v5;
	v14 =	vld [tilespmem:$0x1FD60]  }
0x18f: {  	v4 =	vld [tilespmem:$0x1FD40]  }
0x190: {  	v17 =	vld [tilespmem:$0x1FD50];
	_ =	sdelay $0x1  }
0x191: {  	v16 =	vor.u32 v16, v8  }
0x192: {  	v5 =	vor.u32 v14, v1;
	v14 =	vld [tilespmem:$0x1FD70]  }
0x193: {  	v4 =	vor.u32 v4, v0  }
0x194: {  	v18 =	vld [tilespmem:$0x1FDB0];
	v17 =	vor.u32 v17, v8  }
0x195: {  	v3 =	vld.idx.msk [tilespmem:v3+s31+$0x0], $0xffff  }
0x196: {  	[tilespmem:v16+s0+$0x0] =	vst.idx.msk $0xffff, v6;
	v6 =	vld [tilespmem:$0x1FD80]  }
0x197: {  	v16 =	vld [tilespmem:$0x1FD90];
	v14 =	vor.u32 v14, v8  }
0x198: {  	v4 =	vld.idx.msk [tilespmem:v4+s31+$0x0], $0xffff  }
0x199: {  	[tilespmem:v17+s0+$0x0] =	vst.idx.msk $0xffff, v7;
	v7 =	vld [tilespmem:$0x1FDA0];
	_ =	sdelay $0x1  }
0x19a: {  	v6 =	vor.u32 v6, v0;
	v5 =	vld.idx.msk [tilespmem:v5+s31+$0x0], $0xffff  }
0x19b: {  	v16 =	vor.u32 v16, v8;
	[tilespmem:v14+s0+$0x0] =	vst.idx.msk $0xffff, v9;
	v9 =	vld [tilespmem:$0x1FDC0]  }
0x19c: {  	v18 =	vor.u32 v18, v8;
	v14 =	vld [tilespmem:$0x1FDD0]  }
0x19d: {  	v17 =	vand.u32 $0x5F, v18;
	v7 =	vor.u32 v7, v1  }
0x19e: {  	v17 =	vor.u32 v12, v17  }
0x19f: {  	v6 =	vld.idx.msk [tilespmem:v6+s31+$0x0], $0xffff  }
0x1a0: {  	[tilespmem:v16+s0+$0x0] =	vst.idx.msk $0xffff, v11;
	v11 =	vld [tilespmem:$0x1FDE0];
	v9 =	vor.u32 v9, v0  }
0x1a1: {  	v16 =	vld [tilespmem:$0x1FDF0];
	v14 =	vor.u32 v14, v8  }
0x1a2: {  	v7 =	vld.idx.msk [tilespmem:v7+s31+$0x0], $0xffff  }
0x1a3: {  	[tilespmem:v17+s0+$0x0] =	vst.idx.msk $0xffff, v13;
	v13 =	vld [tilespmem:$0x1FE00]  }
0x1a4: {  	v17 =	vld [tilespmem:$0x1FE10]  }
0x1a5: {  	v9 =	vld.idx.msk [tilespmem:v9+s31+$0x0], $0xffff  }
0x1a6: {  	[tilespmem:v14+s0+$0x0] =	vst.idx.msk $0xffff, v10;
	v10 =	vld [tilespmem:$0x1FE20]  }
0x1a7: {  	v11 =	vor.u32 v11, v1;
	v16 =	vor.u32 v16, v8;
	_ =	sdelay $0x1  }
0x1a8: {  	v13 =	vor.u32 v13, v0;
	v17 =	vor.u32 v17, v8;
	_ =	sdelay $0x1  }
0x1a9: {  	v14 =	vor.u32 v51, v8;
	v10 =	vor.u32 v10, v1  }
0x1aa: {  	v11 =	vld.idx.msk [tilespmem:v11+s31+$0x0], $0xffff;
	[tilespmem:v16+s0+$0x0] =	vst.idx.msk $0xffff, v15;
	v15 =	vor.u32 v52, v0;
	v16 =	vor.u32 v53, v8;
	_ =	sdelay $0x1  }
0x1ab: {  	v13 =	vld.idx.msk [tilespmem:v13+s31+$0x0], $0xffff;
	[tilespmem:v17+s0+$0x0] =	vst.idx.msk $0xffff, v2;
	v2 =	vor.u32 v54, v1;
	v17 =	vor.u32 v55, v8;
	_ =	sdelay $0x1  }
0x1ac: {  	v18 =	vor.u32 v59, v8;
	v10 =	vld.idx.msk [tilespmem:v10+s31+$0x0], $0xffff;
	[tilespmem:v14+s0+$0x0] =	vst.idx.msk $0xffff, v3;
	v3 =	vor.u32 v56, v0  }
0x1ad: {  	v14 =	vld.idx.msk [tilespmem:v15+s31+$0x0], $0xffff;
	v15 =	vor.u32 v57, v8;
	[tilespmem:v16+s0+$0x0] =	vst.idx.msk $0xffff, v4;
	v16 =	vand.u32 $0x6F, v18  }
0x1ae: {  	v4 =	vor.u32 v58, v1;
	v16 =	vor.u32 v12, v16  }
0x1af: {  	v2 =	vld.idx.msk [tilespmem:v2+s31+$0x0], $0xffff;
	[tilespmem:v17+s0+$0x0] =	vst.idx.msk $0xffff, v5;
	v5 =	vor.u32 v60, v0;
	v17 =	vor.u32 v61, v8;
	_ =	sdelay $0x2  }
0x1b0: {  	v3 =	vld.idx.msk [tilespmem:v3+s31+$0x0], $0xffff;
	[tilespmem:v15+s0+$0x0] =	vst.idx.msk $0xffff, v6;
	v6 =	vor.u32 v62, v1;
	v15 =	vor.u32 v63, v8  }
0x1b1: {  	v4 =	vld.idx.msk [tilespmem:v4+s31+$0x0], $0xffff;
	[tilespmem:v16+s0+$0x0] =	vst.idx.msk $0xffff, v7;
	v7 =	vor.u32 v33, v0;
	v16 =	vor.u32 v34, v8  }
0x1b2: {  	v5 =	vld.idx.msk [tilespmem:v5+s31+$0x0], $0xffff;
	[tilespmem:v17+s0+$0x0] =	vst.idx.msk $0xffff, v9;
	v9 =	vor.u32 v35, v1;
	v17 =	vor.u32 v36, v8;
	_ =	sdelay $0x2  }
0x1b3: {  	v6 =	vld.idx.msk [tilespmem:v6+s31+$0x0], $0xffff;
	[tilespmem:v15+s0+$0x0] =	vst.idx.msk $0xffff, v11;
	v11 =	vor.u32 v37, v0;
	v15 =	vor.u32 v38, v8  }
0x1b4: {  	v1 =	vor.u32 v39, v1;
	v7 =	vld.idx.msk [tilespmem:v7+s31+$0x0], $0xffff;
	[tilespmem:v16+s0+$0x0] =	vst.idx.msk $0xffff, v13;
	v13 =	vor.u32 v40, v8  }
0x1b5: {  	v9 =	vld.idx.msk [tilespmem:v9+s31+$0x0], $0xffff;
	[tilespmem:v17+s0+$0x0] =	vst.idx.msk $0xffff, v10;
	v10 =	vor.u32 v43, v8  }
0x1b6: {  	v0 =	vor.u32 v41, v0;
	v16 =	vor.u32 v42, v8;
	v10 =	vand.u32 $0x7F, v10  }
0x1b7: {  	v10 =	vor.u32 v12, v10  }
0x1b8: {  	v12 =	vor.u32 v44, v8;
	v11 =	vld.idx.msk [tilespmem:v11+s31+$0x0], $0xffff;
	[tilespmem:v15+s0+$0x0] =	vst.idx.msk $0xffff, v14  }
0x1b9: {  	v1 =	vld.idx.msk [tilespmem:v1+s31+$0x0], $0xffff;
	[tilespmem:v13+s0+$0x0] =	vst.idx.msk $0xffff, v2;
	v2 =	vor.u32 v45, v8  }
0x1ba: {  	v13 =	vor.u32 v46, v8  }
0x1bb: {  	v0 =	vld.idx.msk [tilespmem:v0+s31+$0x0], $0xffff;
	[tilespmem:v16+s0+$0x0] =	vst.idx.msk $0xffff, v3;
	v3 =	vor.u32 v47, v8  }
0x1bc: {  	[tilespmem:v10+s0+$0x0] =	vst.idx.msk $0xffff, v4;
	v4 =	vor.u32 v49, v8  }
0x1bd: {  	v14 =	vor.u32 v48, v8;
	[tilespmem:v12+s0+$0x0] =	vst.idx.msk $0xffff, v5  }
0x1be: {  	p1 =	sne.s32 s2, $0xF;
	v15 =	vor.u32 v50, v8;
	[tilespmem:v2+s0+$0x0] =	vst.idx.msk $0xffff, v6  }
.Ltmp5:
0x1bf: {  	[tilespmem:v13+s0+$0x0] =	vst.idx.msk $0xffff, v7;
	(pc) =	sbr.rel @p1 .LBB2_9-.Ltmp5, $4  }
0x1c0: {  	[tilespmem:v3+s0+$0x0] =	vst.idx.msk $0xffff, v9  }
0x1c1: {  	[tilespmem:v4+s0+$0x0] =	vst.idx.msk $0xffff, v11  }
0x1c2: {  	[tilespmem:v14+s0+$0x0] =	vst.idx.msk $0xffff, v1  }
0x1c3: {  	s2 =	sadd.s32 $0x1, s2;
	v18 =	vmov v32;
	v10 =	vlaneseq.u32;
	[tilespmem:v15+s0+$0x0] =	vst.idx.msk $0xffff, v0  }
0x1c4: {  	s22 =	sadd.s32 $0x1, s22  }
0x1c5: {  	s2 =	smin.u32 s11, $0xEC;
	p1 =	sne.s32 s22, $0x3D  }
.Ltmp6:
0x1c6: {  	s2 =	sshll.u32 s2, $0xC;
	(pc) =	sbr.rel @p1 .LBB2_2-.Ltmp6, $4  }
0x1c7: {  	s2 =	sadd.s32 s2, s19  }
0x1c8: {  	v17 =	vmovc v31;
	v15 =	vmovc v29;
	v14 =	vmov v28;
	v16 =	vmov v30;
	v12 =	vmov v48;
	[tilespmem:s31], [sflag:$0x4] =	stream.strided.gather [hbm4b:s2+s23], $0x2000, s24, s23, $0x38;
	[tilespmem:$0x10000] =	vst v63  }
0x1c9: {  	v6 =	vmovc v23;
	v8 =	vmovc v50;
	v13 =	vmov v27;
	v7 =	vmov v24;
	v9 =	vmov v25  }
0x1ca: {  	v3 =	vmovc v20;
	v11 =	vmovc v26;
	v4 =	vmov v21;
	v5 =	vmov v22;
	v2 =	vmov v19;
	[hbm4b:s4+s3] =	stream.linear.scatter [tilespmem:s0], [sflag:$0x8], $0x2000, $0x38;
	[tilespmem:$0x10000] =	vst v63  }
0x1cb: {  	_ =	swait.ge [sflag:s20], $0x2000  }
0x1cc: {  	[sflag:s20] =	ssyncset.done $0x0  }
0x1cd: {  	[sflag:s20] =	ssyncadd.s32 $0xFFFFE000  }
0x1ce: {  	_ =	swait.ge [sflag:s1], $0x2000  }
0x1cf: {  	[sflag:s1] =	ssyncset.done $0x0  }
0x1d0: {  	[sflag:s1] =	ssyncadd.s32 $0xFFFFE000  }
0x1d1: {  	_ =	swait.ge [sflag:s6], $0x2000  }
0x1d2: {  	[sflag:s6] =	ssyncset.done $0x0  }
0x1d3: {  	[sflag:s6] =	ssyncadd.s32 $0xFFFFE000  }
0x1d4: {  	_ =	swait.ge [sflag:s21], $0x2000  }
0x1d5: {  	[sflag:s21] =	ssyncset.done $0x0  }
0x1d6: {  	[sflag:s21] =	ssyncadd.s32 $0xFFFFE000  }
0x1d7: {  	_ =	swait.ge [sflag:s8], $0x2000  }
0x1d8: {  	[sflag:s8] =	ssyncset.done $0x0  }
0x1d9: {  	[sflag:s8] =	ssyncadd.s32 $0xFFFFE000  }
0x1da: {  	_ =	swait.ge [sflag:s7], $0x2000  }
0x1db: {  	[sflag:s7] =	ssyncset.done $0x0  }
0x1dc: {  	[sflag:s7] =	ssyncadd.s32 $0xFFFFE000  }
0x1dd: {  	_ =	swait.ge [sflag:s10], $0x2000  }
.Ltmp7:
0x1de: {  	[sflag:s10] =	ssyncset.done $0x0;
	(pc) =	sbr.rel @p0 .LBB2_15-.Ltmp7, $4  }
0x1df: {  	[sflag:s10] =	ssyncadd.s32 $0xFFFFE000  }
0x1e0: {  	_ =	swait.ge [sflag:s9], $0x2000  }
0x1e1: {  	[sflag:s9] =	ssyncset.done $0x0  }
0x1e2: {  	s4 =	rddreg [dreg:$0xf];
	[sflag:s9] =	ssyncadd.s32 $0xFFFFE000  }
0x1e3: {  	s2 =	simm.s32 $0x0;
	s4 =	rddreg [dreg:$0xc];
	s22 =	simm.s32 $0x9  }
0x1e4: {  	[tilespmem:s2], [sflag:$0x9] =	stream.strided.gather [hbm4b:s4+s23], $0x2000, s24, s23, $0x38;
	[tilespmem:$0x10000] =	vst v63  }
0x1e5: {  	_ =	swait.ge [sflag:s22], $0x2000  }
0x1e6: {  	v51 =	vld [tilespmem:$0x1FE30]  }
0x1e7: {  	v52 =	vld [tilespmem:$0x1FE40]  }
0x1e8: {  	v53 =	vld [tilespmem:$0x1FE50]  }
0x1e9: {  	v54 =	vld [tilespmem:$0x1FE60]  }
0x1ea: {  	v55 =	vld [tilespmem:$0x1FE70]  }
0x1eb: {  	v56 =	vld [tilespmem:$0x1FE80]  }
0x1ec: {  	v57 =	vld [tilespmem:$0x1FE90]  }
0x1ed: {  	v58 =	vld [tilespmem:$0x1FEA0]  }
0x1ee: {  	v59 =	vld [tilespmem:$0x1FEB0]  }
0x1ef: {  	v60 =	vld [tilespmem:$0x1FEC0]  }
0x1f0: {  	v61 =	vld [tilespmem:$0x1FED0]  }
0x1f1: {  	v62 =	vld [tilespmem:$0x1FEE0]  }
0x1f2: {  	v63 =	vld [tilespmem:$0x1FEF0]  }
0x1f3: {  	v33 =	vld [tilespmem:$0x1FF00]  }
0x1f4: {  	v34 =	vld [tilespmem:$0x1FF10]  }
0x1f5: {  	v35 =	vld [tilespmem:$0x1FF20]  }
0x1f6: {  	v36 =	vld [tilespmem:$0x1FF30]  }
0x1f7: {  	v37 =	vld [tilespmem:$0x1FF40]  }
0x1f8: {  	v38 =	vld [tilespmem:$0x1FF50]  }
0x1f9: {  	v39 =	vld [tilespmem:$0x1FF60]  }
0x1fa: {  	v40 =	vld [tilespmem:$0x1FF70]  }
0x1fb: {  	v41 =	vld [tilespmem:$0x1FF80]  }
0x1fc: {  	v42 =	vld [tilespmem:$0x1FF90]  }
0x1fd: {  	v43 =	vld [tilespmem:$0x1FFA0]  }
0x1fe: {  	v44 =	vld [tilespmem:$0x1FFB0]  }
0x1ff: {  	v45 =	vld [tilespmem:$0x1FFC0]  }
0x200: {  	v46 =	vld [tilespmem:$0x1FFD0]  }
0x201: {  	[sflag:s22] =	ssyncset.done $0x0;
	v47 =	vld [tilespmem:$0x1FFE0]  }
0x202: {  	v49 =	vld [tilespmem:$0x1FFF0];
	[sflag:s22] =	ssyncadd.s32 $0xFFFFE000  }
.LBB2_13:
0x203: {  	v0 =	vadd.s32 s2, v10  }
0x204: {  	v3 =	vor.u32 v20, v0  }
0x205: {  	v5 =	vor.u32 v22, v0  }
0x206: {  	v1 =	vand.u32 $0xF, v0;
	v7 =	vor.u32 v24, v0  }
0x207: {  	v2 =	vor.u32 v19, v1  }
0x208: {  	v11 =	vor.u32 v26, v0  }
0x209: {  	v10 =	vlaneseq.u32;
	v4 =	vor.u32 v21, v1;
	v8 =	vshll.u32 v1, $0x6;
	v3 =	vld.idx.msk [tilespmem:v3+s3+$0x0], $0xffff  }
0x20a: {  	v12 =	vshll.u32 v0, $0x6;
	v6 =	vor.u32 v23, v1;
	v10 =	vor.u32 v10, v8;
	v5 =	vld.idx.msk [tilespmem:v5+s3+$0x0], $0xffff  }
0x20b: {  	v9 =	vor.u32 v25, v1;
	v12 =	vand.u32 $0x380, v12;
	v10 =	vand.u32 $0x4F, v10;
	v7 =	vld.idx.msk [tilespmem:v7+s3+$0x0], $0xffff  }
0x20c: {  	v13 =	vor.u32 v27, v1;
	v10 =	vor.u32 v12, v10;
	v2 =	vld.idx.msk [tilespmem:v2+s3+$0x0], $0xffff  }
0x20d: {  	v14 =	vor.u32 v28, v0;
	v11 =	vld.idx.msk [tilespmem:v11+s3+$0x0], $0xffff  }
0x20e: {  	v4 =	vld.idx.msk [tilespmem:v4+s3+$0x0], $0xffff  }
0x20f: {  	v6 =	vld.idx.msk [tilespmem:v6+s3+$0x0], $0xffff  }
0x210: {  	v15 =	vor.u32 v29, v8;
	v9 =	vld.idx.msk [tilespmem:v9+s3+$0x0], $0xffff  }
0x211: {  	v13 =	vld.idx.msk [tilespmem:v13+s3+$0x0], $0xffff;
	[tilespmem:v10+s25+$0x0] =	vst.idx.msk $0xffff, v2  }
0x212: {  	v10 =	vld.idx.msk [tilespmem:v14+s3+$0x0], $0xffff  }
0x213: {  	v14 =	vld [tilespmem:$0x1FD10];
	_ =	sdelay $0x1  }
0x214: {  	v16 =	vor.u32 v30, v1;
	[tilespmem:v15+s25+$0x0] =	vst.idx.msk $0xffff, v3;
	v15 =	vld [tilespmem:$0x1FD20]  }
0x215: {  	v17 =	vor.u32 v31, v8  }
0x216: {  	v2 =	vor.u32 v18, v0  }
0x217: {  	v14 =	vor.u32 v14, v8;
	_ =	sdelay $0x1  }
0x218: {  	v3 =	vor.u32 v15, v1;
	v15 =	vld.idx.msk [tilespmem:v16+s3+$0x0], $0xffff  }
0x219: {  	v16 =	vld [tilespmem:$0x1FD30];
	[tilespmem:v17+s25+$0x0] =	vst.idx.msk $0xffff, v4  }
0x21a: {  	v2 =	vld.idx.msk [tilespmem:v2+s3+$0x0], $0xffff  }
0x21b: {  	[tilespmem:v14+s25+$0x0] =	vst.idx.msk $0xffff, v5;
	v14 =	vld [tilespmem:$0x1FD60]  }
0x21c: {  	v4 =	vld [tilespmem:$0x1FD40]  }
0x21d: {  	v17 =	vld [tilespmem:$0x1FD50];
	_ =	sdelay $0x1  }
0x21e: {  	v16 =	vor.u32 v16, v8  }
0x21f: {  	v5 =	vor.u32 v14, v1;
	v14 =	vld [tilespmem:$0x1FD70]  }
0x220: {  	v4 =	vor.u32 v4, v0  }
0x221: {  	v18 =	vld [tilespmem:$0x1FDB0];
	v17 =	vor.u32 v17, v8  }
0x222: {  	v3 =	vld.idx.msk [tilespmem:v3+s3+$0x0], $0xffff  }
0x223: {  	[tilespmem:v16+s25+$0x0] =	vst.idx.msk $0xffff, v6;
	v6 =	vld [tilespmem:$0x1FD80]  }
0x224: {  	v16 =	vld [tilespmem:$0x1FD90];
	v14 =	vor.u32 v14, v8  }
0x225: {  	v4 =	vld.idx.msk [tilespmem:v4+s3+$0x0], $0xffff  }
0x226: {  	[tilespmem:v17+s25+$0x0] =	vst.idx.msk $0xffff, v7;
	v7 =	vld [tilespmem:$0x1FDA0];
	_ =	sdelay $0x1  }
0x227: {  	v6 =	vor.u32 v6, v0;
	v5 =	vld.idx.msk [tilespmem:v5+s3+$0x0], $0xffff  }
0x228: {  	v16 =	vor.u32 v16, v8;
	[tilespmem:v14+s25+$0x0] =	vst.idx.msk $0xffff, v9;
	v9 =	vld [tilespmem:$0x1FDC0]  }
0x229: {  	v18 =	vor.u32 v18, v8;
	v14 =	vld [tilespmem:$0x1FDD0]  }
0x22a: {  	v17 =	vand.u32 $0x5F, v18;
	v7 =	vor.u32 v7, v1  }
0x22b: {  	v17 =	vor.u32 v12, v17  }
0x22c: {  	v6 =	vld.idx.msk [tilespmem:v6+s3+$0x0], $0xffff  }
0x22d: {  	[tilespmem:v16+s25+$0x0] =	vst.idx.msk $0xffff, v11;
	v11 =	vld [tilespmem:$0x1FDE0];
	v9 =	vor.u32 v9, v0  }
0x22e: {  	v16 =	vld [tilespmem:$0x1FDF0];
	v14 =	vor.u32 v14, v8  }
0x22f: {  	v7 =	vld.idx.msk [tilespmem:v7+s3+$0x0], $0xffff  }
0x230: {  	[tilespmem:v17+s25+$0x0] =	vst.idx.msk $0xffff, v13;
	v13 =	vld [tilespmem:$0x1FE00]  }
0x231: {  	v17 =	vld [tilespmem:$0x1FE10]  }
0x232: {  	v9 =	vld.idx.msk [tilespmem:v9+s3+$0x0], $0xffff  }
0x233: {  	[tilespmem:v14+s25+$0x0] =	vst.idx.msk $0xffff, v10;
	v10 =	vld [tilespmem:$0x1FE20]  }
0x234: {  	v11 =	vor.u32 v11, v1;
	v16 =	vor.u32 v16, v8;
	_ =	sdelay $0x1  }
0x235: {  	v13 =	vor.u32 v13, v0;
	v17 =	vor.u32 v17, v8;
	_ =	sdelay $0x1  }
0x236: {  	v14 =	vor.u32 v51, v8;
	v10 =	vor.u32 v10, v1  }
0x237: {  	v11 =	vld.idx.msk [tilespmem:v11+s3+$0x0], $0xffff;
	[tilespmem:v16+s25+$0x0] =	vst.idx.msk $0xffff, v15;
	v15 =	vor.u32 v52, v0;
	v16 =	vor.u32 v53, v8;
	_ =	sdelay $0x1  }
0x238: {  	v13 =	vld.idx.msk [tilespmem:v13+s3+$0x0], $0xffff;
	[tilespmem:v17+s25+$0x0] =	vst.idx.msk $0xffff, v2;
	v2 =	vor.u32 v54, v1;
	v17 =	vor.u32 v55, v8;
	_ =	sdelay $0x1  }
0x239: {  	v18 =	vor.u32 v59, v8;
	v10 =	vld.idx.msk [tilespmem:v10+s3+$0x0], $0xffff;
	[tilespmem:v14+s25+$0x0] =	vst.idx.msk $0xffff, v3;
	v3 =	vor.u32 v56, v0  }
0x23a: {  	v14 =	vld.idx.msk [tilespmem:v15+s3+$0x0], $0xffff;
	v15 =	vor.u32 v57, v8;
	[tilespmem:v16+s25+$0x0] =	vst.idx.msk $0xffff, v4;
	v16 =	vand.u32 $0x6F, v18  }
0x23b: {  	v4 =	vor.u32 v58, v1;
	v16 =	vor.u32 v12, v16  }
0x23c: {  	v2 =	vld.idx.msk [tilespmem:v2+s3+$0x0], $0xffff;
	[tilespmem:v17+s25+$0x0] =	vst.idx.msk $0xffff, v5;
	v5 =	vor.u32 v60, v0;
	v17 =	vor.u32 v61, v8;
	_ =	sdelay $0x2  }
0x23d: {  	v3 =	vld.idx.msk [tilespmem:v3+s3+$0x0], $0xffff;
	[tilespmem:v15+s25+$0x0] =	vst.idx.msk $0xffff, v6;
	v6 =	vor.u32 v62, v1;
	v15 =	vor.u32 v63, v8  }
0x23e: {  	v4 =	vld.idx.msk [tilespmem:v4+s3+$0x0], $0xffff;
	[tilespmem:v16+s25+$0x0] =	vst.idx.msk $0xffff, v7;
	v7 =	vor.u32 v33, v0;
	v16 =	vor.u32 v34, v8  }
0x23f: {  	v5 =	vld.idx.msk [tilespmem:v5+s3+$0x0], $0xffff;
	[tilespmem:v17+s25+$0x0] =	vst.idx.msk $0xffff, v9;
	v9 =	vor.u32 v35, v1;
	v17 =	vor.u32 v36, v8;
	_ =	sdelay $0x2  }
0x240: {  	v6 =	vld.idx.msk [tilespmem:v6+s3+$0x0], $0xffff;
	[tilespmem:v15+s25+$0x0] =	vst.idx.msk $0xffff, v11;
	v11 =	vor.u32 v37, v0;
	v15 =	vor.u32 v38, v8  }
0x241: {  	v1 =	vor.u32 v39, v1;
	v7 =	vld.idx.msk [tilespmem:v7+s3+$0x0], $0xffff;
	[tilespmem:v16+s25+$0x0] =	vst.idx.msk $0xffff, v13;
	v13 =	vor.u32 v40, v8  }
0x242: {  	v9 =	vld.idx.msk [tilespmem:v9+s3+$0x0], $0xffff;
	[tilespmem:v17+s25+$0x0] =	vst.idx.msk $0xffff, v10;
	v10 =	vor.u32 v43, v8  }
0x243: {  	v0 =	vor.u32 v41, v0;
	v16 =	vor.u32 v42, v8;
	v10 =	vand.u32 $0x7F, v10  }
0x244: {  	v10 =	vor.u32 v12, v10  }
0x245: {  	v12 =	vor.u32 v44, v8;
	v11 =	vld.idx.msk [tilespmem:v11+s3+$0x0], $0xffff;
	[tilespmem:v15+s25+$0x0] =	vst.idx.msk $0xffff, v14  }
0x246: {  	v1 =	vld.idx.msk [tilespmem:v1+s3+$0x0], $0xffff;
	[tilespmem:v13+s25+$0x0] =	vst.idx.msk $0xffff, v2;
	v2 =	vor.u32 v45, v8  }
0x247: {  	v13 =	vor.u32 v46, v8  }
0x248: {  	v0 =	vld.idx.msk [tilespmem:v0+s3+$0x0], $0xffff;
	[tilespmem:v16+s25+$0x0] =	vst.idx.msk $0xffff, v3;
	v3 =	vor.u32 v47, v8  }
0x249: {  	[tilespmem:v10+s25+$0x0] =	vst.idx.msk $0xffff, v4;
	v4 =	vor.u32 v49, v8  }
0x24a: {  	v14 =	vor.u32 v48, v8;
	[tilespmem:v12+s25+$0x0] =	vst.idx.msk $0xffff, v5  }
0x24b: {  	p1 =	sne.s32 s2, $0xF;
	v15 =	vor.u32 v50, v8;
	[tilespmem:v2+s25+$0x0] =	vst.idx.msk $0xffff, v6  }
.Ltmp8:
0x24c: {  	[tilespmem:v13+s25+$0x0] =	vst.idx.msk $0xffff, v7;
	(pc) =	sbr.rel @p1 .LBB2_13-.Ltmp8, $4  }
0x24d: {  	[tilespmem:v3+s25+$0x0] =	vst.idx.msk $0xffff, v9  }
0x24e: {  	[tilespmem:v4+s25+$0x0] =	vst.idx.msk $0xffff, v11  }
0x24f: {  	[tilespmem:v14+s25+$0x0] =	vst.idx.msk $0xffff, v1  }
0x250: {  	s2 =	sadd.s32 $0x1, s2;
	v18 =	vmov v32;
	v10 =	vlaneseq.u32;
	[tilespmem:v15+s25+$0x0] =	vst.idx.msk $0xffff, v0  }
.Ltmp9:
0x251: {  	s2 =	rddreg [dreg:$0xd];
	s22 =	simm.s32 $0x9;
	(pc) =	sbr.rel .LBB2_15-.Ltmp9, $4  }
0x252: {  	[hbm4b:s2+s3] =	stream.linear.scatter [tilespmem:s25], [sflag:$0x9], $0x2000, $0x38;
	[tilespmem:$0x10000] =	vst v63  }
0x253: {  	v17 =	vmovc v31;
	v15 =	vmovc v29;
	v14 =	vmov v28;
	v16 =	vmov v30;
	v12 =	vmov v48;
	_ =	swait.ge [sflag:s22], $0x2000  }
0x254: {  	v6 =	vmovc v23;
	v8 =	vmovc v50;
	v13 =	vmov v27;
	v7 =	vmov v24;
	v9 =	vmov v25;
	[sflag:s22] =	ssyncset.done $0x0  }
0x255: {  	v3 =	vmovc v20;
	v11 =	vmovc v26;
	v4 =	vmov v21;
	v5 =	vmov v22;
	v2 =	vmov v19;
	s4 =	rddreg [dreg:$0xf];
	[sflag:s22] =	ssyncadd.s32 $0xFFFFE000  }
.LBB2_16:
0x256: {  	_ =	sfence.sel $0x180000  }
0x257: {  	[bflag:$0x0] =	sbarrier.arrive $0xFFFF  }
0x258: {  	_ =	strace $0x90000047  }
0x259: {  	s0 =	stileid.u32;
	[bflag:$0x2] =	sbarrier.arrive $0xFFFF  }
0x25a: {  	p0 =	sne.s32 s0, $0x0;
	s0 =	rddreg [dreg:$0x2]  }
0x25b: {  	s0 =	sadd.s32 @!p0 $0x100000, s0  }
0x25c: {  	[sflag:s0] =	ssyncadd.tile.s32 @!p0 $0x1;
	_ =	shalt  }
.Lfunc_end2:
_tile_overlayer_lowered:
.L_overlay_start_2:
0x25d: {  	(tag) =	ssettag $0x2  }
0x25e: {  	s0 =	rddreg [dreg:$0x0];
	s2 =	stileid.u32  }
0x25f: {  	s1 =	rddreg [dreg:$0x1];
	p0 =	sne.s32 s2, $0x0  }
0x260: {  	s3 =	rddreg [dreg:$0x2];
	[bflag:$0x3] =	sbarrier.arrive $0xFFFF;
	s2 =	simm.s32 @!p0 $0x1C09  }
0x261: {  	[timem:s3], [sflag:s2] =	dma.local @!p0 [hbm:s0], s1  }
0x262: {  	s0 =	simm.s32 @!p0 $0x9  }
0x263: {  	_ =	swait.ge @!p0 [sflag:s0], s1  }
0x264: {  	s1 =	ssub.s32 @!p0 $0x0, s1;
	[sflag:s0] =	ssyncset.done @!p0 $0x0  }
0x265: {  	[sflag:s0] =	ssyncadd.s32 @!p0 s1  }
0x266: {  	[bflag:$0x3] =	sbarrier.arrive $0xFFFF  }
0x267: {  	_ =	shalt  }

</sc_bundles>
